<compile_context>
chip_gen: v7x
topology: tpu7x:2x2x1
jax: 0.10.2.dev20260603
libtpu: 0.0.44.dev20260713+nightly
codegen_flags: <defaults>
</compile_context>

<pallas_src>
import jax
import jax.numpy as jnp
import numpy as np
from jax import lax
from jax.experimental import pallas as pl
from jax.experimental.pallas import tpu as pltpu
from jax.experimental.pallas import tpu_sc as plsc

N = 100000
NP_ = 100352
RPT = 6272
E = 1600000
K = 2000
K2 = 800
NTC = 32
BN = NP_ // NTC
NTCA = 64
BNA = NP_ // NTCA
EPS = 1e-16

_VLIM = pltpu.CompilerParams(vmem_limit_bytes=100 * 1024 * 1024)
_SCPARAMS = pltpu.CompilerParams(use_tc_tiling_on_sc=False,
                                 needs_layout_passes=False)


def _leaky(x, a):
    return jnp.where(x > 0, x, a * x)


def _dot(a, b):
    return jnp.dot(a, b, precision=lax.Precision.HIGHEST)


def _dot_ref(a, b):
    return jnp.dot(a.astype(jnp.bfloat16), b.astype(jnp.bfloat16),
                   preferred_element_type=jnp.float32)


def _full(*shape):
    return pl.BlockSpec(shape, lambda i: tuple(0 for _ in shape))



def _prep_tail(h, As_ref, Ad_ref, h64_ref, alm_ref, pm_ref):
    alsrc = _dot(h, As_ref[...])
    aldst = _dot(h, Ad_ref[...])
    h64_ref[...] = h
    alm_ref[...] = jnp.concatenate([alsrc, aldst], axis=1)
    pm_ref[...] = jnp.max(alsrc, axis=0).reshape(1, 1, 4)


def _tca_body(x_ref, wq_ref, wk_ref, wv_ref, w1_ref, As_ref, Ad_ref,
              h64_ref, alm_ref, pm_ref):
    xb = x_ref[...]
    ai = xb.reshape(BNA // 32, 32, 10).transpose(0, 2, 1)
    a2 = ai.reshape(BNA // 32 * 10, 32)
    Q = _dot(a2, wq_ref[...]).reshape(BNA // 32, 10, 32)
    Kk = _dot(a2, wk_ref[...]).reshape(BNA // 32, 10, 32)
    V = _dot(a2, wv_ref[...]).reshape(BNA // 32, 10, 32)
    S = lax.dot_general(Q, Kk, (((2,), (2,)), ((0,), (0,))),
                        precision=lax.Precision.HIGHEST)
    S = S - jnp.max(S, axis=2, keepdims=True)
    P = jnp.exp(S)
    P = P / jnp.sum(P, axis=2, keepdims=True)
    out = lax.dot_general(P, V, (((2,), (1,)), ((0,), (0,))),
                          precision=lax.Precision.HIGHEST)
    xg = out.transpose(0, 2, 1).reshape(BNA, 10)
    h = _dot_ref(xg, w1_ref[...])
    _prep_tail(h, As_ref, Ad_ref, h64_ref, alm_ref, pm_ref)


def _tc_attn_prep(xp, Wq, Wk, Wv, W1, As, Ad):
    return pl.pallas_call(
        _tca_body,
        grid=(NTCA,),
        compiler_params=_VLIM,
        in_specs=[
            pl.BlockSpec((BNA, 10), lambda i: (i, 0)),
            _full(32, 32), _full(32, 32), _full(32, 32),
            _full(10, 64), _full(64, 4), _full(64, 4),
        ],
        out_specs=[
            pl.BlockSpec((BNA, 64), lambda i: (i, 0)),
            pl.BlockSpec((BNA, 8), lambda i: (i, 0)),
            pl.BlockSpec((1, 1, 4), lambda i: (i, 0, 0)),
        ],
        out_shape=[
            jax.ShapeDtypeStruct((NP_, 64), jnp.float32),
            jax.ShapeDtypeStruct((NP_, 8), jnp.float32),
            jax.ShapeDtypeStruct((NTCA, 1, 4), jnp.float32),
        ],
    )(xp, Wq, Wk, Wv, W1, As, Ad)



def _finalize_block(acc_ref, s0_ref, s1_ref, alm_ref, gm_ref,
                    h64_ref, b_ref):
    acc = acc_ref[...]
    s0 = s0_ref[...][:, 0:4]
    s1 = s1_ref[...][:, 0:4]
    alm = alm_ref[...]
    asr = alm[:, 0:4]
    ads = alm[:, 4:8]
    M = _leaky(gm_ref[...] + ads, 0.2)
    exself = jnp.exp(_leaky(asr + ads, 0.2) - M)
    stot = s0 + s1 + exself
    inv = 1.0 / (stot + EPS)
    exw = jnp.broadcast_to(exself[:, :, None], (BN, 4, 16)).reshape(BN, 64)
    invw = jnp.broadcast_to(inv[:, :, None], (BN, 4, 16)).reshape(BN, 64)
    out = (acc + exw * h64_ref[...]) * invw + b_ref[...]
    return _leaky(out, 0.01)


def _tcb_body(acc_ref, s0_ref, s1_ref, alm_ref, gm_ref, h64_ref,
              b_ref, w_ref, As_ref, Ad_ref,
              h64o_ref, almo_ref, pm_ref):
    hout = _finalize_block(acc_ref, s0_ref, s1_ref, alm_ref, gm_ref,
                           h64_ref, b_ref)
    h = _dot_ref(hout, w_ref[...])
    _prep_tail(h, As_ref, Ad_ref, h64o_ref, almo_ref, pm_ref)


def _tc_fin_prep(acc64, s0, s1, alm, gmax, h64, bvec, Wn, Asn, Adn):
    return pl.pallas_call(
        _tcb_body,
        grid=(NTC,),
        compiler_params=_VLIM,
        in_specs=[
            pl.BlockSpec((BN, 64), lambda i: (i, 0)),
            pl.BlockSpec((BN, 8), lambda i: (i, 0)),
            pl.BlockSpec((BN, 8), lambda i: (i, 0)),
            pl.BlockSpec((BN, 8), lambda i: (i, 0)),
            _full(1, 4),
            pl.BlockSpec((BN, 64), lambda i: (i, 0)),
            _full(1, 64),
            _full(64, 64), _full(64, 4), _full(64, 4),
        ],
        out_specs=[
            pl.BlockSpec((BN, 64), lambda i: (i, 0)),
            pl.BlockSpec((BN, 8), lambda i: (i, 0)),
            pl.BlockSpec((1, 1, 4), lambda i: (i, 0, 0)),
        ],
        out_shape=[
            jax.ShapeDtypeStruct((NP_, 64), jnp.float32),
            jax.ShapeDtypeStruct((NP_, 8), jnp.float32),
            jax.ShapeDtypeStruct((NTC, 1, 4), jnp.float32),
        ],
    )(acc64, s0, s1, alm, gmax, h64, bvec, Wn, Asn, Adn)



def _tcc_body(acc_ref, s0_ref, s1_ref, alm_ref, gm_ref, h64_ref,
              b_ref, bat_ref, wfc_ref, bfc_ref, lg_ref, pr_ref, accp, cntp):
    i = pl.program_id(0)
    hout = _finalize_block(acc_ref, s0_ref, s1_ref, alm_ref, gm_ref,
                           h64_ref, b_ref)
    bv = bat_ref[0, 0, :]
    oh = (bv[:, None] == lax.broadcasted_iota(jnp.int32, (BN, 64), 1))
    oh = oh.astype(jnp.float32)
    pc = lax.dot_general(oh, hout, (((0,), (0,)), ((), ())),
                         precision=lax.Precision.HIGHEST)
    cn = jnp.sum(oh, axis=0, keepdims=True)

    @pl.when(i == 0)
    def _():
        accp[...] = pc
        cntp[...] = cn

    @pl.when(i != 0)
    def _():
        accp[...] = accp[...] + pc
        cntp[...] = cntp[...] + cn

    @pl.when(i == NTC - 1)
    def _():
        cnt = jnp.maximum(cntp[...], 1.0).reshape(64, 1)
        pooled = accp[...] / cnt
        lg = _dot(pooled, wfc_ref[...]) + bfc_ref[...]
        m = jnp.max(lg, axis=1, keepdims=True)
        p = jnp.exp(lg - m)
        p = p / jnp.sum(p, axis=1, keepdims=True)
        lg_ref[...] = lg
        pr_ref[...] = p


def _tc_fin_pool(acc64, s0, s1, alm, gmax, h64, bvec, batch3,
                 Wfc, bfc):
    return pl.pallas_call(
        _tcc_body,
        grid=(NTC,),
        compiler_params=_VLIM,
        in_specs=[
            pl.BlockSpec((BN, 64), lambda i: (i, 0)),
            pl.BlockSpec((BN, 8), lambda i: (i, 0)),
            pl.BlockSpec((BN, 8), lambda i: (i, 0)),
            pl.BlockSpec((BN, 8), lambda i: (i, 0)),
            _full(1, 4),
            pl.BlockSpec((BN, 64), lambda i: (i, 0)),
            _full(1, 64),
            pl.BlockSpec((1, 1, BN), lambda i: (i, 0, 0)),
            _full(64, 2), _full(1, 2),
        ],
        out_specs=[_full(64, 2), _full(64, 2)],
        out_shape=[
            jax.ShapeDtypeStruct((64, 2), jnp.float32),
            jax.ShapeDtypeStruct((64, 2), jnp.float32),
        ],
        scratch_shapes=[
            pltpu.VMEM((64, 64), jnp.float32),
            pltpu.VMEM((1, 64), jnp.float32),
        ],
    )(acc64, s0, s1, alm, gmax, h64, bvec, batch3, Wfc, bfc)



def _lane_idx():
    i = lax.iota(jnp.int32, 16)
    return lax.shift_right_logical(i, 2), lax.bitwise_and(i, 3)


def _sc1_body(gmax_hbm, zeros8_hbm, src_hbm, dst_hbm, alm_hbm,
              ex_hbm, sp_hbm,
              gmaxv, srcv, dstv, msrcv, mdstv, exv4, exv8, s_sh, sem):
    c = lax.axis_index("c")
    s = lax.axis_index("s")
    pltpu.sync_copy(gmax_hbm, gmaxv)
    pltpu.sync_copy(zeros8_hbm, s_sh.at[pl.ds(s * RPT, RPT)])
    r4, c4 = _lane_idx()
    c4p4 = c4 + 4

    def z8loop(j, _):
        plsc.store_scatter(exv8, [j * 4 + r4, c4p4],
                           jnp.zeros((16,), jnp.float32))
        return 0
    lax.fori_loop(0, K // 4, z8loop, 0)
    plsc.subcore_barrier()

    base = c * (E // 2) + s * (E // 32)

    def chunk(k, _):
        off = base + k * K
        pltpu.sync_copy(src_hbm.at[pl.ds(off, K)], srcv)
        pltpu.sync_copy(dst_hbm.at[pl.ds(off, K)], dstv)
        pltpu.async_copy(alm_hbm.at[srcv], msrcv, sem).wait()
        pltpu.async_copy(alm_hbm.at[dstv], mdstv, sem).wait()
        gv = gmaxv[...]

        def jloop(j, _):
            row = j * 4 + r4
            a = plsc.load_gather(msrcv, [row, c4])
            b = plsc.load_gather(mdstv, [row, c4p4])
            z = a + b
            e = jnp.where(z > 0, z, 0.2 * z)
            z2 = gv + b
            m = jnp.where(z2 > 0, z2, 0.2 * z2)
            ex = jnp.exp(e - m)
            plsc.store_scatter(exv4, [row, c4], ex)
            plsc.store_scatter(exv8, [row, c4], ex)
            return 0
        lax.fori_loop(0, K // 4, jloop, 0)
        pltpu.sync_copy(exv4, ex_hbm.at[pl.ds(off, K)])
        pltpu.sync_copy(exv8, s_sh.at[dstv], add=True)
        return 0
    lax.fori_loop(0, E // 32 // K, chunk, 0)
    plsc.subcore_barrier()

    @pl.when(c == 0)
    def _():
        pltpu.sync_copy(s_sh.at[pl.ds(s * RPT, RPT)],
                        sp_hbm.at[0, pl.ds(s * RPT, RPT)])

    @pl.when(c == 1)
    def _():
        pltpu.sync_copy(s_sh.at[pl.ds(s * RPT, RPT)],
                        sp_hbm.at[1, pl.ds(s * RPT, RPT)])


def _sc_pass1(gmax16, zeros8, src, dst, alm):
    mesh = plsc.VectorSubcoreMesh(core_axis_name="c", subcore_axis_name="s")
    f = pl.kernel(
        _sc1_body,
        out_type=[jax.ShapeDtypeStruct((E, 4), jnp.float32),
                  jax.ShapeDtypeStruct((2, NP_, 8), jnp.float32)],
        mesh=mesh,
        compiler_params=_SCPARAMS,
        scratch_types=[
            pltpu.VMEM((16,), jnp.float32),
            pltpu.VMEM((K,), jnp.int32),
            pltpu.VMEM((K,), jnp.int32),
            pltpu.VMEM((K, 8), jnp.float32),
            pltpu.VMEM((K, 8), jnp.float32),
            pltpu.VMEM((K, 4), jnp.float32),
            pltpu.VMEM((K, 8), jnp.float32),
            pltpu.VMEM_SHARED((NP_, 8), jnp.float32),
            pltpu.SemaphoreType.DMA,
        ])
    return f(gmax16, zeros8, src, dst, alm)



def _sc2_body(zeros16_hbm, src_hbm, dst_hbm, ex_hbm, h4_hbm,
              acc_hbm,
              srcv, sadjv, dstv, exv, rows, acc_sh, sem):
    c = lax.axis_index("c")
    s = lax.axis_index("s")

    for gi in range(2):
        pltpu.sync_copy(zeros16_hbm, acc_sh.at[pl.ds(s * RPT, RPT)])
        plsc.subcore_barrier()

        def chunk(k, _):
            g = c * 2 + gi
            off = s * (E // 16) + k * K2
            pltpu.sync_copy(src_hbm.at[pl.ds(off, K2)], srcv)
            pltpu.sync_copy(dst_hbm.at[pl.ds(off, K2)], dstv)
            pltpu.sync_copy(ex_hbm.at[pl.ds(off, K2)], exv)

            def iloop(i, _):
                sl = pl.ds(i * 16, 16)
                sadjv[sl] = srcv[sl] * 4 + g
                return 0
            lax.fori_loop(0, K2 // 16, iloop, 0)
            pltpu.async_copy(h4_hbm.at[sadjv], rows, sem).wait()
            zi = jnp.zeros((16,), jnp.int32)
            gvec = zi + g

            def eloop(e, _):
                w = plsc.load_gather(exv, [zi + e, gvec])
                rows[e, :] = rows[e, :] * w
                return 0
            lax.fori_loop(0, K2, eloop, 0)
            pltpu.sync_copy(rows, acc_sh.at[dstv], add=True)
            return 0
        lax.fori_loop(0, E // 16 // K2, chunk, 0)
        plsc.subcore_barrier()

        @pl.when(c == 0)
        def _():
            pltpu.sync_copy(acc_sh.at[pl.ds(s * RPT, RPT)],
                            acc_hbm.at[pl.ds(s * RPT, RPT), gi])

        @pl.when(c == 1)
        def _():
            pltpu.sync_copy(acc_sh.at[pl.ds(s * RPT, RPT)],
                            acc_hbm.at[pl.ds(s * RPT, RPT), 2 + gi])


def _sc_pass2(zeros16, src, dst, ex, h4):
    mesh = plsc.VectorSubcoreMesh(core_axis_name="c", subcore_axis_name="s")
    f = pl.kernel(
        _sc2_body,
        out_type=[jax.ShapeDtypeStruct((NP_, 4, 16), jnp.float32)],
        mesh=mesh,
        compiler_params=_SCPARAMS,
        scratch_types=[
            pltpu.VMEM((K2,), jnp.int32),
            pltpu.VMEM((K2,), jnp.int32),
            pltpu.VMEM((K2,), jnp.int32),
            pltpu.VMEM((K2, 4), jnp.float32),
            pltpu.VMEM((K2, 16), jnp.float32),
            pltpu.VMEM_SHARED((NP_, 16), jnp.float32),
            pltpu.SemaphoreType.DMA,
        ])
    return f(zeros16, src, dst, ex, h4)[0]



_KRON = np.kron(np.eye(4), np.ones((16, 1))).astype(np.float32)


def kernel(x, edge_index, batch, Wq, Wk, Wv, W1, a_src1, a_dst1, b1, W2,
           a_src2, a_dst2, b2, W3, a_src3, a_dst3, b3, W4, a_src4, a_dst4,
           b4, Wfc, bfc):
    xp = jnp.pad(x, ((0, NP_ - N), (0, 0)))
    batch3 = jnp.pad(batch, (0, NP_ - N),
                     constant_values=64).reshape(NTC, 1, BN)
    src = edge_index[0]
    dst = edge_index[1]
    zeros8 = jnp.zeros((RPT, 8), jnp.float32)
    zeros16 = jnp.zeros((RPT, 16), jnp.float32)

    def head_mats(a_src, a_dst, H):
        if H == 4:
            As = a_src.reshape(64, 1) * _KRON
            Ad = a_dst.reshape(64, 1) * _KRON
        else:
            As = jnp.tile(a_src.reshape(64, 1), (1, 4))
            Ad = jnp.tile(a_dst.reshape(64, 1), (1, 4))
        return As, Ad

    As1, Ad1 = head_mats(a_src1, a_dst1, 4)
    As2, Ad2 = head_mats(a_src2, a_dst2, 4)
    As3, Ad3 = head_mats(a_src3, a_dst3, 4)
    As4, Ad4 = head_mats(a_src4, a_dst4, 1)

    h64, alm, pmax = _tc_attn_prep(xp, Wq, Wk, Wv, W1, As1, Ad1)

    layer_tail = [(W2, As2, Ad2, b1), (W3, As3, Ad3, b2), (W4, As4, Ad4, b3)]
    logits = probas = None
    for li in range(4):
        gmax = jnp.max(pmax, axis=0).reshape(1, 4)
        gmax16 = jnp.tile(gmax.reshape(4), 4)
        ex, spb = _sc_pass1(gmax16, zeros8, src, dst, alm)
        sp0 = spb[0]
        sp1 = spb[1]
        accb = _sc_pass2(zeros16, src, dst, ex, h64.reshape(4 * NP_, 16))
        acc64 = accb.reshape(NP_, 64)
        if li < 3:
            Wn, Asn, Adn, bl = layer_tail[li]
            h64, alm, pmax = _tc_fin_prep(
                acc64, sp0, sp1, alm, gmax, h64, bl.reshape(1, 64),
                Wn, Asn, Adn)
        else:
            logits, probas = _tc_fin_pool(
                acc64, sp0, sp1, alm, gmax, h64, b4.reshape(1, 64),
                batch3, Wfc, bfc.reshape(1, 2))
    return (logits, probas)

# --- scband reference (transcript-rebuilt; emitter-appended) ---
"""Pipeline reference for scband-mynet-30039001268550 (READ-ONLY COPY).

The authoritative reference and input builder live on the scoring server;
editing this copy changes nothing except your own understanding.
"""

import jax, jax.numpy as jnp
import numpy as np

N = 100000
E = 1600000
G = 64

def _gat(x, src, dst, W, a_src, a_dst, b, H, C):
    n = x.shape[0]
    h = (x @ W).reshape(n, H, C)
    al_src = jnp.sum(h * a_src[None], axis=-1)
    al_dst = jnp.sum(h * a_dst[None], axis=-1)
    e = jax.nn.leaky_relu(al_src[src] + al_dst[dst], 0.2)
    m = jax.ops.segment_max(e, dst, num_segments=n)
    m = jnp.where(jnp.isfinite(m), m, 0.0)
    ex = jnp.exp(e - m[dst])
    s = jax.ops.segment_sum(ex, dst, num_segments=n)
    alpha = ex / (s[dst] + 1e-16)
    out = jax.ops.segment_sum(alpha[:, :, None] * h[src], dst, num_segments=n)
    return out.reshape(n, H * C) + b

def setup_inputs(seed: int = 0):
    key = jax.random.key(seed)
    ks = jax.random.split(key, 24)
    def lin(k, i, o):
        return (jax.random.normal(k, (i, o), dtype=jnp.float32) / np.sqrt(i)).astype(jnp.float32)
    def att(k, h, c):
        return jax.random.normal(k, (h, c), dtype=jnp.float32) * 0.1
    inp = {}
    inp['x'] = jax.random.normal(ks[0], (N, 10), dtype=jnp.float32)
    inp['edge_index'] = jax.random.randint(ks[1], (2, E), 0, N, dtype=jnp.int32)
    inp['batch'] = jnp.sort(jax.random.randint(ks[2], (N,), 0, G, dtype=jnp.int32))
    inp['Wq'] = lin(ks[3], 32, 32)
    inp['Wk'] = lin(ks[4], 32, 32)
    inp['Wv'] = lin(ks[5], 32, 32)
    inp['W1'] = lin(ks[6], 10, 64)
    inp['a_src1'] = att(ks[7], 4, 16)
    inp['a_dst1'] = att(ks[8], 4, 16)
    inp['b1'] = jnp.zeros((64,), dtype=jnp.float32)
    inp['W2'] = lin(ks[9], 64, 64)
    inp['a_src2'] = att(ks[10], 4, 16)
    inp['a_dst2'] = att(ks[11], 4, 16)
    inp['b2'] = jnp.zeros((64,), dtype=jnp.float32)
    inp['W3'] = lin(ks[12], 64, 64)
    inp['a_src3'] = att(ks[13], 4, 16)
    inp['a_dst3'] = att(ks[14], 4, 16)
    inp['b3'] = jnp.zeros((64,), dtype=jnp.float32)
    inp['W4'] = lin(ks[15], 64, 64)
    inp['a_src4'] = att(ks[16], 1, 64)
    inp['a_dst4'] = att(ks[17], 1, 64)
    inp['b4'] = jnp.zeros((64,), dtype=jnp.float32)
    inp['Wfc'] = lin(ks[18], 64, 2)
    inp['bfc'] = jnp.zeros((2,), dtype=jnp.float32)
    return inp

def reference(x, edge_index, batch, Wq, Wk, Wv, W1, a_src1, a_dst1, b1, W2, a_src2, a_dst2, b2, W3, a_src3, a_dst3, b3, W4, a_src4, a_dst4, b4, Wfc, bfc):
    n = x.shape[0]
    bsz = n // 32
    ai = x.reshape(bsz, 32, 10).transpose(0, 2, 1)
    Q = ai @ Wq
    K = (ai @ Wk).transpose(0, 2, 1)
    V = ai @ Wv
    alpha = jax.nn.softmax(Q @ K, axis=2)
    out = alpha @ V
    xg = out.transpose(0, 2, 1).reshape(n, 10)
    loop = jnp.arange(n, dtype=edge_index.dtype)
    src = jnp.concatenate([edge_index[0], loop])
    dst = jnp.concatenate([edge_index[1], loop])
    h = jax.nn.leaky_relu(_gat(xg, src, dst, W1, a_src1, a_dst1, b1, 4, 16), 0.01)
    h = jax.nn.leaky_relu(_gat(h, src, dst, W2, a_src2, a_dst2, b2, 4, 16), 0.01)
    h = jax.nn.leaky_relu(_gat(h, src, dst, W3, a_src3, a_dst3, b3, 4, 16), 0.01)
    h = jax.nn.leaky_relu(_gat(h, src, dst, W4, a_src4, a_dst4, b4, 1, 64), 0.01)
    sums = jax.ops.segment_sum(h, batch, num_segments=G)
    cnt = jax.ops.segment_sum(jnp.ones((n,), dtype=h.dtype), batch, num_segments=G)
    pooled = sums / jnp.maximum(cnt, 1.0)[:, None]
    logits = pooled @ Wfc + bfc
    probas = jax.nn.softmax(logits, axis=1)
    return (logits, probas)

if __name__ == "__main__":
    import jax
    _d = setup_inputs()
    print(jax.jit(kernel)(*tuple(_d.values())))

</pallas_src>

<mosaic_0001>
#map = affine_map<(d0, d1) -> (0, 0)>
#map1 = affine_map<(d0, d1) -> (0)>
#map2 = affine_map<(d0, d1) -> (0, 0, 0)>
module attributes {stable_mosaic.version = 14 : i64} {
  func.func @_sc2_body(%arg0: i32, %arg1: i32, %arg2: memref<6272x16xf32, #tpu.memory_space<hbm>>, %arg3: memref<1600000xi32, #tpu.memory_space<hbm>>, %arg4: memref<1600000xi32, #tpu.memory_space<hbm>>, %arg5: memref<1600000x4xf32, #tpu.memory_space<hbm>>, %arg6: memref<401408x16xf32, #tpu.memory_space<hbm>>, %arg7: memref<100352x4x16xf32, #tpu.memory_space<hbm>>, %arg8: memref<800xi32, #tpu.memory_space<vmem>>, %arg9: memref<800xi32, #tpu.memory_space<vmem>>, %arg10: memref<800xi32, #tpu.memory_space<vmem>>, %arg11: memref<800x4xf32, #tpu.memory_space<vmem>>, %arg12: memref<800x16xf32, #tpu.memory_space<vmem>>, %arg13: memref<100352x16xf32, #tpu.memory_space<vmem_shared>>, %arg14: memref<!tpu.dma_semaphore, #tpu.memory_space<semaphore_mem>>) attributes {dimension_semantics = [#tpu.dimension_semantics<core_parallel>, #tpu.dimension_semantics<subcore_parallel>], iteration_bounds = array<i64: 2, 16>, scalar_prefetch = 0 : i64, scratch_operands = 7 : i64, tpu.core_type = #tpu.core_type<sc_vector_subcore>, window_params = [{transform_indices = #map}, {transform_indices = #map1}, {transform_indices = #map1}, {transform_indices = #map}, {transform_indices = #map}, {transform_indices = #map2}]} {
    %mul3A = arith.constant 6272 : i32
    %mul3A_0 = arith.muli %arg1, %mul3A : i32
    "tpu.region"() ({
      %run_scoped3A = tpu.sem_alloc : memref<!tpu.dma_semaphore, #tpu.memory_space<semaphore_mem>>
      %dma_start3A = arith.constant 0 : i32
      %dma_start3A_36 = tpu.memref_slice %arg13[%mul3A_0, %dma_start3A] : memref<100352x16xf32, #tpu.memory_space<vmem_shared>> -> memref<6272x16xf32, #tpu.memory_space<vmem_shared>>
      tpu.enqueue_dma source(%arg2 : memref<6272x16xf32, #tpu.memory_space<hbm>>) target(%dma_start3A_36 : memref<6272x16xf32, #tpu.memory_space<vmem_shared>>) target_semaphore(%run_scoped3A : memref<!tpu.dma_semaphore, #tpu.memory_space<semaphore_mem>>)
      %dma_wait3A = arith.constant 0 : i32
      %dma_wait3A_37 = tpu.memref_slice %arg13[%mul3A_0, %dma_wait3A] : memref<100352x16xf32, #tpu.memory_space<vmem_shared>> -> memref<6272x16xf32, #tpu.memory_space<vmem_shared>>
      tpu.wait_dma2 semaphore(%run_scoped3A : memref<!tpu.dma_semaphore, #tpu.memory_space<semaphore_mem>>) src(%arg2 : memref<6272x16xf32, #tpu.memory_space<hbm>>) dst(%dma_wait3A_37 : memref<6272x16xf32, #tpu.memory_space<vmem_shared>>)
      tpu.yield
    }) : () -> ()
    %barrier3A = arith.constant 0 : index
    tpu.barrier barrier_id(%barrier3A)
    %scan3A = arith.constant 0 : i32
    %scan3A_1 = arith.constant 0 : i32
    %scan3A_2 = arith.constant 125 : i32
    %scan3A_3 = arith.addi %scan3A_1, %scan3A_2 : i32
    %scan3A_4 = arith.constant 1 : i32
    %scan3A_5 = scf.for %scan3A_36 = %scan3A_1 to %scan3A_3 step %scan3A_4 iter_args(%scan3A_37 = %scan3A) -> (i32)  : i32 {
      %mul3A_38 = arith.constant 2 : i32
      %mul3A_39 = arith.muli %arg0, %mul3A_38 : i32
      %add3A = arith.constant 0 : i32
      %add3A_40 = arith.addi %mul3A_39, %add3A : i32
      %mul3A_41 = arith.constant 100000 : i32
      %mul3A_42 = arith.muli %arg1, %mul3A_41 : i32
      %mul3A_43 = arith.constant 800 : i32
      %mul3A_44 = arith.muli %scan3A_36, %mul3A_43 : i32
      %add3A_45 = arith.addi %mul3A_42, %mul3A_44 : i32
      "tpu.region"() ({
        %run_scoped3A = tpu.sem_alloc : memref<!tpu.dma_semaphore, #tpu.memory_space<semaphore_mem>>
        %dma_start3A_68 = tpu.memref_slice %arg3[%add3A_45] : memref<1600000xi32, #tpu.memory_space<hbm>> -> memref<800xi32, #tpu.memory_space<hbm>>
        %dma_start3A_69 = tpu.memref_slice %arg3[%add3A_45] : memref<1600000xi32, #tpu.memory_space<hbm>> -> memref<800xi32, #tpu.memory_space<hbm>>
        tpu.enqueue_dma source(%dma_start3A_69 : memref<800xi32, #tpu.memory_space<hbm>>) target(%arg8 : memref<800xi32, #tpu.memory_space<vmem>>) target_semaphore(%run_scoped3A : memref<!tpu.dma_semaphore, #tpu.memory_space<semaphore_mem>>)
        %dma_wait3A_70 = tpu.memref_slice %arg3[%add3A_45] : memref<1600000xi32, #tpu.memory_space<hbm>> -> memref<800xi32, #tpu.memory_space<hbm>>
        %dma_wait3A_71 = tpu.memref_slice %arg3[%add3A_45] : memref<1600000xi32, #tpu.memory_space<hbm>> -> memref<800xi32, #tpu.memory_space<hbm>>
        tpu.wait_dma2 semaphore(%run_scoped3A : memref<!tpu.dma_semaphore, #tpu.memory_space<semaphore_mem>>) src(%dma_wait3A_71 : memref<800xi32, #tpu.memory_space<hbm>>) dst(%arg8 : memref<800xi32, #tpu.memory_space<vmem>>)
        tpu.yield
      }) : () -> ()
      "tpu.region"() ({
        %run_scoped3A = tpu.sem_alloc : memref<!tpu.dma_semaphore, #tpu.memory_space<semaphore_mem>>
        %dma_start3A_68 = tpu.memref_slice %arg4[%add3A_45] : memref<1600000xi32, #tpu.memory_space<hbm>> -> memref<800xi32, #tpu.memory_space<hbm>>
        %dma_start3A_69 = tpu.memref_slice %arg4[%add3A_45] : memref<1600000xi32, #tpu.memory_space<hbm>> -> memref<800xi32, #tpu.memory_space<hbm>>
        tpu.enqueue_dma source(%dma_start3A_69 : memref<800xi32, #tpu.memory_space<hbm>>) target(%arg10 : memref<800xi32, #tpu.memory_space<vmem>>) target_semaphore(%run_scoped3A : memref<!tpu.dma_semaphore, #tpu.memory_space<semaphore_mem>>)
        %dma_wait3A_70 = tpu.memref_slice %arg4[%add3A_45] : memref<1600000xi32, #tpu.memory_space<hbm>> -> memref<800xi32, #tpu.memory_space<hbm>>
        %dma_wait3A_71 = tpu.memref_slice %arg4[%add3A_45] : memref<1600000xi32, #tpu.memory_space<hbm>> -> memref<800xi32, #tpu.memory_space<hbm>>
        tpu.wait_dma2 semaphore(%run_scoped3A : memref<!tpu.dma_semaphore, #tpu.memory_space<semaphore_mem>>) src(%dma_wait3A_71 : memref<800xi32, #tpu.memory_space<hbm>>) dst(%arg10 : memref<800xi32, #tpu.memory_space<vmem>>)
        tpu.yield
      }) : () -> ()
      "tpu.region"() ({
        %run_scoped3A = tpu.sem_alloc : memref<!tpu.dma_semaphore, #tpu.memory_space<semaphore_mem>>
        %dma_start3A_68 = arith.constant 0 : i32
        %dma_start3A_69 = tpu.memref_slice %arg5[%add3A_45, %dma_start3A_68] : memref<1600000x4xf32, #tpu.memory_space<hbm>> -> memref<800x4xf32, #tpu.memory_space<hbm>>
        %dma_start3A_70 = arith.constant 0 : i32
        %dma_start3A_71 = tpu.memref_slice %arg5[%add3A_45, %dma_start3A_70] : memref<1600000x4xf32, #tpu.memory_space<hbm>> -> memref<800x4xf32, #tpu.memory_space<hbm>>
        tpu.enqueue_dma source(%dma_start3A_71 : memref<800x4xf32, #tpu.memory_space<hbm>>) target(%arg11 : memref<800x4xf32, #tpu.memory_space<vmem>>) target_semaphore(%run_scoped3A : memref<!tpu.dma_semaphore, #tpu.memory_space<semaphore_mem>>)
        %dma_wait3A_72 = arith.constant 0 : i32
        %dma_wait3A_73 = tpu.memref_slice %arg5[%add3A_45, %dma_wait3A_72] : memref<1600000x4xf32, #tpu.memory_space<hbm>> -> memref<800x4xf32, #tpu.memory_space<hbm>>
        %dma_wait3A_74 = arith.constant 0 : i32
        %dma_wait3A_75 = tpu.memref_slice %arg5[%add3A_45, %dma_wait3A_74] : memref<1600000x4xf32, #tpu.memory_space<hbm>> -> memref<800x4xf32, #tpu.memory_space<hbm>>
        tpu.wait_dma2 semaphore(%run_scoped3A : memref<!tpu.dma_semaphore, #tpu.memory_space<semaphore_mem>>) src(%dma_wait3A_75 : memref<800x4xf32, #tpu.memory_space<hbm>>) dst(%arg11 : memref<800x4xf32, #tpu.memory_space<vmem>>)
        tpu.yield
      }) : () -> ()
      %scan3A_46 = arith.constant 0 : i32
      %scan3A_47 = arith.constant 0 : i32
      %scan3A_48 = arith.constant 50 : i32
      %scan3A_49 = arith.addi %scan3A_47, %scan3A_48 : i32
      %scan3A_50 = arith.constant 1 : i32
      %scan3A_51 = scf.for %scan3A_68 = %scan3A_47 to %scan3A_49 step %scan3A_50 iter_args(%scan3A_69 = %scan3A_46) -> (i32)  : i32 {
        %mul3A_70 = arith.constant 16 : i32
        %mul3A_71 = arith.muli %scan3A_68, %mul3A_70 : i32
        %get3A = arith.index_cast %mul3A_71 : i32 to index
        %get3A_72 = tpu.vector_load %arg8[%get3A] {strides = array<i32>} : memref<800xi32, #tpu.memory_space<vmem>>, vector<16xi32>,
        %mul3A_73 = arith.constant 4 : i32
        %mul3A_74 = vector.broadcast %mul3A_73 : i32 to vector<16xi32>
        %mul3A_75 = arith.muli %get3A_72, %mul3A_74 : vector<16xi32>
        %add3A_76 = vector.broadcast %add3A_40 : i32 to vector<16xi32>
        %add3A_77 = arith.addi %mul3A_75, %add3A_76 : vector<16xi32>
        %swap3A = arith.index_cast %mul3A_71 : i32 to index
        %swap3A_78 = tpu.vector_load %arg9[%swap3A] {strides = array<i32>} : memref<800xi32, #tpu.memory_space<vmem>>, vector<16xi32>,
        tpu.vector_store %arg9[%swap3A], %add3A_77 {strides = array<i32>} : memref<800xi32, #tpu.memory_space<vmem>>, vector<16xi32>,
        %scan3A_79 = arith.constant 0 : i32
        scf.yield %scan3A_79 : i32
      }
      %scan3A_52 = arith.constant 50 : i32
      %dma_start3A = arith.constant 0 : i32
      %dma_start3A_53 = arith.constant 0 : i32
      %dma_start3A_54 = tpu.memref_slice %arg6[%dma_start3A, %dma_start3A_53] : memref<401408x16xf32, #tpu.memory_space<hbm>> -> memref<401408x16xf32, #tpu.memory_space<hbm>>
      tpu.enqueue_indirect_dma source(%dma_start3A_54 : memref<401408x16xf32, #tpu.memory_space<hbm>>) target(%arg12 : memref<800x16xf32, #tpu.memory_space<vmem>>) offsets(%arg9 : memref<800xi32, #tpu.memory_space<vmem>>) semaphore(%arg14 : memref<!tpu.dma_semaphore, #tpu.memory_space<semaphore_mem>>)
      %dma_wait3A = arith.constant 0 : i32
      %dma_wait3A_55 = arith.constant 0 : i32
      %dma_wait3A_56 = tpu.memref_slice %arg6[%dma_wait3A, %dma_wait3A_55] : memref<401408x16xf32, #tpu.memory_space<hbm>> -> memref<401408x16xf32, #tpu.memory_space<hbm>>
      tpu.wait_indirect_dma semaphore(%arg14 : memref<!tpu.dma_semaphore, #tpu.memory_space<semaphore_mem>>) src(%dma_wait3A_56 : memref<401408x16xf32, #tpu.memory_space<hbm>>) dst(%arg12 : memref<800x16xf32, #tpu.memory_space<vmem>>)
      %broadcast_in_dim3A = arith.constant 0 : i32
      %broadcast_in_dim3A_57 = vector.broadcast %broadcast_in_dim3A : i32 to vector<16xi32>
      %add3A_58 = vector.broadcast %add3A_40 : i32 to vector<16xi32>
      %add3A_59 = arith.addi %broadcast_in_dim3A_57, %add3A_58 : vector<16xi32>
      %scan3A_60 = arith.constant 0 : i32
      %scan3A_61 = arith.constant 0 : i32
      %scan3A_62 = arith.constant 800 : i32
      %scan3A_63 = arith.addi %scan3A_61, %scan3A_62 : i32
      %scan3A_64 = arith.constant 1 : i32
      %scan3A_65 = scf.for %scan3A_68 = %scan3A_61 to %scan3A_63 step %scan3A_64 iter_args(%scan3A_69 = %scan3A_60) -> (i32)  : i32 {
        %add3A_70 = vector.broadcast %scan3A_68 : i32 to vector<16xi32>
        %add3A_71 = arith.addi %broadcast_in_dim3A_57, %add3A_70 : vector<16xi32>
        %gather3A = tpu.vector_load_idx %arg11[%add3A_71, %add3A_59] : memref<800x4xf32, #tpu.memory_space<vmem>>[vector<16xi32>, vector<16xi32>], vector<16xf32>,
        %get3A = arith.index_cast %scan3A_68 : i32 to index
        %get3A_72 = arith.constant 0 : index
        %get3A_73 = tpu.vector_load %arg12[%get3A, %get3A_72] {strides = array<i32>} : memref<800x16xf32, #tpu.memory_space<vmem>>, vector<16xf32>,
        %mul3A_74 = arith.mulf %get3A_73, %gather3A : vector<16xf32>
        %swap3A = arith.index_cast %scan3A_68 : i32 to index
        %swap3A_75 = arith.constant 0 : index
        %swap3A_76 = tpu.vector_load %arg12[%swap3A, %swap3A_75] {strides = array<i32>} : memref<800x16xf32, #tpu.memory_space<vmem>>, vector<16xf32>,
        tpu.vector_store %arg12[%swap3A, %swap3A_75], %mul3A_74 {strides = array<i32>} : memref<800x16xf32, #tpu.memory_space<vmem>>, vector<16xf32>,
        %scan3A_77 = arith.constant 0 : i32
        scf.yield %scan3A_77 : i32
      }
      %scan3A_66 = arith.constant 800 : i32
      "tpu.region"() ({
        %run_scoped3A = tpu.sem_alloc : memref<!tpu.dma_semaphore, #tpu.memory_space<semaphore_mem>>
        %dma_start3A_68 = arith.constant 0 : i32
        %dma_start3A_69 = arith.constant 0 : i32
        %dma_start3A_70 = tpu.memref_slice %arg13[%dma_start3A_68, %dma_start3A_69] : memref<100352x16xf32, #tpu.memory_space<vmem_shared>> -> memref<100352x16xf32, #tpu.memory_space<vmem_shared>>
        tpu.enqueue_indirect_dma source(%arg12 : memref<800x16xf32, #tpu.memory_space<vmem>>) target(%dma_start3A_70 : memref<100352x16xf32, #tpu.memory_space<vmem_shared>>) offsets(%arg10 : memref<800xi32, #tpu.memory_space<vmem>>) semaphore(%run_scoped3A : memref<!tpu.dma_semaphore, #tpu.memory_space<semaphore_mem>>) {add = true}
        %dma_wait3A_71 = arith.constant 0 : i32
        %dma_wait3A_72 = arith.constant 0 : i32
        %dma_wait3A_73 = tpu.memref_slice %arg13[%dma_wait3A_71, %dma_wait3A_72] : memref<100352x16xf32, #tpu.memory_space<vmem_shared>> -> memref<100352x16xf32, #tpu.memory_space<vmem_shared>>
        tpu.wait_indirect_dma semaphore(%run_scoped3A : memref<!tpu.dma_semaphore, #tpu.memory_space<semaphore_mem>>) src(%arg12 : memref<800x16xf32, #tpu.memory_space<vmem>>) dst(%dma_wait3A_73 : memref<100352x16xf32, #tpu.memory_space<vmem_shared>>)
        tpu.yield
      }) : () -> ()
      %scan3A_67 = arith.constant 0 : i32
      scf.yield %scan3A_67 : i32
    }
    %scan3A_6 = arith.constant 125 : i32
    %barrier3A_7 = arith.constant 0 : index
    tpu.barrier barrier_id(%barrier3A_7)
    %eq3A = arith.constant 0 : i32
    %eq3A_8 = arith.cmpi eq, %arg0, %eq3A : i32
    %convert_element_type3A = arith.extui %eq3A_8 : i1 to i32
    %cond3A = arith.constant 0 : i32
    %cond3A_9 = arith.cmpi ne, %convert_element_type3A, %cond3A : i32
    scf.if %cond3A_9 {
      %mul3A_36 = arith.constant 6272 : i32
      %mul3A_37 = arith.muli %arg1, %mul3A_36 : i32
      %mul3A_38 = arith.constant 6272 : i32
      %mul3A_39 = arith.muli %arg1, %mul3A_38 : i32
      %run_scoped3A = arith.constant 0 : i32
      "tpu.region"() ({
        %run_scoped3A_40 = tpu.sem_alloc : memref<!tpu.dma_semaphore, #tpu.memory_space<semaphore_mem>>
        %dma_start3A = arith.constant 0 : i32
        %dma_start3A_41 = tpu.memref_slice %arg7[%mul3A_39, %run_scoped3A, %dma_start3A] : memref<100352x4x16xf32, #tpu.memory_space<hbm>> -> memref<6272x1x16xf32, #tpu.memory_space<hbm>>
        %dma_start3A_42 = tpu.memref_squeeze %dma_start3A_41 : memref<6272x1x16xf32, #tpu.memory_space<hbm>> -> memref<6272x16xf32, #tpu.memory_space<hbm>>
        %dma_start3A_43 = arith.constant 0 : i32
        %dma_start3A_44 = tpu.memref_slice %arg13[%mul3A_37, %dma_start3A_43] : memref<100352x16xf32, #tpu.memory_space<vmem_shared>> -> memref<6272x16xf32, #tpu.memory_space<vmem_shared>>
        tpu.enqueue_dma source(%dma_start3A_44 : memref<6272x16xf32, #tpu.memory_space<vmem_shared>>) target(%dma_start3A_42 : memref<6272x16xf32, #tpu.memory_space<hbm>>) target_semaphore(%run_scoped3A_40 : memref<!tpu.dma_semaphore, #tpu.memory_space<semaphore_mem>>)
        %dma_wait3A = arith.constant 0 : i32
        %dma_wait3A_45 = tpu.memref_slice %arg7[%mul3A_39, %run_scoped3A, %dma_wait3A] : memref<100352x4x16xf32, #tpu.memory_space<hbm>> -> memref<6272x1x16xf32, #tpu.memory_space<hbm>>
        %dma_wait3A_46 = tpu.memref_squeeze %dma_wait3A_45 : memref<6272x1x16xf32, #tpu.memory_space<hbm>> -> memref<6272x16xf32, #tpu.memory_space<hbm>>
        %dma_wait3A_47 = arith.constant 0 : i32
        %dma_wait3A_48 = tpu.memref_slice %arg13[%mul3A_37, %dma_wait3A_47] : memref<100352x16xf32, #tpu.memory_space<vmem_shared>> -> memref<6272x16xf32, #tpu.memory_space<vmem_shared>>
        tpu.wait_dma2 semaphore(%run_scoped3A_40 : memref<!tpu.dma_semaphore, #tpu.memory_space<semaphore_mem>>) src(%dma_wait3A_48 : memref<6272x16xf32, #tpu.memory_space<vmem_shared>>) dst(%dma_wait3A_46 : memref<6272x16xf32, #tpu.memory_space<hbm>>)
        tpu.yield
      }) : () -> ()
    } else {
    }
    %eq3A_10 = arith.constant 1 : i32
    %eq3A_11 = arith.cmpi eq, %arg0, %eq3A_10 : i32
    %convert_element_type3A_12 = arith.extui %eq3A_11 : i1 to i32
    %cond3A_13 = arith.constant 0 : i32
    %cond3A_14 = arith.cmpi ne, %convert_element_type3A_12, %cond3A_13 : i32
    scf.if %cond3A_14 {
      %mul3A_36 = arith.constant 6272 : i32
      %mul3A_37 = arith.muli %arg1, %mul3A_36 : i32
      %mul3A_38 = arith.constant 6272 : i32
      %mul3A_39 = arith.muli %arg1, %mul3A_38 : i32
      %run_scoped3A = arith.constant 2 : i32
      "tpu.region"() ({
        %run_scoped3A_40 = tpu.sem_alloc : memref<!tpu.dma_semaphore, #tpu.memory_space<semaphore_mem>>
        %dma_start3A = arith.constant 0 : i32
        %dma_start3A_41 = tpu.memref_slice %arg7[%mul3A_39, %run_scoped3A, %dma_start3A] : memref<100352x4x16xf32, #tpu.memory_space<hbm>> -> memref<6272x1x16xf32, #tpu.memory_space<hbm>>
        %dma_start3A_42 = tpu.memref_squeeze %dma_start3A_41 : memref<6272x1x16xf32, #tpu.memory_space<hbm>> -> memref<6272x16xf32, #tpu.memory_space<hbm>>
        %dma_start3A_43 = arith.constant 0 : i32
        %dma_start3A_44 = tpu.memref_slice %arg13[%mul3A_37, %dma_start3A_43] : memref<100352x16xf32, #tpu.memory_space<vmem_shared>> -> memref<6272x16xf32, #tpu.memory_space<vmem_shared>>
        tpu.enqueue_dma source(%dma_start3A_44 : memref<6272x16xf32, #tpu.memory_space<vmem_shared>>) target(%dma_start3A_42 : memref<6272x16xf32, #tpu.memory_space<hbm>>) target_semaphore(%run_scoped3A_40 : memref<!tpu.dma_semaphore, #tpu.memory_space<semaphore_mem>>)
        %dma_wait3A = arith.constant 0 : i32
        %dma_wait3A_45 = tpu.memref_slice %arg7[%mul3A_39, %run_scoped3A, %dma_wait3A] : memref<100352x4x16xf32, #tpu.memory_space<hbm>> -> memref<6272x1x16xf32, #tpu.memory_space<hbm>>
        %dma_wait3A_46 = tpu.memref_squeeze %dma_wait3A_45 : memref<6272x1x16xf32, #tpu.memory_space<hbm>> -> memref<6272x16xf32, #tpu.memory_space<hbm>>
        %dma_wait3A_47 = arith.constant 0 : i32
        %dma_wait3A_48 = tpu.memref_slice %arg13[%mul3A_37, %dma_wait3A_47] : memref<100352x16xf32, #tpu.memory_space<vmem_shared>> -> memref<6272x16xf32, #tpu.memory_space<vmem_shared>>
        tpu.wait_dma2 semaphore(%run_scoped3A_40 : memref<!tpu.dma_semaphore, #tpu.memory_space<semaphore_mem>>) src(%dma_wait3A_48 : memref<6272x16xf32, #tpu.memory_space<vmem_shared>>) dst(%dma_wait3A_46 : memref<6272x16xf32, #tpu.memory_space<hbm>>)
        tpu.yield
      }) : () -> ()
    } else {
    }
    %mul3A_15 = arith.constant 6272 : i32
    %mul3A_16 = arith.muli %arg1, %mul3A_15 : i32
    "tpu.region"() ({
      %run_scoped3A = tpu.sem_alloc : memref<!tpu.dma_semaphore, #tpu.memory_space<semaphore_mem>>
      %dma_start3A = arith.constant 0 : i32
      %dma_start3A_36 = tpu.memref_slice %arg13[%mul3A_16, %dma_start3A] : memref<100352x16xf32, #tpu.memory_space<vmem_shared>> -> memref<6272x16xf32, #tpu.memory_space<vmem_shared>>
      tpu.enqueue_dma source(%arg2 : memref<6272x16xf32, #tpu.memory_space<hbm>>) target(%dma_start3A_36 : memref<6272x16xf32, #tpu.memory_space<vmem_shared>>) target_semaphore(%run_scoped3A : memref<!tpu.dma_semaphore, #tpu.memory_space<semaphore_mem>>)
      %dma_wait3A = arith.constant 0 : i32
      %dma_wait3A_37 = tpu.memref_slice %arg13[%mul3A_16, %dma_wait3A] : memref<100352x16xf32, #tpu.memory_space<vmem_shared>> -> memref<6272x16xf32, #tpu.memory_space<vmem_shared>>
      tpu.wait_dma2 semaphore(%run_scoped3A : memref<!tpu.dma_semaphore, #tpu.memory_space<semaphore_mem>>) src(%arg2 : memref<6272x16xf32, #tpu.memory_space<hbm>>) dst(%dma_wait3A_37 : memref<6272x16xf32, #tpu.memory_space<vmem_shared>>)
      tpu.yield
    }) : () -> ()
    %barrier3A_17 = arith.constant 0 : index
    tpu.barrier barrier_id(%barrier3A_17)
    %scan3A_18 = arith.constant 0 : i32
    %scan3A_19 = arith.constant 0 : i32
    %scan3A_20 = arith.constant 125 : i32
    %scan3A_21 = arith.addi %scan3A_19, %scan3A_20 : i32
    %scan3A_22 = arith.constant 1 : i32
    %scan3A_23 = scf.for %scan3A_36 = %scan3A_19 to %scan3A_21 step %scan3A_22 iter_args(%scan3A_37 = %scan3A_18) -> (i32)  : i32 {
      %mul3A_38 = arith.constant 2 : i32
      %mul3A_39 = arith.muli %arg0, %mul3A_38 : i32
      %add3A = arith.constant 1 : i32
      %add3A_40 = arith.addi %mul3A_39, %add3A : i32
      %mul3A_41 = arith.constant 100000 : i32
      %mul3A_42 = arith.muli %arg1, %mul3A_41 : i32
      %mul3A_43 = arith.constant 800 : i32
      %mul3A_44 = arith.muli %scan3A_36, %mul3A_43 : i32
      %add3A_45 = arith.addi %mul3A_42, %mul3A_44 : i32
      "tpu.region"() ({
        %run_scoped3A = tpu.sem_alloc : memref<!tpu.dma_semaphore, #tpu.memory_space<semaphore_mem>>
        %dma_start3A_68 = tpu.memref_slice %arg3[%add3A_45] : memref<1600000xi32, #tpu.memory_space<hbm>> -> memref<800xi32, #tpu.memory_space<hbm>>
        %dma_start3A_69 = tpu.memref_slice %arg3[%add3A_45] : memref<1600000xi32, #tpu.memory_space<hbm>> -> memref<800xi32, #tpu.memory_space<hbm>>
        tpu.enqueue_dma source(%dma_start3A_69 : memref<800xi32, #tpu.memory_space<hbm>>) target(%arg8 : memref<800xi32, #tpu.memory_space<vmem>>) target_semaphore(%run_scoped3A : memref<!tpu.dma_semaphore, #tpu.memory_space<semaphore_mem>>)
        %dma_wait3A_70 = tpu.memref_slice %arg3[%add3A_45] : memref<1600000xi32, #tpu.memory_space<hbm>> -> memref<800xi32, #tpu.memory_space<hbm>>
        %dma_wait3A_71 = tpu.memref_slice %arg3[%add3A_45] : memref<1600000xi32, #tpu.memory_space<hbm>> -> memref<800xi32, #tpu.memory_space<hbm>>
        tpu.wait_dma2 semaphore(%run_scoped3A : memref<!tpu.dma_semaphore, #tpu.memory_space<semaphore_mem>>) src(%dma_wait3A_71 : memref<800xi32, #tpu.memory_space<hbm>>) dst(%arg8 : memref<800xi32, #tpu.memory_space<vmem>>)
        tpu.yield
      }) : () -> ()
      "tpu.region"() ({
        %run_scoped3A = tpu.sem_alloc : memref<!tpu.dma_semaphore, #tpu.memory_space<semaphore_mem>>
        %dma_start3A_68 = tpu.memref_slice %arg4[%add3A_45] : memref<1600000xi32, #tpu.memory_space<hbm>> -> memref<800xi32, #tpu.memory_space<hbm>>
        %dma_start3A_69 = tpu.memref_slice %arg4[%add3A_45] : memref<1600000xi32, #tpu.memory_space<hbm>> -> memref<800xi32, #tpu.memory_space<hbm>>
        tpu.enqueue_dma source(%dma_start3A_69 : memref<800xi32, #tpu.memory_space<hbm>>) target(%arg10 : memref<800xi32, #tpu.memory_space<vmem>>) target_semaphore(%run_scoped3A : memref<!tpu.dma_semaphore, #tpu.memory_space<semaphore_mem>>)
        %dma_wait3A_70 = tpu.memref_slice %arg4[%add3A_45] : memref<1600000xi32, #tpu.memory_space<hbm>> -> memref<800xi32, #tpu.memory_space<hbm>>
        %dma_wait3A_71 = tpu.memref_slice %arg4[%add3A_45] : memref<1600000xi32, #tpu.memory_space<hbm>> -> memref<800xi32, #tpu.memory_space<hbm>>
        tpu.wait_dma2 semaphore(%run_scoped3A : memref<!tpu.dma_semaphore, #tpu.memory_space<semaphore_mem>>) src(%dma_wait3A_71 : memref<800xi32, #tpu.memory_space<hbm>>) dst(%arg10 : memref<800xi32, #tpu.memory_space<vmem>>)
        tpu.yield
      }) : () -> ()
      "tpu.region"() ({
        %run_scoped3A = tpu.sem_alloc : memref<!tpu.dma_semaphore, #tpu.memory_space<semaphore_mem>>
        %dma_start3A_68 = arith.constant 0 : i32
        %dma_start3A_69 = tpu.memref_slice %arg5[%add3A_45, %dma_start3A_68] : memref<1600000x4xf32, #tpu.memory_space<hbm>> -> memref<800x4xf32, #tpu.memory_space<hbm>>
        %dma_start3A_70 = arith.constant 0 : i32
        %dma_start3A_71 = tpu.memref_slice %arg5[%add3A_45, %dma_start3A_70] : memref<1600000x4xf32, #tpu.memory_space<hbm>> -> memref<800x4xf32, #tpu.memory_space<hbm>>
        tpu.enqueue_dma source(%dma_start3A_71 : memref<800x4xf32, #tpu.memory_space<hbm>>) target(%arg11 : memref<800x4xf32, #tpu.memory_space<vmem>>) target_semaphore(%run_scoped3A : memref<!tpu.dma_semaphore, #tpu.memory_space<semaphore_mem>>)
        %dma_wait3A_72 = arith.constant 0 : i32
        %dma_wait3A_73 = tpu.memref_slice %arg5[%add3A_45, %dma_wait3A_72] : memref<1600000x4xf32, #tpu.memory_space<hbm>> -> memref<800x4xf32, #tpu.memory_space<hbm>>
        %dma_wait3A_74 = arith.constant 0 : i32
        %dma_wait3A_75 = tpu.memref_slice %arg5[%add3A_45, %dma_wait3A_74] : memref<1600000x4xf32, #tpu.memory_space<hbm>> -> memref<800x4xf32, #tpu.memory_space<hbm>>
        tpu.wait_dma2 semaphore(%run_scoped3A : memref<!tpu.dma_semaphore, #tpu.memory_space<semaphore_mem>>) src(%dma_wait3A_75 : memref<800x4xf32, #tpu.memory_space<hbm>>) dst(%arg11 : memref<800x4xf32, #tpu.memory_space<vmem>>)
        tpu.yield
      }) : () -> ()
      %scan3A_46 = arith.constant 0 : i32
      %scan3A_47 = arith.constant 0 : i32
      %scan3A_48 = arith.constant 50 : i32
      %scan3A_49 = arith.addi %scan3A_47, %scan3A_48 : i32
      %scan3A_50 = arith.constant 1 : i32
      %scan3A_51 = scf.for %scan3A_68 = %scan3A_47 to %scan3A_49 step %scan3A_50 iter_args(%scan3A_69 = %scan3A_46) -> (i32)  : i32 {
        %mul3A_70 = arith.constant 16 : i32
        %mul3A_71 = arith.muli %scan3A_68, %mul3A_70 : i32
        %get3A = arith.index_cast %mul3A_71 : i32 to index
        %get3A_72 = tpu.vector_load %arg8[%get3A] {strides = array<i32>} : memref<800xi32, #tpu.memory_space<vmem>>, vector<16xi32>,
        %mul3A_73 = arith.constant 4 : i32
        %mul3A_74 = vector.broadcast %mul3A_73 : i32 to vector<16xi32>
        %mul3A_75 = arith.muli %get3A_72, %mul3A_74 : vector<16xi32>
        %add3A_76 = vector.broadcast %add3A_40 : i32 to vector<16xi32>
        %add3A_77 = arith.addi %mul3A_75, %add3A_76 : vector<16xi32>
        %swap3A = arith.index_cast %mul3A_71 : i32 to index
        %swap3A_78 = tpu.vector_load %arg9[%swap3A] {strides = array<i32>} : memref<800xi32, #tpu.memory_space<vmem>>, vector<16xi32>,
        tpu.vector_store %arg9[%swap3A], %add3A_77 {strides = array<i32>} : memref<800xi32, #tpu.memory_space<vmem>>, vector<16xi32>,
        %scan3A_79 = arith.constant 0 : i32
        scf.yield %scan3A_79 : i32
      }
      %scan3A_52 = arith.constant 50 : i32
      %dma_start3A = arith.constant 0 : i32
      %dma_start3A_53 = arith.constant 0 : i32
      %dma_start3A_54 = tpu.memref_slice %arg6[%dma_start3A, %dma_start3A_53] : memref<401408x16xf32, #tpu.memory_space<hbm>> -> memref<401408x16xf32, #tpu.memory_space<hbm>>
      tpu.enqueue_indirect_dma source(%dma_start3A_54 : memref<401408x16xf32, #tpu.memory_space<hbm>>) target(%arg12 : memref<800x16xf32, #tpu.memory_space<vmem>>) offsets(%arg9 : memref<800xi32, #tpu.memory_space<vmem>>) semaphore(%arg14 : memref<!tpu.dma_semaphore, #tpu.memory_space<semaphore_mem>>)
      %dma_wait3A = arith.constant 0 : i32
      %dma_wait3A_55 = arith.constant 0 : i32
      %dma_wait3A_56 = tpu.memref_slice %arg6[%dma_wait3A, %dma_wait3A_55] : memref<401408x16xf32, #tpu.memory_space<hbm>> -> memref<401408x16xf32, #tpu.memory_space<hbm>>
      tpu.wait_indirect_dma semaphore(%arg14 : memref<!tpu.dma_semaphore, #tpu.memory_space<semaphore_mem>>) src(%dma_wait3A_56 : memref<401408x16xf32, #tpu.memory_space<hbm>>) dst(%arg12 : memref<800x16xf32, #tpu.memory_space<vmem>>)
      %broadcast_in_dim3A = arith.constant 0 : i32
      %broadcast_in_dim3A_57 = vector.broadcast %broadcast_in_dim3A : i32 to vector<16xi32>
      %add3A_58 = vector.broadcast %add3A_40 : i32 to vector<16xi32>
      %add3A_59 = arith.addi %broadcast_in_dim3A_57, %add3A_58 : vector<16xi32>
      %scan3A_60 = arith.constant 0 : i32
      %scan3A_61 = arith.constant 0 : i32
      %scan3A_62 = arith.constant 800 : i32
      %scan3A_63 = arith.addi %scan3A_61, %scan3A_62 : i32
      %scan3A_64 = arith.constant 1 : i32
      %scan3A_65 = scf.for %scan3A_68 = %scan3A_61 to %scan3A_63 step %scan3A_64 iter_args(%scan3A_69 = %scan3A_60) -> (i32)  : i32 {
        %add3A_70 = vector.broadcast %scan3A_68 : i32 to vector<16xi32>
        %add3A_71 = arith.addi %broadcast_in_dim3A_57, %add3A_70 : vector<16xi32>
        %gather3A = tpu.vector_load_idx %arg11[%add3A_71, %add3A_59] : memref<800x4xf32, #tpu.memory_space<vmem>>[vector<16xi32>, vector<16xi32>], vector<16xf32>,
        %get3A = arith.index_cast %scan3A_68 : i32 to index
        %get3A_72 = arith.constant 0 : index
        %get3A_73 = tpu.vector_load %arg12[%get3A, %get3A_72] {strides = array<i32>} : memref<800x16xf32, #tpu.memory_space<vmem>>, vector<16xf32>,
        %mul3A_74 = arith.mulf %get3A_73, %gather3A : vector<16xf32>
        %swap3A = arith.index_cast %scan3A_68 : i32 to index
        %swap3A_75 = arith.constant 0 : index
        %swap3A_76 = tpu.vector_load %arg12[%swap3A, %swap3A_75] {strides = array<i32>} : memref<800x16xf32, #tpu.memory_space<vmem>>, vector<16xf32>,
        tpu.vector_store %arg12[%swap3A, %swap3A_75], %mul3A_74 {strides = array<i32>} : memref<800x16xf32, #tpu.memory_space<vmem>>, vector<16xf32>,
        %scan3A_77 = arith.constant 0 : i32
        scf.yield %scan3A_77 : i32
      }
      %scan3A_66 = arith.constant 800 : i32
      "tpu.region"() ({
        %run_scoped3A = tpu.sem_alloc : memref<!tpu.dma_semaphore, #tpu.memory_space<semaphore_mem>>
        %dma_start3A_68 = arith.constant 0 : i32
        %dma_start3A_69 = arith.constant 0 : i32
        %dma_start3A_70 = tpu.memref_slice %arg13[%dma_start3A_68, %dma_start3A_69] : memref<100352x16xf32, #tpu.memory_space<vmem_shared>> -> memref<100352x16xf32, #tpu.memory_space<vmem_shared>>
        tpu.enqueue_indirect_dma source(%arg12 : memref<800x16xf32, #tpu.memory_space<vmem>>) target(%dma_start3A_70 : memref<100352x16xf32, #tpu.memory_space<vmem_shared>>) offsets(%arg10 : memref<800xi32, #tpu.memory_space<vmem>>) semaphore(%run_scoped3A : memref<!tpu.dma_semaphore, #tpu.memory_space<semaphore_mem>>) {add = true}
        %dma_wait3A_71 = arith.constant 0 : i32
        %dma_wait3A_72 = arith.constant 0 : i32
        %dma_wait3A_73 = tpu.memref_slice %arg13[%dma_wait3A_71, %dma_wait3A_72] : memref<100352x16xf32, #tpu.memory_space<vmem_shared>> -> memref<100352x16xf32, #tpu.memory_space<vmem_shared>>
        tpu.wait_indirect_dma semaphore(%run_scoped3A : memref<!tpu.dma_semaphore, #tpu.memory_space<semaphore_mem>>) src(%arg12 : memref<800x16xf32, #tpu.memory_space<vmem>>) dst(%dma_wait3A_73 : memref<100352x16xf32, #tpu.memory_space<vmem_shared>>)
        tpu.yield
      }) : () -> ()
      %scan3A_67 = arith.constant 0 : i32
      scf.yield %scan3A_67 : i32
    }
    %scan3A_24 = arith.constant 125 : i32
    %barrier3A_25 = arith.constant 0 : index
    tpu.barrier barrier_id(%barrier3A_25)
    %eq3A_26 = arith.constant 0 : i32
    %eq3A_27 = arith.cmpi eq, %arg0, %eq3A_26 : i32
    %convert_element_type3A_28 = arith.extui %eq3A_27 : i1 to i32
    %cond3A_29 = arith.constant 0 : i32
    %cond3A_30 = arith.cmpi ne, %convert_element_type3A_28, %cond3A_29 : i32
    scf.if %cond3A_30 {
      %mul3A_36 = arith.constant 6272 : i32
      %mul3A_37 = arith.muli %arg1, %mul3A_36 : i32
      %mul3A_38 = arith.constant 6272 : i32
      %mul3A_39 = arith.muli %arg1, %mul3A_38 : i32
      %run_scoped3A = arith.constant 1 : i32
      "tpu.region"() ({
        %run_scoped3A_40 = tpu.sem_alloc : memref<!tpu.dma_semaphore, #tpu.memory_space<semaphore_mem>>
        %dma_start3A = arith.constant 0 : i32
        %dma_start3A_41 = tpu.memref_slice %arg7[%mul3A_39, %run_scoped3A, %dma_start3A] : memref<100352x4x16xf32, #tpu.memory_space<hbm>> -> memref<6272x1x16xf32, #tpu.memory_space<hbm>>
        %dma_start3A_42 = tpu.memref_squeeze %dma_start3A_41 : memref<6272x1x16xf32, #tpu.memory_space<hbm>> -> memref<6272x16xf32, #tpu.memory_space<hbm>>
        %dma_start3A_43 = arith.constant 0 : i32
        %dma_start3A_44 = tpu.memref_slice %arg13[%mul3A_37, %dma_start3A_43] : memref<100352x16xf32, #tpu.memory_space<vmem_shared>> -> memref<6272x16xf32, #tpu.memory_space<vmem_shared>>
        tpu.enqueue_dma source(%dma_start3A_44 : memref<6272x16xf32, #tpu.memory_space<vmem_shared>>) target(%dma_start3A_42 : memref<6272x16xf32, #tpu.memory_space<hbm>>) target_semaphore(%run_scoped3A_40 : memref<!tpu.dma_semaphore, #tpu.memory_space<semaphore_mem>>)
        %dma_wait3A = arith.constant 0 : i32
        %dma_wait3A_45 = tpu.memref_slice %arg7[%mul3A_39, %run_scoped3A, %dma_wait3A] : memref<100352x4x16xf32, #tpu.memory_space<hbm>> -> memref<6272x1x16xf32, #tpu.memory_space<hbm>>
        %dma_wait3A_46 = tpu.memref_squeeze %dma_wait3A_45 : memref<6272x1x16xf32, #tpu.memory_space<hbm>> -> memref<6272x16xf32, #tpu.memory_space<hbm>>
        %dma_wait3A_47 = arith.constant 0 : i32
        %dma_wait3A_48 = tpu.memref_slice %arg13[%mul3A_37, %dma_wait3A_47] : memref<100352x16xf32, #tpu.memory_space<vmem_shared>> -> memref<6272x16xf32, #tpu.memory_space<vmem_shared>>
        tpu.wait_dma2 semaphore(%run_scoped3A_40 : memref<!tpu.dma_semaphore, #tpu.memory_space<semaphore_mem>>) src(%dma_wait3A_48 : memref<6272x16xf32, #tpu.memory_space<vmem_shared>>) dst(%dma_wait3A_46 : memref<6272x16xf32, #tpu.memory_space<hbm>>)
        tpu.yield
      }) : () -> ()
    } else {
    }
    %eq3A_31 = arith.constant 1 : i32
    %eq3A_32 = arith.cmpi eq, %arg0, %eq3A_31 : i32
    %convert_element_type3A_33 = arith.extui %eq3A_32 : i1 to i32
    %cond3A_34 = arith.constant 0 : i32
    %cond3A_35 = arith.cmpi ne, %convert_element_type3A_33, %cond3A_34 : i32
    scf.if %cond3A_35 {
      %mul3A_36 = arith.constant 6272 : i32
      %mul3A_37 = arith.muli %arg1, %mul3A_36 : i32
      %mul3A_38 = arith.constant 6272 : i32
      %mul3A_39 = arith.muli %arg1, %mul3A_38 : i32
      %run_scoped3A = arith.constant 3 : i32
      "tpu.region"() ({
        %run_scoped3A_40 = tpu.sem_alloc : memref<!tpu.dma_semaphore, #tpu.memory_space<semaphore_mem>>
        %dma_start3A = arith.constant 0 : i32
        %dma_start3A_41 = tpu.memref_slice %arg7[%mul3A_39, %run_scoped3A, %dma_start3A] : memref<100352x4x16xf32, #tpu.memory_space<hbm>> -> memref<6272x1x16xf32, #tpu.memory_space<hbm>>
        %dma_start3A_42 = tpu.memref_squeeze %dma_start3A_41 : memref<6272x1x16xf32, #tpu.memory_space<hbm>> -> memref<6272x16xf32, #tpu.memory_space<hbm>>
        %dma_start3A_43 = arith.constant 0 : i32
        %dma_start3A_44 = tpu.memref_slice %arg13[%mul3A_37, %dma_start3A_43] : memref<100352x16xf32, #tpu.memory_space<vmem_shared>> -> memref<6272x16xf32, #tpu.memory_space<vmem_shared>>
        tpu.enqueue_dma source(%dma_start3A_44 : memref<6272x16xf32, #tpu.memory_space<vmem_shared>>) target(%dma_start3A_42 : memref<6272x16xf32, #tpu.memory_space<hbm>>) target_semaphore(%run_scoped3A_40 : memref<!tpu.dma_semaphore, #tpu.memory_space<semaphore_mem>>)
        %dma_wait3A = arith.constant 0 : i32
        %dma_wait3A_45 = tpu.memref_slice %arg7[%mul3A_39, %run_scoped3A, %dma_wait3A] : memref<100352x4x16xf32, #tpu.memory_space<hbm>> -> memref<6272x1x16xf32, #tpu.memory_space<hbm>>
        %dma_wait3A_46 = tpu.memref_squeeze %dma_wait3A_45 : memref<6272x1x16xf32, #tpu.memory_space<hbm>> -> memref<6272x16xf32, #tpu.memory_space<hbm>>
        %dma_wait3A_47 = arith.constant 0 : i32
        %dma_wait3A_48 = tpu.memref_slice %arg13[%mul3A_37, %dma_wait3A_47] : memref<100352x16xf32, #tpu.memory_space<vmem_shared>> -> memref<6272x16xf32, #tpu.memory_space<vmem_shared>>
        tpu.wait_dma2 semaphore(%run_scoped3A_40 : memref<!tpu.dma_semaphore, #tpu.memory_space<semaphore_mem>>) src(%dma_wait3A_48 : memref<6272x16xf32, #tpu.memory_space<vmem_shared>>) dst(%dma_wait3A_46 : memref<6272x16xf32, #tpu.memory_space<hbm>>)
        tpu.yield
      }) : () -> ()
    } else {
    }
    return
  }
}

#map = affine_map<(d0, d1) -> (0)>
#map1 = affine_map<(d0, d1) -> (0, 0)>
#map2 = affine_map<(d0, d1) -> (0, 0, 0)>
module attributes {stable_mosaic.version = 14 : i64} {
  func.func @_sc1_body(%arg0: i32, %arg1: i32, %arg2: memref<16xf32, #tpu.memory_space<hbm>>, %arg3: memref<6272x8xf32, #tpu.memory_space<hbm>>, %arg4: memref<1600000xi32, #tpu.memory_space<hbm>>, %arg5: memref<1600000xi32, #tpu.memory_space<hbm>>, %arg6: memref<100352x8xf32, #tpu.memory_space<hbm>>, %arg7: memref<1600000x4xf32, #tpu.memory_space<hbm>>, %arg8: memref<2x100352x8xf32, #tpu.memory_space<hbm>>, %arg9: memref<16xf32, #tpu.memory_space<vmem>>, %arg10: memref<2000xi32, #tpu.memory_space<vmem>>, %arg11: memref<2000xi32, #tpu.memory_space<vmem>>, %arg12: memref<2000x8xf32, #tpu.memory_space<vmem>>, %arg13: memref<2000x8xf32, #tpu.memory_space<vmem>>, %arg14: memref<2000x4xf32, #tpu.memory_space<vmem>>, %arg15: memref<2000x8xf32, #tpu.memory_space<vmem>>, %arg16: memref<100352x8xf32, #tpu.memory_space<vmem_shared>>, %arg17: memref<!tpu.dma_semaphore, #tpu.memory_space<semaphore_mem>>) attributes {dimension_semantics = [#tpu.dimension_semantics<core_parallel>, #tpu.dimension_semantics<subcore_parallel>], iteration_bounds = array<i64: 2, 16>, scalar_prefetch = 0 : i64, scratch_operands = 9 : i64, tpu.core_type = #tpu.core_type<sc_vector_subcore>, window_params = [{transform_indices = #map}, {transform_indices = #map1}, {transform_indices = #map}, {transform_indices = #map}, {transform_indices = #map1}, {transform_indices = #map1}, {transform_indices = #map2}]} {
    "tpu.region"() ({
      %run_scoped3A = tpu.sem_alloc : memref<!tpu.dma_semaphore, #tpu.memory_space<semaphore_mem>>
      tpu.enqueue_dma source(%arg2 : memref<16xf32, #tpu.memory_space<hbm>>) target(%arg9 : memref<16xf32, #tpu.memory_space<vmem>>) target_semaphore(%run_scoped3A : memref<!tpu.dma_semaphore, #tpu.memory_space<semaphore_mem>>)
      tpu.wait_dma2 semaphore(%run_scoped3A : memref<!tpu.dma_semaphore, #tpu.memory_space<semaphore_mem>>) src(%arg2 : memref<16xf32, #tpu.memory_space<hbm>>) dst(%arg9 : memref<16xf32, #tpu.memory_space<vmem>>)
      tpu.yield
    }) : () -> ()
    %mul3A = arith.constant 6272 : i32
    %mul3A_0 = arith.muli %arg1, %mul3A : i32
    "tpu.region"() ({
      %run_scoped3A = tpu.sem_alloc : memref<!tpu.dma_semaphore, #tpu.memory_space<semaphore_mem>>
      %dma_start3A = arith.constant 0 : i32
      %dma_start3A_33 = tpu.memref_slice %arg16[%mul3A_0, %dma_start3A] : memref<100352x8xf32, #tpu.memory_space<vmem_shared>> -> memref<6272x8xf32, #tpu.memory_space<vmem_shared>>
      tpu.enqueue_dma source(%arg3 : memref<6272x8xf32, #tpu.memory_space<hbm>>) target(%dma_start3A_33 : memref<6272x8xf32, #tpu.memory_space<vmem_shared>>) target_semaphore(%run_scoped3A : memref<!tpu.dma_semaphore, #tpu.memory_space<semaphore_mem>>)
      %dma_wait3A = arith.constant 0 : i32
      %dma_wait3A_34 = tpu.memref_slice %arg16[%mul3A_0, %dma_wait3A] : memref<100352x8xf32, #tpu.memory_space<vmem_shared>> -> memref<6272x8xf32, #tpu.memory_space<vmem_shared>>
      tpu.wait_dma2 semaphore(%run_scoped3A : memref<!tpu.dma_semaphore, #tpu.memory_space<semaphore_mem>>) src(%arg3 : memref<6272x8xf32, #tpu.memory_space<hbm>>) dst(%dma_wait3A_34 : memref<6272x8xf32, #tpu.memory_space<vmem_shared>>)
      tpu.yield
    }) : () -> ()
    %iota3A = tpu.iota {dimensions = array<i32: 0>} : vector<16xi32>
    %shift_right_logical3A = arith.constant 2 : i32
    %shift_right_logical3A_1 = vector.broadcast %shift_right_logical3A : i32 to vector<16xi32>
    %shift_right_logical3A_2 = arith.shrui %iota3A, %shift_right_logical3A_1 : vector<16xi32>
    %and3A = arith.constant 3 : i32
    %and3A_3 = vector.broadcast %and3A : i32 to vector<16xi32>
    %and3A_4 = arith.andi %iota3A, %and3A_3 : vector<16xi32>
    %add3A = arith.constant 4 : i32
    %add3A_5 = vector.broadcast %add3A : i32 to vector<16xi32>
    %add3A_6 = arith.addi %and3A_4, %add3A_5 : vector<16xi32>
    %scan3A = arith.constant 0 : i32
    %scan3A_7 = arith.constant 0 : i32
    %scan3A_8 = arith.constant 500 : i32
    %scan3A_9 = arith.addi %scan3A_7, %scan3A_8 : i32
    %scan3A_10 = arith.constant 1 : i32
    %scan3A_11 = scf.for %scan3A_33 = %scan3A_7 to %scan3A_9 step %scan3A_10 iter_args(%scan3A_34 = %scan3A) -> (i32)  : i32 {
      %mul3A_35 = arith.constant 4 : i32
      %mul3A_36 = arith.muli %scan3A_33, %mul3A_35 : i32
      %add3A_37 = vector.broadcast %mul3A_36 : i32 to vector<16xi32>
      %add3A_38 = arith.addi %add3A_37, %shift_right_logical3A_2 : vector<16xi32>
      %broadcast_in_dim3A = arith.constant 0.000000e+00 : f32
      %broadcast_in_dim3A_39 = vector.broadcast %broadcast_in_dim3A : f32 to vector<16xf32>
      tpu.vector_store_idx %arg15[%add3A_38, %add3A_6], %broadcast_in_dim3A_39 : memref<2000x8xf32, #tpu.memory_space<vmem>>[vector<16xi32>, vector<16xi32>], vector<16xf32>,
      %scan3A_40 = arith.constant 0 : i32
      scf.yield %scan3A_40 : i32
    }
    %scan3A_12 = arith.constant 500 : i32
    %barrier3A = arith.constant 0 : index
    tpu.barrier barrier_id(%barrier3A)
    %mul3A_13 = arith.constant 800000 : i32
    %mul3A_14 = arith.muli %arg0, %mul3A_13 : i32
    %mul3A_15 = arith.constant 50000 : i32
    %mul3A_16 = arith.muli %arg1, %mul3A_15 : i32
    %add3A_17 = arith.addi %mul3A_14, %mul3A_16 : i32
    %scan3A_18 = arith.constant 0 : i32
    %scan3A_19 = arith.constant 0 : i32
    %scan3A_20 = arith.constant 25 : i32
    %scan3A_21 = arith.addi %scan3A_19, %scan3A_20 : i32
    %scan3A_22 = arith.constant 1 : i32
    %scan3A_23 = scf.for %scan3A_33 = %scan3A_19 to %scan3A_21 step %scan3A_22 iter_args(%scan3A_34 = %scan3A_18) -> (i32)  : i32 {
      %mul3A_35 = arith.constant 2000 : i32
      %mul3A_36 = arith.muli %scan3A_33, %mul3A_35 : i32
      %add3A_37 = arith.addi %add3A_17, %mul3A_36 : i32
      "tpu.region"() ({
        %run_scoped3A = tpu.sem_alloc : memref<!tpu.dma_semaphore, #tpu.memory_space<semaphore_mem>>
        %dma_start3A_57 = tpu.memref_slice %arg4[%add3A_37] : memref<1600000xi32, #tpu.memory_space<hbm>> -> memref<2000xi32, #tpu.memory_space<hbm>>
        %dma_start3A_58 = tpu.memref_slice %arg4[%add3A_37] : memref<1600000xi32, #tpu.memory_space<hbm>> -> memref<2000xi32, #tpu.memory_space<hbm>>
        tpu.enqueue_dma source(%dma_start3A_58 : memref<2000xi32, #tpu.memory_space<hbm>>) target(%arg10 : memref<2000xi32, #tpu.memory_space<vmem>>) target_semaphore(%run_scoped3A : memref<!tpu.dma_semaphore, #tpu.memory_space<semaphore_mem>>)
        %dma_wait3A_59 = tpu.memref_slice %arg4[%add3A_37] : memref<1600000xi32, #tpu.memory_space<hbm>> -> memref<2000xi32, #tpu.memory_space<hbm>>
        %dma_wait3A_60 = tpu.memref_slice %arg4[%add3A_37] : memref<1600000xi32, #tpu.memory_space<hbm>> -> memref<2000xi32, #tpu.memory_space<hbm>>
        tpu.wait_dma2 semaphore(%run_scoped3A : memref<!tpu.dma_semaphore, #tpu.memory_space<semaphore_mem>>) src(%dma_wait3A_60 : memref<2000xi32, #tpu.memory_space<hbm>>) dst(%arg10 : memref<2000xi32, #tpu.memory_space<vmem>>)
        tpu.yield
      }) : () -> ()
      "tpu.region"() ({
        %run_scoped3A = tpu.sem_alloc : memref<!tpu.dma_semaphore, #tpu.memory_space<semaphore_mem>>
        %dma_start3A_57 = tpu.memref_slice %arg5[%add3A_37] : memref<1600000xi32, #tpu.memory_space<hbm>> -> memref<2000xi32, #tpu.memory_space<hbm>>
        %dma_start3A_58 = tpu.memref_slice %arg5[%add3A_37] : memref<1600000xi32, #tpu.memory_space<hbm>> -> memref<2000xi32, #tpu.memory_space<hbm>>
        tpu.enqueue_dma source(%dma_start3A_58 : memref<2000xi32, #tpu.memory_space<hbm>>) target(%arg11 : memref<2000xi32, #tpu.memory_space<vmem>>) target_semaphore(%run_scoped3A : memref<!tpu.dma_semaphore, #tpu.memory_space<semaphore_mem>>)
        %dma_wait3A_59 = tpu.memref_slice %arg5[%add3A_37] : memref<1600000xi32, #tpu.memory_space<hbm>> -> memref<2000xi32, #tpu.memory_space<hbm>>
        %dma_wait3A_60 = tpu.memref_slice %arg5[%add3A_37] : memref<1600000xi32, #tpu.memory_space<hbm>> -> memref<2000xi32, #tpu.memory_space<hbm>>
        tpu.wait_dma2 semaphore(%run_scoped3A : memref<!tpu.dma_semaphore, #tpu.memory_space<semaphore_mem>>) src(%dma_wait3A_60 : memref<2000xi32, #tpu.memory_space<hbm>>) dst(%arg11 : memref<2000xi32, #tpu.memory_space<vmem>>)
        tpu.yield
      }) : () -> ()
      %dma_start3A = arith.constant 0 : i32
      %dma_start3A_38 = arith.constant 0 : i32
      %dma_start3A_39 = tpu.memref_slice %arg6[%dma_start3A, %dma_start3A_38] : memref<100352x8xf32, #tpu.memory_space<hbm>> -> memref<100352x8xf32, #tpu.memory_space<hbm>>
      tpu.enqueue_indirect_dma source(%dma_start3A_39 : memref<100352x8xf32, #tpu.memory_space<hbm>>) target(%arg12 : memref<2000x8xf32, #tpu.memory_space<vmem>>) offsets(%arg10 : memref<2000xi32, #tpu.memory_space<vmem>>) semaphore(%arg17 : memref<!tpu.dma_semaphore, #tpu.memory_space<semaphore_mem>>)
      %dma_wait3A = arith.constant 0 : i32
      %dma_wait3A_40 = arith.constant 0 : i32
      %dma_wait3A_41 = tpu.memref_slice %arg6[%dma_wait3A, %dma_wait3A_40] : memref<100352x8xf32, #tpu.memory_space<hbm>> -> memref<100352x8xf32, #tpu.memory_space<hbm>>
      tpu.wait_indirect_dma semaphore(%arg17 : memref<!tpu.dma_semaphore, #tpu.memory_space<semaphore_mem>>) src(%dma_wait3A_41 : memref<100352x8xf32, #tpu.memory_space<hbm>>) dst(%arg12 : memref<2000x8xf32, #tpu.memory_space<vmem>>)
      %dma_start3A_42 = arith.constant 0 : i32
      %dma_start3A_43 = arith.constant 0 : i32
      %dma_start3A_44 = tpu.memref_slice %arg6[%dma_start3A_42, %dma_start3A_43] : memref<100352x8xf32, #tpu.memory_space<hbm>> -> memref<100352x8xf32, #tpu.memory_space<hbm>>
      tpu.enqueue_indirect_dma source(%dma_start3A_44 : memref<100352x8xf32, #tpu.memory_space<hbm>>) target(%arg13 : memref<2000x8xf32, #tpu.memory_space<vmem>>) offsets(%arg11 : memref<2000xi32, #tpu.memory_space<vmem>>) semaphore(%arg17 : memref<!tpu.dma_semaphore, #tpu.memory_space<semaphore_mem>>)
      %dma_wait3A_45 = arith.constant 0 : i32
      %dma_wait3A_46 = arith.constant 0 : i32
      %dma_wait3A_47 = tpu.memref_slice %arg6[%dma_wait3A_45, %dma_wait3A_46] : memref<100352x8xf32, #tpu.memory_space<hbm>> -> memref<100352x8xf32, #tpu.memory_space<hbm>>
      tpu.wait_indirect_dma semaphore(%arg17 : memref<!tpu.dma_semaphore, #tpu.memory_space<semaphore_mem>>) src(%dma_wait3A_47 : memref<100352x8xf32, #tpu.memory_space<hbm>>) dst(%arg13 : memref<2000x8xf32, #tpu.memory_space<vmem>>)
      %get3A = arith.constant 0 : index
      %get3A_48 = tpu.vector_load %arg9[%get3A] {strides = array<i32>} : memref<16xf32, #tpu.memory_space<vmem>>, vector<16xf32>,
      %scan3A_49 = arith.constant 0 : i32
      %scan3A_50 = arith.constant 0 : i32
      %scan3A_51 = arith.constant 500 : i32
      %scan3A_52 = arith.addi %scan3A_50, %scan3A_51 : i32
      %scan3A_53 = arith.constant 1 : i32
      %scan3A_54 = scf.for %scan3A_57 = %scan3A_50 to %scan3A_52 step %scan3A_53 iter_args(%scan3A_58 = %scan3A_49) -> (i32)  : i32 {
        %mul3A_59 = arith.constant 4 : i32
        %mul3A_60 = arith.muli %scan3A_57, %mul3A_59 : i32
        %add3A_61 = vector.broadcast %mul3A_60 : i32 to vector<16xi32>
        %add3A_62 = arith.addi %add3A_61, %shift_right_logical3A_2 : vector<16xi32>
        %gather3A = tpu.vector_load_idx %arg12[%add3A_62, %and3A_4] : memref<2000x8xf32, #tpu.memory_space<vmem>>[vector<16xi32>, vector<16xi32>], vector<16xf32>,
        %gather3A_63 = tpu.vector_load_idx %arg13[%add3A_62, %add3A_6] : memref<2000x8xf32, #tpu.memory_space<vmem>>[vector<16xi32>, vector<16xi32>], vector<16xf32>,
        %add3A_64 = arith.addf %gather3A, %gather3A_63 : vector<16xf32>
        %gt3A = arith.constant 0.000000e+00 : f32
        %gt3A_65 = vector.broadcast %gt3A : f32 to vector<16xf32>
        %gt3A_66 = arith.cmpf ogt, %add3A_64, %gt3A_65 : vector<16xf32>
        %mul3A_67 = arith.constant 2.000000e-01 : f32
        %mul3A_68 = vector.broadcast %mul3A_67 : f32 to vector<16xf32>
        %mul3A_69 = arith.mulf %mul3A_68, %add3A_64 : vector<16xf32>
        %select_n3A = arith.select %gt3A_66, %add3A_64, %mul3A_69 : vector<16xi1>, vector<16xf32>
        %add3A_70 = arith.addf %get3A_48, %gather3A_63 : vector<16xf32>
        %gt3A_71 = arith.constant 0.000000e+00 : f32
        %gt3A_72 = vector.broadcast %gt3A_71 : f32 to vector<16xf32>
        %gt3A_73 = arith.cmpf ogt, %add3A_70, %gt3A_72 : vector<16xf32>
        %mul3A_74 = arith.constant 2.000000e-01 : f32
        %mul3A_75 = vector.broadcast %mul3A_74 : f32 to vector<16xf32>
        %mul3A_76 = arith.mulf %mul3A_75, %add3A_70 : vector<16xf32>
        %select_n3A_77 = arith.select %gt3A_73, %add3A_70, %mul3A_76 : vector<16xi1>, vector<16xf32>
        %sub3A = arith.subf %select_n3A, %select_n3A_77 : vector<16xf32>
        %exp3A = math.exp %sub3A : vector<16xf32>
        tpu.vector_store_idx %arg14[%add3A_62, %and3A_4], %exp3A : memref<2000x4xf32, #tpu.memory_space<vmem>>[vector<16xi32>, vector<16xi32>], vector<16xf32>,
        tpu.vector_store_idx %arg15[%add3A_62, %and3A_4], %exp3A : memref<2000x8xf32, #tpu.memory_space<vmem>>[vector<16xi32>, vector<16xi32>], vector<16xf32>,
        %scan3A_78 = arith.constant 0 : i32
        scf.yield %scan3A_78 : i32
      }
      %scan3A_55 = arith.constant 500 : i32
      "tpu.region"() ({
        %run_scoped3A = tpu.sem_alloc : memref<!tpu.dma_semaphore, #tpu.memory_space<semaphore_mem>>
        %dma_start3A_57 = arith.constant 0 : i32
        %dma_start3A_58 = tpu.memref_slice %arg7[%add3A_37, %dma_start3A_57] : memref<1600000x4xf32, #tpu.memory_space<hbm>> -> memref<2000x4xf32, #tpu.memory_space<hbm>>
        %dma_start3A_59 = arith.constant 0 : i32
        %dma_start3A_60 = tpu.memref_slice %arg7[%add3A_37, %dma_start3A_59] : memref<1600000x4xf32, #tpu.memory_space<hbm>> -> memref<2000x4xf32, #tpu.memory_space<hbm>>
        tpu.enqueue_dma source(%arg14 : memref<2000x4xf32, #tpu.memory_space<vmem>>) target(%dma_start3A_60 : memref<2000x4xf32, #tpu.memory_space<hbm>>) target_semaphore(%run_scoped3A : memref<!tpu.dma_semaphore, #tpu.memory_space<semaphore_mem>>)
        %dma_wait3A_61 = arith.constant 0 : i32
        %dma_wait3A_62 = tpu.memref_slice %arg7[%add3A_37, %dma_wait3A_61] : memref<1600000x4xf32, #tpu.memory_space<hbm>> -> memref<2000x4xf32, #tpu.memory_space<hbm>>
        %dma_wait3A_63 = arith.constant 0 : i32
        %dma_wait3A_64 = tpu.memref_slice %arg7[%add3A_37, %dma_wait3A_63] : memref<1600000x4xf32, #tpu.memory_space<hbm>> -> memref<2000x4xf32, #tpu.memory_space<hbm>>
        tpu.wait_dma2 semaphore(%run_scoped3A : memref<!tpu.dma_semaphore, #tpu.memory_space<semaphore_mem>>) src(%arg14 : memref<2000x4xf32, #tpu.memory_space<vmem>>) dst(%dma_wait3A_64 : memref<2000x4xf32, #tpu.memory_space<hbm>>)
        tpu.yield
      }) : () -> ()
      "tpu.region"() ({
        %run_scoped3A = tpu.sem_alloc : memref<!tpu.dma_semaphore, #tpu.memory_space<semaphore_mem>>
        %dma_start3A_57 = arith.constant 0 : i32
        %dma_start3A_58 = arith.constant 0 : i32
        %dma_start3A_59 = tpu.memref_slice %arg16[%dma_start3A_57, %dma_start3A_58] : memref<100352x8xf32, #tpu.memory_space<vmem_shared>> -> memref<100352x8xf32, #tpu.memory_space<vmem_shared>>
        tpu.enqueue_indirect_dma source(%arg15 : memref<2000x8xf32, #tpu.memory_space<vmem>>) target(%dma_start3A_59 : memref<100352x8xf32, #tpu.memory_space<vmem_shared>>) offsets(%arg11 : memref<2000xi32, #tpu.memory_space<vmem>>) semaphore(%run_scoped3A : memref<!tpu.dma_semaphore, #tpu.memory_space<semaphore_mem>>) {add = true}
        %dma_wait3A_60 = arith.constant 0 : i32
        %dma_wait3A_61 = arith.constant 0 : i32
        %dma_wait3A_62 = tpu.memref_slice %arg16[%dma_wait3A_60, %dma_wait3A_61] : memref<100352x8xf32, #tpu.memory_space<vmem_shared>> -> memref<100352x8xf32, #tpu.memory_space<vmem_shared>>
        tpu.wait_indirect_dma semaphore(%run_scoped3A : memref<!tpu.dma_semaphore, #tpu.memory_space<semaphore_mem>>) src(%arg15 : memref<2000x8xf32, #tpu.memory_space<vmem>>) dst(%dma_wait3A_62 : memref<100352x8xf32, #tpu.memory_space<vmem_shared>>)
        tpu.yield
      }) : () -> ()
      %scan3A_56 = arith.constant 0 : i32
      scf.yield %scan3A_56 : i32
    }
    %scan3A_24 = arith.constant 25 : i32
    %barrier3A_25 = arith.constant 0 : index
    tpu.barrier barrier_id(%barrier3A_25)
    %eq3A = arith.constant 0 : i32
    %eq3A_26 = arith.cmpi eq, %arg0, %eq3A : i32
    %convert_element_type3A = arith.extui %eq3A_26 : i1 to i32
    %cond3A = arith.constant 0 : i32
    %cond3A_27 = arith.cmpi ne, %convert_element_type3A, %cond3A : i32
    scf.if %cond3A_27 {
      %mul3A_33 = arith.constant 6272 : i32
      %mul3A_34 = arith.muli %arg1, %mul3A_33 : i32
      %mul3A_35 = arith.constant 6272 : i32
      %mul3A_36 = arith.muli %arg1, %mul3A_35 : i32
      %run_scoped3A = arith.constant 0 : i32
      "tpu.region"() ({
        %run_scoped3A_37 = tpu.sem_alloc : memref<!tpu.dma_semaphore, #tpu.memory_space<semaphore_mem>>
        %dma_start3A = arith.constant 0 : i32
        %dma_start3A_38 = tpu.memref_slice %arg8[%run_scoped3A, %mul3A_36, %dma_start3A] : memref<2x100352x8xf32, #tpu.memory_space<hbm>> -> memref<1x6272x8xf32, #tpu.memory_space<hbm>>
        %dma_start3A_39 = tpu.memref_squeeze %dma_start3A_38 : memref<1x6272x8xf32, #tpu.memory_space<hbm>> -> memref<6272x8xf32, #tpu.memory_space<hbm>>
        %dma_start3A_40 = arith.constant 0 : i32
        %dma_start3A_41 = tpu.memref_slice %arg16[%mul3A_34, %dma_start3A_40] : memref<100352x8xf32, #tpu.memory_space<vmem_shared>> -> memref<6272x8xf32, #tpu.memory_space<vmem_shared>>
        tpu.enqueue_dma source(%dma_start3A_41 : memref<6272x8xf32, #tpu.memory_space<vmem_shared>>) target(%dma_start3A_39 : memref<6272x8xf32, #tpu.memory_space<hbm>>) target_semaphore(%run_scoped3A_37 : memref<!tpu.dma_semaphore, #tpu.memory_space<semaphore_mem>>)
        %dma_wait3A = arith.constant 0 : i32
        %dma_wait3A_42 = tpu.memref_slice %arg8[%run_scoped3A, %mul3A_36, %dma_wait3A] : memref<2x100352x8xf32, #tpu.memory_space<hbm>> -> memref<1x6272x8xf32, #tpu.memory_space<hbm>>
        %dma_wait3A_43 = tpu.memref_squeeze %dma_wait3A_42 : memref<1x6272x8xf32, #tpu.memory_space<hbm>> -> memref<6272x8xf32, #tpu.memory_space<hbm>>
        %dma_wait3A_44 = arith.constant 0 : i32
        %dma_wait3A_45 = tpu.memref_slice %arg16[%mul3A_34, %dma_wait3A_44] : memref<100352x8xf32, #tpu.memory_space<vmem_shared>> -> memref<6272x8xf32, #tpu.memory_space<vmem_shared>>
        tpu.wait_dma2 semaphore(%run_scoped3A_37 : memref<!tpu.dma_semaphore, #tpu.memory_space<semaphore_mem>>) src(%dma_wait3A_45 : memref<6272x8xf32, #tpu.memory_space<vmem_shared>>) dst(%dma_wait3A_43 : memref<6272x8xf32, #tpu.memory_space<hbm>>)
        tpu.yield
      }) : () -> ()
    } else {
    }
    %eq3A_28 = arith.constant 1 : i32
    %eq3A_29 = arith.cmpi eq, %arg0, %eq3A_28 : i32
    %convert_element_type3A_30 = arith.extui %eq3A_29 : i1 to i32
    %cond3A_31 = arith.constant 0 : i32
    %cond3A_32 = arith.cmpi ne, %convert_element_type3A_30, %cond3A_31 : i32
    scf.if %cond3A_32 {
      %mul3A_33 = arith.constant 6272 : i32
      %mul3A_34 = arith.muli %arg1, %mul3A_33 : i32
      %mul3A_35 = arith.constant 6272 : i32
      %mul3A_36 = arith.muli %arg1, %mul3A_35 : i32
      %run_scoped3A = arith.constant 1 : i32
      "tpu.region"() ({
        %run_scoped3A_37 = tpu.sem_alloc : memref<!tpu.dma_semaphore, #tpu.memory_space<semaphore_mem>>
        %dma_start3A = arith.constant 0 : i32
        %dma_start3A_38 = tpu.memref_slice %arg8[%run_scoped3A, %mul3A_36, %dma_start3A] : memref<2x100352x8xf32, #tpu.memory_space<hbm>> -> memref<1x6272x8xf32, #tpu.memory_space<hbm>>
        %dma_start3A_39 = tpu.memref_squeeze %dma_start3A_38 : memref<1x6272x8xf32, #tpu.memory_space<hbm>> -> memref<6272x8xf32, #tpu.memory_space<hbm>>
        %dma_start3A_40 = arith.constant 0 : i32
        %dma_start3A_41 = tpu.memref_slice %arg16[%mul3A_34, %dma_start3A_40] : memref<100352x8xf32, #tpu.memory_space<vmem_shared>> -> memref<6272x8xf32, #tpu.memory_space<vmem_shared>>
        tpu.enqueue_dma source(%dma_start3A_41 : memref<6272x8xf32, #tpu.memory_space<vmem_shared>>) target(%dma_start3A_39 : memref<6272x8xf32, #tpu.memory_space<hbm>>) target_semaphore(%run_scoped3A_37 : memref<!tpu.dma_semaphore, #tpu.memory_space<semaphore_mem>>)
        %dma_wait3A = arith.constant 0 : i32
        %dma_wait3A_42 = tpu.memref_slice %arg8[%run_scoped3A, %mul3A_36, %dma_wait3A] : memref<2x100352x8xf32, #tpu.memory_space<hbm>> -> memref<1x6272x8xf32, #tpu.memory_space<hbm>>
        %dma_wait3A_43 = tpu.memref_squeeze %dma_wait3A_42 : memref<1x6272x8xf32, #tpu.memory_space<hbm>> -> memref<6272x8xf32, #tpu.memory_space<hbm>>
        %dma_wait3A_44 = arith.constant 0 : i32
        %dma_wait3A_45 = tpu.memref_slice %arg16[%mul3A_34, %dma_wait3A_44] : memref<100352x8xf32, #tpu.memory_space<vmem_shared>> -> memref<6272x8xf32, #tpu.memory_space<vmem_shared>>
        tpu.wait_dma2 semaphore(%run_scoped3A_37 : memref<!tpu.dma_semaphore, #tpu.memory_space<semaphore_mem>>) src(%dma_wait3A_45 : memref<6272x8xf32, #tpu.memory_space<vmem_shared>>) dst(%dma_wait3A_43 : memref<6272x8xf32, #tpu.memory_space<hbm>>)
        tpu.yield
      }) : () -> ()
    } else {
    }
    return
  }
}

#map = affine_map<(d0, d1) -> (0, 0)>
#map1 = affine_map<(d0, d1) -> (0)>
#map2 = affine_map<(d0, d1) -> (0, 0, 0)>
module attributes {stable_mosaic.version = 14 : i64} {
  func.func @_sc2_body(%arg0: i32, %arg1: i32, %arg2: memref<6272x16xf32, #tpu.memory_space<hbm>>, %arg3: memref<1600000xi32, #tpu.memory_space<hbm>>, %arg4: memref<1600000xi32, #tpu.memory_space<hbm>>, %arg5: memref<1600000x4xf32, #tpu.memory_space<hbm>>, %arg6: memref<401408x16xf32, #tpu.memory_space<hbm>>, %arg7: memref<100352x4x16xf32, #tpu.memory_space<hbm>>, %arg8: memref<800xi32, #tpu.memory_space<vmem>>, %arg9: memref<800xi32, #tpu.memory_space<vmem>>, %arg10: memref<800xi32, #tpu.memory_space<vmem>>, %arg11: memref<800x4xf32, #tpu.memory_space<vmem>>, %arg12: memref<800x16xf32, #tpu.memory_space<vmem>>, %arg13: memref<100352x16xf32, #tpu.memory_space<vmem_shared>>, %arg14: memref<!tpu.dma_semaphore, #tpu.memory_space<semaphore_mem>>) attributes {dimension_semantics = [#tpu.dimension_semantics<core_parallel>, #tpu.dimension_semantics<subcore_parallel>], iteration_bounds = array<i64: 2, 16>, scalar_prefetch = 0 : i64, scratch_operands = 7 : i64, tpu.core_type = #tpu.core_type<sc_vector_subcore>, window_params = [{transform_indices = #map}, {transform_indices = #map1}, {transform_indices = #map1}, {transform_indices = #map}, {transform_indices = #map}, {transform_indices = #map2}]} {
    %mul3A = arith.constant 6272 : i32
    %mul3A_0 = arith.muli %arg1, %mul3A : i32
    "tpu.region"() ({
      %run_scoped3A = tpu.sem_alloc : memref<!tpu.dma_semaphore, #tpu.memory_space<semaphore_mem>>
      %dma_start3A = arith.constant 0 : i32
      %dma_start3A_36 = tpu.memref_slice %arg13[%mul3A_0, %dma_start3A] : memref<100352x16xf32, #tpu.memory_space<vmem_shared>> -> memref<6272x16xf32, #tpu.memory_space<vmem_shared>>
      tpu.enqueue_dma source(%arg2 : memref<6272x16xf32, #tpu.memory_space<hbm>>) target(%dma_start3A_36 : memref<6272x16xf32, #tpu.memory_space<vmem_shared>>) target_semaphore(%run_scoped3A : memref<!tpu.dma_semaphore, #tpu.memory_space<semaphore_mem>>)
      %dma_wait3A = arith.constant 0 : i32
      %dma_wait3A_37 = tpu.memref_slice %arg13[%mul3A_0, %dma_wait3A] : memref<100352x16xf32, #tpu.memory_space<vmem_shared>> -> memref<6272x16xf32, #tpu.memory_space<vmem_shared>>
      tpu.wait_dma2 semaphore(%run_scoped3A : memref<!tpu.dma_semaphore, #tpu.memory_space<semaphore_mem>>) src(%arg2 : memref<6272x16xf32, #tpu.memory_space<hbm>>) dst(%dma_wait3A_37 : memref<6272x16xf32, #tpu.memory_space<vmem_shared>>)
      tpu.yield
    }) : () -> ()
    %barrier3A = arith.constant 0 : index
    tpu.barrier barrier_id(%barrier3A)
    %scan3A = arith.constant 0 : i32
    %scan3A_1 = arith.constant 0 : i32
    %scan3A_2 = arith.constant 125 : i32
    %scan3A_3 = arith.addi %scan3A_1, %scan3A_2 : i32
    %scan3A_4 = arith.constant 1 : i32
    %scan3A_5 = scf.for %scan3A_36 = %scan3A_1 to %scan3A_3 step %scan3A_4 iter_args(%scan3A_37 = %scan3A) -> (i32)  : i32 {
      %mul3A_38 = arith.constant 2 : i32
      %mul3A_39 = arith.muli %arg0, %mul3A_38 : i32
      %add3A = arith.constant 0 : i32
      %add3A_40 = arith.addi %mul3A_39, %add3A : i32
      %mul3A_41 = arith.constant 100000 : i32
      %mul3A_42 = arith.muli %arg1, %mul3A_41 : i32
      %mul3A_43 = arith.constant 800 : i32
      %mul3A_44 = arith.muli %scan3A_36, %mul3A_43 : i32
      %add3A_45 = arith.addi %mul3A_42, %mul3A_44 : i32
      "tpu.region"() ({
        %run_scoped3A = tpu.sem_alloc : memref<!tpu.dma_semaphore, #tpu.memory_space<semaphore_mem>>
        %dma_start3A_68 = tpu.memref_slice %arg3[%add3A_45] : memref<1600000xi32, #tpu.memory_space<hbm>> -> memref<800xi32, #tpu.memory_space<hbm>>
        %dma_start3A_69 = tpu.memref_slice %arg3[%add3A_45] : memref<1600000xi32, #tpu.memory_space<hbm>> -> memref<800xi32, #tpu.memory_space<hbm>>
        tpu.enqueue_dma source(%dma_start3A_69 : memref<800xi32, #tpu.memory_space<hbm>>) target(%arg8 : memref<800xi32, #tpu.memory_space<vmem>>) target_semaphore(%run_scoped3A : memref<!tpu.dma_semaphore, #tpu.memory_space<semaphore_mem>>)
        %dma_wait3A_70 = tpu.memref_slice %arg3[%add3A_45] : memref<1600000xi32, #tpu.memory_space<hbm>> -> memref<800xi32, #tpu.memory_space<hbm>>
        %dma_wait3A_71 = tpu.memref_slice %arg3[%add3A_45] : memref<1600000xi32, #tpu.memory_space<hbm>> -> memref<800xi32, #tpu.memory_space<hbm>>
        tpu.wait_dma2 semaphore(%run_scoped3A : memref<!tpu.dma_semaphore, #tpu.memory_space<semaphore_mem>>) src(%dma_wait3A_71 : memref<800xi32, #tpu.memory_space<hbm>>) dst(%arg8 : memref<800xi32, #tpu.memory_space<vmem>>)
        tpu.yield
      }) : () -> ()
      "tpu.region"() ({
        %run_scoped3A = tpu.sem_alloc : memref<!tpu.dma_semaphore, #tpu.memory_space<semaphore_mem>>
        %dma_start3A_68 = tpu.memref_slice %arg4[%add3A_45] : memref<1600000xi32, #tpu.memory_space<hbm>> -> memref<800xi32, #tpu.memory_space<hbm>>
        %dma_start3A_69 = tpu.memref_slice %arg4[%add3A_45] : memref<1600000xi32, #tpu.memory_space<hbm>> -> memref<800xi32, #tpu.memory_space<hbm>>
        tpu.enqueue_dma source(%dma_start3A_69 : memref<800xi32, #tpu.memory_space<hbm>>) target(%arg10 : memref<800xi32, #tpu.memory_space<vmem>>) target_semaphore(%run_scoped3A : memref<!tpu.dma_semaphore, #tpu.memory_space<semaphore_mem>>)
        %dma_wait3A_70 = tpu.memref_slice %arg4[%add3A_45] : memref<1600000xi32, #tpu.memory_space<hbm>> -> memref<800xi32, #tpu.memory_space<hbm>>
        %dma_wait3A_71 = tpu.memref_slice %arg4[%add3A_45] : memref<1600000xi32, #tpu.memory_space<hbm>> -> memref<800xi32, #tpu.memory_space<hbm>>
        tpu.wait_dma2 semaphore(%run_scoped3A : memref<!tpu.dma_semaphore, #tpu.memory_space<semaphore_mem>>) src(%dma_wait3A_71 : memref<800xi32, #tpu.memory_space<hbm>>) dst(%arg10 : memref<800xi32, #tpu.memory_space<vmem>>)
        tpu.yield
      }) : () -> ()
      "tpu.region"() ({
        %run_scoped3A = tpu.sem_alloc : memref<!tpu.dma_semaphore, #tpu.memory_space<semaphore_mem>>
        %dma_start3A_68 = arith.constant 0 : i32
        %dma_start3A_69 = tpu.memref_slice %arg5[%add3A_45, %dma_start3A_68] : memref<1600000x4xf32, #tpu.memory_space<hbm>> -> memref<800x4xf32, #tpu.memory_space<hbm>>
        %dma_start3A_70 = arith.constant 0 : i32
        %dma_start3A_71 = tpu.memref_slice %arg5[%add3A_45, %dma_start3A_70] : memref<1600000x4xf32, #tpu.memory_space<hbm>> -> memref<800x4xf32, #tpu.memory_space<hbm>>
        tpu.enqueue_dma source(%dma_start3A_71 : memref<800x4xf32, #tpu.memory_space<hbm>>) target(%arg11 : memref<800x4xf32, #tpu.memory_space<vmem>>) target_semaphore(%run_scoped3A : memref<!tpu.dma_semaphore, #tpu.memory_space<semaphore_mem>>)
        %dma_wait3A_72 = arith.constant 0 : i32
        %dma_wait3A_73 = tpu.memref_slice %arg5[%add3A_45, %dma_wait3A_72] : memref<1600000x4xf32, #tpu.memory_space<hbm>> -> memref<800x4xf32, #tpu.memory_space<hbm>>
        %dma_wait3A_74 = arith.constant 0 : i32
        %dma_wait3A_75 = tpu.memref_slice %arg5[%add3A_45, %dma_wait3A_74] : memref<1600000x4xf32, #tpu.memory_space<hbm>> -> memref<800x4xf32, #tpu.memory_space<hbm>>
        tpu.wait_dma2 semaphore(%run_scoped3A : memref<!tpu.dma_semaphore, #tpu.memory_space<semaphore_mem>>) src(%dma_wait3A_75 : memref<800x4xf32, #tpu.memory_space<hbm>>) dst(%arg11 : memref<800x4xf32, #tpu.memory_space<vmem>>)
        tpu.yield
      }) : () -> ()
      %scan3A_46 = arith.constant 0 : i32
      %scan3A_47 = arith.constant 0 : i32
      %scan3A_48 = arith.constant 50 : i32
      %scan3A_49 = arith.addi %scan3A_47, %scan3A_48 : i32
      %scan3A_50 = arith.constant 1 : i32
      %scan3A_51 = scf.for %scan3A_68 = %scan3A_47 to %scan3A_49 step %scan3A_50 iter_args(%scan3A_69 = %scan3A_46) -> (i32)  : i32 {
        %mul3A_70 = arith.constant 16 : i32
        %mul3A_71 = arith.muli %scan3A_68, %mul3A_70 : i32
        %get3A = arith.index_cast %mul3A_71 : i32 to index
        %get3A_72 = tpu.vector_load %arg8[%get3A] {strides = array<i32>} : memref<800xi32, #tpu.memory_space<vmem>>, vector<16xi32>,
        %mul3A_73 = arith.constant 4 : i32
        %mul3A_74 = vector.broadcast %mul3A_73 : i32 to vector<16xi32>
        %mul3A_75 = arith.muli %get3A_72, %mul3A_74 : vector<16xi32>
        %add3A_76 = vector.broadcast %add3A_40 : i32 to vector<16xi32>
        %add3A_77 = arith.addi %mul3A_75, %add3A_76 : vector<16xi32>
        %swap3A = arith.index_cast %mul3A_71 : i32 to index
        %swap3A_78 = tpu.vector_load %arg9[%swap3A] {strides = array<i32>} : memref<800xi32, #tpu.memory_space<vmem>>, vector<16xi32>,
        tpu.vector_store %arg9[%swap3A], %add3A_77 {strides = array<i32>} : memref<800xi32, #tpu.memory_space<vmem>>, vector<16xi32>,
        %scan3A_79 = arith.constant 0 : i32
        scf.yield %scan3A_79 : i32
      }
      %scan3A_52 = arith.constant 50 : i32
      %dma_start3A = arith.constant 0 : i32
      %dma_start3A_53 = arith.constant 0 : i32
      %dma_start3A_54 = tpu.memref_slice %arg6[%dma_start3A, %dma_start3A_53] : memref<401408x16xf32, #tpu.memory_space<hbm>> -> memref<401408x16xf32, #tpu.memory_space<hbm>>
      tpu.enqueue_indirect_dma source(%dma_start3A_54 : memref<401408x16xf32, #tpu.memory_space<hbm>>) target(%arg12 : memref<800x16xf32, #tpu.memory_space<vmem>>) offsets(%arg9 : memref<800xi32, #tpu.memory_space<vmem>>) semaphore(%arg14 : memref<!tpu.dma_semaphore, #tpu.memory_space<semaphore_mem>>)
      %dma_wait3A = arith.constant 0 : i32
      %dma_wait3A_55 = arith.constant 0 : i32
      %dma_wait3A_56 = tpu.memref_slice %arg6[%dma_wait3A, %dma_wait3A_55] : memref<401408x16xf32, #tpu.memory_space<hbm>> -> memref<401408x16xf32, #tpu.memory_space<hbm>>
      tpu.wait_indirect_dma semaphore(%arg14 : memref<!tpu.dma_semaphore, #tpu.memory_space<semaphore_mem>>) src(%dma_wait3A_56 : memref<401408x16xf32, #tpu.memory_space<hbm>>) dst(%arg12 : memref<800x16xf32, #tpu.memory_space<vmem>>)
      %broadcast_in_dim3A = arith.constant 0 : i32
      %broadcast_in_dim3A_57 = vector.broadcast %broadcast_in_dim3A : i32 to vector<16xi32>
      %add3A_58 = vector.broadcast %add3A_40 : i32 to vector<16xi32>
      %add3A_59 = arith.addi %broadcast_in_dim3A_57, %add3A_58 : vector<16xi32>
      %scan3A_60 = arith.constant 0 : i32
      %scan3A_61 = arith.constant 0 : i32
      %scan3A_62 = arith.constant 800 : i32
      %scan3A_63 = arith.addi %scan3A_61, %scan3A_62 : i32
      %scan3A_64 = arith.constant 1 : i32
      %scan3A_65 = scf.for %scan3A_68 = %scan3A_61 to %scan3A_63 step %scan3A_64 iter_args(%scan3A_69 = %scan3A_60) -> (i32)  : i32 {
        %add3A_70 = vector.broadcast %scan3A_68 : i32 to vector<16xi32>
        %add3A_71 = arith.addi %broadcast_in_dim3A_57, %add3A_70 : vector<16xi32>
        %gather3A = tpu.vector_load_idx %arg11[%add3A_71, %add3A_59] : memref<800x4xf32, #tpu.memory_space<vmem>>[vector<16xi32>, vector<16xi32>], vector<16xf32>,
        %get3A = arith.index_cast %scan3A_68 : i32 to index
        %get3A_72 = arith.constant 0 : index
        %get3A_73 = tpu.vector_load %arg12[%get3A, %get3A_72] {strides = array<i32>} : memref<800x16xf32, #tpu.memory_space<vmem>>, vector<16xf32>,
        %mul3A_74 = arith.mulf %get3A_73, %gather3A : vector<16xf32>
        %swap3A = arith.index_cast %scan3A_68 : i32 to index
        %swap3A_75 = arith.constant 0 : index
        %swap3A_76 = tpu.vector_load %arg12[%swap3A, %swap3A_75] {strides = array<i32>} : memref<800x16xf32, #tpu.memory_space<vmem>>, vector<16xf32>,
        tpu.vector_store %arg12[%swap3A, %swap3A_75], %mul3A_74 {strides = array<i32>} : memref<800x16xf32, #tpu.memory_space<vmem>>, vector<16xf32>,
        %scan3A_77 = arith.constant 0 : i32
        scf.yield %scan3A_77 : i32
      }
      %scan3A_66 = arith.constant 800 : i32
      "tpu.region"() ({
        %run_scoped3A = tpu.sem_alloc : memref<!tpu.dma_semaphore, #tpu.memory_space<semaphore_mem>>
        %dma_start3A_68 = arith.constant 0 : i32
        %dma_start3A_69 = arith.constant 0 : i32
        %dma_start3A_70 = tpu.memref_slice %arg13[%dma_start3A_68, %dma_start3A_69] : memref<100352x16xf32, #tpu.memory_space<vmem_shared>> -> memref<100352x16xf32, #tpu.memory_space<vmem_shared>>
        tpu.enqueue_indirect_dma source(%arg12 : memref<800x16xf32, #tpu.memory_space<vmem>>) target(%dma_start3A_70 : memref<100352x16xf32, #tpu.memory_space<vmem_shared>>) offsets(%arg10 : memref<800xi32, #tpu.memory_space<vmem>>) semaphore(%run_scoped3A : memref<!tpu.dma_semaphore, #tpu.memory_space<semaphore_mem>>) {add = true}
        %dma_wait3A_71 = arith.constant 0 : i32
        %dma_wait3A_72 = arith.constant 0 : i32
        %dma_wait3A_73 = tpu.memref_slice %arg13[%dma_wait3A_71, %dma_wait3A_72] : memref<100352x16xf32, #tpu.memory_space<vmem_shared>> -> memref<100352x16xf32, #tpu.memory_space<vmem_shared>>
        tpu.wait_indirect_dma semaphore(%run_scoped3A : memref<!tpu.dma_semaphore, #tpu.memory_space<semaphore_mem>>) src(%arg12 : memref<800x16xf32, #tpu.memory_space<vmem>>) dst(%dma_wait3A_73 : memref<100352x16xf32, #tpu.memory_space<vmem_shared>>)
        tpu.yield
      }) : () -> ()
      %scan3A_67 = arith.constant 0 : i32
      scf.yield %scan3A_67 : i32
    }
    %scan3A_6 = arith.constant 125 : i32
    %barrier3A_7 = arith.constant 0 : index
    tpu.barrier barrier_id(%barrier3A_7)
    %eq3A = arith.constant 0 : i32
    %eq3A_8 = arith.cmpi eq, %arg0, %eq3A : i32
    %convert_element_type3A = arith.extui %eq3A_8 : i1 to i32
    %cond3A = arith.constant 0 : i32
    %cond3A_9 = arith.cmpi ne, %convert_element_type3A, %cond3A : i32
    scf.if %cond3A_9 {
      %mul3A_36 = arith.constant 6272 : i32
      %mul3A_37 = arith.muli %arg1, %mul3A_36 : i32
      %mul3A_38 = arith.constant 6272 : i32
      %mul3A_39 = arith.muli %arg1, %mul3A_38 : i32
      %run_scoped3A = arith.constant 0 : i32
      "tpu.region"() ({
        %run_scoped3A_40 = tpu.sem_alloc : memref<!tpu.dma_semaphore, #tpu.memory_space<semaphore_mem>>
        %dma_start3A = arith.constant 0 : i32
        %dma_start3A_41 = tpu.memref_slice %arg7[%mul3A_39, %run_scoped3A, %dma_start3A] : memref<100352x4x16xf32, #tpu.memory_space<hbm>> -> memref<6272x1x16xf32, #tpu.memory_space<hbm>>
        %dma_start3A_42 = tpu.memref_squeeze %dma_start3A_41 : memref<6272x1x16xf32, #tpu.memory_space<hbm>> -> memref<6272x16xf32, #tpu.memory_space<hbm>>
        %dma_start3A_43 = arith.constant 0 : i32
        %dma_start3A_44 = tpu.memref_slice %arg13[%mul3A_37, %dma_start3A_43] : memref<100352x16xf32, #tpu.memory_space<vmem_shared>> -> memref<6272x16xf32, #tpu.memory_space<vmem_shared>>
        tpu.enqueue_dma source(%dma_start3A_44 : memref<6272x16xf32, #tpu.memory_space<vmem_shared>>) target(%dma_start3A_42 : memref<6272x16xf32, #tpu.memory_space<hbm>>) target_semaphore(%run_scoped3A_40 : memref<!tpu.dma_semaphore, #tpu.memory_space<semaphore_mem>>)
        %dma_wait3A = arith.constant 0 : i32
        %dma_wait3A_45 = tpu.memref_slice %arg7[%mul3A_39, %run_scoped3A, %dma_wait3A] : memref<100352x4x16xf32, #tpu.memory_space<hbm>> -> memref<6272x1x16xf32, #tpu.memory_space<hbm>>
        %dma_wait3A_46 = tpu.memref_squeeze %dma_wait3A_45 : memref<6272x1x16xf32, #tpu.memory_space<hbm>> -> memref<6272x16xf32, #tpu.memory_space<hbm>>
        %dma_wait3A_47 = arith.constant 0 : i32
        %dma_wait3A_48 = tpu.memref_slice %arg13[%mul3A_37, %dma_wait3A_47] : memref<100352x16xf32, #tpu.memory_space<vmem_shared>> -> memref<6272x16xf32, #tpu.memory_space<vmem_shared>>
        tpu.wait_dma2 semaphore(%run_scoped3A_40 : memref<!tpu.dma_semaphore, #tpu.memory_space<semaphore_mem>>) src(%dma_wait3A_48 : memref<6272x16xf32, #tpu.memory_space<vmem_shared>>) dst(%dma_wait3A_46 : memref<6272x16xf32, #tpu.memory_space<hbm>>)
        tpu.yield
      }) : () -> ()
    } else {
    }
    %eq3A_10 = arith.constant 1 : i32
    %eq3A_11 = arith.cmpi eq, %arg0, %eq3A_10 : i32
    %convert_element_type3A_12 = arith.extui %eq3A_11 : i1 to i32
    %cond3A_13 = arith.constant 0 : i32
    %cond3A_14 = arith.cmpi ne, %convert_element_type3A_12, %cond3A_13 : i32
    scf.if %cond3A_14 {
      %mul3A_36 = arith.constant 6272 : i32
      %mul3A_37 = arith.muli %arg1, %mul3A_36 : i32
      %mul3A_38 = arith.constant 6272 : i32
      %mul3A_39 = arith.muli %arg1, %mul3A_38 : i32
      %run_scoped3A = arith.constant 2 : i32
      "tpu.region"() ({
        %run_scoped3A_40 = tpu.sem_alloc : memref<!tpu.dma_semaphore, #tpu.memory_space<semaphore_mem>>
        %dma_start3A = arith.constant 0 : i32
        %dma_start3A_41 = tpu.memref_slice %arg7[%mul3A_39, %run_scoped3A, %dma_start3A] : memref<100352x4x16xf32, #tpu.memory_space<hbm>> -> memref<6272x1x16xf32, #tpu.memory_space<hbm>>
        %dma_start3A_42 = tpu.memref_squeeze %dma_start3A_41 : memref<6272x1x16xf32, #tpu.memory_space<hbm>> -> memref<6272x16xf32, #tpu.memory_space<hbm>>
        %dma_start3A_43 = arith.constant 0 : i32
        %dma_start3A_44 = tpu.memref_slice %arg13[%mul3A_37, %dma_start3A_43] : memref<100352x16xf32, #tpu.memory_space<vmem_shared>> -> memref<6272x16xf32, #tpu.memory_space<vmem_shared>>
        tpu.enqueue_dma source(%dma_start3A_44 : memref<6272x16xf32, #tpu.memory_space<vmem_shared>>) target(%dma_start3A_42 : memref<6272x16xf32, #tpu.memory_space<hbm>>) target_semaphore(%run_scoped3A_40 : memref<!tpu.dma_semaphore, #tpu.memory_space<semaphore_mem>>)
        %dma_wait3A = arith.constant 0 : i32
        %dma_wait3A_45 = tpu.memref_slice %arg7[%mul3A_39, %run_scoped3A, %dma_wait3A] : memref<100352x4x16xf32, #tpu.memory_space<hbm>> -> memref<6272x1x16xf32, #tpu.memory_space<hbm>>
        %dma_wait3A_46 = tpu.memref_squeeze %dma_wait3A_45 : memref<6272x1x16xf32, #tpu.memory_space<hbm>> -> memref<6272x16xf32, #tpu.memory_space<hbm>>
        %dma_wait3A_47 = arith.constant 0 : i32
        %dma_wait3A_48 = tpu.memref_slice %arg13[%mul3A_37, %dma_wait3A_47] : memref<100352x16xf32, #tpu.memory_space<vmem_shared>> -> memref<6272x16xf32, #tpu.memory_space<vmem_shared>>
        tpu.wait_dma2 semaphore(%run_scoped3A_40 : memref<!tpu.dma_semaphore, #tpu.memory_space<semaphore_mem>>) src(%dma_wait3A_48 : memref<6272x16xf32, #tpu.memory_space<vmem_shared>>) dst(%dma_wait3A_46 : memref<6272x16xf32, #tpu.memory_space<hbm>>)
        tpu.yield
      }) : () -> ()
    } else {
    }
    %mul3A_15 = arith.constant 6272 : i32
    %mul3A_16 = arith.muli %arg1, %mul3A_15 : i32
    "tpu.region"() ({
      %run_scoped3A = tpu.sem_alloc : memref<!tpu.dma_semaphore, #tpu.memory_space<semaphore_mem>>
      %dma_start3A = arith.constant 0 : i32
      %dma_start3A_36 = tpu.memref_slice %arg13[%mul3A_16, %dma_start3A] : memref<100352x16xf32, #tpu.memory_space<vmem_shared>> -> memref<6272x16xf32, #tpu.memory_space<vmem_shared>>
      tpu.enqueue_dma source(%arg2 : memref<6272x16xf32, #tpu.memory_space<hbm>>) target(%dma_start3A_36 : memref<6272x16xf32, #tpu.memory_space<vmem_shared>>) target_semaphore(%run_scoped3A : memref<!tpu.dma_semaphore, #tpu.memory_space<semaphore_mem>>)
      %dma_wait3A = arith.constant 0 : i32
      %dma_wait3A_37 = tpu.memref_slice %arg13[%mul3A_16, %dma_wait3A] : memref<100352x16xf32, #tpu.memory_space<vmem_shared>> -> memref<6272x16xf32, #tpu.memory_space<vmem_shared>>
      tpu.wait_dma2 semaphore(%run_scoped3A : memref<!tpu.dma_semaphore, #tpu.memory_space<semaphore_mem>>) src(%arg2 : memref<6272x16xf32, #tpu.memory_space<hbm>>) dst(%dma_wait3A_37 : memref<6272x16xf32, #tpu.memory_space<vmem_shared>>)
      tpu.yield
    }) : () -> ()
    %barrier3A_17 = arith.constant 0 : index
    tpu.barrier barrier_id(%barrier3A_17)
    %scan3A_18 = arith.constant 0 : i32
    %scan3A_19 = arith.constant 0 : i32
    %scan3A_20 = arith.constant 125 : i32
    %scan3A_21 = arith.addi %scan3A_19, %scan3A_20 : i32
    %scan3A_22 = arith.constant 1 : i32
    %scan3A_23 = scf.for %scan3A_36 = %scan3A_19 to %scan3A_21 step %scan3A_22 iter_args(%scan3A_37 = %scan3A_18) -> (i32)  : i32 {
      %mul3A_38 = arith.constant 2 : i32
      %mul3A_39 = arith.muli %arg0, %mul3A_38 : i32
      %add3A = arith.constant 1 : i32
      %add3A_40 = arith.addi %mul3A_39, %add3A : i32
      %mul3A_41 = arith.constant 100000 : i32
      %mul3A_42 = arith.muli %arg1, %mul3A_41 : i32
      %mul3A_43 = arith.constant 800 : i32
      %mul3A_44 = arith.muli %scan3A_36, %mul3A_43 : i32
      %add3A_45 = arith.addi %mul3A_42, %mul3A_44 : i32
      "tpu.region"() ({
        %run_scoped3A = tpu.sem_alloc : memref<!tpu.dma_semaphore, #tpu.memory_space<semaphore_mem>>
        %dma_start3A_68 = tpu.memref_slice %arg3[%add3A_45] : memref<1600000xi32, #tpu.memory_space<hbm>> -> memref<800xi32, #tpu.memory_space<hbm>>
        %dma_start3A_69 = tpu.memref_slice %arg3[%add3A_45] : memref<1600000xi32, #tpu.memory_space<hbm>> -> memref<800xi32, #tpu.memory_space<hbm>>
        tpu.enqueue_dma source(%dma_start3A_69 : memref<800xi32, #tpu.memory_space<hbm>>) target(%arg8 : memref<800xi32, #tpu.memory_space<vmem>>) target_semaphore(%run_scoped3A : memref<!tpu.dma_semaphore, #tpu.memory_space<semaphore_mem>>)
        %dma_wait3A_70 = tpu.memref_slice %arg3[%add3A_45] : memref<1600000xi32, #tpu.memory_space<hbm>> -> memref<800xi32, #tpu.memory_space<hbm>>
        %dma_wait3A_71 = tpu.memref_slice %arg3[%add3A_45] : memref<1600000xi32, #tpu.memory_space<hbm>> -> memref<800xi32, #tpu.memory_space<hbm>>
        tpu.wait_dma2 semaphore(%run_scoped3A : memref<!tpu.dma_semaphore, #tpu.memory_space<semaphore_mem>>) src(%dma_wait3A_71 : memref<800xi32, #tpu.memory_space<hbm>>) dst(%arg8 : memref<800xi32, #tpu.memory_space<vmem>>)
        tpu.yield
      }) : () -> ()
      "tpu.region"() ({
        %run_scoped3A = tpu.sem_alloc : memref<!tpu.dma_semaphore, #tpu.memory_space<semaphore_mem>>
        %dma_start3A_68 = tpu.memref_slice %arg4[%add3A_45] : memref<1600000xi32, #tpu.memory_space<hbm>> -> memref<800xi32, #tpu.memory_space<hbm>>
        %dma_start3A_69 = tpu.memref_slice %arg4[%add3A_45] : memref<1600000xi32, #tpu.memory_space<hbm>> -> memref<800xi32, #tpu.memory_space<hbm>>
        tpu.enqueue_dma source(%dma_start3A_69 : memref<800xi32, #tpu.memory_space<hbm>>) target(%arg10 : memref<800xi32, #tpu.memory_space<vmem>>) target_semaphore(%run_scoped3A : memref<!tpu.dma_semaphore, #tpu.memory_space<semaphore_mem>>)
        %dma_wait3A_70 = tpu.memref_slice %arg4[%add3A_45] : memref<1600000xi32, #tpu.memory_space<hbm>> -> memref<800xi32, #tpu.memory_space<hbm>>
        %dma_wait3A_71 = tpu.memref_slice %arg4[%add3A_45] : memref<1600000xi32, #tpu.memory_space<hbm>> -> memref<800xi32, #tpu.memory_space<hbm>>
        tpu.wait_dma2 semaphore(%run_scoped3A : memref<!tpu.dma_semaphore, #tpu.memory_space<semaphore_mem>>) src(%dma_wait3A_71 : memref<800xi32, #tpu.memory_space<hbm>>) dst(%arg10 : memref<800xi32, #tpu.memory_space<vmem>>)
        tpu.yield
      }) : () -> ()
      "tpu.region"() ({
        %run_scoped3A = tpu.sem_alloc : memref<!tpu.dma_semaphore, #tpu.memory_space<semaphore_mem>>
        %dma_start3A_68 = arith.constant 0 : i32
        %dma_start3A_69 = tpu.memref_slice %arg5[%add3A_45, %dma_start3A_68] : memref<1600000x4xf32, #tpu.memory_space<hbm>> -> memref<800x4xf32, #tpu.memory_space<hbm>>
        %dma_start3A_70 = arith.constant 0 : i32
        %dma_start3A_71 = tpu.memref_slice %arg5[%add3A_45, %dma_start3A_70] : memref<1600000x4xf32, #tpu.memory_space<hbm>> -> memref<800x4xf32, #tpu.memory_space<hbm>>
        tpu.enqueue_dma source(%dma_start3A_71 : memref<800x4xf32, #tpu.memory_space<hbm>>) target(%arg11 : memref<800x4xf32, #tpu.memory_space<vmem>>) target_semaphore(%run_scoped3A : memref<!tpu.dma_semaphore, #tpu.memory_space<semaphore_mem>>)
        %dma_wait3A_72 = arith.constant 0 : i32
        %dma_wait3A_73 = tpu.memref_slice %arg5[%add3A_45, %dma_wait3A_72] : memref<1600000x4xf32, #tpu.memory_space<hbm>> -> memref<800x4xf32, #tpu.memory_space<hbm>>
        %dma_wait3A_74 = arith.constant 0 : i32
        %dma_wait3A_75 = tpu.memref_slice %arg5[%add3A_45, %dma_wait3A_74] : memref<1600000x4xf32, #tpu.memory_space<hbm>> -> memref<800x4xf32, #tpu.memory_space<hbm>>
        tpu.wait_dma2 semaphore(%run_scoped3A : memref<!tpu.dma_semaphore, #tpu.memory_space<semaphore_mem>>) src(%dma_wait3A_75 : memref<800x4xf32, #tpu.memory_space<hbm>>) dst(%arg11 : memref<800x4xf32, #tpu.memory_space<vmem>>)
        tpu.yield
      }) : () -> ()
      %scan3A_46 = arith.constant 0 : i32
      %scan3A_47 = arith.constant 0 : i32
      %scan3A_48 = arith.constant 50 : i32
      %scan3A_49 = arith.addi %scan3A_47, %scan3A_48 : i32
      %scan3A_50 = arith.constant 1 : i32
      %scan3A_51 = scf.for %scan3A_68 = %scan3A_47 to %scan3A_49 step %scan3A_50 iter_args(%scan3A_69 = %scan3A_46) -> (i32)  : i32 {
        %mul3A_70 = arith.constant 16 : i32
        %mul3A_71 = arith.muli %scan3A_68, %mul3A_70 : i32
        %get3A = arith.index_cast %mul3A_71 : i32 to index
        %get3A_72 = tpu.vector_load %arg8[%get3A] {strides = array<i32>} : memref<800xi32, #tpu.memory_space<vmem>>, vector<16xi32>,
        %mul3A_73 = arith.constant 4 : i32
        %mul3A_74 = vector.broadcast %mul3A_73 : i32 to vector<16xi32>
        %mul3A_75 = arith.muli %get3A_72, %mul3A_74 : vector<16xi32>
        %add3A_76 = vector.broadcast %add3A_40 : i32 to vector<16xi32>
        %add3A_77 = arith.addi %mul3A_75, %add3A_76 : vector<16xi32>
        %swap3A = arith.index_cast %mul3A_71 : i32 to index
        %swap3A_78 = tpu.vector_load %arg9[%swap3A] {strides = array<i32>} : memref<800xi32, #tpu.memory_space<vmem>>, vector<16xi32>,
        tpu.vector_store %arg9[%swap3A], %add3A_77 {strides = array<i32>} : memref<800xi32, #tpu.memory_space<vmem>>, vector<16xi32>,
        %scan3A_79 = arith.constant 0 : i32
        scf.yield %scan3A_79 : i32
      }
      %scan3A_52 = arith.constant 50 : i32
      %dma_start3A = arith.constant 0 : i32
      %dma_start3A_53 = arith.constant 0 : i32
      %dma_start3A_54 = tpu.memref_slice %arg6[%dma_start3A, %dma_start3A_53] : memref<401408x16xf32, #tpu.memory_space<hbm>> -> memref<401408x16xf32, #tpu.memory_space<hbm>>
      tpu.enqueue_indirect_dma source(%dma_start3A_54 : memref<401408x16xf32, #tpu.memory_space<hbm>>) target(%arg12 : memref<800x16xf32, #tpu.memory_space<vmem>>) offsets(%arg9 : memref<800xi32, #tpu.memory_space<vmem>>) semaphore(%arg14 : memref<!tpu.dma_semaphore, #tpu.memory_space<semaphore_mem>>)
      %dma_wait3A = arith.constant 0 : i32
      %dma_wait3A_55 = arith.constant 0 : i32
      %dma_wait3A_56 = tpu.memref_slice %arg6[%dma_wait3A, %dma_wait3A_55] : memref<401408x16xf32, #tpu.memory_space<hbm>> -> memref<401408x16xf32, #tpu.memory_space<hbm>>
      tpu.wait_indirect_dma semaphore(%arg14 : memref<!tpu.dma_semaphore, #tpu.memory_space<semaphore_mem>>) src(%dma_wait3A_56 : memref<401408x16xf32, #tpu.memory_space<hbm>>) dst(%arg12 : memref<800x16xf32, #tpu.memory_space<vmem>>)
      %broadcast_in_dim3A = arith.constant 0 : i32
      %broadcast_in_dim3A_57 = vector.broadcast %broadcast_in_dim3A : i32 to vector<16xi32>
      %add3A_58 = vector.broadcast %add3A_40 : i32 to vector<16xi32>
      %add3A_59 = arith.addi %broadcast_in_dim3A_57, %add3A_58 : vector<16xi32>
      %scan3A_60 = arith.constant 0 : i32
      %scan3A_61 = arith.constant 0 : i32
      %scan3A_62 = arith.constant 800 : i32
      %scan3A_63 = arith.addi %scan3A_61, %scan3A_62 : i32
      %scan3A_64 = arith.constant 1 : i32
      %scan3A_65 = scf.for %scan3A_68 = %scan3A_61 to %scan3A_63 step %scan3A_64 iter_args(%scan3A_69 = %scan3A_60) -> (i32)  : i32 {
        %add3A_70 = vector.broadcast %scan3A_68 : i32 to vector<16xi32>
        %add3A_71 = arith.addi %broadcast_in_dim3A_57, %add3A_70 : vector<16xi32>
        %gather3A = tpu.vector_load_idx %arg11[%add3A_71, %add3A_59] : memref<800x4xf32, #tpu.memory_space<vmem>>[vector<16xi32>, vector<16xi32>], vector<16xf32>,
        %get3A = arith.index_cast %scan3A_68 : i32 to index
        %get3A_72 = arith.constant 0 : index
        %get3A_73 = tpu.vector_load %arg12[%get3A, %get3A_72] {strides = array<i32>} : memref<800x16xf32, #tpu.memory_space<vmem>>, vector<16xf32>,
        %mul3A_74 = arith.mulf %get3A_73, %gather3A : vector<16xf32>
        %swap3A = arith.index_cast %scan3A_68 : i32 to index
        %swap3A_75 = arith.constant 0 : index
        %swap3A_76 = tpu.vector_load %arg12[%swap3A, %swap3A_75] {strides = array<i32>} : memref<800x16xf32, #tpu.memory_space<vmem>>, vector<16xf32>,
        tpu.vector_store %arg12[%swap3A, %swap3A_75], %mul3A_74 {strides = array<i32>} : memref<800x16xf32, #tpu.memory_space<vmem>>, vector<16xf32>,
        %scan3A_77 = arith.constant 0 : i32
        scf.yield %scan3A_77 : i32
      }
      %scan3A_66 = arith.constant 800 : i32
      "tpu.region"() ({
        %run_scoped3A = tpu.sem_alloc : memref<!tpu.dma_semaphore, #tpu.memory_space<semaphore_mem>>
        %dma_start3A_68 = arith.constant 0 : i32
        %dma_start3A_69 = arith.constant 0 : i32
        %dma_start3A_70 = tpu.memref_slice %arg13[%dma_start3A_68, %dma_start3A_69] : memref<100352x16xf32, #tpu.memory_space<vmem_shared>> -> memref<100352x16xf32, #tpu.memory_space<vmem_shared>>
        tpu.enqueue_indirect_dma source(%arg12 : memref<800x16xf32, #tpu.memory_space<vmem>>) target(%dma_start3A_70 : memref<100352x16xf32, #tpu.memory_space<vmem_shared>>) offsets(%arg10 : memref<800xi32, #tpu.memory_space<vmem>>) semaphore(%run_scoped3A : memref<!tpu.dma_semaphore, #tpu.memory_space<semaphore_mem>>) {add = true}
        %dma_wait3A_71 = arith.constant 0 : i32
        %dma_wait3A_72 = arith.constant 0 : i32
        %dma_wait3A_73 = tpu.memref_slice %arg13[%dma_wait3A_71, %dma_wait3A_72] : memref<100352x16xf32, #tpu.memory_space<vmem_shared>> -> memref<100352x16xf32, #tpu.memory_space<vmem_shared>>
        tpu.wait_indirect_dma semaphore(%run_scoped3A : memref<!tpu.dma_semaphore, #tpu.memory_space<semaphore_mem>>) src(%arg12 : memref<800x16xf32, #tpu.memory_space<vmem>>) dst(%dma_wait3A_73 : memref<100352x16xf32, #tpu.memory_space<vmem_shared>>)
        tpu.yield
      }) : () -> ()
      %scan3A_67 = arith.constant 0 : i32
      scf.yield %scan3A_67 : i32
    }
    %scan3A_24 = arith.constant 125 : i32
    %barrier3A_25 = arith.constant 0 : index
    tpu.barrier barrier_id(%barrier3A_25)
    %eq3A_26 = arith.constant 0 : i32
    %eq3A_27 = arith.cmpi eq, %arg0, %eq3A_26 : i32
    %convert_element_type3A_28 = arith.extui %eq3A_27 : i1 to i32
    %cond3A_29 = arith.constant 0 : i32
    %cond3A_30 = arith.cmpi ne, %convert_element_type3A_28, %cond3A_29 : i32
    scf.if %cond3A_30 {
      %mul3A_36 = arith.constant 6272 : i32
      %mul3A_37 = arith.muli %arg1, %mul3A_36 : i32
      %mul3A_38 = arith.constant 6272 : i32
      %mul3A_39 = arith.muli %arg1, %mul3A_38 : i32
      %run_scoped3A = arith.constant 1 : i32
      "tpu.region"() ({
        %run_scoped3A_40 = tpu.sem_alloc : memref<!tpu.dma_semaphore, #tpu.memory_space<semaphore_mem>>
        %dma_start3A = arith.constant 0 : i32
        %dma_start3A_41 = tpu.memref_slice %arg7[%mul3A_39, %run_scoped3A, %dma_start3A] : memref<100352x4x16xf32, #tpu.memory_space<hbm>> -> memref<6272x1x16xf32, #tpu.memory_space<hbm>>
        %dma_start3A_42 = tpu.memref_squeeze %dma_start3A_41 : memref<6272x1x16xf32, #tpu.memory_space<hbm>> -> memref<6272x16xf32, #tpu.memory_space<hbm>>
        %dma_start3A_43 = arith.constant 0 : i32
        %dma_start3A_44 = tpu.memref_slice %arg13[%mul3A_37, %dma_start3A_43] : memref<100352x16xf32, #tpu.memory_space<vmem_shared>> -> memref<6272x16xf32, #tpu.memory_space<vmem_shared>>
        tpu.enqueue_dma source(%dma_start3A_44 : memref<6272x16xf32, #tpu.memory_space<vmem_shared>>) target(%dma_start3A_42 : memref<6272x16xf32, #tpu.memory_space<hbm>>) target_semaphore(%run_scoped3A_40 : memref<!tpu.dma_semaphore, #tpu.memory_space<semaphore_mem>>)
        %dma_wait3A = arith.constant 0 : i32
        %dma_wait3A_45 = tpu.memref_slice %arg7[%mul3A_39, %run_scoped3A, %dma_wait3A] : memref<100352x4x16xf32, #tpu.memory_space<hbm>> -> memref<6272x1x16xf32, #tpu.memory_space<hbm>>
        %dma_wait3A_46 = tpu.memref_squeeze %dma_wait3A_45 : memref<6272x1x16xf32, #tpu.memory_space<hbm>> -> memref<6272x16xf32, #tpu.memory_space<hbm>>
        %dma_wait3A_47 = arith.constant 0 : i32
        %dma_wait3A_48 = tpu.memref_slice %arg13[%mul3A_37, %dma_wait3A_47] : memref<100352x16xf32, #tpu.memory_space<vmem_shared>> -> memref<6272x16xf32, #tpu.memory_space<vmem_shared>>
        tpu.wait_dma2 semaphore(%run_scoped3A_40 : memref<!tpu.dma_semaphore, #tpu.memory_space<semaphore_mem>>) src(%dma_wait3A_48 : memref<6272x16xf32, #tpu.memory_space<vmem_shared>>) dst(%dma_wait3A_46 : memref<6272x16xf32, #tpu.memory_space<hbm>>)
        tpu.yield
      }) : () -> ()
    } else {
    }
    %eq3A_31 = arith.constant 1 : i32
    %eq3A_32 = arith.cmpi eq, %arg0, %eq3A_31 : i32
    %convert_element_type3A_33 = arith.extui %eq3A_32 : i1 to i32
    %cond3A_34 = arith.constant 0 : i32
    %cond3A_35 = arith.cmpi ne, %convert_element_type3A_33, %cond3A_34 : i32
    scf.if %cond3A_35 {
      %mul3A_36 = arith.constant 6272 : i32
      %mul3A_37 = arith.muli %arg1, %mul3A_36 : i32
      %mul3A_38 = arith.constant 6272 : i32
      %mul3A_39 = arith.muli %arg1, %mul3A_38 : i32
      %run_scoped3A = arith.constant 3 : i32
      "tpu.region"() ({
        %run_scoped3A_40 = tpu.sem_alloc : memref<!tpu.dma_semaphore, #tpu.memory_space<semaphore_mem>>
        %dma_start3A = arith.constant 0 : i32
        %dma_start3A_41 = tpu.memref_slice %arg7[%mul3A_39, %run_scoped3A, %dma_start3A] : memref<100352x4x16xf32, #tpu.memory_space<hbm>> -> memref<6272x1x16xf32, #tpu.memory_space<hbm>>
        %dma_start3A_42 = tpu.memref_squeeze %dma_start3A_41 : memref<6272x1x16xf32, #tpu.memory_space<hbm>> -> memref<6272x16xf32, #tpu.memory_space<hbm>>
        %dma_start3A_43 = arith.constant 0 : i32
        %dma_start3A_44 = tpu.memref_slice %arg13[%mul3A_37, %dma_start3A_43] : memref<100352x16xf32, #tpu.memory_space<vmem_shared>> -> memref<6272x16xf32, #tpu.memory_space<vmem_shared>>
        tpu.enqueue_dma source(%dma_start3A_44 : memref<6272x16xf32, #tpu.memory_space<vmem_shared>>) target(%dma_start3A_42 : memref<6272x16xf32, #tpu.memory_space<hbm>>) target_semaphore(%run_scoped3A_40 : memref<!tpu.dma_semaphore, #tpu.memory_space<semaphore_mem>>)
        %dma_wait3A = arith.constant 0 : i32
        %dma_wait3A_45 = tpu.memref_slice %arg7[%mul3A_39, %run_scoped3A, %dma_wait3A] : memref<100352x4x16xf32, #tpu.memory_space<hbm>> -> memref<6272x1x16xf32, #tpu.memory_space<hbm>>
        %dma_wait3A_46 = tpu.memref_squeeze %dma_wait3A_45 : memref<6272x1x16xf32, #tpu.memory_space<hbm>> -> memref<6272x16xf32, #tpu.memory_space<hbm>>
        %dma_wait3A_47 = arith.constant 0 : i32
        %dma_wait3A_48 = tpu.memref_slice %arg13[%mul3A_37, %dma_wait3A_47] : memref<100352x16xf32, #tpu.memory_space<vmem_shared>> -> memref<6272x16xf32, #tpu.memory_space<vmem_shared>>
        tpu.wait_dma2 semaphore(%run_scoped3A_40 : memref<!tpu.dma_semaphore, #tpu.memory_space<semaphore_mem>>) src(%dma_wait3A_48 : memref<6272x16xf32, #tpu.memory_space<vmem_shared>>) dst(%dma_wait3A_46 : memref<6272x16xf32, #tpu.memory_space<hbm>>)
        tpu.yield
      }) : () -> ()
    } else {
    }
    return
  }
}

#map = affine_map<(d0, d1) -> (0)>
#map1 = affine_map<(d0, d1) -> (0, 0)>
#map2 = affine_map<(d0, d1) -> (0, 0, 0)>
module attributes {stable_mosaic.version = 14 : i64} {
  func.func @_sc1_body(%arg0: i32, %arg1: i32, %arg2: memref<16xf32, #tpu.memory_space<hbm>>, %arg3: memref<6272x8xf32, #tpu.memory_space<hbm>>, %arg4: memref<1600000xi32, #tpu.memory_space<hbm>>, %arg5: memref<1600000xi32, #tpu.memory_space<hbm>>, %arg6: memref<100352x8xf32, #tpu.memory_space<hbm>>, %arg7: memref<1600000x4xf32, #tpu.memory_space<hbm>>, %arg8: memref<2x100352x8xf32, #tpu.memory_space<hbm>>, %arg9: memref<16xf32, #tpu.memory_space<vmem>>, %arg10: memref<2000xi32, #tpu.memory_space<vmem>>, %arg11: memref<2000xi32, #tpu.memory_space<vmem>>, %arg12: memref<2000x8xf32, #tpu.memory_space<vmem>>, %arg13: memref<2000x8xf32, #tpu.memory_space<vmem>>, %arg14: memref<2000x4xf32, #tpu.memory_space<vmem>>, %arg15: memref<2000x8xf32, #tpu.memory_space<vmem>>, %arg16: memref<100352x8xf32, #tpu.memory_space<vmem_shared>>, %arg17: memref<!tpu.dma_semaphore, #tpu.memory_space<semaphore_mem>>) attributes {dimension_semantics = [#tpu.dimension_semantics<core_parallel>, #tpu.dimension_semantics<subcore_parallel>], iteration_bounds = array<i64: 2, 16>, scalar_prefetch = 0 : i64, scratch_operands = 9 : i64, tpu.core_type = #tpu.core_type<sc_vector_subcore>, window_params = [{transform_indices = #map}, {transform_indices = #map1}, {transform_indices = #map}, {transform_indices = #map}, {transform_indices = #map1}, {transform_indices = #map1}, {transform_indices = #map2}]} {
    "tpu.region"() ({
      %run_scoped3A = tpu.sem_alloc : memref<!tpu.dma_semaphore, #tpu.memory_space<semaphore_mem>>
      tpu.enqueue_dma source(%arg2 : memref<16xf32, #tpu.memory_space<hbm>>) target(%arg9 : memref<16xf32, #tpu.memory_space<vmem>>) target_semaphore(%run_scoped3A : memref<!tpu.dma_semaphore, #tpu.memory_space<semaphore_mem>>)
      tpu.wait_dma2 semaphore(%run_scoped3A : memref<!tpu.dma_semaphore, #tpu.memory_space<semaphore_mem>>) src(%arg2 : memref<16xf32, #tpu.memory_space<hbm>>) dst(%arg9 : memref<16xf32, #tpu.memory_space<vmem>>)
      tpu.yield
    }) : () -> ()
    %mul3A = arith.constant 6272 : i32
    %mul3A_0 = arith.muli %arg1, %mul3A : i32
    "tpu.region"() ({
      %run_scoped3A = tpu.sem_alloc : memref<!tpu.dma_semaphore, #tpu.memory_space<semaphore_mem>>
      %dma_start3A = arith.constant 0 : i32
      %dma_start3A_33 = tpu.memref_slice %arg16[%mul3A_0, %dma_start3A] : memref<100352x8xf32, #tpu.memory_space<vmem_shared>> -> memref<6272x8xf32, #tpu.memory_space<vmem_shared>>
      tpu.enqueue_dma source(%arg3 : memref<6272x8xf32, #tpu.memory_space<hbm>>) target(%dma_start3A_33 : memref<6272x8xf32, #tpu.memory_space<vmem_shared>>) target_semaphore(%run_scoped3A : memref<!tpu.dma_semaphore, #tpu.memory_space<semaphore_mem>>)
      %dma_wait3A = arith.constant 0 : i32
      %dma_wait3A_34 = tpu.memref_slice %arg16[%mul3A_0, %dma_wait3A] : memref<100352x8xf32, #tpu.memory_space<vmem_shared>> -> memref<6272x8xf32, #tpu.memory_space<vmem_shared>>
      tpu.wait_dma2 semaphore(%run_scoped3A : memref<!tpu.dma_semaphore, #tpu.memory_space<semaphore_mem>>) src(%arg3 : memref<6272x8xf32, #tpu.memory_space<hbm>>) dst(%dma_wait3A_34 : memref<6272x8xf32, #tpu.memory_space<vmem_shared>>)
      tpu.yield
    }) : () -> ()
    %iota3A = tpu.iota {dimensions = array<i32: 0>} : vector<16xi32>
    %shift_right_logical3A = arith.constant 2 : i32
    %shift_right_logical3A_1 = vector.broadcast %shift_right_logical3A : i32 to vector<16xi32>
    %shift_right_logical3A_2 = arith.shrui %iota3A, %shift_right_logical3A_1 : vector<16xi32>
    %and3A = arith.constant 3 : i32
    %and3A_3 = vector.broadcast %and3A : i32 to vector<16xi32>
    %and3A_4 = arith.andi %iota3A, %and3A_3 : vector<16xi32>
    %add3A = arith.constant 4 : i32
    %add3A_5 = vector.broadcast %add3A : i32 to vector<16xi32>
    %add3A_6 = arith.addi %and3A_4, %add3A_5 : vector<16xi32>
    %scan3A = arith.constant 0 : i32
    %scan3A_7 = arith.constant 0 : i32
    %scan3A_8 = arith.constant 500 : i32
    %scan3A_9 = arith.addi %scan3A_7, %scan3A_8 : i32
    %scan3A_10 = arith.constant 1 : i32
    %scan3A_11 = scf.for %scan3A_33 = %scan3A_7 to %scan3A_9 step %scan3A_10 iter_args(%scan3A_34 = %scan3A) -> (i32)  : i32 {
      %mul3A_35 = arith.constant 4 : i32
      %mul3A_36 = arith.muli %scan3A_33, %mul3A_35 : i32
      %add3A_37 = vector.broadcast %mul3A_36 : i32 to vector<16xi32>
      %add3A_38 = arith.addi %add3A_37, %shift_right_logical3A_2 : vector<16xi32>
      %broadcast_in_dim3A = arith.constant 0.000000e+00 : f32
      %broadcast_in_dim3A_39 = vector.broadcast %broadcast_in_dim3A : f32 to vector<16xf32>
      tpu.vector_store_idx %arg15[%add3A_38, %add3A_6], %broadcast_in_dim3A_39 : memref<2000x8xf32, #tpu.memory_space<vmem>>[vector<16xi32>, vector<16xi32>], vector<16xf32>,
      %scan3A_40 = arith.constant 0 : i32
      scf.yield %scan3A_40 : i32
    }
    %scan3A_12 = arith.constant 500 : i32
    %barrier3A = arith.constant 0 : index
    tpu.barrier barrier_id(%barrier3A)
    %mul3A_13 = arith.constant 800000 : i32
    %mul3A_14 = arith.muli %arg0, %mul3A_13 : i32
    %mul3A_15 = arith.constant 50000 : i32
    %mul3A_16 = arith.muli %arg1, %mul3A_15 : i32
    %add3A_17 = arith.addi %mul3A_14, %mul3A_16 : i32
    %scan3A_18 = arith.constant 0 : i32
    %scan3A_19 = arith.constant 0 : i32
    %scan3A_20 = arith.constant 25 : i32
    %scan3A_21 = arith.addi %scan3A_19, %scan3A_20 : i32
    %scan3A_22 = arith.constant 1 : i32
    %scan3A_23 = scf.for %scan3A_33 = %scan3A_19 to %scan3A_21 step %scan3A_22 iter_args(%scan3A_34 = %scan3A_18) -> (i32)  : i32 {
      %mul3A_35 = arith.constant 2000 : i32
      %mul3A_36 = arith.muli %scan3A_33, %mul3A_35 : i32
      %add3A_37 = arith.addi %add3A_17, %mul3A_36 : i32
      "tpu.region"() ({
        %run_scoped3A = tpu.sem_alloc : memref<!tpu.dma_semaphore, #tpu.memory_space<semaphore_mem>>
        %dma_start3A_57 = tpu.memref_slice %arg4[%add3A_37] : memref<1600000xi32, #tpu.memory_space<hbm>> -> memref<2000xi32, #tpu.memory_space<hbm>>
        %dma_start3A_58 = tpu.memref_slice %arg4[%add3A_37] : memref<1600000xi32, #tpu.memory_space<hbm>> -> memref<2000xi32, #tpu.memory_space<hbm>>
        tpu.enqueue_dma source(%dma_start3A_58 : memref<2000xi32, #tpu.memory_space<hbm>>) target(%arg10 : memref<2000xi32, #tpu.memory_space<vmem>>) target_semaphore(%run_scoped3A : memref<!tpu.dma_semaphore, #tpu.memory_space<semaphore_mem>>)
        %dma_wait3A_59 = tpu.memref_slice %arg4[%add3A_37] : memref<1600000xi32, #tpu.memory_space<hbm>> -> memref<2000xi32, #tpu.memory_space<hbm>>
        %dma_wait3A_60 = tpu.memref_slice %arg4[%add3A_37] : memref<1600000xi32, #tpu.memory_space<hbm>> -> memref<2000xi32, #tpu.memory_space<hbm>>
        tpu.wait_dma2 semaphore(%run_scoped3A : memref<!tpu.dma_semaphore, #tpu.memory_space<semaphore_mem>>) src(%dma_wait3A_60 : memref<2000xi32, #tpu.memory_space<hbm>>) dst(%arg10 : memref<2000xi32, #tpu.memory_space<vmem>>)
        tpu.yield
      }) : () -> ()
      "tpu.region"() ({
        %run_scoped3A = tpu.sem_alloc : memref<!tpu.dma_semaphore, #tpu.memory_space<semaphore_mem>>
        %dma_start3A_57 = tpu.memref_slice %arg5[%add3A_37] : memref<1600000xi32, #tpu.memory_space<hbm>> -> memref<2000xi32, #tpu.memory_space<hbm>>
        %dma_start3A_58 = tpu.memref_slice %arg5[%add3A_37] : memref<1600000xi32, #tpu.memory_space<hbm>> -> memref<2000xi32, #tpu.memory_space<hbm>>
        tpu.enqueue_dma source(%dma_start3A_58 : memref<2000xi32, #tpu.memory_space<hbm>>) target(%arg11 : memref<2000xi32, #tpu.memory_space<vmem>>) target_semaphore(%run_scoped3A : memref<!tpu.dma_semaphore, #tpu.memory_space<semaphore_mem>>)
        %dma_wait3A_59 = tpu.memref_slice %arg5[%add3A_37] : memref<1600000xi32, #tpu.memory_space<hbm>> -> memref<2000xi32, #tpu.memory_space<hbm>>
        %dma_wait3A_60 = tpu.memref_slice %arg5[%add3A_37] : memref<1600000xi32, #tpu.memory_space<hbm>> -> memref<2000xi32, #tpu.memory_space<hbm>>
        tpu.wait_dma2 semaphore(%run_scoped3A : memref<!tpu.dma_semaphore, #tpu.memory_space<semaphore_mem>>) src(%dma_wait3A_60 : memref<2000xi32, #tpu.memory_space<hbm>>) dst(%arg11 : memref<2000xi32, #tpu.memory_space<vmem>>)
        tpu.yield
      }) : () -> ()
      %dma_start3A = arith.constant 0 : i32
      %dma_start3A_38 = arith.constant 0 : i32
      %dma_start3A_39 = tpu.memref_slice %arg6[%dma_start3A, %dma_start3A_38] : memref<100352x8xf32, #tpu.memory_space<hbm>> -> memref<100352x8xf32, #tpu.memory_space<hbm>>
      tpu.enqueue_indirect_dma source(%dma_start3A_39 : memref<100352x8xf32, #tpu.memory_space<hbm>>) target(%arg12 : memref<2000x8xf32, #tpu.memory_space<vmem>>) offsets(%arg10 : memref<2000xi32, #tpu.memory_space<vmem>>) semaphore(%arg17 : memref<!tpu.dma_semaphore, #tpu.memory_space<semaphore_mem>>)
      %dma_wait3A = arith.constant 0 : i32
      %dma_wait3A_40 = arith.constant 0 : i32
      %dma_wait3A_41 = tpu.memref_slice %arg6[%dma_wait3A, %dma_wait3A_40] : memref<100352x8xf32, #tpu.memory_space<hbm>> -> memref<100352x8xf32, #tpu.memory_space<hbm>>
      tpu.wait_indirect_dma semaphore(%arg17 : memref<!tpu.dma_semaphore, #tpu.memory_space<semaphore_mem>>) src(%dma_wait3A_41 : memref<100352x8xf32, #tpu.memory_space<hbm>>) dst(%arg12 : memref<2000x8xf32, #tpu.memory_space<vmem>>)
      %dma_start3A_42 = arith.constant 0 : i32
      %dma_start3A_43 = arith.constant 0 : i32
      %dma_start3A_44 = tpu.memref_slice %arg6[%dma_start3A_42, %dma_start3A_43] : memref<100352x8xf32, #tpu.memory_space<hbm>> -> memref<100352x8xf32, #tpu.memory_space<hbm>>
      tpu.enqueue_indirect_dma source(%dma_start3A_44 : memref<100352x8xf32, #tpu.memory_space<hbm>>) target(%arg13 : memref<2000x8xf32, #tpu.memory_space<vmem>>) offsets(%arg11 : memref<2000xi32, #tpu.memory_space<vmem>>) semaphore(%arg17 : memref<!tpu.dma_semaphore, #tpu.memory_space<semaphore_mem>>)
      %dma_wait3A_45 = arith.constant 0 : i32
      %dma_wait3A_46 = arith.constant 0 : i32
      %dma_wait3A_47 = tpu.memref_slice %arg6[%dma_wait3A_45, %dma_wait3A_46] : memref<100352x8xf32, #tpu.memory_space<hbm>> -> memref<100352x8xf32, #tpu.memory_space<hbm>>
      tpu.wait_indirect_dma semaphore(%arg17 : memref<!tpu.dma_semaphore, #tpu.memory_space<semaphore_mem>>) src(%dma_wait3A_47 : memref<100352x8xf32, #tpu.memory_space<hbm>>) dst(%arg13 : memref<2000x8xf32, #tpu.memory_space<vmem>>)
      %get3A = arith.constant 0 : index
      %get3A_48 = tpu.vector_load %arg9[%get3A] {strides = array<i32>} : memref<16xf32, #tpu.memory_space<vmem>>, vector<16xf32>,
      %scan3A_49 = arith.constant 0 : i32
      %scan3A_50 = arith.constant 0 : i32
      %scan3A_51 = arith.constant 500 : i32
      %scan3A_52 = arith.addi %scan3A_50, %scan3A_51 : i32
      %scan3A_53 = arith.constant 1 : i32
      %scan3A_54 = scf.for %scan3A_57 = %scan3A_50 to %scan3A_52 step %scan3A_53 iter_args(%scan3A_58 = %scan3A_49) -> (i32)  : i32 {
        %mul3A_59 = arith.constant 4 : i32
        %mul3A_60 = arith.muli %scan3A_57, %mul3A_59 : i32
        %add3A_61 = vector.broadcast %mul3A_60 : i32 to vector<16xi32>
        %add3A_62 = arith.addi %add3A_61, %shift_right_logical3A_2 : vector<16xi32>
        %gather3A = tpu.vector_load_idx %arg12[%add3A_62, %and3A_4] : memref<2000x8xf32, #tpu.memory_space<vmem>>[vector<16xi32>, vector<16xi32>], vector<16xf32>,
        %gather3A_63 = tpu.vector_load_idx %arg13[%add3A_62, %add3A_6] : memref<2000x8xf32, #tpu.memory_space<vmem>>[vector<16xi32>, vector<16xi32>], vector<16xf32>,
        %add3A_64 = arith.addf %gather3A, %gather3A_63 : vector<16xf32>
        %gt3A = arith.constant 0.000000e+00 : f32
        %gt3A_65 = vector.broadcast %gt3A : f32 to vector<16xf32>
        %gt3A_66 = arith.cmpf ogt, %add3A_64, %gt3A_65 : vector<16xf32>
        %mul3A_67 = arith.constant 2.000000e-01 : f32
        %mul3A_68 = vector.broadcast %mul3A_67 : f32 to vector<16xf32>
        %mul3A_69 = arith.mulf %mul3A_68, %add3A_64 : vector<16xf32>
        %select_n3A = arith.select %gt3A_66, %add3A_64, %mul3A_69 : vector<16xi1>, vector<16xf32>
        %add3A_70 = arith.addf %get3A_48, %gather3A_63 : vector<16xf32>
        %gt3A_71 = arith.constant 0.000000e+00 : f32
        %gt3A_72 = vector.broadcast %gt3A_71 : f32 to vector<16xf32>
        %gt3A_73 = arith.cmpf ogt, %add3A_70, %gt3A_72 : vector<16xf32>
        %mul3A_74 = arith.constant 2.000000e-01 : f32
        %mul3A_75 = vector.broadcast %mul3A_74 : f32 to vector<16xf32>
        %mul3A_76 = arith.mulf %mul3A_75, %add3A_70 : vector<16xf32>
        %select_n3A_77 = arith.select %gt3A_73, %add3A_70, %mul3A_76 : vector<16xi1>, vector<16xf32>
        %sub3A = arith.subf %select_n3A, %select_n3A_77 : vector<16xf32>
        %exp3A = math.exp %sub3A : vector<16xf32>
        tpu.vector_store_idx %arg14[%add3A_62, %and3A_4], %exp3A : memref<2000x4xf32, #tpu.memory_space<vmem>>[vector<16xi32>, vector<16xi32>], vector<16xf32>,
        tpu.vector_store_idx %arg15[%add3A_62, %and3A_4], %exp3A : memref<2000x8xf32, #tpu.memory_space<vmem>>[vector<16xi32>, vector<16xi32>], vector<16xf32>,
        %scan3A_78 = arith.constant 0 : i32
        scf.yield %scan3A_78 : i32
      }
      %scan3A_55 = arith.constant 500 : i32
      "tpu.region"() ({
        %run_scoped3A = tpu.sem_alloc : memref<!tpu.dma_semaphore, #tpu.memory_space<semaphore_mem>>
        %dma_start3A_57 = arith.constant 0 : i32
        %dma_start3A_58 = tpu.memref_slice %arg7[%add3A_37, %dma_start3A_57] : memref<1600000x4xf32, #tpu.memory_space<hbm>> -> memref<2000x4xf32, #tpu.memory_space<hbm>>
        %dma_start3A_59 = arith.constant 0 : i32
        %dma_start3A_60 = tpu.memref_slice %arg7[%add3A_37, %dma_start3A_59] : memref<1600000x4xf32, #tpu.memory_space<hbm>> -> memref<2000x4xf32, #tpu.memory_space<hbm>>
        tpu.enqueue_dma source(%arg14 : memref<2000x4xf32, #tpu.memory_space<vmem>>) target(%dma_start3A_60 : memref<2000x4xf32, #tpu.memory_space<hbm>>) target_semaphore(%run_scoped3A : memref<!tpu.dma_semaphore, #tpu.memory_space<semaphore_mem>>)
        %dma_wait3A_61 = arith.constant 0 : i32
        %dma_wait3A_62 = tpu.memref_slice %arg7[%add3A_37, %dma_wait3A_61] : memref<1600000x4xf32, #tpu.memory_space<hbm>> -> memref<2000x4xf32, #tpu.memory_space<hbm>>
        %dma_wait3A_63 = arith.constant 0 : i32
        %dma_wait3A_64 = tpu.memref_slice %arg7[%add3A_37, %dma_wait3A_63] : memref<1600000x4xf32, #tpu.memory_space<hbm>> -> memref<2000x4xf32, #tpu.memory_space<hbm>>
        tpu.wait_dma2 semaphore(%run_scoped3A : memref<!tpu.dma_semaphore, #tpu.memory_space<semaphore_mem>>) src(%arg14 : memref<2000x4xf32, #tpu.memory_space<vmem>>) dst(%dma_wait3A_64 : memref<2000x4xf32, #tpu.memory_space<hbm>>)
        tpu.yield
      }) : () -> ()
      "tpu.region"() ({
        %run_scoped3A = tpu.sem_alloc : memref<!tpu.dma_semaphore, #tpu.memory_space<semaphore_mem>>
        %dma_start3A_57 = arith.constant 0 : i32
        %dma_start3A_58 = arith.constant 0 : i32
        %dma_start3A_59 = tpu.memref_slice %arg16[%dma_start3A_57, %dma_start3A_58] : memref<100352x8xf32, #tpu.memory_space<vmem_shared>> -> memref<100352x8xf32, #tpu.memory_space<vmem_shared>>
        tpu.enqueue_indirect_dma source(%arg15 : memref<2000x8xf32, #tpu.memory_space<vmem>>) target(%dma_start3A_59 : memref<100352x8xf32, #tpu.memory_space<vmem_shared>>) offsets(%arg11 : memref<2000xi32, #tpu.memory_space<vmem>>) semaphore(%run_scoped3A : memref<!tpu.dma_semaphore, #tpu.memory_space<semaphore_mem>>) {add = true}
        %dma_wait3A_60 = arith.constant 0 : i32
        %dma_wait3A_61 = arith.constant 0 : i32
        %dma_wait3A_62 = tpu.memref_slice %arg16[%dma_wait3A_60, %dma_wait3A_61] : memref<100352x8xf32, #tpu.memory_space<vmem_shared>> -> memref<100352x8xf32, #tpu.memory_space<vmem_shared>>
        tpu.wait_indirect_dma semaphore(%run_scoped3A : memref<!tpu.dma_semaphore, #tpu.memory_space<semaphore_mem>>) src(%arg15 : memref<2000x8xf32, #tpu.memory_space<vmem>>) dst(%dma_wait3A_62 : memref<100352x8xf32, #tpu.memory_space<vmem_shared>>)
        tpu.yield
      }) : () -> ()
      %scan3A_56 = arith.constant 0 : i32
      scf.yield %scan3A_56 : i32
    }
    %scan3A_24 = arith.constant 25 : i32
    %barrier3A_25 = arith.constant 0 : index
    tpu.barrier barrier_id(%barrier3A_25)
    %eq3A = arith.constant 0 : i32
    %eq3A_26 = arith.cmpi eq, %arg0, %eq3A : i32
    %convert_element_type3A = arith.extui %eq3A_26 : i1 to i32
    %cond3A = arith.constant 0 : i32
    %cond3A_27 = arith.cmpi ne, %convert_element_type3A, %cond3A : i32
    scf.if %cond3A_27 {
      %mul3A_33 = arith.constant 6272 : i32
      %mul3A_34 = arith.muli %arg1, %mul3A_33 : i32
      %mul3A_35 = arith.constant 6272 : i32
      %mul3A_36 = arith.muli %arg1, %mul3A_35 : i32
      %run_scoped3A = arith.constant 0 : i32
      "tpu.region"() ({
        %run_scoped3A_37 = tpu.sem_alloc : memref<!tpu.dma_semaphore, #tpu.memory_space<semaphore_mem>>
        %dma_start3A = arith.constant 0 : i32
        %dma_start3A_38 = tpu.memref_slice %arg8[%run_scoped3A, %mul3A_36, %dma_start3A] : memref<2x100352x8xf32, #tpu.memory_space<hbm>> -> memref<1x6272x8xf32, #tpu.memory_space<hbm>>
        %dma_start3A_39 = tpu.memref_squeeze %dma_start3A_38 : memref<1x6272x8xf32, #tpu.memory_space<hbm>> -> memref<6272x8xf32, #tpu.memory_space<hbm>>
        %dma_start3A_40 = arith.constant 0 : i32
        %dma_start3A_41 = tpu.memref_slice %arg16[%mul3A_34, %dma_start3A_40] : memref<100352x8xf32, #tpu.memory_space<vmem_shared>> -> memref<6272x8xf32, #tpu.memory_space<vmem_shared>>
        tpu.enqueue_dma source(%dma_start3A_41 : memref<6272x8xf32, #tpu.memory_space<vmem_shared>>) target(%dma_start3A_39 : memref<6272x8xf32, #tpu.memory_space<hbm>>) target_semaphore(%run_scoped3A_37 : memref<!tpu.dma_semaphore, #tpu.memory_space<semaphore_mem>>)
        %dma_wait3A = arith.constant 0 : i32
        %dma_wait3A_42 = tpu.memref_slice %arg8[%run_scoped3A, %mul3A_36, %dma_wait3A] : memref<2x100352x8xf32, #tpu.memory_space<hbm>> -> memref<1x6272x8xf32, #tpu.memory_space<hbm>>
        %dma_wait3A_43 = tpu.memref_squeeze %dma_wait3A_42 : memref<1x6272x8xf32, #tpu.memory_space<hbm>> -> memref<6272x8xf32, #tpu.memory_space<hbm>>
        %dma_wait3A_44 = arith.constant 0 : i32
        %dma_wait3A_45 = tpu.memref_slice %arg16[%mul3A_34, %dma_wait3A_44] : memref<100352x8xf32, #tpu.memory_space<vmem_shared>> -> memref<6272x8xf32, #tpu.memory_space<vmem_shared>>
        tpu.wait_dma2 semaphore(%run_scoped3A_37 : memref<!tpu.dma_semaphore, #tpu.memory_space<semaphore_mem>>) src(%dma_wait3A_45 : memref<6272x8xf32, #tpu.memory_space<vmem_shared>>) dst(%dma_wait3A_43 : memref<6272x8xf32, #tpu.memory_space<hbm>>)
        tpu.yield
      }) : () -> ()
    } else {
    }
    %eq3A_28 = arith.constant 1 : i32
    %eq3A_29 = arith.cmpi eq, %arg0, %eq3A_28 : i32
    %convert_element_type3A_30 = arith.extui %eq3A_29 : i1 to i32
    %cond3A_31 = arith.constant 0 : i32
    %cond3A_32 = arith.cmpi ne, %convert_element_type3A_30, %cond3A_31 : i32
    scf.if %cond3A_32 {
      %mul3A_33 = arith.constant 6272 : i32
      %mul3A_34 = arith.muli %arg1, %mul3A_33 : i32
      %mul3A_35 = arith.constant 6272 : i32
      %mul3A_36 = arith.muli %arg1, %mul3A_35 : i32
      %run_scoped3A = arith.constant 1 : i32
      "tpu.region"() ({
        %run_scoped3A_37 = tpu.sem_alloc : memref<!tpu.dma_semaphore, #tpu.memory_space<semaphore_mem>>
        %dma_start3A = arith.constant 0 : i32
        %dma_start3A_38 = tpu.memref_slice %arg8[%run_scoped3A, %mul3A_36, %dma_start3A] : memref<2x100352x8xf32, #tpu.memory_space<hbm>> -> memref<1x6272x8xf32, #tpu.memory_space<hbm>>
        %dma_start3A_39 = tpu.memref_squeeze %dma_start3A_38 : memref<1x6272x8xf32, #tpu.memory_space<hbm>> -> memref<6272x8xf32, #tpu.memory_space<hbm>>
        %dma_start3A_40 = arith.constant 0 : i32
        %dma_start3A_41 = tpu.memref_slice %arg16[%mul3A_34, %dma_start3A_40] : memref<100352x8xf32, #tpu.memory_space<vmem_shared>> -> memref<6272x8xf32, #tpu.memory_space<vmem_shared>>
        tpu.enqueue_dma source(%dma_start3A_41 : memref<6272x8xf32, #tpu.memory_space<vmem_shared>>) target(%dma_start3A_39 : memref<6272x8xf32, #tpu.memory_space<hbm>>) target_semaphore(%run_scoped3A_37 : memref<!tpu.dma_semaphore, #tpu.memory_space<semaphore_mem>>)
        %dma_wait3A = arith.constant 0 : i32
        %dma_wait3A_42 = tpu.memref_slice %arg8[%run_scoped3A, %mul3A_36, %dma_wait3A] : memref<2x100352x8xf32, #tpu.memory_space<hbm>> -> memref<1x6272x8xf32, #tpu.memory_space<hbm>>
        %dma_wait3A_43 = tpu.memref_squeeze %dma_wait3A_42 : memref<1x6272x8xf32, #tpu.memory_space<hbm>> -> memref<6272x8xf32, #tpu.memory_space<hbm>>
        %dma_wait3A_44 = arith.constant 0 : i32
        %dma_wait3A_45 = tpu.memref_slice %arg16[%mul3A_34, %dma_wait3A_44] : memref<100352x8xf32, #tpu.memory_space<vmem_shared>> -> memref<6272x8xf32, #tpu.memory_space<vmem_shared>>
        tpu.wait_dma2 semaphore(%run_scoped3A_37 : memref<!tpu.dma_semaphore, #tpu.memory_space<semaphore_mem>>) src(%dma_wait3A_45 : memref<6272x8xf32, #tpu.memory_space<vmem_shared>>) dst(%dma_wait3A_43 : memref<6272x8xf32, #tpu.memory_space<hbm>>)
        tpu.yield
      }) : () -> ()
    } else {
    }
    return
  }
}

#map = affine_map<(d0, d1) -> (0)>
#map1 = affine_map<(d0, d1) -> (0, 0)>
#map2 = affine_map<(d0, d1) -> (0, 0, 0)>
module attributes {stable_mosaic.version = 14 : i64} {
  func.func @_sc1_body(%arg0: i32, %arg1: i32, %arg2: memref<16xf32, #tpu.memory_space<hbm>>, %arg3: memref<6272x8xf32, #tpu.memory_space<hbm>>, %arg4: memref<1600000xi32, #tpu.memory_space<hbm>>, %arg5: memref<1600000xi32, #tpu.memory_space<hbm>>, %arg6: memref<100352x8xf32, #tpu.memory_space<hbm>>, %arg7: memref<1600000x4xf32, #tpu.memory_space<hbm>>, %arg8: memref<2x100352x8xf32, #tpu.memory_space<hbm>>, %arg9: memref<16xf32, #tpu.memory_space<vmem>>, %arg10: memref<2000xi32, #tpu.memory_space<vmem>>, %arg11: memref<2000xi32, #tpu.memory_space<vmem>>, %arg12: memref<2000x8xf32, #tpu.memory_space<vmem>>, %arg13: memref<2000x8xf32, #tpu.memory_space<vmem>>, %arg14: memref<2000x4xf32, #tpu.memory_space<vmem>>, %arg15: memref<2000x8xf32, #tpu.memory_space<vmem>>, %arg16: memref<100352x8xf32, #tpu.memory_space<vmem_shared>>, %arg17: memref<!tpu.dma_semaphore, #tpu.memory_space<semaphore_mem>>) attributes {dimension_semantics = [#tpu.dimension_semantics<core_parallel>, #tpu.dimension_semantics<subcore_parallel>], iteration_bounds = array<i64: 2, 16>, scalar_prefetch = 0 : i64, scratch_operands = 9 : i64, tpu.core_type = #tpu.core_type<sc_vector_subcore>, window_params = [{transform_indices = #map}, {transform_indices = #map1}, {transform_indices = #map}, {transform_indices = #map}, {transform_indices = #map1}, {transform_indices = #map1}, {transform_indices = #map2}]} {
    "tpu.region"() ({
      %run_scoped3A = tpu.sem_alloc : memref<!tpu.dma_semaphore, #tpu.memory_space<semaphore_mem>>
      tpu.enqueue_dma source(%arg2 : memref<16xf32, #tpu.memory_space<hbm>>) target(%arg9 : memref<16xf32, #tpu.memory_space<vmem>>) target_semaphore(%run_scoped3A : memref<!tpu.dma_semaphore, #tpu.memory_space<semaphore_mem>>)
      tpu.wait_dma2 semaphore(%run_scoped3A : memref<!tpu.dma_semaphore, #tpu.memory_space<semaphore_mem>>) src(%arg2 : memref<16xf32, #tpu.memory_space<hbm>>) dst(%arg9 : memref<16xf32, #tpu.memory_space<vmem>>)
      tpu.yield
    }) : () -> ()
    %mul3A = arith.constant 6272 : i32
    %mul3A_0 = arith.muli %arg1, %mul3A : i32
    "tpu.region"() ({
      %run_scoped3A = tpu.sem_alloc : memref<!tpu.dma_semaphore, #tpu.memory_space<semaphore_mem>>
      %dma_start3A = arith.constant 0 : i32
      %dma_start3A_33 = tpu.memref_slice %arg16[%mul3A_0, %dma_start3A] : memref<100352x8xf32, #tpu.memory_space<vmem_shared>> -> memref<6272x8xf32, #tpu.memory_space<vmem_shared>>
      tpu.enqueue_dma source(%arg3 : memref<6272x8xf32, #tpu.memory_space<hbm>>) target(%dma_start3A_33 : memref<6272x8xf32, #tpu.memory_space<vmem_shared>>) target_semaphore(%run_scoped3A : memref<!tpu.dma_semaphore, #tpu.memory_space<semaphore_mem>>)
      %dma_wait3A = arith.constant 0 : i32
      %dma_wait3A_34 = tpu.memref_slice %arg16[%mul3A_0, %dma_wait3A] : memref<100352x8xf32, #tpu.memory_space<vmem_shared>> -> memref<6272x8xf32, #tpu.memory_space<vmem_shared>>
      tpu.wait_dma2 semaphore(%run_scoped3A : memref<!tpu.dma_semaphore, #tpu.memory_space<semaphore_mem>>) src(%arg3 : memref<6272x8xf32, #tpu.memory_space<hbm>>) dst(%dma_wait3A_34 : memref<6272x8xf32, #tpu.memory_space<vmem_shared>>)
      tpu.yield
    }) : () -> ()
    %iota3A = tpu.iota {dimensions = array<i32: 0>} : vector<16xi32>
    %shift_right_logical3A = arith.constant 2 : i32
    %shift_right_logical3A_1 = vector.broadcast %shift_right_logical3A : i32 to vector<16xi32>
    %shift_right_logical3A_2 = arith.shrui %iota3A, %shift_right_logical3A_1 : vector<16xi32>
    %and3A = arith.constant 3 : i32
    %and3A_3 = vector.broadcast %and3A : i32 to vector<16xi32>
    %and3A_4 = arith.andi %iota3A, %and3A_3 : vector<16xi32>
    %add3A = arith.constant 4 : i32
    %add3A_5 = vector.broadcast %add3A : i32 to vector<16xi32>
    %add3A_6 = arith.addi %and3A_4, %add3A_5 : vector<16xi32>
    %scan3A = arith.constant 0 : i32
    %scan3A_7 = arith.constant 0 : i32
    %scan3A_8 = arith.constant 500 : i32
    %scan3A_9 = arith.addi %scan3A_7, %scan3A_8 : i32
    %scan3A_10 = arith.constant 1 : i32
    %scan3A_11 = scf.for %scan3A_33 = %scan3A_7 to %scan3A_9 step %scan3A_10 iter_args(%scan3A_34 = %scan3A) -> (i32)  : i32 {
      %mul3A_35 = arith.constant 4 : i32
      %mul3A_36 = arith.muli %scan3A_33, %mul3A_35 : i32
      %add3A_37 = vector.broadcast %mul3A_36 : i32 to vector<16xi32>
      %add3A_38 = arith.addi %add3A_37, %shift_right_logical3A_2 : vector<16xi32>
      %broadcast_in_dim3A = arith.constant 0.000000e+00 : f32
      %broadcast_in_dim3A_39 = vector.broadcast %broadcast_in_dim3A : f32 to vector<16xf32>
      tpu.vector_store_idx %arg15[%add3A_38, %add3A_6], %broadcast_in_dim3A_39 : memref<2000x8xf32, #tpu.memory_space<vmem>>[vector<16xi32>, vector<16xi32>], vector<16xf32>,
      %scan3A_40 = arith.constant 0 : i32
      scf.yield %scan3A_40 : i32
    }
    %scan3A_12 = arith.constant 500 : i32
    %barrier3A = arith.constant 0 : index
    tpu.barrier barrier_id(%barrier3A)
    %mul3A_13 = arith.constant 800000 : i32
    %mul3A_14 = arith.muli %arg0, %mul3A_13 : i32
    %mul3A_15 = arith.constant 50000 : i32
    %mul3A_16 = arith.muli %arg1, %mul3A_15 : i32
    %add3A_17 = arith.addi %mul3A_14, %mul3A_16 : i32
    %scan3A_18 = arith.constant 0 : i32
    %scan3A_19 = arith.constant 0 : i32
    %scan3A_20 = arith.constant 25 : i32
    %scan3A_21 = arith.addi %scan3A_19, %scan3A_20 : i32
    %scan3A_22 = arith.constant 1 : i32
    %scan3A_23 = scf.for %scan3A_33 = %scan3A_19 to %scan3A_21 step %scan3A_22 iter_args(%scan3A_34 = %scan3A_18) -> (i32)  : i32 {
      %mul3A_35 = arith.constant 2000 : i32
      %mul3A_36 = arith.muli %scan3A_33, %mul3A_35 : i32
      %add3A_37 = arith.addi %add3A_17, %mul3A_36 : i32
      "tpu.region"() ({
        %run_scoped3A = tpu.sem_alloc : memref<!tpu.dma_semaphore, #tpu.memory_space<semaphore_mem>>
        %dma_start3A_57 = tpu.memref_slice %arg4[%add3A_37] : memref<1600000xi32, #tpu.memory_space<hbm>> -> memref<2000xi32, #tpu.memory_space<hbm>>
        %dma_start3A_58 = tpu.memref_slice %arg4[%add3A_37] : memref<1600000xi32, #tpu.memory_space<hbm>> -> memref<2000xi32, #tpu.memory_space<hbm>>
        tpu.enqueue_dma source(%dma_start3A_58 : memref<2000xi32, #tpu.memory_space<hbm>>) target(%arg10 : memref<2000xi32, #tpu.memory_space<vmem>>) target_semaphore(%run_scoped3A : memref<!tpu.dma_semaphore, #tpu.memory_space<semaphore_mem>>)
        %dma_wait3A_59 = tpu.memref_slice %arg4[%add3A_37] : memref<1600000xi32, #tpu.memory_space<hbm>> -> memref<2000xi32, #tpu.memory_space<hbm>>
        %dma_wait3A_60 = tpu.memref_slice %arg4[%add3A_37] : memref<1600000xi32, #tpu.memory_space<hbm>> -> memref<2000xi32, #tpu.memory_space<hbm>>
        tpu.wait_dma2 semaphore(%run_scoped3A : memref<!tpu.dma_semaphore, #tpu.memory_space<semaphore_mem>>) src(%dma_wait3A_60 : memref<2000xi32, #tpu.memory_space<hbm>>) dst(%arg10 : memref<2000xi32, #tpu.memory_space<vmem>>)
        tpu.yield
      }) : () -> ()
      "tpu.region"() ({
        %run_scoped3A = tpu.sem_alloc : memref<!tpu.dma_semaphore, #tpu.memory_space<semaphore_mem>>
        %dma_start3A_57 = tpu.memref_slice %arg5[%add3A_37] : memref<1600000xi32, #tpu.memory_space<hbm>> -> memref<2000xi32, #tpu.memory_space<hbm>>
        %dma_start3A_58 = tpu.memref_slice %arg5[%add3A_37] : memref<1600000xi32, #tpu.memory_space<hbm>> -> memref<2000xi32, #tpu.memory_space<hbm>>
        tpu.enqueue_dma source(%dma_start3A_58 : memref<2000xi32, #tpu.memory_space<hbm>>) target(%arg11 : memref<2000xi32, #tpu.memory_space<vmem>>) target_semaphore(%run_scoped3A : memref<!tpu.dma_semaphore, #tpu.memory_space<semaphore_mem>>)
        %dma_wait3A_59 = tpu.memref_slice %arg5[%add3A_37] : memref<1600000xi32, #tpu.memory_space<hbm>> -> memref<2000xi32, #tpu.memory_space<hbm>>
        %dma_wait3A_60 = tpu.memref_slice %arg5[%add3A_37] : memref<1600000xi32, #tpu.memory_space<hbm>> -> memref<2000xi32, #tpu.memory_space<hbm>>
        tpu.wait_dma2 semaphore(%run_scoped3A : memref<!tpu.dma_semaphore, #tpu.memory_space<semaphore_mem>>) src(%dma_wait3A_60 : memref<2000xi32, #tpu.memory_space<hbm>>) dst(%arg11 : memref<2000xi32, #tpu.memory_space<vmem>>)
        tpu.yield
      }) : () -> ()
      %dma_start3A = arith.constant 0 : i32
      %dma_start3A_38 = arith.constant 0 : i32
      %dma_start3A_39 = tpu.memref_slice %arg6[%dma_start3A, %dma_start3A_38] : memref<100352x8xf32, #tpu.memory_space<hbm>> -> memref<100352x8xf32, #tpu.memory_space<hbm>>
      tpu.enqueue_indirect_dma source(%dma_start3A_39 : memref<100352x8xf32, #tpu.memory_space<hbm>>) target(%arg12 : memref<2000x8xf32, #tpu.memory_space<vmem>>) offsets(%arg10 : memref<2000xi32, #tpu.memory_space<vmem>>) semaphore(%arg17 : memref<!tpu.dma_semaphore, #tpu.memory_space<semaphore_mem>>)
      %dma_wait3A = arith.constant 0 : i32
      %dma_wait3A_40 = arith.constant 0 : i32
      %dma_wait3A_41 = tpu.memref_slice %arg6[%dma_wait3A, %dma_wait3A_40] : memref<100352x8xf32, #tpu.memory_space<hbm>> -> memref<100352x8xf32, #tpu.memory_space<hbm>>
      tpu.wait_indirect_dma semaphore(%arg17 : memref<!tpu.dma_semaphore, #tpu.memory_space<semaphore_mem>>) src(%dma_wait3A_41 : memref<100352x8xf32, #tpu.memory_space<hbm>>) dst(%arg12 : memref<2000x8xf32, #tpu.memory_space<vmem>>)
      %dma_start3A_42 = arith.constant 0 : i32
      %dma_start3A_43 = arith.constant 0 : i32
      %dma_start3A_44 = tpu.memref_slice %arg6[%dma_start3A_42, %dma_start3A_43] : memref<100352x8xf32, #tpu.memory_space<hbm>> -> memref<100352x8xf32, #tpu.memory_space<hbm>>
      tpu.enqueue_indirect_dma source(%dma_start3A_44 : memref<100352x8xf32, #tpu.memory_space<hbm>>) target(%arg13 : memref<2000x8xf32, #tpu.memory_space<vmem>>) offsets(%arg11 : memref<2000xi32, #tpu.memory_space<vmem>>) semaphore(%arg17 : memref<!tpu.dma_semaphore, #tpu.memory_space<semaphore_mem>>)
      %dma_wait3A_45 = arith.constant 0 : i32
      %dma_wait3A_46 = arith.constant 0 : i32
      %dma_wait3A_47 = tpu.memref_slice %arg6[%dma_wait3A_45, %dma_wait3A_46] : memref<100352x8xf32, #tpu.memory_space<hbm>> -> memref<100352x8xf32, #tpu.memory_space<hbm>>
      tpu.wait_indirect_dma semaphore(%arg17 : memref<!tpu.dma_semaphore, #tpu.memory_space<semaphore_mem>>) src(%dma_wait3A_47 : memref<100352x8xf32, #tpu.memory_space<hbm>>) dst(%arg13 : memref<2000x8xf32, #tpu.memory_space<vmem>>)
      %get3A = arith.constant 0 : index
      %get3A_48 = tpu.vector_load %arg9[%get3A] {strides = array<i32>} : memref<16xf32, #tpu.memory_space<vmem>>, vector<16xf32>,
      %scan3A_49 = arith.constant 0 : i32
      %scan3A_50 = arith.constant 0 : i32
      %scan3A_51 = arith.constant 500 : i32
      %scan3A_52 = arith.addi %scan3A_50, %scan3A_51 : i32
      %scan3A_53 = arith.constant 1 : i32
      %scan3A_54 = scf.for %scan3A_57 = %scan3A_50 to %scan3A_52 step %scan3A_53 iter_args(%scan3A_58 = %scan3A_49) -> (i32)  : i32 {
        %mul3A_59 = arith.constant 4 : i32
        %mul3A_60 = arith.muli %scan3A_57, %mul3A_59 : i32
        %add3A_61 = vector.broadcast %mul3A_60 : i32 to vector<16xi32>
        %add3A_62 = arith.addi %add3A_61, %shift_right_logical3A_2 : vector<16xi32>
        %gather3A = tpu.vector_load_idx %arg12[%add3A_62, %and3A_4] : memref<2000x8xf32, #tpu.memory_space<vmem>>[vector<16xi32>, vector<16xi32>], vector<16xf32>,
        %gather3A_63 = tpu.vector_load_idx %arg13[%add3A_62, %add3A_6] : memref<2000x8xf32, #tpu.memory_space<vmem>>[vector<16xi32>, vector<16xi32>], vector<16xf32>,
        %add3A_64 = arith.addf %gather3A, %gather3A_63 : vector<16xf32>
        %gt3A = arith.constant 0.000000e+00 : f32
        %gt3A_65 = vector.broadcast %gt3A : f32 to vector<16xf32>
        %gt3A_66 = arith.cmpf ogt, %add3A_64, %gt3A_65 : vector<16xf32>
        %mul3A_67 = arith.constant 2.000000e-01 : f32
        %mul3A_68 = vector.broadcast %mul3A_67 : f32 to vector<16xf32>
        %mul3A_69 = arith.mulf %mul3A_68, %add3A_64 : vector<16xf32>
        %select_n3A = arith.select %gt3A_66, %add3A_64, %mul3A_69 : vector<16xi1>, vector<16xf32>
        %add3A_70 = arith.addf %get3A_48, %gather3A_63 : vector<16xf32>
        %gt3A_71 = arith.constant 0.000000e+00 : f32
        %gt3A_72 = vector.broadcast %gt3A_71 : f32 to vector<16xf32>
        %gt3A_73 = arith.cmpf ogt, %add3A_70, %gt3A_72 : vector<16xf32>
        %mul3A_74 = arith.constant 2.000000e-01 : f32
        %mul3A_75 = vector.broadcast %mul3A_74 : f32 to vector<16xf32>
        %mul3A_76 = arith.mulf %mul3A_75, %add3A_70 : vector<16xf32>
        %select_n3A_77 = arith.select %gt3A_73, %add3A_70, %mul3A_76 : vector<16xi1>, vector<16xf32>
        %sub3A = arith.subf %select_n3A, %select_n3A_77 : vector<16xf32>
        %exp3A = math.exp %sub3A : vector<16xf32>
        tpu.vector_store_idx %arg14[%add3A_62, %and3A_4], %exp3A : memref<2000x4xf32, #tpu.memory_space<vmem>>[vector<16xi32>, vector<16xi32>], vector<16xf32>,
        tpu.vector_store_idx %arg15[%add3A_62, %and3A_4], %exp3A : memref<2000x8xf32, #tpu.memory_space<vmem>>[vector<16xi32>, vector<16xi32>], vector<16xf32>,
        %scan3A_78 = arith.constant 0 : i32
        scf.yield %scan3A_78 : i32
      }
      %scan3A_55 = arith.constant 500 : i32
      "tpu.region"() ({
        %run_scoped3A = tpu.sem_alloc : memref<!tpu.dma_semaphore, #tpu.memory_space<semaphore_mem>>
        %dma_start3A_57 = arith.constant 0 : i32
        %dma_start3A_58 = tpu.memref_slice %arg7[%add3A_37, %dma_start3A_57] : memref<1600000x4xf32, #tpu.memory_space<hbm>> -> memref<2000x4xf32, #tpu.memory_space<hbm>>
        %dma_start3A_59 = arith.constant 0 : i32
        %dma_start3A_60 = tpu.memref_slice %arg7[%add3A_37, %dma_start3A_59] : memref<1600000x4xf32, #tpu.memory_space<hbm>> -> memref<2000x4xf32, #tpu.memory_space<hbm>>
        tpu.enqueue_dma source(%arg14 : memref<2000x4xf32, #tpu.memory_space<vmem>>) target(%dma_start3A_60 : memref<2000x4xf32, #tpu.memory_space<hbm>>) target_semaphore(%run_scoped3A : memref<!tpu.dma_semaphore, #tpu.memory_space<semaphore_mem>>)
        %dma_wait3A_61 = arith.constant 0 : i32
        %dma_wait3A_62 = tpu.memref_slice %arg7[%add3A_37, %dma_wait3A_61] : memref<1600000x4xf32, #tpu.memory_space<hbm>> -> memref<2000x4xf32, #tpu.memory_space<hbm>>
        %dma_wait3A_63 = arith.constant 0 : i32
        %dma_wait3A_64 = tpu.memref_slice %arg7[%add3A_37, %dma_wait3A_63] : memref<1600000x4xf32, #tpu.memory_space<hbm>> -> memref<2000x4xf32, #tpu.memory_space<hbm>>
        tpu.wait_dma2 semaphore(%run_scoped3A : memref<!tpu.dma_semaphore, #tpu.memory_space<semaphore_mem>>) src(%arg14 : memref<2000x4xf32, #tpu.memory_space<vmem>>) dst(%dma_wait3A_64 : memref<2000x4xf32, #tpu.memory_space<hbm>>)
        tpu.yield
      }) : () -> ()
      "tpu.region"() ({
        %run_scoped3A = tpu.sem_alloc : memref<!tpu.dma_semaphore, #tpu.memory_space<semaphore_mem>>
        %dma_start3A_57 = arith.constant 0 : i32
        %dma_start3A_58 = arith.constant 0 : i32
        %dma_start3A_59 = tpu.memref_slice %arg16[%dma_start3A_57, %dma_start3A_58] : memref<100352x8xf32, #tpu.memory_space<vmem_shared>> -> memref<100352x8xf32, #tpu.memory_space<vmem_shared>>
        tpu.enqueue_indirect_dma source(%arg15 : memref<2000x8xf32, #tpu.memory_space<vmem>>) target(%dma_start3A_59 : memref<100352x8xf32, #tpu.memory_space<vmem_shared>>) offsets(%arg11 : memref<2000xi32, #tpu.memory_space<vmem>>) semaphore(%run_scoped3A : memref<!tpu.dma_semaphore, #tpu.memory_space<semaphore_mem>>) {add = true}
        %dma_wait3A_60 = arith.constant 0 : i32
        %dma_wait3A_61 = arith.constant 0 : i32
        %dma_wait3A_62 = tpu.memref_slice %arg16[%dma_wait3A_60, %dma_wait3A_61] : memref<100352x8xf32, #tpu.memory_space<vmem_shared>> -> memref<100352x8xf32, #tpu.memory_space<vmem_shared>>
        tpu.wait_indirect_dma semaphore(%run_scoped3A : memref<!tpu.dma_semaphore, #tpu.memory_space<semaphore_mem>>) src(%arg15 : memref<2000x8xf32, #tpu.memory_space<vmem>>) dst(%dma_wait3A_62 : memref<100352x8xf32, #tpu.memory_space<vmem_shared>>)
        tpu.yield
      }) : () -> ()
      %scan3A_56 = arith.constant 0 : i32
      scf.yield %scan3A_56 : i32
    }
    %scan3A_24 = arith.constant 25 : i32
    %barrier3A_25 = arith.constant 0 : index
    tpu.barrier barrier_id(%barrier3A_25)
    %eq3A = arith.constant 0 : i32
    %eq3A_26 = arith.cmpi eq, %arg0, %eq3A : i32
    %convert_element_type3A = arith.extui %eq3A_26 : i1 to i32
    %cond3A = arith.constant 0 : i32
    %cond3A_27 = arith.cmpi ne, %convert_element_type3A, %cond3A : i32
    scf.if %cond3A_27 {
      %mul3A_33 = arith.constant 6272 : i32
      %mul3A_34 = arith.muli %arg1, %mul3A_33 : i32
      %mul3A_35 = arith.constant 6272 : i32
      %mul3A_36 = arith.muli %arg1, %mul3A_35 : i32
      %run_scoped3A = arith.constant 0 : i32
      "tpu.region"() ({
        %run_scoped3A_37 = tpu.sem_alloc : memref<!tpu.dma_semaphore, #tpu.memory_space<semaphore_mem>>
        %dma_start3A = arith.constant 0 : i32
        %dma_start3A_38 = tpu.memref_slice %arg8[%run_scoped3A, %mul3A_36, %dma_start3A] : memref<2x100352x8xf32, #tpu.memory_space<hbm>> -> memref<1x6272x8xf32, #tpu.memory_space<hbm>>
        %dma_start3A_39 = tpu.memref_squeeze %dma_start3A_38 : memref<1x6272x8xf32, #tpu.memory_space<hbm>> -> memref<6272x8xf32, #tpu.memory_space<hbm>>
        %dma_start3A_40 = arith.constant 0 : i32
        %dma_start3A_41 = tpu.memref_slice %arg16[%mul3A_34, %dma_start3A_40] : memref<100352x8xf32, #tpu.memory_space<vmem_shared>> -> memref<6272x8xf32, #tpu.memory_space<vmem_shared>>
        tpu.enqueue_dma source(%dma_start3A_41 : memref<6272x8xf32, #tpu.memory_space<vmem_shared>>) target(%dma_start3A_39 : memref<6272x8xf32, #tpu.memory_space<hbm>>) target_semaphore(%run_scoped3A_37 : memref<!tpu.dma_semaphore, #tpu.memory_space<semaphore_mem>>)
        %dma_wait3A = arith.constant 0 : i32
        %dma_wait3A_42 = tpu.memref_slice %arg8[%run_scoped3A, %mul3A_36, %dma_wait3A] : memref<2x100352x8xf32, #tpu.memory_space<hbm>> -> memref<1x6272x8xf32, #tpu.memory_space<hbm>>
        %dma_wait3A_43 = tpu.memref_squeeze %dma_wait3A_42 : memref<1x6272x8xf32, #tpu.memory_space<hbm>> -> memref<6272x8xf32, #tpu.memory_space<hbm>>
        %dma_wait3A_44 = arith.constant 0 : i32
        %dma_wait3A_45 = tpu.memref_slice %arg16[%mul3A_34, %dma_wait3A_44] : memref<100352x8xf32, #tpu.memory_space<vmem_shared>> -> memref<6272x8xf32, #tpu.memory_space<vmem_shared>>
        tpu.wait_dma2 semaphore(%run_scoped3A_37 : memref<!tpu.dma_semaphore, #tpu.memory_space<semaphore_mem>>) src(%dma_wait3A_45 : memref<6272x8xf32, #tpu.memory_space<vmem_shared>>) dst(%dma_wait3A_43 : memref<6272x8xf32, #tpu.memory_space<hbm>>)
        tpu.yield
      }) : () -> ()
    } else {
    }
    %eq3A_28 = arith.constant 1 : i32
    %eq3A_29 = arith.cmpi eq, %arg0, %eq3A_28 : i32
    %convert_element_type3A_30 = arith.extui %eq3A_29 : i1 to i32
    %cond3A_31 = arith.constant 0 : i32
    %cond3A_32 = arith.cmpi ne, %convert_element_type3A_30, %cond3A_31 : i32
    scf.if %cond3A_32 {
      %mul3A_33 = arith.constant 6272 : i32
      %mul3A_34 = arith.muli %arg1, %mul3A_33 : i32
      %mul3A_35 = arith.constant 6272 : i32
      %mul3A_36 = arith.muli %arg1, %mul3A_35 : i32
      %run_scoped3A = arith.constant 1 : i32
      "tpu.region"() ({
        %run_scoped3A_37 = tpu.sem_alloc : memref<!tpu.dma_semaphore, #tpu.memory_space<semaphore_mem>>
        %dma_start3A = arith.constant 0 : i32
        %dma_start3A_38 = tpu.memref_slice %arg8[%run_scoped3A, %mul3A_36, %dma_start3A] : memref<2x100352x8xf32, #tpu.memory_space<hbm>> -> memref<1x6272x8xf32, #tpu.memory_space<hbm>>
        %dma_start3A_39 = tpu.memref_squeeze %dma_start3A_38 : memref<1x6272x8xf32, #tpu.memory_space<hbm>> -> memref<6272x8xf32, #tpu.memory_space<hbm>>
        %dma_start3A_40 = arith.constant 0 : i32
        %dma_start3A_41 = tpu.memref_slice %arg16[%mul3A_34, %dma_start3A_40] : memref<100352x8xf32, #tpu.memory_space<vmem_shared>> -> memref<6272x8xf32, #tpu.memory_space<vmem_shared>>
        tpu.enqueue_dma source(%dma_start3A_41 : memref<6272x8xf32, #tpu.memory_space<vmem_shared>>) target(%dma_start3A_39 : memref<6272x8xf32, #tpu.memory_space<hbm>>) target_semaphore(%run_scoped3A_37 : memref<!tpu.dma_semaphore, #tpu.memory_space<semaphore_mem>>)
        %dma_wait3A = arith.constant 0 : i32
        %dma_wait3A_42 = tpu.memref_slice %arg8[%run_scoped3A, %mul3A_36, %dma_wait3A] : memref<2x100352x8xf32, #tpu.memory_space<hbm>> -> memref<1x6272x8xf32, #tpu.memory_space<hbm>>
        %dma_wait3A_43 = tpu.memref_squeeze %dma_wait3A_42 : memref<1x6272x8xf32, #tpu.memory_space<hbm>> -> memref<6272x8xf32, #tpu.memory_space<hbm>>
        %dma_wait3A_44 = arith.constant 0 : i32
        %dma_wait3A_45 = tpu.memref_slice %arg16[%mul3A_34, %dma_wait3A_44] : memref<100352x8xf32, #tpu.memory_space<vmem_shared>> -> memref<6272x8xf32, #tpu.memory_space<vmem_shared>>
        tpu.wait_dma2 semaphore(%run_scoped3A_37 : memref<!tpu.dma_semaphore, #tpu.memory_space<semaphore_mem>>) src(%dma_wait3A_45 : memref<6272x8xf32, #tpu.memory_space<vmem_shared>>) dst(%dma_wait3A_43 : memref<6272x8xf32, #tpu.memory_space<hbm>>)
        tpu.yield
      }) : () -> ()
    } else {
    }
    return
  }
}

#map = affine_map<(d0, d1) -> (0, 0)>
#map1 = affine_map<(d0, d1) -> (0)>
#map2 = affine_map<(d0, d1) -> (0, 0, 0)>
module attributes {stable_mosaic.version = 14 : i64} {
  func.func @_sc2_body(%arg0: i32, %arg1: i32, %arg2: memref<6272x16xf32, #tpu.memory_space<hbm>>, %arg3: memref<1600000xi32, #tpu.memory_space<hbm>>, %arg4: memref<1600000xi32, #tpu.memory_space<hbm>>, %arg5: memref<1600000x4xf32, #tpu.memory_space<hbm>>, %arg6: memref<401408x16xf32, #tpu.memory_space<hbm>>, %arg7: memref<100352x4x16xf32, #tpu.memory_space<hbm>>, %arg8: memref<800xi32, #tpu.memory_space<vmem>>, %arg9: memref<800xi32, #tpu.memory_space<vmem>>, %arg10: memref<800xi32, #tpu.memory_space<vmem>>, %arg11: memref<800x4xf32, #tpu.memory_space<vmem>>, %arg12: memref<800x16xf32, #tpu.memory_space<vmem>>, %arg13: memref<100352x16xf32, #tpu.memory_space<vmem_shared>>, %arg14: memref<!tpu.dma_semaphore, #tpu.memory_space<semaphore_mem>>) attributes {dimension_semantics = [#tpu.dimension_semantics<core_parallel>, #tpu.dimension_semantics<subcore_parallel>], iteration_bounds = array<i64: 2, 16>, scalar_prefetch = 0 : i64, scratch_operands = 7 : i64, tpu.core_type = #tpu.core_type<sc_vector_subcore>, window_params = [{transform_indices = #map}, {transform_indices = #map1}, {transform_indices = #map1}, {transform_indices = #map}, {transform_indices = #map}, {transform_indices = #map2}]} {
    %mul3A = arith.constant 6272 : i32
    %mul3A_0 = arith.muli %arg1, %mul3A : i32
    "tpu.region"() ({
      %run_scoped3A = tpu.sem_alloc : memref<!tpu.dma_semaphore, #tpu.memory_space<semaphore_mem>>
      %dma_start3A = arith.constant 0 : i32
      %dma_start3A_36 = tpu.memref_slice %arg13[%mul3A_0, %dma_start3A] : memref<100352x16xf32, #tpu.memory_space<vmem_shared>> -> memref<6272x16xf32, #tpu.memory_space<vmem_shared>>
      tpu.enqueue_dma source(%arg2 : memref<6272x16xf32, #tpu.memory_space<hbm>>) target(%dma_start3A_36 : memref<6272x16xf32, #tpu.memory_space<vmem_shared>>) target_semaphore(%run_scoped3A : memref<!tpu.dma_semaphore, #tpu.memory_space<semaphore_mem>>)
      %dma_wait3A = arith.constant 0 : i32
      %dma_wait3A_37 = tpu.memref_slice %arg13[%mul3A_0, %dma_wait3A] : memref<100352x16xf32, #tpu.memory_space<vmem_shared>> -> memref<6272x16xf32, #tpu.memory_space<vmem_shared>>
      tpu.wait_dma2 semaphore(%run_scoped3A : memref<!tpu.dma_semaphore, #tpu.memory_space<semaphore_mem>>) src(%arg2 : memref<6272x16xf32, #tpu.memory_space<hbm>>) dst(%dma_wait3A_37 : memref<6272x16xf32, #tpu.memory_space<vmem_shared>>)
      tpu.yield
    }) : () -> ()
    %barrier3A = arith.constant 0 : index
    tpu.barrier barrier_id(%barrier3A)
    %scan3A = arith.constant 0 : i32
    %scan3A_1 = arith.constant 0 : i32
    %scan3A_2 = arith.constant 125 : i32
    %scan3A_3 = arith.addi %scan3A_1, %scan3A_2 : i32
    %scan3A_4 = arith.constant 1 : i32
    %scan3A_5 = scf.for %scan3A_36 = %scan3A_1 to %scan3A_3 step %scan3A_4 iter_args(%scan3A_37 = %scan3A) -> (i32)  : i32 {
      %mul3A_38 = arith.constant 2 : i32
      %mul3A_39 = arith.muli %arg0, %mul3A_38 : i32
      %add3A = arith.constant 0 : i32
      %add3A_40 = arith.addi %mul3A_39, %add3A : i32
      %mul3A_41 = arith.constant 100000 : i32
      %mul3A_42 = arith.muli %arg1, %mul3A_41 : i32
      %mul3A_43 = arith.constant 800 : i32
      %mul3A_44 = arith.muli %scan3A_36, %mul3A_43 : i32
      %add3A_45 = arith.addi %mul3A_42, %mul3A_44 : i32
      "tpu.region"() ({
        %run_scoped3A = tpu.sem_alloc : memref<!tpu.dma_semaphore, #tpu.memory_space<semaphore_mem>>
        %dma_start3A_68 = tpu.memref_slice %arg3[%add3A_45] : memref<1600000xi32, #tpu.memory_space<hbm>> -> memref<800xi32, #tpu.memory_space<hbm>>
        %dma_start3A_69 = tpu.memref_slice %arg3[%add3A_45] : memref<1600000xi32, #tpu.memory_space<hbm>> -> memref<800xi32, #tpu.memory_space<hbm>>
        tpu.enqueue_dma source(%dma_start3A_69 : memref<800xi32, #tpu.memory_space<hbm>>) target(%arg8 : memref<800xi32, #tpu.memory_space<vmem>>) target_semaphore(%run_scoped3A : memref<!tpu.dma_semaphore, #tpu.memory_space<semaphore_mem>>)
        %dma_wait3A_70 = tpu.memref_slice %arg3[%add3A_45] : memref<1600000xi32, #tpu.memory_space<hbm>> -> memref<800xi32, #tpu.memory_space<hbm>>
        %dma_wait3A_71 = tpu.memref_slice %arg3[%add3A_45] : memref<1600000xi32, #tpu.memory_space<hbm>> -> memref<800xi32, #tpu.memory_space<hbm>>
        tpu.wait_dma2 semaphore(%run_scoped3A : memref<!tpu.dma_semaphore, #tpu.memory_space<semaphore_mem>>) src(%dma_wait3A_71 : memref<800xi32, #tpu.memory_space<hbm>>) dst(%arg8 : memref<800xi32, #tpu.memory_space<vmem>>)
        tpu.yield
      }) : () -> ()
      "tpu.region"() ({
        %run_scoped3A = tpu.sem_alloc : memref<!tpu.dma_semaphore, #tpu.memory_space<semaphore_mem>>
        %dma_start3A_68 = tpu.memref_slice %arg4[%add3A_45] : memref<1600000xi32, #tpu.memory_space<hbm>> -> memref<800xi32, #tpu.memory_space<hbm>>
        %dma_start3A_69 = tpu.memref_slice %arg4[%add3A_45] : memref<1600000xi32, #tpu.memory_space<hbm>> -> memref<800xi32, #tpu.memory_space<hbm>>
        tpu.enqueue_dma source(%dma_start3A_69 : memref<800xi32, #tpu.memory_space<hbm>>) target(%arg10 : memref<800xi32, #tpu.memory_space<vmem>>) target_semaphore(%run_scoped3A : memref<!tpu.dma_semaphore, #tpu.memory_space<semaphore_mem>>)
        %dma_wait3A_70 = tpu.memref_slice %arg4[%add3A_45] : memref<1600000xi32, #tpu.memory_space<hbm>> -> memref<800xi32, #tpu.memory_space<hbm>>
        %dma_wait3A_71 = tpu.memref_slice %arg4[%add3A_45] : memref<1600000xi32, #tpu.memory_space<hbm>> -> memref<800xi32, #tpu.memory_space<hbm>>
        tpu.wait_dma2 semaphore(%run_scoped3A : memref<!tpu.dma_semaphore, #tpu.memory_space<semaphore_mem>>) src(%dma_wait3A_71 : memref<800xi32, #tpu.memory_space<hbm>>) dst(%arg10 : memref<800xi32, #tpu.memory_space<vmem>>)
        tpu.yield
      }) : () -> ()
      "tpu.region"() ({
        %run_scoped3A = tpu.sem_alloc : memref<!tpu.dma_semaphore, #tpu.memory_space<semaphore_mem>>
        %dma_start3A_68 = arith.constant 0 : i32
        %dma_start3A_69 = tpu.memref_slice %arg5[%add3A_45, %dma_start3A_68] : memref<1600000x4xf32, #tpu.memory_space<hbm>> -> memref<800x4xf32, #tpu.memory_space<hbm>>
        %dma_start3A_70 = arith.constant 0 : i32
        %dma_start3A_71 = tpu.memref_slice %arg5[%add3A_45, %dma_start3A_70] : memref<1600000x4xf32, #tpu.memory_space<hbm>> -> memref<800x4xf32, #tpu.memory_space<hbm>>
        tpu.enqueue_dma source(%dma_start3A_71 : memref<800x4xf32, #tpu.memory_space<hbm>>) target(%arg11 : memref<800x4xf32, #tpu.memory_space<vmem>>) target_semaphore(%run_scoped3A : memref<!tpu.dma_semaphore, #tpu.memory_space<semaphore_mem>>)
        %dma_wait3A_72 = arith.constant 0 : i32
        %dma_wait3A_73 = tpu.memref_slice %arg5[%add3A_45, %dma_wait3A_72] : memref<1600000x4xf32, #tpu.memory_space<hbm>> -> memref<800x4xf32, #tpu.memory_space<hbm>>
        %dma_wait3A_74 = arith.constant 0 : i32
        %dma_wait3A_75 = tpu.memref_slice %arg5[%add3A_45, %dma_wait3A_74] : memref<1600000x4xf32, #tpu.memory_space<hbm>> -> memref<800x4xf32, #tpu.memory_space<hbm>>
        tpu.wait_dma2 semaphore(%run_scoped3A : memref<!tpu.dma_semaphore, #tpu.memory_space<semaphore_mem>>) src(%dma_wait3A_75 : memref<800x4xf32, #tpu.memory_space<hbm>>) dst(%arg11 : memref<800x4xf32, #tpu.memory_space<vmem>>)
        tpu.yield
      }) : () -> ()
      %scan3A_46 = arith.constant 0 : i32
      %scan3A_47 = arith.constant 0 : i32
      %scan3A_48 = arith.constant 50 : i32
      %scan3A_49 = arith.addi %scan3A_47, %scan3A_48 : i32
      %scan3A_50 = arith.constant 1 : i32
      %scan3A_51 = scf.for %scan3A_68 = %scan3A_47 to %scan3A_49 step %scan3A_50 iter_args(%scan3A_69 = %scan3A_46) -> (i32)  : i32 {
        %mul3A_70 = arith.constant 16 : i32
        %mul3A_71 = arith.muli %scan3A_68, %mul3A_70 : i32
        %get3A = arith.index_cast %mul3A_71 : i32 to index
        %get3A_72 = tpu.vector_load %arg8[%get3A] {strides = array<i32>} : memref<800xi32, #tpu.memory_space<vmem>>, vector<16xi32>,
        %mul3A_73 = arith.constant 4 : i32
        %mul3A_74 = vector.broadcast %mul3A_73 : i32 to vector<16xi32>
        %mul3A_75 = arith.muli %get3A_72, %mul3A_74 : vector<16xi32>
        %add3A_76 = vector.broadcast %add3A_40 : i32 to vector<16xi32>
        %add3A_77 = arith.addi %mul3A_75, %add3A_76 : vector<16xi32>
        %swap3A = arith.index_cast %mul3A_71 : i32 to index
        %swap3A_78 = tpu.vector_load %arg9[%swap3A] {strides = array<i32>} : memref<800xi32, #tpu.memory_space<vmem>>, vector<16xi32>,
        tpu.vector_store %arg9[%swap3A], %add3A_77 {strides = array<i32>} : memref<800xi32, #tpu.memory_space<vmem>>, vector<16xi32>,
        %scan3A_79 = arith.constant 0 : i32
        scf.yield %scan3A_79 : i32
      }
      %scan3A_52 = arith.constant 50 : i32
      %dma_start3A = arith.constant 0 : i32
      %dma_start3A_53 = arith.constant 0 : i32
      %dma_start3A_54 = tpu.memref_slice %arg6[%dma_start3A, %dma_start3A_53] : memref<401408x16xf32, #tpu.memory_space<hbm>> -> memref<401408x16xf32, #tpu.memory_space<hbm>>
      tpu.enqueue_indirect_dma source(%dma_start3A_54 : memref<401408x16xf32, #tpu.memory_space<hbm>>) target(%arg12 : memref<800x16xf32, #tpu.memory_space<vmem>>) offsets(%arg9 : memref<800xi32, #tpu.memory_space<vmem>>) semaphore(%arg14 : memref<!tpu.dma_semaphore, #tpu.memory_space<semaphore_mem>>)
      %dma_wait3A = arith.constant 0 : i32
      %dma_wait3A_55 = arith.constant 0 : i32
      %dma_wait3A_56 = tpu.memref_slice %arg6[%dma_wait3A, %dma_wait3A_55] : memref<401408x16xf32, #tpu.memory_space<hbm>> -> memref<401408x16xf32, #tpu.memory_space<hbm>>
      tpu.wait_indirect_dma semaphore(%arg14 : memref<!tpu.dma_semaphore, #tpu.memory_space<semaphore_mem>>) src(%dma_wait3A_56 : memref<401408x16xf32, #tpu.memory_space<hbm>>) dst(%arg12 : memref<800x16xf32, #tpu.memory_space<vmem>>)
      %broadcast_in_dim3A = arith.constant 0 : i32
      %broadcast_in_dim3A_57 = vector.broadcast %broadcast_in_dim3A : i32 to vector<16xi32>
      %add3A_58 = vector.broadcast %add3A_40 : i32 to vector<16xi32>
      %add3A_59 = arith.addi %broadcast_in_dim3A_57, %add3A_58 : vector<16xi32>
      %scan3A_60 = arith.constant 0 : i32
      %scan3A_61 = arith.constant 0 : i32
      %scan3A_62 = arith.constant 800 : i32
      %scan3A_63 = arith.addi %scan3A_61, %scan3A_62 : i32
      %scan3A_64 = arith.constant 1 : i32
      %scan3A_65 = scf.for %scan3A_68 = %scan3A_61 to %scan3A_63 step %scan3A_64 iter_args(%scan3A_69 = %scan3A_60) -> (i32)  : i32 {
        %add3A_70 = vector.broadcast %scan3A_68 : i32 to vector<16xi32>
        %add3A_71 = arith.addi %broadcast_in_dim3A_57, %add3A_70 : vector<16xi32>
        %gather3A = tpu.vector_load_idx %arg11[%add3A_71, %add3A_59] : memref<800x4xf32, #tpu.memory_space<vmem>>[vector<16xi32>, vector<16xi32>], vector<16xf32>,
        %get3A = arith.index_cast %scan3A_68 : i32 to index
        %get3A_72 = arith.constant 0 : index
        %get3A_73 = tpu.vector_load %arg12[%get3A, %get3A_72] {strides = array<i32>} : memref<800x16xf32, #tpu.memory_space<vmem>>, vector<16xf32>,
        %mul3A_74 = arith.mulf %get3A_73, %gather3A : vector<16xf32>
        %swap3A = arith.index_cast %scan3A_68 : i32 to index
        %swap3A_75 = arith.constant 0 : index
        %swap3A_76 = tpu.vector_load %arg12[%swap3A, %swap3A_75] {strides = array<i32>} : memref<800x16xf32, #tpu.memory_space<vmem>>, vector<16xf32>,
        tpu.vector_store %arg12[%swap3A, %swap3A_75], %mul3A_74 {strides = array<i32>} : memref<800x16xf32, #tpu.memory_space<vmem>>, vector<16xf32>,
        %scan3A_77 = arith.constant 0 : i32
        scf.yield %scan3A_77 : i32
      }
      %scan3A_66 = arith.constant 800 : i32
      "tpu.region"() ({
        %run_scoped3A = tpu.sem_alloc : memref<!tpu.dma_semaphore, #tpu.memory_space<semaphore_mem>>
        %dma_start3A_68 = arith.constant 0 : i32
        %dma_start3A_69 = arith.constant 0 : i32
        %dma_start3A_70 = tpu.memref_slice %arg13[%dma_start3A_68, %dma_start3A_69] : memref<100352x16xf32, #tpu.memory_space<vmem_shared>> -> memref<100352x16xf32, #tpu.memory_space<vmem_shared>>
        tpu.enqueue_indirect_dma source(%arg12 : memref<800x16xf32, #tpu.memory_space<vmem>>) target(%dma_start3A_70 : memref<100352x16xf32, #tpu.memory_space<vmem_shared>>) offsets(%arg10 : memref<800xi32, #tpu.memory_space<vmem>>) semaphore(%run_scoped3A : memref<!tpu.dma_semaphore, #tpu.memory_space<semaphore_mem>>) {add = true}
        %dma_wait3A_71 = arith.constant 0 : i32
        %dma_wait3A_72 = arith.constant 0 : i32
        %dma_wait3A_73 = tpu.memref_slice %arg13[%dma_wait3A_71, %dma_wait3A_72] : memref<100352x16xf32, #tpu.memory_space<vmem_shared>> -> memref<100352x16xf32, #tpu.memory_space<vmem_shared>>
        tpu.wait_indirect_dma semaphore(%run_scoped3A : memref<!tpu.dma_semaphore, #tpu.memory_space<semaphore_mem>>) src(%arg12 : memref<800x16xf32, #tpu.memory_space<vmem>>) dst(%dma_wait3A_73 : memref<100352x16xf32, #tpu.memory_space<vmem_shared>>)
        tpu.yield
      }) : () -> ()
      %scan3A_67 = arith.constant 0 : i32
      scf.yield %scan3A_67 : i32
    }
    %scan3A_6 = arith.constant 125 : i32
    %barrier3A_7 = arith.constant 0 : index
    tpu.barrier barrier_id(%barrier3A_7)
    %eq3A = arith.constant 0 : i32
    %eq3A_8 = arith.cmpi eq, %arg0, %eq3A : i32
    %convert_element_type3A = arith.extui %eq3A_8 : i1 to i32
    %cond3A = arith.constant 0 : i32
    %cond3A_9 = arith.cmpi ne, %convert_element_type3A, %cond3A : i32
    scf.if %cond3A_9 {
      %mul3A_36 = arith.constant 6272 : i32
      %mul3A_37 = arith.muli %arg1, %mul3A_36 : i32
      %mul3A_38 = arith.constant 6272 : i32
      %mul3A_39 = arith.muli %arg1, %mul3A_38 : i32
      %run_scoped3A = arith.constant 0 : i32
      "tpu.region"() ({
        %run_scoped3A_40 = tpu.sem_alloc : memref<!tpu.dma_semaphore, #tpu.memory_space<semaphore_mem>>
        %dma_start3A = arith.constant 0 : i32
        %dma_start3A_41 = tpu.memref_slice %arg7[%mul3A_39, %run_scoped3A, %dma_start3A] : memref<100352x4x16xf32, #tpu.memory_space<hbm>> -> memref<6272x1x16xf32, #tpu.memory_space<hbm>>
        %dma_start3A_42 = tpu.memref_squeeze %dma_start3A_41 : memref<6272x1x16xf32, #tpu.memory_space<hbm>> -> memref<6272x16xf32, #tpu.memory_space<hbm>>
        %dma_start3A_43 = arith.constant 0 : i32
        %dma_start3A_44 = tpu.memref_slice %arg13[%mul3A_37, %dma_start3A_43] : memref<100352x16xf32, #tpu.memory_space<vmem_shared>> -> memref<6272x16xf32, #tpu.memory_space<vmem_shared>>
        tpu.enqueue_dma source(%dma_start3A_44 : memref<6272x16xf32, #tpu.memory_space<vmem_shared>>) target(%dma_start3A_42 : memref<6272x16xf32, #tpu.memory_space<hbm>>) target_semaphore(%run_scoped3A_40 : memref<!tpu.dma_semaphore, #tpu.memory_space<semaphore_mem>>)
        %dma_wait3A = arith.constant 0 : i32
        %dma_wait3A_45 = tpu.memref_slice %arg7[%mul3A_39, %run_scoped3A, %dma_wait3A] : memref<100352x4x16xf32, #tpu.memory_space<hbm>> -> memref<6272x1x16xf32, #tpu.memory_space<hbm>>
        %dma_wait3A_46 = tpu.memref_squeeze %dma_wait3A_45 : memref<6272x1x16xf32, #tpu.memory_space<hbm>> -> memref<6272x16xf32, #tpu.memory_space<hbm>>
        %dma_wait3A_47 = arith.constant 0 : i32
        %dma_wait3A_48 = tpu.memref_slice %arg13[%mul3A_37, %dma_wait3A_47] : memref<100352x16xf32, #tpu.memory_space<vmem_shared>> -> memref<6272x16xf32, #tpu.memory_space<vmem_shared>>
        tpu.wait_dma2 semaphore(%run_scoped3A_40 : memref<!tpu.dma_semaphore, #tpu.memory_space<semaphore_mem>>) src(%dma_wait3A_48 : memref<6272x16xf32, #tpu.memory_space<vmem_shared>>) dst(%dma_wait3A_46 : memref<6272x16xf32, #tpu.memory_space<hbm>>)
        tpu.yield
      }) : () -> ()
    } else {
    }
    %eq3A_10 = arith.constant 1 : i32
    %eq3A_11 = arith.cmpi eq, %arg0, %eq3A_10 : i32
    %convert_element_type3A_12 = arith.extui %eq3A_11 : i1 to i32
    %cond3A_13 = arith.constant 0 : i32
    %cond3A_14 = arith.cmpi ne, %convert_element_type3A_12, %cond3A_13 : i32
    scf.if %cond3A_14 {
      %mul3A_36 = arith.constant 6272 : i32
      %mul3A_37 = arith.muli %arg1, %mul3A_36 : i32
      %mul3A_38 = arith.constant 6272 : i32
      %mul3A_39 = arith.muli %arg1, %mul3A_38 : i32
      %run_scoped3A = arith.constant 2 : i32
      "tpu.region"() ({
        %run_scoped3A_40 = tpu.sem_alloc : memref<!tpu.dma_semaphore, #tpu.memory_space<semaphore_mem>>
        %dma_start3A = arith.constant 0 : i32
        %dma_start3A_41 = tpu.memref_slice %arg7[%mul3A_39, %run_scoped3A, %dma_start3A] : memref<100352x4x16xf32, #tpu.memory_space<hbm>> -> memref<6272x1x16xf32, #tpu.memory_space<hbm>>
        %dma_start3A_42 = tpu.memref_squeeze %dma_start3A_41 : memref<6272x1x16xf32, #tpu.memory_space<hbm>> -> memref<6272x16xf32, #tpu.memory_space<hbm>>
        %dma_start3A_43 = arith.constant 0 : i32
        %dma_start3A_44 = tpu.memref_slice %arg13[%mul3A_37, %dma_start3A_43] : memref<100352x16xf32, #tpu.memory_space<vmem_shared>> -> memref<6272x16xf32, #tpu.memory_space<vmem_shared>>
        tpu.enqueue_dma source(%dma_start3A_44 : memref<6272x16xf32, #tpu.memory_space<vmem_shared>>) target(%dma_start3A_42 : memref<6272x16xf32, #tpu.memory_space<hbm>>) target_semaphore(%run_scoped3A_40 : memref<!tpu.dma_semaphore, #tpu.memory_space<semaphore_mem>>)
        %dma_wait3A = arith.constant 0 : i32
        %dma_wait3A_45 = tpu.memref_slice %arg7[%mul3A_39, %run_scoped3A, %dma_wait3A] : memref<100352x4x16xf32, #tpu.memory_space<hbm>> -> memref<6272x1x16xf32, #tpu.memory_space<hbm>>
        %dma_wait3A_46 = tpu.memref_squeeze %dma_wait3A_45 : memref<6272x1x16xf32, #tpu.memory_space<hbm>> -> memref<6272x16xf32, #tpu.memory_space<hbm>>
        %dma_wait3A_47 = arith.constant 0 : i32
        %dma_wait3A_48 = tpu.memref_slice %arg13[%mul3A_37, %dma_wait3A_47] : memref<100352x16xf32, #tpu.memory_space<vmem_shared>> -> memref<6272x16xf32, #tpu.memory_space<vmem_shared>>
        tpu.wait_dma2 semaphore(%run_scoped3A_40 : memref<!tpu.dma_semaphore, #tpu.memory_space<semaphore_mem>>) src(%dma_wait3A_48 : memref<6272x16xf32, #tpu.memory_space<vmem_shared>>) dst(%dma_wait3A_46 : memref<6272x16xf32, #tpu.memory_space<hbm>>)
        tpu.yield
      }) : () -> ()
    } else {
    }
    %mul3A_15 = arith.constant 6272 : i32
    %mul3A_16 = arith.muli %arg1, %mul3A_15 : i32
    "tpu.region"() ({
      %run_scoped3A = tpu.sem_alloc : memref<!tpu.dma_semaphore, #tpu.memory_space<semaphore_mem>>
      %dma_start3A = arith.constant 0 : i32
      %dma_start3A_36 = tpu.memref_slice %arg13[%mul3A_16, %dma_start3A] : memref<100352x16xf32, #tpu.memory_space<vmem_shared>> -> memref<6272x16xf32, #tpu.memory_space<vmem_shared>>
      tpu.enqueue_dma source(%arg2 : memref<6272x16xf32, #tpu.memory_space<hbm>>) target(%dma_start3A_36 : memref<6272x16xf32, #tpu.memory_space<vmem_shared>>) target_semaphore(%run_scoped3A : memref<!tpu.dma_semaphore, #tpu.memory_space<semaphore_mem>>)
      %dma_wait3A = arith.constant 0 : i32
      %dma_wait3A_37 = tpu.memref_slice %arg13[%mul3A_16, %dma_wait3A] : memref<100352x16xf32, #tpu.memory_space<vmem_shared>> -> memref<6272x16xf32, #tpu.memory_space<vmem_shared>>
      tpu.wait_dma2 semaphore(%run_scoped3A : memref<!tpu.dma_semaphore, #tpu.memory_space<semaphore_mem>>) src(%arg2 : memref<6272x16xf32, #tpu.memory_space<hbm>>) dst(%dma_wait3A_37 : memref<6272x16xf32, #tpu.memory_space<vmem_shared>>)
      tpu.yield
    }) : () -> ()
    %barrier3A_17 = arith.constant 0 : index
    tpu.barrier barrier_id(%barrier3A_17)
    %scan3A_18 = arith.constant 0 : i32
    %scan3A_19 = arith.constant 0 : i32
    %scan3A_20 = arith.constant 125 : i32
    %scan3A_21 = arith.addi %scan3A_19, %scan3A_20 : i32
    %scan3A_22 = arith.constant 1 : i32
    %scan3A_23 = scf.for %scan3A_36 = %scan3A_19 to %scan3A_21 step %scan3A_22 iter_args(%scan3A_37 = %scan3A_18) -> (i32)  : i32 {
      %mul3A_38 = arith.constant 2 : i32
      %mul3A_39 = arith.muli %arg0, %mul3A_38 : i32
      %add3A = arith.constant 1 : i32
      %add3A_40 = arith.addi %mul3A_39, %add3A : i32
      %mul3A_41 = arith.constant 100000 : i32
      %mul3A_42 = arith.muli %arg1, %mul3A_41 : i32
      %mul3A_43 = arith.constant 800 : i32
      %mul3A_44 = arith.muli %scan3A_36, %mul3A_43 : i32
      %add3A_45 = arith.addi %mul3A_42, %mul3A_44 : i32
      "tpu.region"() ({
        %run_scoped3A = tpu.sem_alloc : memref<!tpu.dma_semaphore, #tpu.memory_space<semaphore_mem>>
        %dma_start3A_68 = tpu.memref_slice %arg3[%add3A_45] : memref<1600000xi32, #tpu.memory_space<hbm>> -> memref<800xi32, #tpu.memory_space<hbm>>
        %dma_start3A_69 = tpu.memref_slice %arg3[%add3A_45] : memref<1600000xi32, #tpu.memory_space<hbm>> -> memref<800xi32, #tpu.memory_space<hbm>>
        tpu.enqueue_dma source(%dma_start3A_69 : memref<800xi32, #tpu.memory_space<hbm>>) target(%arg8 : memref<800xi32, #tpu.memory_space<vmem>>) target_semaphore(%run_scoped3A : memref<!tpu.dma_semaphore, #tpu.memory_space<semaphore_mem>>)
        %dma_wait3A_70 = tpu.memref_slice %arg3[%add3A_45] : memref<1600000xi32, #tpu.memory_space<hbm>> -> memref<800xi32, #tpu.memory_space<hbm>>
        %dma_wait3A_71 = tpu.memref_slice %arg3[%add3A_45] : memref<1600000xi32, #tpu.memory_space<hbm>> -> memref<800xi32, #tpu.memory_space<hbm>>
        tpu.wait_dma2 semaphore(%run_scoped3A : memref<!tpu.dma_semaphore, #tpu.memory_space<semaphore_mem>>) src(%dma_wait3A_71 : memref<800xi32, #tpu.memory_space<hbm>>) dst(%arg8 : memref<800xi32, #tpu.memory_space<vmem>>)
        tpu.yield
      }) : () -> ()
      "tpu.region"() ({
        %run_scoped3A = tpu.sem_alloc : memref<!tpu.dma_semaphore, #tpu.memory_space<semaphore_mem>>
        %dma_start3A_68 = tpu.memref_slice %arg4[%add3A_45] : memref<1600000xi32, #tpu.memory_space<hbm>> -> memref<800xi32, #tpu.memory_space<hbm>>
        %dma_start3A_69 = tpu.memref_slice %arg4[%add3A_45] : memref<1600000xi32, #tpu.memory_space<hbm>> -> memref<800xi32, #tpu.memory_space<hbm>>
        tpu.enqueue_dma source(%dma_start3A_69 : memref<800xi32, #tpu.memory_space<hbm>>) target(%arg10 : memref<800xi32, #tpu.memory_space<vmem>>) target_semaphore(%run_scoped3A : memref<!tpu.dma_semaphore, #tpu.memory_space<semaphore_mem>>)
        %dma_wait3A_70 = tpu.memref_slice %arg4[%add3A_45] : memref<1600000xi32, #tpu.memory_space<hbm>> -> memref<800xi32, #tpu.memory_space<hbm>>
        %dma_wait3A_71 = tpu.memref_slice %arg4[%add3A_45] : memref<1600000xi32, #tpu.memory_space<hbm>> -> memref<800xi32, #tpu.memory_space<hbm>>
        tpu.wait_dma2 semaphore(%run_scoped3A : memref<!tpu.dma_semaphore, #tpu.memory_space<semaphore_mem>>) src(%dma_wait3A_71 : memref<800xi32, #tpu.memory_space<hbm>>) dst(%arg10 : memref<800xi32, #tpu.memory_space<vmem>>)
        tpu.yield
      }) : () -> ()
      "tpu.region"() ({
        %run_scoped3A = tpu.sem_alloc : memref<!tpu.dma_semaphore, #tpu.memory_space<semaphore_mem>>
        %dma_start3A_68 = arith.constant 0 : i32
        %dma_start3A_69 = tpu.memref_slice %arg5[%add3A_45, %dma_start3A_68] : memref<1600000x4xf32, #tpu.memory_space<hbm>> -> memref<800x4xf32, #tpu.memory_space<hbm>>
        %dma_start3A_70 = arith.constant 0 : i32
        %dma_start3A_71 = tpu.memref_slice %arg5[%add3A_45, %dma_start3A_70] : memref<1600000x4xf32, #tpu.memory_space<hbm>> -> memref<800x4xf32, #tpu.memory_space<hbm>>
        tpu.enqueue_dma source(%dma_start3A_71 : memref<800x4xf32, #tpu.memory_space<hbm>>) target(%arg11 : memref<800x4xf32, #tpu.memory_space<vmem>>) target_semaphore(%run_scoped3A : memref<!tpu.dma_semaphore, #tpu.memory_space<semaphore_mem>>)
        %dma_wait3A_72 = arith.constant 0 : i32
        %dma_wait3A_73 = tpu.memref_slice %arg5[%add3A_45, %dma_wait3A_72] : memref<1600000x4xf32, #tpu.memory_space<hbm>> -> memref<800x4xf32, #tpu.memory_space<hbm>>
        %dma_wait3A_74 = arith.constant 0 : i32
        %dma_wait3A_75 = tpu.memref_slice %arg5[%add3A_45, %dma_wait3A_74] : memref<1600000x4xf32, #tpu.memory_space<hbm>> -> memref<800x4xf32, #tpu.memory_space<hbm>>
        tpu.wait_dma2 semaphore(%run_scoped3A : memref<!tpu.dma_semaphore, #tpu.memory_space<semaphore_mem>>) src(%dma_wait3A_75 : memref<800x4xf32, #tpu.memory_space<hbm>>) dst(%arg11 : memref<800x4xf32, #tpu.memory_space<vmem>>)
        tpu.yield
      }) : () -> ()
      %scan3A_46 = arith.constant 0 : i32
      %scan3A_47 = arith.constant 0 : i32
      %scan3A_48 = arith.constant 50 : i32
      %scan3A_49 = arith.addi %scan3A_47, %scan3A_48 : i32
      %scan3A_50 = arith.constant 1 : i32
      %scan3A_51 = scf.for %scan3A_68 = %scan3A_47 to %scan3A_49 step %scan3A_50 iter_args(%scan3A_69 = %scan3A_46) -> (i32)  : i32 {
        %mul3A_70 = arith.constant 16 : i32
        %mul3A_71 = arith.muli %scan3A_68, %mul3A_70 : i32
        %get3A = arith.index_cast %mul3A_71 : i32 to index
        %get3A_72 = tpu.vector_load %arg8[%get3A] {strides = array<i32>} : memref<800xi32, #tpu.memory_space<vmem>>, vector<16xi32>,
        %mul3A_73 = arith.constant 4 : i32
        %mul3A_74 = vector.broadcast %mul3A_73 : i32 to vector<16xi32>
        %mul3A_75 = arith.muli %get3A_72, %mul3A_74 : vector<16xi32>
        %add3A_76 = vector.broadcast %add3A_40 : i32 to vector<16xi32>
        %add3A_77 = arith.addi %mul3A_75, %add3A_76 : vector<16xi32>
        %swap3A = arith.index_cast %mul3A_71 : i32 to index
        %swap3A_78 = tpu.vector_load %arg9[%swap3A] {strides = array<i32>} : memref<800xi32, #tpu.memory_space<vmem>>, vector<16xi32>,
        tpu.vector_store %arg9[%swap3A], %add3A_77 {strides = array<i32>} : memref<800xi32, #tpu.memory_space<vmem>>, vector<16xi32>,
        %scan3A_79 = arith.constant 0 : i32
        scf.yield %scan3A_79 : i32
      }
      %scan3A_52 = arith.constant 50 : i32
      %dma_start3A = arith.constant 0 : i32
      %dma_start3A_53 = arith.constant 0 : i32
      %dma_start3A_54 = tpu.memref_slice %arg6[%dma_start3A, %dma_start3A_53] : memref<401408x16xf32, #tpu.memory_space<hbm>> -> memref<401408x16xf32, #tpu.memory_space<hbm>>
      tpu.enqueue_indirect_dma source(%dma_start3A_54 : memref<401408x16xf32, #tpu.memory_space<hbm>>) target(%arg12 : memref<800x16xf32, #tpu.memory_space<vmem>>) offsets(%arg9 : memref<800xi32, #tpu.memory_space<vmem>>) semaphore(%arg14 : memref<!tpu.dma_semaphore, #tpu.memory_space<semaphore_mem>>)
      %dma_wait3A = arith.constant 0 : i32
      %dma_wait3A_55 = arith.constant 0 : i32
      %dma_wait3A_56 = tpu.memref_slice %arg6[%dma_wait3A, %dma_wait3A_55] : memref<401408x16xf32, #tpu.memory_space<hbm>> -> memref<401408x16xf32, #tpu.memory_space<hbm>>
      tpu.wait_indirect_dma semaphore(%arg14 : memref<!tpu.dma_semaphore, #tpu.memory_space<semaphore_mem>>) src(%dma_wait3A_56 : memref<401408x16xf32, #tpu.memory_space<hbm>>) dst(%arg12 : memref<800x16xf32, #tpu.memory_space<vmem>>)
      %broadcast_in_dim3A = arith.constant 0 : i32
      %broadcast_in_dim3A_57 = vector.broadcast %broadcast_in_dim3A : i32 to vector<16xi32>
      %add3A_58 = vector.broadcast %add3A_40 : i32 to vector<16xi32>
      %add3A_59 = arith.addi %broadcast_in_dim3A_57, %add3A_58 : vector<16xi32>
      %scan3A_60 = arith.constant 0 : i32
      %scan3A_61 = arith.constant 0 : i32
      %scan3A_62 = arith.constant 800 : i32
      %scan3A_63 = arith.addi %scan3A_61, %scan3A_62 : i32
      %scan3A_64 = arith.constant 1 : i32
      %scan3A_65 = scf.for %scan3A_68 = %scan3A_61 to %scan3A_63 step %scan3A_64 iter_args(%scan3A_69 = %scan3A_60) -> (i32)  : i32 {
        %add3A_70 = vector.broadcast %scan3A_68 : i32 to vector<16xi32>
        %add3A_71 = arith.addi %broadcast_in_dim3A_57, %add3A_70 : vector<16xi32>
        %gather3A = tpu.vector_load_idx %arg11[%add3A_71, %add3A_59] : memref<800x4xf32, #tpu.memory_space<vmem>>[vector<16xi32>, vector<16xi32>], vector<16xf32>,
        %get3A = arith.index_cast %scan3A_68 : i32 to index
        %get3A_72 = arith.constant 0 : index
        %get3A_73 = tpu.vector_load %arg12[%get3A, %get3A_72] {strides = array<i32>} : memref<800x16xf32, #tpu.memory_space<vmem>>, vector<16xf32>,
        %mul3A_74 = arith.mulf %get3A_73, %gather3A : vector<16xf32>
        %swap3A = arith.index_cast %scan3A_68 : i32 to index
        %swap3A_75 = arith.constant 0 : index
        %swap3A_76 = tpu.vector_load %arg12[%swap3A, %swap3A_75] {strides = array<i32>} : memref<800x16xf32, #tpu.memory_space<vmem>>, vector<16xf32>,
        tpu.vector_store %arg12[%swap3A, %swap3A_75], %mul3A_74 {strides = array<i32>} : memref<800x16xf32, #tpu.memory_space<vmem>>, vector<16xf32>,
        %scan3A_77 = arith.constant 0 : i32
        scf.yield %scan3A_77 : i32
      }
      %scan3A_66 = arith.constant 800 : i32
      "tpu.region"() ({
        %run_scoped3A = tpu.sem_alloc : memref<!tpu.dma_semaphore, #tpu.memory_space<semaphore_mem>>
        %dma_start3A_68 = arith.constant 0 : i32
        %dma_start3A_69 = arith.constant 0 : i32
        %dma_start3A_70 = tpu.memref_slice %arg13[%dma_start3A_68, %dma_start3A_69] : memref<100352x16xf32, #tpu.memory_space<vmem_shared>> -> memref<100352x16xf32, #tpu.memory_space<vmem_shared>>
        tpu.enqueue_indirect_dma source(%arg12 : memref<800x16xf32, #tpu.memory_space<vmem>>) target(%dma_start3A_70 : memref<100352x16xf32, #tpu.memory_space<vmem_shared>>) offsets(%arg10 : memref<800xi32, #tpu.memory_space<vmem>>) semaphore(%run_scoped3A : memref<!tpu.dma_semaphore, #tpu.memory_space<semaphore_mem>>) {add = true}
        %dma_wait3A_71 = arith.constant 0 : i32
        %dma_wait3A_72 = arith.constant 0 : i32
        %dma_wait3A_73 = tpu.memref_slice %arg13[%dma_wait3A_71, %dma_wait3A_72] : memref<100352x16xf32, #tpu.memory_space<vmem_shared>> -> memref<100352x16xf32, #tpu.memory_space<vmem_shared>>
        tpu.wait_indirect_dma semaphore(%run_scoped3A : memref<!tpu.dma_semaphore, #tpu.memory_space<semaphore_mem>>) src(%arg12 : memref<800x16xf32, #tpu.memory_space<vmem>>) dst(%dma_wait3A_73 : memref<100352x16xf32, #tpu.memory_space<vmem_shared>>)
        tpu.yield
      }) : () -> ()
      %scan3A_67 = arith.constant 0 : i32
      scf.yield %scan3A_67 : i32
    }
    %scan3A_24 = arith.constant 125 : i32
    %barrier3A_25 = arith.constant 0 : index
    tpu.barrier barrier_id(%barrier3A_25)
    %eq3A_26 = arith.constant 0 : i32
    %eq3A_27 = arith.cmpi eq, %arg0, %eq3A_26 : i32
    %convert_element_type3A_28 = arith.extui %eq3A_27 : i1 to i32
    %cond3A_29 = arith.constant 0 : i32
    %cond3A_30 = arith.cmpi ne, %convert_element_type3A_28, %cond3A_29 : i32
    scf.if %cond3A_30 {
      %mul3A_36 = arith.constant 6272 : i32
      %mul3A_37 = arith.muli %arg1, %mul3A_36 : i32
      %mul3A_38 = arith.constant 6272 : i32
      %mul3A_39 = arith.muli %arg1, %mul3A_38 : i32
      %run_scoped3A = arith.constant 1 : i32
      "tpu.region"() ({
        %run_scoped3A_40 = tpu.sem_alloc : memref<!tpu.dma_semaphore, #tpu.memory_space<semaphore_mem>>
        %dma_start3A = arith.constant 0 : i32
        %dma_start3A_41 = tpu.memref_slice %arg7[%mul3A_39, %run_scoped3A, %dma_start3A] : memref<100352x4x16xf32, #tpu.memory_space<hbm>> -> memref<6272x1x16xf32, #tpu.memory_space<hbm>>
        %dma_start3A_42 = tpu.memref_squeeze %dma_start3A_41 : memref<6272x1x16xf32, #tpu.memory_space<hbm>> -> memref<6272x16xf32, #tpu.memory_space<hbm>>
        %dma_start3A_43 = arith.constant 0 : i32
        %dma_start3A_44 = tpu.memref_slice %arg13[%mul3A_37, %dma_start3A_43] : memref<100352x16xf32, #tpu.memory_space<vmem_shared>> -> memref<6272x16xf32, #tpu.memory_space<vmem_shared>>
        tpu.enqueue_dma source(%dma_start3A_44 : memref<6272x16xf32, #tpu.memory_space<vmem_shared>>) target(%dma_start3A_42 : memref<6272x16xf32, #tpu.memory_space<hbm>>) target_semaphore(%run_scoped3A_40 : memref<!tpu.dma_semaphore, #tpu.memory_space<semaphore_mem>>)
        %dma_wait3A = arith.constant 0 : i32
        %dma_wait3A_45 = tpu.memref_slice %arg7[%mul3A_39, %run_scoped3A, %dma_wait3A] : memref<100352x4x16xf32, #tpu.memory_space<hbm>> -> memref<6272x1x16xf32, #tpu.memory_space<hbm>>
        %dma_wait3A_46 = tpu.memref_squeeze %dma_wait3A_45 : memref<6272x1x16xf32, #tpu.memory_space<hbm>> -> memref<6272x16xf32, #tpu.memory_space<hbm>>
        %dma_wait3A_47 = arith.constant 0 : i32
        %dma_wait3A_48 = tpu.memref_slice %arg13[%mul3A_37, %dma_wait3A_47] : memref<100352x16xf32, #tpu.memory_space<vmem_shared>> -> memref<6272x16xf32, #tpu.memory_space<vmem_shared>>
        tpu.wait_dma2 semaphore(%run_scoped3A_40 : memref<!tpu.dma_semaphore, #tpu.memory_space<semaphore_mem>>) src(%dma_wait3A_48 : memref<6272x16xf32, #tpu.memory_space<vmem_shared>>) dst(%dma_wait3A_46 : memref<6272x16xf32, #tpu.memory_space<hbm>>)
        tpu.yield
      }) : () -> ()
    } else {
    }
    %eq3A_31 = arith.constant 1 : i32
    %eq3A_32 = arith.cmpi eq, %arg0, %eq3A_31 : i32
    %convert_element_type3A_33 = arith.extui %eq3A_32 : i1 to i32
    %cond3A_34 = arith.constant 0 : i32
    %cond3A_35 = arith.cmpi ne, %convert_element_type3A_33, %cond3A_34 : i32
    scf.if %cond3A_35 {
      %mul3A_36 = arith.constant 6272 : i32
      %mul3A_37 = arith.muli %arg1, %mul3A_36 : i32
      %mul3A_38 = arith.constant 6272 : i32
      %mul3A_39 = arith.muli %arg1, %mul3A_38 : i32
      %run_scoped3A = arith.constant 3 : i32
      "tpu.region"() ({
        %run_scoped3A_40 = tpu.sem_alloc : memref<!tpu.dma_semaphore, #tpu.memory_space<semaphore_mem>>
        %dma_start3A = arith.constant 0 : i32
        %dma_start3A_41 = tpu.memref_slice %arg7[%mul3A_39, %run_scoped3A, %dma_start3A] : memref<100352x4x16xf32, #tpu.memory_space<hbm>> -> memref<6272x1x16xf32, #tpu.memory_space<hbm>>
        %dma_start3A_42 = tpu.memref_squeeze %dma_start3A_41 : memref<6272x1x16xf32, #tpu.memory_space<hbm>> -> memref<6272x16xf32, #tpu.memory_space<hbm>>
        %dma_start3A_43 = arith.constant 0 : i32
        %dma_start3A_44 = tpu.memref_slice %arg13[%mul3A_37, %dma_start3A_43] : memref<100352x16xf32, #tpu.memory_space<vmem_shared>> -> memref<6272x16xf32, #tpu.memory_space<vmem_shared>>
        tpu.enqueue_dma source(%dma_start3A_44 : memref<6272x16xf32, #tpu.memory_space<vmem_shared>>) target(%dma_start3A_42 : memref<6272x16xf32, #tpu.memory_space<hbm>>) target_semaphore(%run_scoped3A_40 : memref<!tpu.dma_semaphore, #tpu.memory_space<semaphore_mem>>)
        %dma_wait3A = arith.constant 0 : i32
        %dma_wait3A_45 = tpu.memref_slice %arg7[%mul3A_39, %run_scoped3A, %dma_wait3A] : memref<100352x4x16xf32, #tpu.memory_space<hbm>> -> memref<6272x1x16xf32, #tpu.memory_space<hbm>>
        %dma_wait3A_46 = tpu.memref_squeeze %dma_wait3A_45 : memref<6272x1x16xf32, #tpu.memory_space<hbm>> -> memref<6272x16xf32, #tpu.memory_space<hbm>>
        %dma_wait3A_47 = arith.constant 0 : i32
        %dma_wait3A_48 = tpu.memref_slice %arg13[%mul3A_37, %dma_wait3A_47] : memref<100352x16xf32, #tpu.memory_space<vmem_shared>> -> memref<6272x16xf32, #tpu.memory_space<vmem_shared>>
        tpu.wait_dma2 semaphore(%run_scoped3A_40 : memref<!tpu.dma_semaphore, #tpu.memory_space<semaphore_mem>>) src(%dma_wait3A_48 : memref<6272x16xf32, #tpu.memory_space<vmem_shared>>) dst(%dma_wait3A_46 : memref<6272x16xf32, #tpu.memory_space<hbm>>)
        tpu.yield
      }) : () -> ()
    } else {
    }
    return
  }
}

#map = affine_map<(d0, d1) -> (0, 0)>
#map1 = affine_map<(d0, d1) -> (0)>
#map2 = affine_map<(d0, d1) -> (0, 0, 0)>
module attributes {stable_mosaic.version = 14 : i64} {
  func.func @_sc2_body(%arg0: i32, %arg1: i32, %arg2: memref<6272x16xf32, #tpu.memory_space<hbm>>, %arg3: memref<1600000xi32, #tpu.memory_space<hbm>>, %arg4: memref<1600000xi32, #tpu.memory_space<hbm>>, %arg5: memref<1600000x4xf32, #tpu.memory_space<hbm>>, %arg6: memref<401408x16xf32, #tpu.memory_space<hbm>>, %arg7: memref<100352x4x16xf32, #tpu.memory_space<hbm>>, %arg8: memref<800xi32, #tpu.memory_space<vmem>>, %arg9: memref<800xi32, #tpu.memory_space<vmem>>, %arg10: memref<800xi32, #tpu.memory_space<vmem>>, %arg11: memref<800x4xf32, #tpu.memory_space<vmem>>, %arg12: memref<800x16xf32, #tpu.memory_space<vmem>>, %arg13: memref<100352x16xf32, #tpu.memory_space<vmem_shared>>, %arg14: memref<!tpu.dma_semaphore, #tpu.memory_space<semaphore_mem>>) attributes {dimension_semantics = [#tpu.dimension_semantics<core_parallel>, #tpu.dimension_semantics<subcore_parallel>], iteration_bounds = array<i64: 2, 16>, scalar_prefetch = 0 : i64, scratch_operands = 7 : i64, tpu.core_type = #tpu.core_type<sc_vector_subcore>, window_params = [{transform_indices = #map}, {transform_indices = #map1}, {transform_indices = #map1}, {transform_indices = #map}, {transform_indices = #map}, {transform_indices = #map2}]} {
    %mul3A = arith.constant 6272 : i32
    %mul3A_0 = arith.muli %arg1, %mul3A : i32
    "tpu.region"() ({
      %run_scoped3A = tpu.sem_alloc : memref<!tpu.dma_semaphore, #tpu.memory_space<semaphore_mem>>
      %dma_start3A = arith.constant 0 : i32
      %dma_start3A_36 = tpu.memref_slice %arg13[%mul3A_0, %dma_start3A] : memref<100352x16xf32, #tpu.memory_space<vmem_shared>> -> memref<6272x16xf32, #tpu.memory_space<vmem_shared>>
      tpu.enqueue_dma source(%arg2 : memref<6272x16xf32, #tpu.memory_space<hbm>>) target(%dma_start3A_36 : memref<6272x16xf32, #tpu.memory_space<vmem_shared>>) target_semaphore(%run_scoped3A : memref<!tpu.dma_semaphore, #tpu.memory_space<semaphore_mem>>)
      %dma_wait3A = arith.constant 0 : i32
      %dma_wait3A_37 = tpu.memref_slice %arg13[%mul3A_0, %dma_wait3A] : memref<100352x16xf32, #tpu.memory_space<vmem_shared>> -> memref<6272x16xf32, #tpu.memory_space<vmem_shared>>
      tpu.wait_dma2 semaphore(%run_scoped3A : memref<!tpu.dma_semaphore, #tpu.memory_space<semaphore_mem>>) src(%arg2 : memref<6272x16xf32, #tpu.memory_space<hbm>>) dst(%dma_wait3A_37 : memref<6272x16xf32, #tpu.memory_space<vmem_shared>>)
      tpu.yield
    }) : () -> ()
    %barrier3A = arith.constant 0 : index
    tpu.barrier barrier_id(%barrier3A)
    %scan3A = arith.constant 0 : i32
    %scan3A_1 = arith.constant 0 : i32
    %scan3A_2 = arith.constant 125 : i32
    %scan3A_3 = arith.addi %scan3A_1, %scan3A_2 : i32
    %scan3A_4 = arith.constant 1 : i32
    %scan3A_5 = scf.for %scan3A_36 = %scan3A_1 to %scan3A_3 step %scan3A_4 iter_args(%scan3A_37 = %scan3A) -> (i32)  : i32 {
      %mul3A_38 = arith.constant 2 : i32
      %mul3A_39 = arith.muli %arg0, %mul3A_38 : i32
      %add3A = arith.constant 0 : i32
      %add3A_40 = arith.addi %mul3A_39, %add3A : i32
      %mul3A_41 = arith.constant 100000 : i32
      %mul3A_42 = arith.muli %arg1, %mul3A_41 : i32
      %mul3A_43 = arith.constant 800 : i32
      %mul3A_44 = arith.muli %scan3A_36, %mul3A_43 : i32
      %add3A_45 = arith.addi %mul3A_42, %mul3A_44 : i32
      "tpu.region"() ({
        %run_scoped3A = tpu.sem_alloc : memref<!tpu.dma_semaphore, #tpu.memory_space<semaphore_mem>>
        %dma_start3A_68 = tpu.memref_slice %arg3[%add3A_45] : memref<1600000xi32, #tpu.memory_space<hbm>> -> memref<800xi32, #tpu.memory_space<hbm>>
        %dma_start3A_69 = tpu.memref_slice %arg3[%add3A_45] : memref<1600000xi32, #tpu.memory_space<hbm>> -> memref<800xi32, #tpu.memory_space<hbm>>
        tpu.enqueue_dma source(%dma_start3A_69 : memref<800xi32, #tpu.memory_space<hbm>>) target(%arg8 : memref<800xi32, #tpu.memory_space<vmem>>) target_semaphore(%run_scoped3A : memref<!tpu.dma_semaphore, #tpu.memory_space<semaphore_mem>>)
        %dma_wait3A_70 = tpu.memref_slice %arg3[%add3A_45] : memref<1600000xi32, #tpu.memory_space<hbm>> -> memref<800xi32, #tpu.memory_space<hbm>>
        %dma_wait3A_71 = tpu.memref_slice %arg3[%add3A_45] : memref<1600000xi32, #tpu.memory_space<hbm>> -> memref<800xi32, #tpu.memory_space<hbm>>
        tpu.wait_dma2 semaphore(%run_scoped3A : memref<!tpu.dma_semaphore, #tpu.memory_space<semaphore_mem>>) src(%dma_wait3A_71 : memref<800xi32, #tpu.memory_space<hbm>>) dst(%arg8 : memref<800xi32, #tpu.memory_space<vmem>>)
        tpu.yield
      }) : () -> ()
      "tpu.region"() ({
        %run_scoped3A = tpu.sem_alloc : memref<!tpu.dma_semaphore, #tpu.memory_space<semaphore_mem>>
        %dma_start3A_68 = tpu.memref_slice %arg4[%add3A_45] : memref<1600000xi32, #tpu.memory_space<hbm>> -> memref<800xi32, #tpu.memory_space<hbm>>
        %dma_start3A_69 = tpu.memref_slice %arg4[%add3A_45] : memref<1600000xi32, #tpu.memory_space<hbm>> -> memref<800xi32, #tpu.memory_space<hbm>>
        tpu.enqueue_dma source(%dma_start3A_69 : memref<800xi32, #tpu.memory_space<hbm>>) target(%arg10 : memref<800xi32, #tpu.memory_space<vmem>>) target_semaphore(%run_scoped3A : memref<!tpu.dma_semaphore, #tpu.memory_space<semaphore_mem>>)
        %dma_wait3A_70 = tpu.memref_slice %arg4[%add3A_45] : memref<1600000xi32, #tpu.memory_space<hbm>> -> memref<800xi32, #tpu.memory_space<hbm>>
        %dma_wait3A_71 = tpu.memref_slice %arg4[%add3A_45] : memref<1600000xi32, #tpu.memory_space<hbm>> -> memref<800xi32, #tpu.memory_space<hbm>>
        tpu.wait_dma2 semaphore(%run_scoped3A : memref<!tpu.dma_semaphore, #tpu.memory_space<semaphore_mem>>) src(%dma_wait3A_71 : memref<800xi32, #tpu.memory_space<hbm>>) dst(%arg10 : memref<800xi32, #tpu.memory_space<vmem>>)
        tpu.yield
      }) : () -> ()
      "tpu.region"() ({
        %run_scoped3A = tpu.sem_alloc : memref<!tpu.dma_semaphore, #tpu.memory_space<semaphore_mem>>
        %dma_start3A_68 = arith.constant 0 : i32
        %dma_start3A_69 = tpu.memref_slice %arg5[%add3A_45, %dma_start3A_68] : memref<1600000x4xf32, #tpu.memory_space<hbm>> -> memref<800x4xf32, #tpu.memory_space<hbm>>
        %dma_start3A_70 = arith.constant 0 : i32
        %dma_start3A_71 = tpu.memref_slice %arg5[%add3A_45, %dma_start3A_70] : memref<1600000x4xf32, #tpu.memory_space<hbm>> -> memref<800x4xf32, #tpu.memory_space<hbm>>
        tpu.enqueue_dma source(%dma_start3A_71 : memref<800x4xf32, #tpu.memory_space<hbm>>) target(%arg11 : memref<800x4xf32, #tpu.memory_space<vmem>>) target_semaphore(%run_scoped3A : memref<!tpu.dma_semaphore, #tpu.memory_space<semaphore_mem>>)
        %dma_wait3A_72 = arith.constant 0 : i32
        %dma_wait3A_73 = tpu.memref_slice %arg5[%add3A_45, %dma_wait3A_72] : memref<1600000x4xf32, #tpu.memory_space<hbm>> -> memref<800x4xf32, #tpu.memory_space<hbm>>
        %dma_wait3A_74 = arith.constant 0 : i32
        %dma_wait3A_75 = tpu.memref_slice %arg5[%add3A_45, %dma_wait3A_74] : memref<1600000x4xf32, #tpu.memory_space<hbm>> -> memref<800x4xf32, #tpu.memory_space<hbm>>
        tpu.wait_dma2 semaphore(%run_scoped3A : memref<!tpu.dma_semaphore, #tpu.memory_space<semaphore_mem>>) src(%dma_wait3A_75 : memref<800x4xf32, #tpu.memory_space<hbm>>) dst(%arg11 : memref<800x4xf32, #tpu.memory_space<vmem>>)
        tpu.yield
      }) : () -> ()
      %scan3A_46 = arith.constant 0 : i32
      %scan3A_47 = arith.constant 0 : i32
      %scan3A_48 = arith.constant 50 : i32
      %scan3A_49 = arith.addi %scan3A_47, %scan3A_48 : i32
      %scan3A_50 = arith.constant 1 : i32
      %scan3A_51 = scf.for %scan3A_68 = %scan3A_47 to %scan3A_49 step %scan3A_50 iter_args(%scan3A_69 = %scan3A_46) -> (i32)  : i32 {
        %mul3A_70 = arith.constant 16 : i32
        %mul3A_71 = arith.muli %scan3A_68, %mul3A_70 : i32
        %get3A = arith.index_cast %mul3A_71 : i32 to index
        %get3A_72 = tpu.vector_load %arg8[%get3A] {strides = array<i32>} : memref<800xi32, #tpu.memory_space<vmem>>, vector<16xi32>,
        %mul3A_73 = arith.constant 4 : i32
        %mul3A_74 = vector.broadcast %mul3A_73 : i32 to vector<16xi32>
        %mul3A_75 = arith.muli %get3A_72, %mul3A_74 : vector<16xi32>
        %add3A_76 = vector.broadcast %add3A_40 : i32 to vector<16xi32>
        %add3A_77 = arith.addi %mul3A_75, %add3A_76 : vector<16xi32>
        %swap3A = arith.index_cast %mul3A_71 : i32 to index
        %swap3A_78 = tpu.vector_load %arg9[%swap3A] {strides = array<i32>} : memref<800xi32, #tpu.memory_space<vmem>>, vector<16xi32>,
        tpu.vector_store %arg9[%swap3A], %add3A_77 {strides = array<i32>} : memref<800xi32, #tpu.memory_space<vmem>>, vector<16xi32>,
        %scan3A_79 = arith.constant 0 : i32
        scf.yield %scan3A_79 : i32
      }
      %scan3A_52 = arith.constant 50 : i32
      %dma_start3A = arith.constant 0 : i32
      %dma_start3A_53 = arith.constant 0 : i32
      %dma_start3A_54 = tpu.memref_slice %arg6[%dma_start3A, %dma_start3A_53] : memref<401408x16xf32, #tpu.memory_space<hbm>> -> memref<401408x16xf32, #tpu.memory_space<hbm>>
      tpu.enqueue_indirect_dma source(%dma_start3A_54 : memref<401408x16xf32, #tpu.memory_space<hbm>>) target(%arg12 : memref<800x16xf32, #tpu.memory_space<vmem>>) offsets(%arg9 : memref<800xi32, #tpu.memory_space<vmem>>) semaphore(%arg14 : memref<!tpu.dma_semaphore, #tpu.memory_space<semaphore_mem>>)
      %dma_wait3A = arith.constant 0 : i32
      %dma_wait3A_55 = arith.constant 0 : i32
      %dma_wait3A_56 = tpu.memref_slice %arg6[%dma_wait3A, %dma_wait3A_55] : memref<401408x16xf32, #tpu.memory_space<hbm>> -> memref<401408x16xf32, #tpu.memory_space<hbm>>
      tpu.wait_indirect_dma semaphore(%arg14 : memref<!tpu.dma_semaphore, #tpu.memory_space<semaphore_mem>>) src(%dma_wait3A_56 : memref<401408x16xf32, #tpu.memory_space<hbm>>) dst(%arg12 : memref<800x16xf32, #tpu.memory_space<vmem>>)
      %broadcast_in_dim3A = arith.constant 0 : i32
      %broadcast_in_dim3A_57 = vector.broadcast %broadcast_in_dim3A : i32 to vector<16xi32>
      %add3A_58 = vector.broadcast %add3A_40 : i32 to vector<16xi32>
      %add3A_59 = arith.addi %broadcast_in_dim3A_57, %add3A_58 : vector<16xi32>
      %scan3A_60 = arith.constant 0 : i32
      %scan3A_61 = arith.constant 0 : i32
      %scan3A_62 = arith.constant 800 : i32
      %scan3A_63 = arith.addi %scan3A_61, %scan3A_62 : i32
      %scan3A_64 = arith.constant 1 : i32
      %scan3A_65 = scf.for %scan3A_68 = %scan3A_61 to %scan3A_63 step %scan3A_64 iter_args(%scan3A_69 = %scan3A_60) -> (i32)  : i32 {
        %add3A_70 = vector.broadcast %scan3A_68 : i32 to vector<16xi32>
        %add3A_71 = arith.addi %broadcast_in_dim3A_57, %add3A_70 : vector<16xi32>
        %gather3A = tpu.vector_load_idx %arg11[%add3A_71, %add3A_59] : memref<800x4xf32, #tpu.memory_space<vmem>>[vector<16xi32>, vector<16xi32>], vector<16xf32>,
        %get3A = arith.index_cast %scan3A_68 : i32 to index
        %get3A_72 = arith.constant 0 : index
        %get3A_73 = tpu.vector_load %arg12[%get3A, %get3A_72] {strides = array<i32>} : memref<800x16xf32, #tpu.memory_space<vmem>>, vector<16xf32>,
        %mul3A_74 = arith.mulf %get3A_73, %gather3A : vector<16xf32>
        %swap3A = arith.index_cast %scan3A_68 : i32 to index
        %swap3A_75 = arith.constant 0 : index
        %swap3A_76 = tpu.vector_load %arg12[%swap3A, %swap3A_75] {strides = array<i32>} : memref<800x16xf32, #tpu.memory_space<vmem>>, vector<16xf32>,
        tpu.vector_store %arg12[%swap3A, %swap3A_75], %mul3A_74 {strides = array<i32>} : memref<800x16xf32, #tpu.memory_space<vmem>>, vector<16xf32>,
        %scan3A_77 = arith.constant 0 : i32
        scf.yield %scan3A_77 : i32
      }
      %scan3A_66 = arith.constant 800 : i32
      "tpu.region"() ({
        %run_scoped3A = tpu.sem_alloc : memref<!tpu.dma_semaphore, #tpu.memory_space<semaphore_mem>>
        %dma_start3A_68 = arith.constant 0 : i32
        %dma_start3A_69 = arith.constant 0 : i32
        %dma_start3A_70 = tpu.memref_slice %arg13[%dma_start3A_68, %dma_start3A_69] : memref<100352x16xf32, #tpu.memory_space<vmem_shared>> -> memref<100352x16xf32, #tpu.memory_space<vmem_shared>>
        tpu.enqueue_indirect_dma source(%arg12 : memref<800x16xf32, #tpu.memory_space<vmem>>) target(%dma_start3A_70 : memref<100352x16xf32, #tpu.memory_space<vmem_shared>>) offsets(%arg10 : memref<800xi32, #tpu.memory_space<vmem>>) semaphore(%run_scoped3A : memref<!tpu.dma_semaphore, #tpu.memory_space<semaphore_mem>>) {add = true}
        %dma_wait3A_71 = arith.constant 0 : i32
        %dma_wait3A_72 = arith.constant 0 : i32
        %dma_wait3A_73 = tpu.memref_slice %arg13[%dma_wait3A_71, %dma_wait3A_72] : memref<100352x16xf32, #tpu.memory_space<vmem_shared>> -> memref<100352x16xf32, #tpu.memory_space<vmem_shared>>
        tpu.wait_indirect_dma semaphore(%run_scoped3A : memref<!tpu.dma_semaphore, #tpu.memory_space<semaphore_mem>>) src(%arg12 : memref<800x16xf32, #tpu.memory_space<vmem>>) dst(%dma_wait3A_73 : memref<100352x16xf32, #tpu.memory_space<vmem_shared>>)
        tpu.yield
      }) : () -> ()
      %scan3A_67 = arith.constant 0 : i32
      scf.yield %scan3A_67 : i32
    }
    %scan3A_6 = arith.constant 125 : i32
    %barrier3A_7 = arith.constant 0 : index
    tpu.barrier barrier_id(%barrier3A_7)
    %eq3A = arith.constant 0 : i32
    %eq3A_8 = arith.cmpi eq, %arg0, %eq3A : i32
    %convert_element_type3A = arith.extui %eq3A_8 : i1 to i32
    %cond3A = arith.constant 0 : i32
    %cond3A_9 = arith.cmpi ne, %convert_element_type3A, %cond3A : i32
    scf.if %cond3A_9 {
      %mul3A_36 = arith.constant 6272 : i32
      %mul3A_37 = arith.muli %arg1, %mul3A_36 : i32
      %mul3A_38 = arith.constant 6272 : i32
      %mul3A_39 = arith.muli %arg1, %mul3A_38 : i32
      %run_scoped3A = arith.constant 0 : i32
      "tpu.region"() ({
        %run_scoped3A_40 = tpu.sem_alloc : memref<!tpu.dma_semaphore, #tpu.memory_space<semaphore_mem>>
        %dma_start3A = arith.constant 0 : i32
        %dma_start3A_41 = tpu.memref_slice %arg7[%mul3A_39, %run_scoped3A, %dma_start3A] : memref<100352x4x16xf32, #tpu.memory_space<hbm>> -> memref<6272x1x16xf32, #tpu.memory_space<hbm>>
        %dma_start3A_42 = tpu.memref_squeeze %dma_start3A_41 : memref<6272x1x16xf32, #tpu.memory_space<hbm>> -> memref<6272x16xf32, #tpu.memory_space<hbm>>
        %dma_start3A_43 = arith.constant 0 : i32
        %dma_start3A_44 = tpu.memref_slice %arg13[%mul3A_37, %dma_start3A_43] : memref<100352x16xf32, #tpu.memory_space<vmem_shared>> -> memref<6272x16xf32, #tpu.memory_space<vmem_shared>>
        tpu.enqueue_dma source(%dma_start3A_44 : memref<6272x16xf32, #tpu.memory_space<vmem_shared>>) target(%dma_start3A_42 : memref<6272x16xf32, #tpu.memory_space<hbm>>) target_semaphore(%run_scoped3A_40 : memref<!tpu.dma_semaphore, #tpu.memory_space<semaphore_mem>>)
        %dma_wait3A = arith.constant 0 : i32
        %dma_wait3A_45 = tpu.memref_slice %arg7[%mul3A_39, %run_scoped3A, %dma_wait3A] : memref<100352x4x16xf32, #tpu.memory_space<hbm>> -> memref<6272x1x16xf32, #tpu.memory_space<hbm>>
        %dma_wait3A_46 = tpu.memref_squeeze %dma_wait3A_45 : memref<6272x1x16xf32, #tpu.memory_space<hbm>> -> memref<6272x16xf32, #tpu.memory_space<hbm>>
        %dma_wait3A_47 = arith.constant 0 : i32
        %dma_wait3A_48 = tpu.memref_slice %arg13[%mul3A_37, %dma_wait3A_47] : memref<100352x16xf32, #tpu.memory_space<vmem_shared>> -> memref<6272x16xf32, #tpu.memory_space<vmem_shared>>
        tpu.wait_dma2 semaphore(%run_scoped3A_40 : memref<!tpu.dma_semaphore, #tpu.memory_space<semaphore_mem>>) src(%dma_wait3A_48 : memref<6272x16xf32, #tpu.memory_space<vmem_shared>>) dst(%dma_wait3A_46 : memref<6272x16xf32, #tpu.memory_space<hbm>>)
        tpu.yield
      }) : () -> ()
    } else {
    }
    %eq3A_10 = arith.constant 1 : i32
    %eq3A_11 = arith.cmpi eq, %arg0, %eq3A_10 : i32
    %convert_element_type3A_12 = arith.extui %eq3A_11 : i1 to i32
    %cond3A_13 = arith.constant 0 : i32
    %cond3A_14 = arith.cmpi ne, %convert_element_type3A_12, %cond3A_13 : i32
    scf.if %cond3A_14 {
      %mul3A_36 = arith.constant 6272 : i32
      %mul3A_37 = arith.muli %arg1, %mul3A_36 : i32
      %mul3A_38 = arith.constant 6272 : i32
      %mul3A_39 = arith.muli %arg1, %mul3A_38 : i32
      %run_scoped3A = arith.constant 2 : i32
      "tpu.region"() ({
        %run_scoped3A_40 = tpu.sem_alloc : memref<!tpu.dma_semaphore, #tpu.memory_space<semaphore_mem>>
        %dma_start3A = arith.constant 0 : i32
        %dma_start3A_41 = tpu.memref_slice %arg7[%mul3A_39, %run_scoped3A, %dma_start3A] : memref<100352x4x16xf32, #tpu.memory_space<hbm>> -> memref<6272x1x16xf32, #tpu.memory_space<hbm>>
        %dma_start3A_42 = tpu.memref_squeeze %dma_start3A_41 : memref<6272x1x16xf32, #tpu.memory_space<hbm>> -> memref<6272x16xf32, #tpu.memory_space<hbm>>
        %dma_start3A_43 = arith.constant 0 : i32
        %dma_start3A_44 = tpu.memref_slice %arg13[%mul3A_37, %dma_start3A_43] : memref<100352x16xf32, #tpu.memory_space<vmem_shared>> -> memref<6272x16xf32, #tpu.memory_space<vmem_shared>>
        tpu.enqueue_dma source(%dma_start3A_44 : memref<6272x16xf32, #tpu.memory_space<vmem_shared>>) target(%dma_start3A_42 : memref<6272x16xf32, #tpu.memory_space<hbm>>) target_semaphore(%run_scoped3A_40 : memref<!tpu.dma_semaphore, #tpu.memory_space<semaphore_mem>>)
        %dma_wait3A = arith.constant 0 : i32
        %dma_wait3A_45 = tpu.memref_slice %arg7[%mul3A_39, %run_scoped3A, %dma_wait3A] : memref<100352x4x16xf32, #tpu.memory_space<hbm>> -> memref<6272x1x16xf32, #tpu.memory_space<hbm>>
        %dma_wait3A_46 = tpu.memref_squeeze %dma_wait3A_45 : memref<6272x1x16xf32, #tpu.memory_space<hbm>> -> memref<6272x16xf32, #tpu.memory_space<hbm>>
        %dma_wait3A_47 = arith.constant 0 : i32
        %dma_wait3A_48 = tpu.memref_slice %arg13[%mul3A_37, %dma_wait3A_47] : memref<100352x16xf32, #tpu.memory_space<vmem_shared>> -> memref<6272x16xf32, #tpu.memory_space<vmem_shared>>
        tpu.wait_dma2 semaphore(%run_scoped3A_40 : memref<!tpu.dma_semaphore, #tpu.memory_space<semaphore_mem>>) src(%dma_wait3A_48 : memref<6272x16xf32, #tpu.memory_space<vmem_shared>>) dst(%dma_wait3A_46 : memref<6272x16xf32, #tpu.memory_space<hbm>>)
        tpu.yield
      }) : () -> ()
    } else {
    }
    %mul3A_15 = arith.constant 6272 : i32
    %mul3A_16 = arith.muli %arg1, %mul3A_15 : i32
    "tpu.region"() ({
      %run_scoped3A = tpu.sem_alloc : memref<!tpu.dma_semaphore, #tpu.memory_space<semaphore_mem>>
      %dma_start3A = arith.constant 0 : i32
      %dma_start3A_36 = tpu.memref_slice %arg13[%mul3A_16, %dma_start3A] : memref<100352x16xf32, #tpu.memory_space<vmem_shared>> -> memref<6272x16xf32, #tpu.memory_space<vmem_shared>>
      tpu.enqueue_dma source(%arg2 : memref<6272x16xf32, #tpu.memory_space<hbm>>) target(%dma_start3A_36 : memref<6272x16xf32, #tpu.memory_space<vmem_shared>>) target_semaphore(%run_scoped3A : memref<!tpu.dma_semaphore, #tpu.memory_space<semaphore_mem>>)
      %dma_wait3A = arith.constant 0 : i32
      %dma_wait3A_37 = tpu.memref_slice %arg13[%mul3A_16, %dma_wait3A] : memref<100352x16xf32, #tpu.memory_space<vmem_shared>> -> memref<6272x16xf32, #tpu.memory_space<vmem_shared>>
      tpu.wait_dma2 semaphore(%run_scoped3A : memref<!tpu.dma_semaphore, #tpu.memory_space<semaphore_mem>>) src(%arg2 : memref<6272x16xf32, #tpu.memory_space<hbm>>) dst(%dma_wait3A_37 : memref<6272x16xf32, #tpu.memory_space<vmem_shared>>)
      tpu.yield
    }) : () -> ()
    %barrier3A_17 = arith.constant 0 : index
    tpu.barrier barrier_id(%barrier3A_17)
    %scan3A_18 = arith.constant 0 : i32
    %scan3A_19 = arith.constant 0 : i32
    %scan3A_20 = arith.constant 125 : i32
    %scan3A_21 = arith.addi %scan3A_19, %scan3A_20 : i32
    %scan3A_22 = arith.constant 1 : i32
    %scan3A_23 = scf.for %scan3A_36 = %scan3A_19 to %scan3A_21 step %scan3A_22 iter_args(%scan3A_37 = %scan3A_18) -> (i32)  : i32 {
      %mul3A_38 = arith.constant 2 : i32
      %mul3A_39 = arith.muli %arg0, %mul3A_38 : i32
      %add3A = arith.constant 1 : i32
      %add3A_40 = arith.addi %mul3A_39, %add3A : i32
      %mul3A_41 = arith.constant 100000 : i32
      %mul3A_42 = arith.muli %arg1, %mul3A_41 : i32
      %mul3A_43 = arith.constant 800 : i32
      %mul3A_44 = arith.muli %scan3A_36, %mul3A_43 : i32
      %add3A_45 = arith.addi %mul3A_42, %mul3A_44 : i32
      "tpu.region"() ({
        %run_scoped3A = tpu.sem_alloc : memref<!tpu.dma_semaphore, #tpu.memory_space<semaphore_mem>>
        %dma_start3A_68 = tpu.memref_slice %arg3[%add3A_45] : memref<1600000xi32, #tpu.memory_space<hbm>> -> memref<800xi32, #tpu.memory_space<hbm>>
        %dma_start3A_69 = tpu.memref_slice %arg3[%add3A_45] : memref<1600000xi32, #tpu.memory_space<hbm>> -> memref<800xi32, #tpu.memory_space<hbm>>
        tpu.enqueue_dma source(%dma_start3A_69 : memref<800xi32, #tpu.memory_space<hbm>>) target(%arg8 : memref<800xi32, #tpu.memory_space<vmem>>) target_semaphore(%run_scoped3A : memref<!tpu.dma_semaphore, #tpu.memory_space<semaphore_mem>>)
        %dma_wait3A_70 = tpu.memref_slice %arg3[%add3A_45] : memref<1600000xi32, #tpu.memory_space<hbm>> -> memref<800xi32, #tpu.memory_space<hbm>>
        %dma_wait3A_71 = tpu.memref_slice %arg3[%add3A_45] : memref<1600000xi32, #tpu.memory_space<hbm>> -> memref<800xi32, #tpu.memory_space<hbm>>
        tpu.wait_dma2 semaphore(%run_scoped3A : memref<!tpu.dma_semaphore, #tpu.memory_space<semaphore_mem>>) src(%dma_wait3A_71 : memref<800xi32, #tpu.memory_space<hbm>>) dst(%arg8 : memref<800xi32, #tpu.memory_space<vmem>>)
        tpu.yield
      }) : () -> ()
      "tpu.region"() ({
        %run_scoped3A = tpu.sem_alloc : memref<!tpu.dma_semaphore, #tpu.memory_space<semaphore_mem>>
        %dma_start3A_68 = tpu.memref_slice %arg4[%add3A_45] : memref<1600000xi32, #tpu.memory_space<hbm>> -> memref<800xi32, #tpu.memory_space<hbm>>
        %dma_start3A_69 = tpu.memref_slice %arg4[%add3A_45] : memref<1600000xi32, #tpu.memory_space<hbm>> -> memref<800xi32, #tpu.memory_space<hbm>>
        tpu.enqueue_dma source(%dma_start3A_69 : memref<800xi32, #tpu.memory_space<hbm>>) target(%arg10 : memref<800xi32, #tpu.memory_space<vmem>>) target_semaphore(%run_scoped3A : memref<!tpu.dma_semaphore, #tpu.memory_space<semaphore_mem>>)
        %dma_wait3A_70 = tpu.memref_slice %arg4[%add3A_45] : memref<1600000xi32, #tpu.memory_space<hbm>> -> memref<800xi32, #tpu.memory_space<hbm>>
        %dma_wait3A_71 = tpu.memref_slice %arg4[%add3A_45] : memref<1600000xi32, #tpu.memory_space<hbm>> -> memref<800xi32, #tpu.memory_space<hbm>>
        tpu.wait_dma2 semaphore(%run_scoped3A : memref<!tpu.dma_semaphore, #tpu.memory_space<semaphore_mem>>) src(%dma_wait3A_71 : memref<800xi32, #tpu.memory_space<hbm>>) dst(%arg10 : memref<800xi32, #tpu.memory_space<vmem>>)
        tpu.yield
      }) : () -> ()
      "tpu.region"() ({
        %run_scoped3A = tpu.sem_alloc : memref<!tpu.dma_semaphore, #tpu.memory_space<semaphore_mem>>
        %dma_start3A_68 = arith.constant 0 : i32
        %dma_start3A_69 = tpu.memref_slice %arg5[%add3A_45, %dma_start3A_68] : memref<1600000x4xf32, #tpu.memory_space<hbm>> -> memref<800x4xf32, #tpu.memory_space<hbm>>
        %dma_start3A_70 = arith.constant 0 : i32
        %dma_start3A_71 = tpu.memref_slice %arg5[%add3A_45, %dma_start3A_70] : memref<1600000x4xf32, #tpu.memory_space<hbm>> -> memref<800x4xf32, #tpu.memory_space<hbm>>
        tpu.enqueue_dma source(%dma_start3A_71 : memref<800x4xf32, #tpu.memory_space<hbm>>) target(%arg11 : memref<800x4xf32, #tpu.memory_space<vmem>>) target_semaphore(%run_scoped3A : memref<!tpu.dma_semaphore, #tpu.memory_space<semaphore_mem>>)
        %dma_wait3A_72 = arith.constant 0 : i32
        %dma_wait3A_73 = tpu.memref_slice %arg5[%add3A_45, %dma_wait3A_72] : memref<1600000x4xf32, #tpu.memory_space<hbm>> -> memref<800x4xf32, #tpu.memory_space<hbm>>
        %dma_wait3A_74 = arith.constant 0 : i32
        %dma_wait3A_75 = tpu.memref_slice %arg5[%add3A_45, %dma_wait3A_74] : memref<1600000x4xf32, #tpu.memory_space<hbm>> -> memref<800x4xf32, #tpu.memory_space<hbm>>
        tpu.wait_dma2 semaphore(%run_scoped3A : memref<!tpu.dma_semaphore, #tpu.memory_space<semaphore_mem>>) src(%dma_wait3A_75 : memref<800x4xf32, #tpu.memory_space<hbm>>) dst(%arg11 : memref<800x4xf32, #tpu.memory_space<vmem>>)
        tpu.yield
      }) : () -> ()
      %scan3A_46 = arith.constant 0 : i32
      %scan3A_47 = arith.constant 0 : i32
      %scan3A_48 = arith.constant 50 : i32
      %scan3A_49 = arith.addi %scan3A_47, %scan3A_48 : i32
      %scan3A_50 = arith.constant 1 : i32
      %scan3A_51 = scf.for %scan3A_68 = %scan3A_47 to %scan3A_49 step %scan3A_50 iter_args(%scan3A_69 = %scan3A_46) -> (i32)  : i32 {
        %mul3A_70 = arith.constant 16 : i32
        %mul3A_71 = arith.muli %scan3A_68, %mul3A_70 : i32
        %get3A = arith.index_cast %mul3A_71 : i32 to index
        %get3A_72 = tpu.vector_load %arg8[%get3A] {strides = array<i32>} : memref<800xi32, #tpu.memory_space<vmem>>, vector<16xi32>,
        %mul3A_73 = arith.constant 4 : i32
        %mul3A_74 = vector.broadcast %mul3A_73 : i32 to vector<16xi32>
        %mul3A_75 = arith.muli %get3A_72, %mul3A_74 : vector<16xi32>
        %add3A_76 = vector.broadcast %add3A_40 : i32 to vector<16xi32>
        %add3A_77 = arith.addi %mul3A_75, %add3A_76 : vector<16xi32>
        %swap3A = arith.index_cast %mul3A_71 : i32 to index
        %swap3A_78 = tpu.vector_load %arg9[%swap3A] {strides = array<i32>} : memref<800xi32, #tpu.memory_space<vmem>>, vector<16xi32>,
        tpu.vector_store %arg9[%swap3A], %add3A_77 {strides = array<i32>} : memref<800xi32, #tpu.memory_space<vmem>>, vector<16xi32>,
        %scan3A_79 = arith.constant 0 : i32
        scf.yield %scan3A_79 : i32
      }
      %scan3A_52 = arith.constant 50 : i32
      %dma_start3A = arith.constant 0 : i32
      %dma_start3A_53 = arith.constant 0 : i32
      %dma_start3A_54 = tpu.memref_slice %arg6[%dma_start3A, %dma_start3A_53] : memref<401408x16xf32, #tpu.memory_space<hbm>> -> memref<401408x16xf32, #tpu.memory_space<hbm>>
      tpu.enqueue_indirect_dma source(%dma_start3A_54 : memref<401408x16xf32, #tpu.memory_space<hbm>>) target(%arg12 : memref<800x16xf32, #tpu.memory_space<vmem>>) offsets(%arg9 : memref<800xi32, #tpu.memory_space<vmem>>) semaphore(%arg14 : memref<!tpu.dma_semaphore, #tpu.memory_space<semaphore_mem>>)
      %dma_wait3A = arith.constant 0 : i32
      %dma_wait3A_55 = arith.constant 0 : i32
      %dma_wait3A_56 = tpu.memref_slice %arg6[%dma_wait3A, %dma_wait3A_55] : memref<401408x16xf32, #tpu.memory_space<hbm>> -> memref<401408x16xf32, #tpu.memory_space<hbm>>
      tpu.wait_indirect_dma semaphore(%arg14 : memref<!tpu.dma_semaphore, #tpu.memory_space<semaphore_mem>>) src(%dma_wait3A_56 : memref<401408x16xf32, #tpu.memory_space<hbm>>) dst(%arg12 : memref<800x16xf32, #tpu.memory_space<vmem>>)
      %broadcast_in_dim3A = arith.constant 0 : i32
      %broadcast_in_dim3A_57 = vector.broadcast %broadcast_in_dim3A : i32 to vector<16xi32>
      %add3A_58 = vector.broadcast %add3A_40 : i32 to vector<16xi32>
      %add3A_59 = arith.addi %broadcast_in_dim3A_57, %add3A_58 : vector<16xi32>
      %scan3A_60 = arith.constant 0 : i32
      %scan3A_61 = arith.constant 0 : i32
      %scan3A_62 = arith.constant 800 : i32
      %scan3A_63 = arith.addi %scan3A_61, %scan3A_62 : i32
      %scan3A_64 = arith.constant 1 : i32
      %scan3A_65 = scf.for %scan3A_68 = %scan3A_61 to %scan3A_63 step %scan3A_64 iter_args(%scan3A_69 = %scan3A_60) -> (i32)  : i32 {
        %add3A_70 = vector.broadcast %scan3A_68 : i32 to vector<16xi32>
        %add3A_71 = arith.addi %broadcast_in_dim3A_57, %add3A_70 : vector<16xi32>
        %gather3A = tpu.vector_load_idx %arg11[%add3A_71, %add3A_59] : memref<800x4xf32, #tpu.memory_space<vmem>>[vector<16xi32>, vector<16xi32>], vector<16xf32>,
        %get3A = arith.index_cast %scan3A_68 : i32 to index
        %get3A_72 = arith.constant 0 : index
        %get3A_73 = tpu.vector_load %arg12[%get3A, %get3A_72] {strides = array<i32>} : memref<800x16xf32, #tpu.memory_space<vmem>>, vector<16xf32>,
        %mul3A_74 = arith.mulf %get3A_73, %gather3A : vector<16xf32>
        %swap3A = arith.index_cast %scan3A_68 : i32 to index
        %swap3A_75 = arith.constant 0 : index
        %swap3A_76 = tpu.vector_load %arg12[%swap3A, %swap3A_75] {strides = array<i32>} : memref<800x16xf32, #tpu.memory_space<vmem>>, vector<16xf32>,
        tpu.vector_store %arg12[%swap3A, %swap3A_75], %mul3A_74 {strides = array<i32>} : memref<800x16xf32, #tpu.memory_space<vmem>>, vector<16xf32>,
        %scan3A_77 = arith.constant 0 : i32
        scf.yield %scan3A_77 : i32
      }
      %scan3A_66 = arith.constant 800 : i32
      "tpu.region"() ({
        %run_scoped3A = tpu.sem_alloc : memref<!tpu.dma_semaphore, #tpu.memory_space<semaphore_mem>>
        %dma_start3A_68 = arith.constant 0 : i32
        %dma_start3A_69 = arith.constant 0 : i32
        %dma_start3A_70 = tpu.memref_slice %arg13[%dma_start3A_68, %dma_start3A_69] : memref<100352x16xf32, #tpu.memory_space<vmem_shared>> -> memref<100352x16xf32, #tpu.memory_space<vmem_shared>>
        tpu.enqueue_indirect_dma source(%arg12 : memref<800x16xf32, #tpu.memory_space<vmem>>) target(%dma_start3A_70 : memref<100352x16xf32, #tpu.memory_space<vmem_shared>>) offsets(%arg10 : memref<800xi32, #tpu.memory_space<vmem>>) semaphore(%run_scoped3A : memref<!tpu.dma_semaphore, #tpu.memory_space<semaphore_mem>>) {add = true}
        %dma_wait3A_71 = arith.constant 0 : i32
        %dma_wait3A_72 = arith.constant 0 : i32
        %dma_wait3A_73 = tpu.memref_slice %arg13[%dma_wait3A_71, %dma_wait3A_72] : memref<100352x16xf32, #tpu.memory_space<vmem_shared>> -> memref<100352x16xf32, #tpu.memory_space<vmem_shared>>
        tpu.wait_indirect_dma semaphore(%run_scoped3A : memref<!tpu.dma_semaphore, #tpu.memory_space<semaphore_mem>>) src(%arg12 : memref<800x16xf32, #tpu.memory_space<vmem>>) dst(%dma_wait3A_73 : memref<100352x16xf32, #tpu.memory_space<vmem_shared>>)
        tpu.yield
      }) : () -> ()
      %scan3A_67 = arith.constant 0 : i32
      scf.yield %scan3A_67 : i32
    }
    %scan3A_24 = arith.constant 125 : i32
    %barrier3A_25 = arith.constant 0 : index
    tpu.barrier barrier_id(%barrier3A_25)
    %eq3A_26 = arith.constant 0 : i32
    %eq3A_27 = arith.cmpi eq, %arg0, %eq3A_26 : i32
    %convert_element_type3A_28 = arith.extui %eq3A_27 : i1 to i32
    %cond3A_29 = arith.constant 0 : i32
    %cond3A_30 = arith.cmpi ne, %convert_element_type3A_28, %cond3A_29 : i32
    scf.if %cond3A_30 {
      %mul3A_36 = arith.constant 6272 : i32
      %mul3A_37 = arith.muli %arg1, %mul3A_36 : i32
      %mul3A_38 = arith.constant 6272 : i32
      %mul3A_39 = arith.muli %arg1, %mul3A_38 : i32
      %run_scoped3A = arith.constant 1 : i32
      "tpu.region"() ({
        %run_scoped3A_40 = tpu.sem_alloc : memref<!tpu.dma_semaphore, #tpu.memory_space<semaphore_mem>>
        %dma_start3A = arith.constant 0 : i32
        %dma_start3A_41 = tpu.memref_slice %arg7[%mul3A_39, %run_scoped3A, %dma_start3A] : memref<100352x4x16xf32, #tpu.memory_space<hbm>> -> memref<6272x1x16xf32, #tpu.memory_space<hbm>>
        %dma_start3A_42 = tpu.memref_squeeze %dma_start3A_41 : memref<6272x1x16xf32, #tpu.memory_space<hbm>> -> memref<6272x16xf32, #tpu.memory_space<hbm>>
        %dma_start3A_43 = arith.constant 0 : i32
        %dma_start3A_44 = tpu.memref_slice %arg13[%mul3A_37, %dma_start3A_43] : memref<100352x16xf32, #tpu.memory_space<vmem_shared>> -> memref<6272x16xf32, #tpu.memory_space<vmem_shared>>
        tpu.enqueue_dma source(%dma_start3A_44 : memref<6272x16xf32, #tpu.memory_space<vmem_shared>>) target(%dma_start3A_42 : memref<6272x16xf32, #tpu.memory_space<hbm>>) target_semaphore(%run_scoped3A_40 : memref<!tpu.dma_semaphore, #tpu.memory_space<semaphore_mem>>)
        %dma_wait3A = arith.constant 0 : i32
        %dma_wait3A_45 = tpu.memref_slice %arg7[%mul3A_39, %run_scoped3A, %dma_wait3A] : memref<100352x4x16xf32, #tpu.memory_space<hbm>> -> memref<6272x1x16xf32, #tpu.memory_space<hbm>>
        %dma_wait3A_46 = tpu.memref_squeeze %dma_wait3A_45 : memref<6272x1x16xf32, #tpu.memory_space<hbm>> -> memref<6272x16xf32, #tpu.memory_space<hbm>>
        %dma_wait3A_47 = arith.constant 0 : i32
        %dma_wait3A_48 = tpu.memref_slice %arg13[%mul3A_37, %dma_wait3A_47] : memref<100352x16xf32, #tpu.memory_space<vmem_shared>> -> memref<6272x16xf32, #tpu.memory_space<vmem_shared>>
        tpu.wait_dma2 semaphore(%run_scoped3A_40 : memref<!tpu.dma_semaphore, #tpu.memory_space<semaphore_mem>>) src(%dma_wait3A_48 : memref<6272x16xf32, #tpu.memory_space<vmem_shared>>) dst(%dma_wait3A_46 : memref<6272x16xf32, #tpu.memory_space<hbm>>)
        tpu.yield
      }) : () -> ()
    } else {
    }
    %eq3A_31 = arith.constant 1 : i32
    %eq3A_32 = arith.cmpi eq, %arg0, %eq3A_31 : i32
    %convert_element_type3A_33 = arith.extui %eq3A_32 : i1 to i32
    %cond3A_34 = arith.constant 0 : i32
    %cond3A_35 = arith.cmpi ne, %convert_element_type3A_33, %cond3A_34 : i32
    scf.if %cond3A_35 {
      %mul3A_36 = arith.constant 6272 : i32
      %mul3A_37 = arith.muli %arg1, %mul3A_36 : i32
      %mul3A_38 = arith.constant 6272 : i32
      %mul3A_39 = arith.muli %arg1, %mul3A_38 : i32
      %run_scoped3A = arith.constant 3 : i32
      "tpu.region"() ({
        %run_scoped3A_40 = tpu.sem_alloc : memref<!tpu.dma_semaphore, #tpu.memory_space<semaphore_mem>>
        %dma_start3A = arith.constant 0 : i32
        %dma_start3A_41 = tpu.memref_slice %arg7[%mul3A_39, %run_scoped3A, %dma_start3A] : memref<100352x4x16xf32, #tpu.memory_space<hbm>> -> memref<6272x1x16xf32, #tpu.memory_space<hbm>>
        %dma_start3A_42 = tpu.memref_squeeze %dma_start3A_41 : memref<6272x1x16xf32, #tpu.memory_space<hbm>> -> memref<6272x16xf32, #tpu.memory_space<hbm>>
        %dma_start3A_43 = arith.constant 0 : i32
        %dma_start3A_44 = tpu.memref_slice %arg13[%mul3A_37, %dma_start3A_43] : memref<100352x16xf32, #tpu.memory_space<vmem_shared>> -> memref<6272x16xf32, #tpu.memory_space<vmem_shared>>
        tpu.enqueue_dma source(%dma_start3A_44 : memref<6272x16xf32, #tpu.memory_space<vmem_shared>>) target(%dma_start3A_42 : memref<6272x16xf32, #tpu.memory_space<hbm>>) target_semaphore(%run_scoped3A_40 : memref<!tpu.dma_semaphore, #tpu.memory_space<semaphore_mem>>)
        %dma_wait3A = arith.constant 0 : i32
        %dma_wait3A_45 = tpu.memref_slice %arg7[%mul3A_39, %run_scoped3A, %dma_wait3A] : memref<100352x4x16xf32, #tpu.memory_space<hbm>> -> memref<6272x1x16xf32, #tpu.memory_space<hbm>>
        %dma_wait3A_46 = tpu.memref_squeeze %dma_wait3A_45 : memref<6272x1x16xf32, #tpu.memory_space<hbm>> -> memref<6272x16xf32, #tpu.memory_space<hbm>>
        %dma_wait3A_47 = arith.constant 0 : i32
        %dma_wait3A_48 = tpu.memref_slice %arg13[%mul3A_37, %dma_wait3A_47] : memref<100352x16xf32, #tpu.memory_space<vmem_shared>> -> memref<6272x16xf32, #tpu.memory_space<vmem_shared>>
        tpu.wait_dma2 semaphore(%run_scoped3A_40 : memref<!tpu.dma_semaphore, #tpu.memory_space<semaphore_mem>>) src(%dma_wait3A_48 : memref<6272x16xf32, #tpu.memory_space<vmem_shared>>) dst(%dma_wait3A_46 : memref<6272x16xf32, #tpu.memory_space<hbm>>)
        tpu.yield
      }) : () -> ()
    } else {
    }
    return
  }
}

#map = affine_map<(d0, d1) -> (0)>
#map1 = affine_map<(d0, d1) -> (0, 0)>
#map2 = affine_map<(d0, d1) -> (0, 0, 0)>
module attributes {stable_mosaic.version = 14 : i64} {
  func.func @_sc1_body(%arg0: i32, %arg1: i32, %arg2: memref<16xf32, #tpu.memory_space<hbm>>, %arg3: memref<6272x8xf32, #tpu.memory_space<hbm>>, %arg4: memref<1600000xi32, #tpu.memory_space<hbm>>, %arg5: memref<1600000xi32, #tpu.memory_space<hbm>>, %arg6: memref<100352x8xf32, #tpu.memory_space<hbm>>, %arg7: memref<1600000x4xf32, #tpu.memory_space<hbm>>, %arg8: memref<2x100352x8xf32, #tpu.memory_space<hbm>>, %arg9: memref<16xf32, #tpu.memory_space<vmem>>, %arg10: memref<2000xi32, #tpu.memory_space<vmem>>, %arg11: memref<2000xi32, #tpu.memory_space<vmem>>, %arg12: memref<2000x8xf32, #tpu.memory_space<vmem>>, %arg13: memref<2000x8xf32, #tpu.memory_space<vmem>>, %arg14: memref<2000x4xf32, #tpu.memory_space<vmem>>, %arg15: memref<2000x8xf32, #tpu.memory_space<vmem>>, %arg16: memref<100352x8xf32, #tpu.memory_space<vmem_shared>>, %arg17: memref<!tpu.dma_semaphore, #tpu.memory_space<semaphore_mem>>) attributes {dimension_semantics = [#tpu.dimension_semantics<core_parallel>, #tpu.dimension_semantics<subcore_parallel>], iteration_bounds = array<i64: 2, 16>, scalar_prefetch = 0 : i64, scratch_operands = 9 : i64, tpu.core_type = #tpu.core_type<sc_vector_subcore>, window_params = [{transform_indices = #map}, {transform_indices = #map1}, {transform_indices = #map}, {transform_indices = #map}, {transform_indices = #map1}, {transform_indices = #map1}, {transform_indices = #map2}]} {
    "tpu.region"() ({
      %run_scoped3A = tpu.sem_alloc : memref<!tpu.dma_semaphore, #tpu.memory_space<semaphore_mem>>
      tpu.enqueue_dma source(%arg2 : memref<16xf32, #tpu.memory_space<hbm>>) target(%arg9 : memref<16xf32, #tpu.memory_space<vmem>>) target_semaphore(%run_scoped3A : memref<!tpu.dma_semaphore, #tpu.memory_space<semaphore_mem>>)
      tpu.wait_dma2 semaphore(%run_scoped3A : memref<!tpu.dma_semaphore, #tpu.memory_space<semaphore_mem>>) src(%arg2 : memref<16xf32, #tpu.memory_space<hbm>>) dst(%arg9 : memref<16xf32, #tpu.memory_space<vmem>>)
      tpu.yield
    }) : () -> ()
    %mul3A = arith.constant 6272 : i32
    %mul3A_0 = arith.muli %arg1, %mul3A : i32
    "tpu.region"() ({
      %run_scoped3A = tpu.sem_alloc : memref<!tpu.dma_semaphore, #tpu.memory_space<semaphore_mem>>
      %dma_start3A = arith.constant 0 : i32
      %dma_start3A_33 = tpu.memref_slice %arg16[%mul3A_0, %dma_start3A] : memref<100352x8xf32, #tpu.memory_space<vmem_shared>> -> memref<6272x8xf32, #tpu.memory_space<vmem_shared>>
      tpu.enqueue_dma source(%arg3 : memref<6272x8xf32, #tpu.memory_space<hbm>>) target(%dma_start3A_33 : memref<6272x8xf32, #tpu.memory_space<vmem_shared>>) target_semaphore(%run_scoped3A : memref<!tpu.dma_semaphore, #tpu.memory_space<semaphore_mem>>)
      %dma_wait3A = arith.constant 0 : i32
      %dma_wait3A_34 = tpu.memref_slice %arg16[%mul3A_0, %dma_wait3A] : memref<100352x8xf32, #tpu.memory_space<vmem_shared>> -> memref<6272x8xf32, #tpu.memory_space<vmem_shared>>
      tpu.wait_dma2 semaphore(%run_scoped3A : memref<!tpu.dma_semaphore, #tpu.memory_space<semaphore_mem>>) src(%arg3 : memref<6272x8xf32, #tpu.memory_space<hbm>>) dst(%dma_wait3A_34 : memref<6272x8xf32, #tpu.memory_space<vmem_shared>>)
      tpu.yield
    }) : () -> ()
    %iota3A = tpu.iota {dimensions = array<i32: 0>} : vector<16xi32>
    %shift_right_logical3A = arith.constant 2 : i32
    %shift_right_logical3A_1 = vector.broadcast %shift_right_logical3A : i32 to vector<16xi32>
    %shift_right_logical3A_2 = arith.shrui %iota3A, %shift_right_logical3A_1 : vector<16xi32>
    %and3A = arith.constant 3 : i32
    %and3A_3 = vector.broadcast %and3A : i32 to vector<16xi32>
    %and3A_4 = arith.andi %iota3A, %and3A_3 : vector<16xi32>
    %add3A = arith.constant 4 : i32
    %add3A_5 = vector.broadcast %add3A : i32 to vector<16xi32>
    %add3A_6 = arith.addi %and3A_4, %add3A_5 : vector<16xi32>
    %scan3A = arith.constant 0 : i32
    %scan3A_7 = arith.constant 0 : i32
    %scan3A_8 = arith.constant 500 : i32
    %scan3A_9 = arith.addi %scan3A_7, %scan3A_8 : i32
    %scan3A_10 = arith.constant 1 : i32
    %scan3A_11 = scf.for %scan3A_33 = %scan3A_7 to %scan3A_9 step %scan3A_10 iter_args(%scan3A_34 = %scan3A) -> (i32)  : i32 {
      %mul3A_35 = arith.constant 4 : i32
      %mul3A_36 = arith.muli %scan3A_33, %mul3A_35 : i32
      %add3A_37 = vector.broadcast %mul3A_36 : i32 to vector<16xi32>
      %add3A_38 = arith.addi %add3A_37, %shift_right_logical3A_2 : vector<16xi32>
      %broadcast_in_dim3A = arith.constant 0.000000e+00 : f32
      %broadcast_in_dim3A_39 = vector.broadcast %broadcast_in_dim3A : f32 to vector<16xf32>
      tpu.vector_store_idx %arg15[%add3A_38, %add3A_6], %broadcast_in_dim3A_39 : memref<2000x8xf32, #tpu.memory_space<vmem>>[vector<16xi32>, vector<16xi32>], vector<16xf32>,
      %scan3A_40 = arith.constant 0 : i32
      scf.yield %scan3A_40 : i32
    }
    %scan3A_12 = arith.constant 500 : i32
    %barrier3A = arith.constant 0 : index
    tpu.barrier barrier_id(%barrier3A)
    %mul3A_13 = arith.constant 800000 : i32
    %mul3A_14 = arith.muli %arg0, %mul3A_13 : i32
    %mul3A_15 = arith.constant 50000 : i32
    %mul3A_16 = arith.muli %arg1, %mul3A_15 : i32
    %add3A_17 = arith.addi %mul3A_14, %mul3A_16 : i32
    %scan3A_18 = arith.constant 0 : i32
    %scan3A_19 = arith.constant 0 : i32
    %scan3A_20 = arith.constant 25 : i32
    %scan3A_21 = arith.addi %scan3A_19, %scan3A_20 : i32
    %scan3A_22 = arith.constant 1 : i32
    %scan3A_23 = scf.for %scan3A_33 = %scan3A_19 to %scan3A_21 step %scan3A_22 iter_args(%scan3A_34 = %scan3A_18) -> (i32)  : i32 {
      %mul3A_35 = arith.constant 2000 : i32
      %mul3A_36 = arith.muli %scan3A_33, %mul3A_35 : i32
      %add3A_37 = arith.addi %add3A_17, %mul3A_36 : i32
      "tpu.region"() ({
        %run_scoped3A = tpu.sem_alloc : memref<!tpu.dma_semaphore, #tpu.memory_space<semaphore_mem>>
        %dma_start3A_57 = tpu.memref_slice %arg4[%add3A_37] : memref<1600000xi32, #tpu.memory_space<hbm>> -> memref<2000xi32, #tpu.memory_space<hbm>>
        %dma_start3A_58 = tpu.memref_slice %arg4[%add3A_37] : memref<1600000xi32, #tpu.memory_space<hbm>> -> memref<2000xi32, #tpu.memory_space<hbm>>
        tpu.enqueue_dma source(%dma_start3A_58 : memref<2000xi32, #tpu.memory_space<hbm>>) target(%arg10 : memref<2000xi32, #tpu.memory_space<vmem>>) target_semaphore(%run_scoped3A : memref<!tpu.dma_semaphore, #tpu.memory_space<semaphore_mem>>)
        %dma_wait3A_59 = tpu.memref_slice %arg4[%add3A_37] : memref<1600000xi32, #tpu.memory_space<hbm>> -> memref<2000xi32, #tpu.memory_space<hbm>>
        %dma_wait3A_60 = tpu.memref_slice %arg4[%add3A_37] : memref<1600000xi32, #tpu.memory_space<hbm>> -> memref<2000xi32, #tpu.memory_space<hbm>>
        tpu.wait_dma2 semaphore(%run_scoped3A : memref<!tpu.dma_semaphore, #tpu.memory_space<semaphore_mem>>) src(%dma_wait3A_60 : memref<2000xi32, #tpu.memory_space<hbm>>) dst(%arg10 : memref<2000xi32, #tpu.memory_space<vmem>>)
        tpu.yield
      }) : () -> ()
      "tpu.region"() ({
        %run_scoped3A = tpu.sem_alloc : memref<!tpu.dma_semaphore, #tpu.memory_space<semaphore_mem>>
        %dma_start3A_57 = tpu.memref_slice %arg5[%add3A_37] : memref<1600000xi32, #tpu.memory_space<hbm>> -> memref<2000xi32, #tpu.memory_space<hbm>>
        %dma_start3A_58 = tpu.memref_slice %arg5[%add3A_37] : memref<1600000xi32, #tpu.memory_space<hbm>> -> memref<2000xi32, #tpu.memory_space<hbm>>
        tpu.enqueue_dma source(%dma_start3A_58 : memref<2000xi32, #tpu.memory_space<hbm>>) target(%arg11 : memref<2000xi32, #tpu.memory_space<vmem>>) target_semaphore(%run_scoped3A : memref<!tpu.dma_semaphore, #tpu.memory_space<semaphore_mem>>)
        %dma_wait3A_59 = tpu.memref_slice %arg5[%add3A_37] : memref<1600000xi32, #tpu.memory_space<hbm>> -> memref<2000xi32, #tpu.memory_space<hbm>>
        %dma_wait3A_60 = tpu.memref_slice %arg5[%add3A_37] : memref<1600000xi32, #tpu.memory_space<hbm>> -> memref<2000xi32, #tpu.memory_space<hbm>>
        tpu.wait_dma2 semaphore(%run_scoped3A : memref<!tpu.dma_semaphore, #tpu.memory_space<semaphore_mem>>) src(%dma_wait3A_60 : memref<2000xi32, #tpu.memory_space<hbm>>) dst(%arg11 : memref<2000xi32, #tpu.memory_space<vmem>>)
        tpu.yield
      }) : () -> ()
      %dma_start3A = arith.constant 0 : i32
      %dma_start3A_38 = arith.constant 0 : i32
      %dma_start3A_39 = tpu.memref_slice %arg6[%dma_start3A, %dma_start3A_38] : memref<100352x8xf32, #tpu.memory_space<hbm>> -> memref<100352x8xf32, #tpu.memory_space<hbm>>
      tpu.enqueue_indirect_dma source(%dma_start3A_39 : memref<100352x8xf32, #tpu.memory_space<hbm>>) target(%arg12 : memref<2000x8xf32, #tpu.memory_space<vmem>>) offsets(%arg10 : memref<2000xi32, #tpu.memory_space<vmem>>) semaphore(%arg17 : memref<!tpu.dma_semaphore, #tpu.memory_space<semaphore_mem>>)
      %dma_wait3A = arith.constant 0 : i32
      %dma_wait3A_40 = arith.constant 0 : i32
      %dma_wait3A_41 = tpu.memref_slice %arg6[%dma_wait3A, %dma_wait3A_40] : memref<100352x8xf32, #tpu.memory_space<hbm>> -> memref<100352x8xf32, #tpu.memory_space<hbm>>
      tpu.wait_indirect_dma semaphore(%arg17 : memref<!tpu.dma_semaphore, #tpu.memory_space<semaphore_mem>>) src(%dma_wait3A_41 : memref<100352x8xf32, #tpu.memory_space<hbm>>) dst(%arg12 : memref<2000x8xf32, #tpu.memory_space<vmem>>)
      %dma_start3A_42 = arith.constant 0 : i32
      %dma_start3A_43 = arith.constant 0 : i32
      %dma_start3A_44 = tpu.memref_slice %arg6[%dma_start3A_42, %dma_start3A_43] : memref<100352x8xf32, #tpu.memory_space<hbm>> -> memref<100352x8xf32, #tpu.memory_space<hbm>>
      tpu.enqueue_indirect_dma source(%dma_start3A_44 : memref<100352x8xf32, #tpu.memory_space<hbm>>) target(%arg13 : memref<2000x8xf32, #tpu.memory_space<vmem>>) offsets(%arg11 : memref<2000xi32, #tpu.memory_space<vmem>>) semaphore(%arg17 : memref<!tpu.dma_semaphore, #tpu.memory_space<semaphore_mem>>)
      %dma_wait3A_45 = arith.constant 0 : i32
      %dma_wait3A_46 = arith.constant 0 : i32
      %dma_wait3A_47 = tpu.memref_slice %arg6[%dma_wait3A_45, %dma_wait3A_46] : memref<100352x8xf32, #tpu.memory_space<hbm>> -> memref<100352x8xf32, #tpu.memory_space<hbm>>
      tpu.wait_indirect_dma semaphore(%arg17 : memref<!tpu.dma_semaphore, #tpu.memory_space<semaphore_mem>>) src(%dma_wait3A_47 : memref<100352x8xf32, #tpu.memory_space<hbm>>) dst(%arg13 : memref<2000x8xf32, #tpu.memory_space<vmem>>)
      %get3A = arith.constant 0 : index
      %get3A_48 = tpu.vector_load %arg9[%get3A] {strides = array<i32>} : memref<16xf32, #tpu.memory_space<vmem>>, vector<16xf32>,
      %scan3A_49 = arith.constant 0 : i32
      %scan3A_50 = arith.constant 0 : i32
      %scan3A_51 = arith.constant 500 : i32
      %scan3A_52 = arith.addi %scan3A_50, %scan3A_51 : i32
      %scan3A_53 = arith.constant 1 : i32
      %scan3A_54 = scf.for %scan3A_57 = %scan3A_50 to %scan3A_52 step %scan3A_53 iter_args(%scan3A_58 = %scan3A_49) -> (i32)  : i32 {
        %mul3A_59 = arith.constant 4 : i32
        %mul3A_60 = arith.muli %scan3A_57, %mul3A_59 : i32
        %add3A_61 = vector.broadcast %mul3A_60 : i32 to vector<16xi32>
        %add3A_62 = arith.addi %add3A_61, %shift_right_logical3A_2 : vector<16xi32>
        %gather3A = tpu.vector_load_idx %arg12[%add3A_62, %and3A_4] : memref<2000x8xf32, #tpu.memory_space<vmem>>[vector<16xi32>, vector<16xi32>], vector<16xf32>,
        %gather3A_63 = tpu.vector_load_idx %arg13[%add3A_62, %add3A_6] : memref<2000x8xf32, #tpu.memory_space<vmem>>[vector<16xi32>, vector<16xi32>], vector<16xf32>,
        %add3A_64 = arith.addf %gather3A, %gather3A_63 : vector<16xf32>
        %gt3A = arith.constant 0.000000e+00 : f32
        %gt3A_65 = vector.broadcast %gt3A : f32 to vector<16xf32>
        %gt3A_66 = arith.cmpf ogt, %add3A_64, %gt3A_65 : vector<16xf32>
        %mul3A_67 = arith.constant 2.000000e-01 : f32
        %mul3A_68 = vector.broadcast %mul3A_67 : f32 to vector<16xf32>
        %mul3A_69 = arith.mulf %mul3A_68, %add3A_64 : vector<16xf32>
        %select_n3A = arith.select %gt3A_66, %add3A_64, %mul3A_69 : vector<16xi1>, vector<16xf32>
        %add3A_70 = arith.addf %get3A_48, %gather3A_63 : vector<16xf32>
        %gt3A_71 = arith.constant 0.000000e+00 : f32
        %gt3A_72 = vector.broadcast %gt3A_71 : f32 to vector<16xf32>
        %gt3A_73 = arith.cmpf ogt, %add3A_70, %gt3A_72 : vector<16xf32>
        %mul3A_74 = arith.constant 2.000000e-01 : f32
        %mul3A_75 = vector.broadcast %mul3A_74 : f32 to vector<16xf32>
        %mul3A_76 = arith.mulf %mul3A_75, %add3A_70 : vector<16xf32>
        %select_n3A_77 = arith.select %gt3A_73, %add3A_70, %mul3A_76 : vector<16xi1>, vector<16xf32>
        %sub3A = arith.subf %select_n3A, %select_n3A_77 : vector<16xf32>
        %exp3A = math.exp %sub3A : vector<16xf32>
        tpu.vector_store_idx %arg14[%add3A_62, %and3A_4], %exp3A : memref<2000x4xf32, #tpu.memory_space<vmem>>[vector<16xi32>, vector<16xi32>], vector<16xf32>,
        tpu.vector_store_idx %arg15[%add3A_62, %and3A_4], %exp3A : memref<2000x8xf32, #tpu.memory_space<vmem>>[vector<16xi32>, vector<16xi32>], vector<16xf32>,
        %scan3A_78 = arith.constant 0 : i32
        scf.yield %scan3A_78 : i32
      }
      %scan3A_55 = arith.constant 500 : i32
      "tpu.region"() ({
        %run_scoped3A = tpu.sem_alloc : memref<!tpu.dma_semaphore, #tpu.memory_space<semaphore_mem>>
        %dma_start3A_57 = arith.constant 0 : i32
        %dma_start3A_58 = tpu.memref_slice %arg7[%add3A_37, %dma_start3A_57] : memref<1600000x4xf32, #tpu.memory_space<hbm>> -> memref<2000x4xf32, #tpu.memory_space<hbm>>
        %dma_start3A_59 = arith.constant 0 : i32
        %dma_start3A_60 = tpu.memref_slice %arg7[%add3A_37, %dma_start3A_59] : memref<1600000x4xf32, #tpu.memory_space<hbm>> -> memref<2000x4xf32, #tpu.memory_space<hbm>>
        tpu.enqueue_dma source(%arg14 : memref<2000x4xf32, #tpu.memory_space<vmem>>) target(%dma_start3A_60 : memref<2000x4xf32, #tpu.memory_space<hbm>>) target_semaphore(%run_scoped3A : memref<!tpu.dma_semaphore, #tpu.memory_space<semaphore_mem>>)
        %dma_wait3A_61 = arith.constant 0 : i32
        %dma_wait3A_62 = tpu.memref_slice %arg7[%add3A_37, %dma_wait3A_61] : memref<1600000x4xf32, #tpu.memory_space<hbm>> -> memref<2000x4xf32, #tpu.memory_space<hbm>>
        %dma_wait3A_63 = arith.constant 0 : i32
        %dma_wait3A_64 = tpu.memref_slice %arg7[%add3A_37, %dma_wait3A_63] : memref<1600000x4xf32, #tpu.memory_space<hbm>> -> memref<2000x4xf32, #tpu.memory_space<hbm>>
        tpu.wait_dma2 semaphore(%run_scoped3A : memref<!tpu.dma_semaphore, #tpu.memory_space<semaphore_mem>>) src(%arg14 : memref<2000x4xf32, #tpu.memory_space<vmem>>) dst(%dma_wait3A_64 : memref<2000x4xf32, #tpu.memory_space<hbm>>)
        tpu.yield
      }) : () -> ()
      "tpu.region"() ({
        %run_scoped3A = tpu.sem_alloc : memref<!tpu.dma_semaphore, #tpu.memory_space<semaphore_mem>>
        %dma_start3A_57 = arith.constant 0 : i32
        %dma_start3A_58 = arith.constant 0 : i32
        %dma_start3A_59 = tpu.memref_slice %arg16[%dma_start3A_57, %dma_start3A_58] : memref<100352x8xf32, #tpu.memory_space<vmem_shared>> -> memref<100352x8xf32, #tpu.memory_space<vmem_shared>>
        tpu.enqueue_indirect_dma source(%arg15 : memref<2000x8xf32, #tpu.memory_space<vmem>>) target(%dma_start3A_59 : memref<100352x8xf32, #tpu.memory_space<vmem_shared>>) offsets(%arg11 : memref<2000xi32, #tpu.memory_space<vmem>>) semaphore(%run_scoped3A : memref<!tpu.dma_semaphore, #tpu.memory_space<semaphore_mem>>) {add = true}
        %dma_wait3A_60 = arith.constant 0 : i32
        %dma_wait3A_61 = arith.constant 0 : i32
        %dma_wait3A_62 = tpu.memref_slice %arg16[%dma_wait3A_60, %dma_wait3A_61] : memref<100352x8xf32, #tpu.memory_space<vmem_shared>> -> memref<100352x8xf32, #tpu.memory_space<vmem_shared>>
        tpu.wait_indirect_dma semaphore(%run_scoped3A : memref<!tpu.dma_semaphore, #tpu.memory_space<semaphore_mem>>) src(%arg15 : memref<2000x8xf32, #tpu.memory_space<vmem>>) dst(%dma_wait3A_62 : memref<100352x8xf32, #tpu.memory_space<vmem_shared>>)
        tpu.yield
      }) : () -> ()
      %scan3A_56 = arith.constant 0 : i32
      scf.yield %scan3A_56 : i32
    }
    %scan3A_24 = arith.constant 25 : i32
    %barrier3A_25 = arith.constant 0 : index
    tpu.barrier barrier_id(%barrier3A_25)
    %eq3A = arith.constant 0 : i32
    %eq3A_26 = arith.cmpi eq, %arg0, %eq3A : i32
    %convert_element_type3A = arith.extui %eq3A_26 : i1 to i32
    %cond3A = arith.constant 0 : i32
    %cond3A_27 = arith.cmpi ne, %convert_element_type3A, %cond3A : i32
    scf.if %cond3A_27 {
      %mul3A_33 = arith.constant 6272 : i32
      %mul3A_34 = arith.muli %arg1, %mul3A_33 : i32
      %mul3A_35 = arith.constant 6272 : i32
      %mul3A_36 = arith.muli %arg1, %mul3A_35 : i32
      %run_scoped3A = arith.constant 0 : i32
      "tpu.region"() ({
        %run_scoped3A_37 = tpu.sem_alloc : memref<!tpu.dma_semaphore, #tpu.memory_space<semaphore_mem>>
        %dma_start3A = arith.constant 0 : i32
        %dma_start3A_38 = tpu.memref_slice %arg8[%run_scoped3A, %mul3A_36, %dma_start3A] : memref<2x100352x8xf32, #tpu.memory_space<hbm>> -> memref<1x6272x8xf32, #tpu.memory_space<hbm>>
        %dma_start3A_39 = tpu.memref_squeeze %dma_start3A_38 : memref<1x6272x8xf32, #tpu.memory_space<hbm>> -> memref<6272x8xf32, #tpu.memory_space<hbm>>
        %dma_start3A_40 = arith.constant 0 : i32
        %dma_start3A_41 = tpu.memref_slice %arg16[%mul3A_34, %dma_start3A_40] : memref<100352x8xf32, #tpu.memory_space<vmem_shared>> -> memref<6272x8xf32, #tpu.memory_space<vmem_shared>>
        tpu.enqueue_dma source(%dma_start3A_41 : memref<6272x8xf32, #tpu.memory_space<vmem_shared>>) target(%dma_start3A_39 : memref<6272x8xf32, #tpu.memory_space<hbm>>) target_semaphore(%run_scoped3A_37 : memref<!tpu.dma_semaphore, #tpu.memory_space<semaphore_mem>>)
        %dma_wait3A = arith.constant 0 : i32
        %dma_wait3A_42 = tpu.memref_slice %arg8[%run_scoped3A, %mul3A_36, %dma_wait3A] : memref<2x100352x8xf32, #tpu.memory_space<hbm>> -> memref<1x6272x8xf32, #tpu.memory_space<hbm>>
        %dma_wait3A_43 = tpu.memref_squeeze %dma_wait3A_42 : memref<1x6272x8xf32, #tpu.memory_space<hbm>> -> memref<6272x8xf32, #tpu.memory_space<hbm>>
        %dma_wait3A_44 = arith.constant 0 : i32
        %dma_wait3A_45 = tpu.memref_slice %arg16[%mul3A_34, %dma_wait3A_44] : memref<100352x8xf32, #tpu.memory_space<vmem_shared>> -> memref<6272x8xf32, #tpu.memory_space<vmem_shared>>
        tpu.wait_dma2 semaphore(%run_scoped3A_37 : memref<!tpu.dma_semaphore, #tpu.memory_space<semaphore_mem>>) src(%dma_wait3A_45 : memref<6272x8xf32, #tpu.memory_space<vmem_shared>>) dst(%dma_wait3A_43 : memref<6272x8xf32, #tpu.memory_space<hbm>>)
        tpu.yield
      }) : () -> ()
    } else {
    }
    %eq3A_28 = arith.constant 1 : i32
    %eq3A_29 = arith.cmpi eq, %arg0, %eq3A_28 : i32
    %convert_element_type3A_30 = arith.extui %eq3A_29 : i1 to i32
    %cond3A_31 = arith.constant 0 : i32
    %cond3A_32 = arith.cmpi ne, %convert_element_type3A_30, %cond3A_31 : i32
    scf.if %cond3A_32 {
      %mul3A_33 = arith.constant 6272 : i32
      %mul3A_34 = arith.muli %arg1, %mul3A_33 : i32
      %mul3A_35 = arith.constant 6272 : i32
      %mul3A_36 = arith.muli %arg1, %mul3A_35 : i32
      %run_scoped3A = arith.constant 1 : i32
      "tpu.region"() ({
        %run_scoped3A_37 = tpu.sem_alloc : memref<!tpu.dma_semaphore, #tpu.memory_space<semaphore_mem>>
        %dma_start3A = arith.constant 0 : i32
        %dma_start3A_38 = tpu.memref_slice %arg8[%run_scoped3A, %mul3A_36, %dma_start3A] : memref<2x100352x8xf32, #tpu.memory_space<hbm>> -> memref<1x6272x8xf32, #tpu.memory_space<hbm>>
        %dma_start3A_39 = tpu.memref_squeeze %dma_start3A_38 : memref<1x6272x8xf32, #tpu.memory_space<hbm>> -> memref<6272x8xf32, #tpu.memory_space<hbm>>
        %dma_start3A_40 = arith.constant 0 : i32
        %dma_start3A_41 = tpu.memref_slice %arg16[%mul3A_34, %dma_start3A_40] : memref<100352x8xf32, #tpu.memory_space<vmem_shared>> -> memref<6272x8xf32, #tpu.memory_space<vmem_shared>>
        tpu.enqueue_dma source(%dma_start3A_41 : memref<6272x8xf32, #tpu.memory_space<vmem_shared>>) target(%dma_start3A_39 : memref<6272x8xf32, #tpu.memory_space<hbm>>) target_semaphore(%run_scoped3A_37 : memref<!tpu.dma_semaphore, #tpu.memory_space<semaphore_mem>>)
        %dma_wait3A = arith.constant 0 : i32
        %dma_wait3A_42 = tpu.memref_slice %arg8[%run_scoped3A, %mul3A_36, %dma_wait3A] : memref<2x100352x8xf32, #tpu.memory_space<hbm>> -> memref<1x6272x8xf32, #tpu.memory_space<hbm>>
        %dma_wait3A_43 = tpu.memref_squeeze %dma_wait3A_42 : memref<1x6272x8xf32, #tpu.memory_space<hbm>> -> memref<6272x8xf32, #tpu.memory_space<hbm>>
        %dma_wait3A_44 = arith.constant 0 : i32
        %dma_wait3A_45 = tpu.memref_slice %arg16[%mul3A_34, %dma_wait3A_44] : memref<100352x8xf32, #tpu.memory_space<vmem_shared>> -> memref<6272x8xf32, #tpu.memory_space<vmem_shared>>
        tpu.wait_dma2 semaphore(%run_scoped3A_37 : memref<!tpu.dma_semaphore, #tpu.memory_space<semaphore_mem>>) src(%dma_wait3A_45 : memref<6272x8xf32, #tpu.memory_space<vmem_shared>>) dst(%dma_wait3A_43 : memref<6272x8xf32, #tpu.memory_space<hbm>>)
        tpu.yield
      }) : () -> ()
    } else {
    }
    return
  }
}

module attributes {stable_mosaic.version = 14 : i64} {
  func.func @_tca_body(%arg0: i32, %arg1: memref<1568x10xf32, #tpu.memory_space<vmem>>, %arg2: memref<32x32xf32, #tpu.memory_space<vmem>>, %arg3: memref<32x32xf32, #tpu.memory_space<vmem>>, %arg4: memref<32x32xf32, #tpu.memory_space<vmem>>, %arg5: memref<10x64xf32, #tpu.memory_space<vmem>>, %arg6: memref<64x4xf32, #tpu.memory_space<vmem>>, %arg7: memref<64x4xf32, #tpu.memory_space<vmem>>, %arg8: memref<1568x64xf32, #tpu.memory_space<vmem>>, %arg9: memref<1568x8xf32, #tpu.memory_space<vmem>>, %arg10: memref<1x1x4xf32, #tpu.memory_space<vmem>>) attributes {dimension_semantics = [#tpu.dimension_semantics<arbitrary>], iteration_bounds = array<i64: 64>, scalar_prefetch = 0 : i64, scratch_operands = 0 : i64, tpu.core_type = #tpu.core_type<tc>, window_params = [{transform_indices = @transform_0, window_bounds = array<i64: 1568, 10>}, {pipeline_mode = #tpu.pipeline_mode<synchronous>, transform_indices = @transform_1, window_bounds = array<i64: 32, 32>}, {pipeline_mode = #tpu.pipeline_mode<synchronous>, transform_indices = @transform_2, window_bounds = array<i64: 32, 32>}, {pipeline_mode = #tpu.pipeline_mode<synchronous>, transform_indices = @transform_3, window_bounds = array<i64: 32, 32>}, {pipeline_mode = #tpu.pipeline_mode<synchronous>, transform_indices = @transform_4, window_bounds = array<i64: 10, 64>}, {pipeline_mode = #tpu.pipeline_mode<synchronous>, transform_indices = @transform_5, window_bounds = array<i64: 64, 4>}, {pipeline_mode = #tpu.pipeline_mode<synchronous>, transform_indices = @transform_6, window_bounds = array<i64: 64, 4>}, {transform_indices = @transform_7, window_bounds = array<i64: 1568, 64>}, {transform_indices = @transform_8, window_bounds = array<i64: 1568, 8>}, {transform_indices = @transform_9, window_bounds = array<i64: 1, 1, 4>}]} {
    %get3A = arith.constant 0 : index
    %get3A_0 = arith.constant 0 : index
    %get3A_1 = vector.load %arg1[%get3A, %get3A_0] : memref<1568x10xf32, #tpu.memory_space<vmem>>, vector<1568x10xf32>
    %reshape3A = vector.shape_cast %get3A_1 : vector<1568x10xf32> to vector<49x32x10xf32>
    %transpose3A = tpu.transpose %reshape3A, [0, 2, 1] : vector<49x32x10xf32> -> vector<49x10x32xf32>
    %reshape3A_2 = vector.shape_cast %transpose3A : vector<49x10x32xf32> to vector<490x32xf32>
    %get3A_3 = arith.constant 0 : index
    %get3A_4 = arith.constant 0 : index
    %get3A_5 = vector.load %arg2[%get3A_3, %get3A_4] : memref<32x32xf32, #tpu.memory_space<vmem>>, vector<32x32xf32>
    %dot_general3A = arith.constant dense<0.000000e+00> : vector<490x32xf32>
    %dot_general3A_6 = tpu.matmul %reshape3A_2, %get3A_5, %dot_general3A {dimension_numbers = #tpu.dot_dimension_numbers<[1], [0], [0], [1], [0, 0, 1, 1], [], []>, precision = #tpu.contract_precision<fp32>, transpose_lhs_hint = false} : vector<490x32xf32>, vector<32x32xf32>, vector<490x32xf32> -> vector<490x32xf32>
    %reshape3A_7 = vector.shape_cast %dot_general3A_6 : vector<490x32xf32> to vector<49x10x32xf32>
    %get3A_8 = arith.constant 0 : index
    %get3A_9 = arith.constant 0 : index
    %get3A_10 = vector.load %arg3[%get3A_8, %get3A_9] : memref<32x32xf32, #tpu.memory_space<vmem>>, vector<32x32xf32>
    %dot_general3A_11 = arith.constant dense<0.000000e+00> : vector<490x32xf32>
    %dot_general3A_12 = tpu.matmul %reshape3A_2, %get3A_10, %dot_general3A_11 {dimension_numbers = #tpu.dot_dimension_numbers<[1], [0], [0], [1], [0, 0, 1, 1], [], []>, precision = #tpu.contract_precision<fp32>, transpose_lhs_hint = false} : vector<490x32xf32>, vector<32x32xf32>, vector<490x32xf32> -> vector<490x32xf32>
    %reshape3A_13 = vector.shape_cast %dot_general3A_12 : vector<490x32xf32> to vector<49x10x32xf32>
    %get3A_14 = arith.constant 0 : index
    %get3A_15 = arith.constant 0 : index
    %get3A_16 = vector.load %arg4[%get3A_14, %get3A_15] : memref<32x32xf32, #tpu.memory_space<vmem>>, vector<32x32xf32>
    %dot_general3A_17 = arith.constant dense<0.000000e+00> : vector<490x32xf32>
    %dot_general3A_18 = tpu.matmul %reshape3A_2, %get3A_16, %dot_general3A_17 {dimension_numbers = #tpu.dot_dimension_numbers<[1], [0], [0], [1], [0, 0, 1, 1], [], []>, precision = #tpu.contract_precision<fp32>, transpose_lhs_hint = false} : vector<490x32xf32>, vector<32x32xf32>, vector<490x32xf32> -> vector<490x32xf32>
    %reshape3A_19 = vector.shape_cast %dot_general3A_18 : vector<490x32xf32> to vector<49x10x32xf32>
    %dot_general3A_20 = arith.constant dense<0.000000e+00> : vector<49x10x10xf32>
    %dot_general3A_21 = tpu.matmul %reshape3A_7, %reshape3A_13, %dot_general3A_20 {dimension_numbers = #tpu.dot_dimension_numbers<[2], [2], [1], [1], [0, 0, 0, 1, 1, 1], [0], [0]>, precision = #tpu.contract_precision<fp32>, transpose_lhs_hint = false} : vector<49x10x32xf32>, vector<49x10x32xf32>, vector<49x10x10xf32> -> vector<49x10x10xf32>
    %reduce_max3A = arith.constant dense<0xFF800000> : vector<49x10xf32>
    %reduce_max3A_22 = vector.multi_reduction <maximumf>, %dot_general3A_21, %reduce_max3A [2] : vector<49x10x10xf32> to vector<49x10xf32>
    %broadcast_in_dim3A = vector.shape_cast %reduce_max3A_22 : vector<49x10xf32> to vector<49x10x1xf32>
    %sub3A = vector.broadcast %broadcast_in_dim3A : vector<49x10x1xf32> to vector<49x10x10xf32>
    %sub3A_23 = arith.subf %dot_general3A_21, %sub3A : vector<49x10x10xf32>
    %exp3A = math.exp %sub3A_23 : vector<49x10x10xf32>
    %reduce_sum3A = arith.constant dense<0.000000e+00> : vector<49x10xf32>
    %reduce_sum3A_24 = vector.multi_reduction <add>, %exp3A, %reduce_sum3A [2] : vector<49x10x10xf32> to vector<49x10xf32>
    %broadcast_in_dim3A_25 = vector.shape_cast %reduce_sum3A_24 : vector<49x10xf32> to vector<49x10x1xf32>
    %div3A = vector.broadcast %broadcast_in_dim3A_25 : vector<49x10x1xf32> to vector<49x10x10xf32>
    %div3A_26 = arith.divf %exp3A, %div3A : vector<49x10x10xf32>
    %dot_general3A_27 = arith.constant dense<0.000000e+00> : vector<49x10x32xf32>
    %dot_general3A_28 = tpu.matmul %div3A_26, %reshape3A_19, %dot_general3A_27 {dimension_numbers = #tpu.dot_dimension_numbers<[2], [1], [1], [2], [0, 0, 0, 1, 1, 2], [0], [0]>, precision = #tpu.contract_precision<fp32>, transpose_lhs_hint = false} : vector<49x10x10xf32>, vector<49x10x32xf32>, vector<49x10x32xf32> -> vector<49x10x32xf32>
    %transpose3A_29 = tpu.transpose %dot_general3A_28, [0, 2, 1] : vector<49x10x32xf32> -> vector<49x32x10xf32>
    %reshape3A_30 = vector.shape_cast %transpose3A_29 : vector<49x32x10xf32> to vector<1568x10xf32>
    %get3A_31 = arith.constant 0 : index
    %get3A_32 = arith.constant 0 : index
    %get3A_33 = vector.load %arg5[%get3A_31, %get3A_32] : memref<10x64xf32, #tpu.memory_space<vmem>>, vector<10x64xf32>
    %convert_element_type3A = arith.truncf %reshape3A_30 : vector<1568x10xf32> to vector<1568x10xbf16>
    %convert_element_type3A_34 = arith.truncf %get3A_33 : vector<10x64xf32> to vector<10x64xbf16>
    %dot_general3A_35 = arith.constant dense<0.000000e+00> : vector<1568x64xf32>
    %dot_general3A_36 = tpu.matmul %convert_element_type3A, %convert_element_type3A_34, %dot_general3A_35 {dimension_numbers = #tpu.dot_dimension_numbers<[1], [0], [0], [1], [0, 0, 1, 1], [], []>, transpose_lhs_hint = false} : vector<1568x10xbf16>, vector<10x64xbf16>, vector<1568x64xf32> -> vector<1568x64xf32>
    %get3A_37 = arith.constant 0 : index
    %get3A_38 = arith.constant 0 : index
    %get3A_39 = vector.load %arg6[%get3A_37, %get3A_38] : memref<64x4xf32, #tpu.memory_space<vmem>>, vector<64x4xf32>
    %dot_general3A_40 = arith.constant dense<0.000000e+00> : vector<1568x4xf32>
    %dot_general3A_41 = tpu.matmul %dot_general3A_36, %get3A_39, %dot_general3A_40 {dimension_numbers = #tpu.dot_dimension_numbers<[1], [0], [0], [1], [0, 0, 1, 1], [], []>, precision = #tpu.contract_precision<fp32>, transpose_lhs_hint = false} : vector<1568x64xf32>, vector<64x4xf32>, vector<1568x4xf32> -> vector<1568x4xf32>
    %get3A_42 = arith.constant 0 : index
    %get3A_43 = arith.constant 0 : index
    %get3A_44 = vector.load %arg7[%get3A_42, %get3A_43] : memref<64x4xf32, #tpu.memory_space<vmem>>, vector<64x4xf32>
    %dot_general3A_45 = arith.constant dense<0.000000e+00> : vector<1568x4xf32>
    %dot_general3A_46 = tpu.matmul %dot_general3A_36, %get3A_44, %dot_general3A_45 {dimension_numbers = #tpu.dot_dimension_numbers<[1], [0], [0], [1], [0, 0, 1, 1], [], []>, precision = #tpu.contract_precision<fp32>, transpose_lhs_hint = false} : vector<1568x64xf32>, vector<64x4xf32>, vector<1568x4xf32> -> vector<1568x4xf32>
    %swap3A = arith.constant 0 : index
    %swap3A_47 = arith.constant 0 : index
    %swap3A_48 = vector.load %arg8[%swap3A, %swap3A_47] : memref<1568x64xf32, #tpu.memory_space<vmem>>, vector<1568x64xf32>
    tpu.vector_store %arg8[%swap3A, %swap3A_47], %dot_general3A_36 {strides = array<i32>} : memref<1568x64xf32, #tpu.memory_space<vmem>>, vector<1568x64xf32>,
    %concatenate3A = tpu.concatenate %dot_general3A_41, %dot_general3A_46 in 1 : vector<1568x4xf32>, vector<1568x4xf32> -> vector<1568x8xf32>
    %swap3A_49 = arith.constant 0 : index
    %swap3A_50 = arith.constant 0 : index
    %swap3A_51 = vector.load %arg9[%swap3A_49, %swap3A_50] : memref<1568x8xf32, #tpu.memory_space<vmem>>, vector<1568x8xf32>
    tpu.vector_store %arg9[%swap3A_49, %swap3A_50], %concatenate3A {strides = array<i32>} : memref<1568x8xf32, #tpu.memory_space<vmem>>, vector<1568x8xf32>,
    %reduce_max3A_52 = arith.constant dense<0xFF800000> : vector<4xf32>
    %reduce_max3A_53 = vector.multi_reduction <maximumf>, %dot_general3A_41, %reduce_max3A_52 [0] : vector<1568x4xf32> to vector<4xf32>
    %reshape3A_54 = vector.shape_cast %reduce_max3A_53 : vector<4xf32> to vector<1x1x4xf32>
    %swap3A_55 = arith.constant 0 : index
    %swap3A_56 = arith.constant 0 : index
    %swap3A_57 = arith.constant 0 : index
    %swap3A_58 = vector.load %arg10[%swap3A_55, %swap3A_56, %swap3A_57] : memref<1x1x4xf32, #tpu.memory_space<vmem>>, vector<1x1x4xf32>
    tpu.vector_store %arg10[%swap3A_55, %swap3A_56, %swap3A_57], %reshape3A_54 {strides = array<i32>} : memref<1x1x4xf32, #tpu.memory_space<vmem>>, vector<1x1x4xf32>,
    return
  }
  func.func @transform_0(%arg0: i32) -> (i32, i32) {
    %c0_i32 = arith.constant 0 : i32
    %c0_i32_0 = arith.constant 0 : i32
    return %arg0, %c0_i32 : i32, i32
  }
  func.func @transform_1(%arg0: i32) -> (i32, i32) {
    %c0_i32 = arith.constant 0 : i32
    %c0_i32_0 = arith.constant 0 : i32
    %c0_i32_1 = arith.constant 0 : i32
    return %c0_i32, %c0_i32_0 : i32, i32
  }
  func.func @transform_2(%arg0: i32) -> (i32, i32) {
    %c0_i32 = arith.constant 0 : i32
    %c0_i32_0 = arith.constant 0 : i32
    %c0_i32_1 = arith.constant 0 : i32
    return %c0_i32, %c0_i32_0 : i32, i32
  }
  func.func @transform_3(%arg0: i32) -> (i32, i32) {
    %c0_i32 = arith.constant 0 : i32
    %c0_i32_0 = arith.constant 0 : i32
    %c0_i32_1 = arith.constant 0 : i32
    return %c0_i32, %c0_i32_0 : i32, i32
  }
  func.func @transform_4(%arg0: i32) -> (i32, i32) {
    %c0_i32 = arith.constant 0 : i32
    %c0_i32_0 = arith.constant 0 : i32
    %c0_i32_1 = arith.constant 0 : i32
    return %c0_i32, %c0_i32_0 : i32, i32
  }
  func.func @transform_5(%arg0: i32) -> (i32, i32) {
    %c0_i32 = arith.constant 0 : i32
    %c0_i32_0 = arith.constant 0 : i32
    %c0_i32_1 = arith.constant 0 : i32
    return %c0_i32, %c0_i32_0 : i32, i32
  }
  func.func @transform_6(%arg0: i32) -> (i32, i32) {
    %c0_i32 = arith.constant 0 : i32
    %c0_i32_0 = arith.constant 0 : i32
    %c0_i32_1 = arith.constant 0 : i32
    return %c0_i32, %c0_i32_0 : i32, i32
  }
  func.func @transform_7(%arg0: i32) -> (i32, i32) {
    %c0_i32 = arith.constant 0 : i32
    %c0_i32_0 = arith.constant 0 : i32
    return %arg0, %c0_i32 : i32, i32
  }
  func.func @transform_8(%arg0: i32) -> (i32, i32) {
    %c0_i32 = arith.constant 0 : i32
    %c0_i32_0 = arith.constant 0 : i32
    return %arg0, %c0_i32 : i32, i32
  }
  func.func @transform_9(%arg0: i32) -> (i32, i32, i32) {
    %c0_i32 = arith.constant 0 : i32
    %c0_i32_0 = arith.constant 0 : i32
    %c0_i32_1 = arith.constant 0 : i32
    return %arg0, %c0_i32, %c0_i32_0 : i32, i32, i32
  }
}

module attributes {stable_mosaic.version = 14 : i64} {
  func.func @_tcb_body(%arg0: i32, %arg1: memref<3136x64xf32, #tpu.memory_space<vmem>>, %arg2: memref<3136x8xf32, #tpu.memory_space<vmem>>, %arg3: memref<3136x8xf32, #tpu.memory_space<vmem>>, %arg4: memref<3136x8xf32, #tpu.memory_space<vmem>>, %arg5: memref<1x4xf32, #tpu.memory_space<vmem>>, %arg6: memref<3136x64xf32, #tpu.memory_space<vmem>>, %arg7: memref<1x64xf32, #tpu.memory_space<vmem>>, %arg8: memref<64x64xf32, #tpu.memory_space<vmem>>, %arg9: memref<64x4xf32, #tpu.memory_space<vmem>>, %arg10: memref<64x4xf32, #tpu.memory_space<vmem>>, %arg11: memref<3136x64xf32, #tpu.memory_space<vmem>>, %arg12: memref<3136x8xf32, #tpu.memory_space<vmem>>, %arg13: memref<1x1x4xf32, #tpu.memory_space<vmem>>) attributes {dimension_semantics = [#tpu.dimension_semantics<arbitrary>], iteration_bounds = array<i64: 32>, scalar_prefetch = 0 : i64, scratch_operands = 0 : i64, tpu.core_type = #tpu.core_type<tc>, window_params = [{transform_indices = @transform_0, window_bounds = array<i64: 3136, 64>}, {transform_indices = @transform_1, window_bounds = array<i64: 3136, 8>}, {transform_indices = @transform_2, window_bounds = array<i64: 3136, 8>}, {transform_indices = @transform_3, window_bounds = array<i64: 3136, 8>}, {pipeline_mode = #tpu.pipeline_mode<synchronous>, transform_indices = @transform_4, window_bounds = array<i64: 1, 4>}, {transform_indices = @transform_5, window_bounds = array<i64: 3136, 64>}, {pipeline_mode = #tpu.pipeline_mode<synchronous>, transform_indices = @transform_6, window_bounds = array<i64: 1, 64>}, {pipeline_mode = #tpu.pipeline_mode<synchronous>, transform_indices = @transform_7, window_bounds = array<i64: 64, 64>}, {pipeline_mode = #tpu.pipeline_mode<synchronous>, transform_indices = @transform_8, window_bounds = array<i64: 64, 4>}, {pipeline_mode = #tpu.pipeline_mode<synchronous>, transform_indices = @transform_9, window_bounds = array<i64: 64, 4>}, {transform_indices = @transform_10, window_bounds = array<i64: 3136, 64>}, {transform_indices = @transform_11, window_bounds = array<i64: 3136, 8>}, {transform_indices = @transform_12, window_bounds = array<i64: 1, 1, 4>}]} {
    %get3A = arith.constant 0 : index
    %get3A_0 = arith.constant 0 : index
    %get3A_1 = vector.load %arg1[%get3A, %get3A_0] : memref<3136x64xf32, #tpu.memory_space<vmem>>, vector<3136x64xf32>
    %get3A_2 = arith.constant 0 : index
    %get3A_3 = arith.constant 0 : index
    %get3A_4 = vector.load %arg2[%get3A_2, %get3A_3] : memref<3136x8xf32, #tpu.memory_space<vmem>>, vector<3136x8xf32>
    %slice3A = vector.extract_strided_slice %get3A_4 {offsets = [0, 0], sizes = [3136, 4], strides = [1, 1]} : vector<3136x8xf32> to vector<3136x4xf32>
    %get3A_5 = arith.constant 0 : index
    %get3A_6 = arith.constant 0 : index
    %get3A_7 = vector.load %arg3[%get3A_5, %get3A_6] : memref<3136x8xf32, #tpu.memory_space<vmem>>, vector<3136x8xf32>
    %slice3A_8 = vector.extract_strided_slice %get3A_7 {offsets = [0, 0], sizes = [3136, 4], strides = [1, 1]} : vector<3136x8xf32> to vector<3136x4xf32>
    %get3A_9 = arith.constant 0 : index
    %get3A_10 = arith.constant 0 : index
    %get3A_11 = vector.load %arg4[%get3A_9, %get3A_10] : memref<3136x8xf32, #tpu.memory_space<vmem>>, vector<3136x8xf32>
    %slice3A_12 = vector.extract_strided_slice %get3A_11 {offsets = [0, 0], sizes = [3136, 4], strides = [1, 1]} : vector<3136x8xf32> to vector<3136x4xf32>
    %slice3A_13 = vector.extract_strided_slice %get3A_11 {offsets = [0, 4], sizes = [3136, 4], strides = [1, 1]} : vector<3136x8xf32> to vector<3136x4xf32>
    %get3A_14 = arith.constant 0 : index
    %get3A_15 = arith.constant 0 : index
    %get3A_16 = vector.load %arg5[%get3A_14, %get3A_15] : memref<1x4xf32, #tpu.memory_space<vmem>>, vector<1x4xf32>
    %add3A = vector.broadcast %get3A_16 : vector<1x4xf32> to vector<3136x4xf32>
    %add3A_17 = arith.addf %add3A, %slice3A_13 : vector<3136x4xf32>
    %gt3A = arith.constant 0.000000e+00 : f32
    %gt3A_18 = vector.broadcast %gt3A : f32 to vector<3136x4xf32>
    %gt3A_19 = arith.cmpf ogt, %add3A_17, %gt3A_18 : vector<3136x4xf32>
    %mul3A = arith.constant 2.000000e-01 : f32
    %mul3A_20 = vector.broadcast %mul3A : f32 to vector<3136x4xf32>
    %mul3A_21 = arith.mulf %mul3A_20, %add3A_17 : vector<3136x4xf32>
    %select_n3A = arith.select %gt3A_19, %add3A_17, %mul3A_21 : vector<3136x4xi1>, vector<3136x4xf32>
    %add3A_22 = arith.addf %slice3A_12, %slice3A_13 : vector<3136x4xf32>
    %gt3A_23 = arith.constant 0.000000e+00 : f32
    %gt3A_24 = vector.broadcast %gt3A_23 : f32 to vector<3136x4xf32>
    %gt3A_25 = arith.cmpf ogt, %add3A_22, %gt3A_24 : vector<3136x4xf32>
    %mul3A_26 = arith.constant 2.000000e-01 : f32
    %mul3A_27 = vector.broadcast %mul3A_26 : f32 to vector<3136x4xf32>
    %mul3A_28 = arith.mulf %mul3A_27, %add3A_22 : vector<3136x4xf32>
    %select_n3A_29 = arith.select %gt3A_25, %add3A_22, %mul3A_28 : vector<3136x4xi1>, vector<3136x4xf32>
    %sub3A = arith.subf %select_n3A_29, %select_n3A : vector<3136x4xf32>
    %exp3A = math.exp %sub3A : vector<3136x4xf32>
    %add3A_30 = arith.addf %slice3A, %slice3A_8 : vector<3136x4xf32>
    %add3A_31 = arith.addf %add3A_30, %exp3A : vector<3136x4xf32>
    %add3A_32 = arith.constant 1.000000e-16 : f32
    %add3A_33 = vector.broadcast %add3A_32 : f32 to vector<3136x4xf32>
    %add3A_34 = arith.addf %add3A_31, %add3A_33 : vector<3136x4xf32>
    %div3A = arith.constant 1.000000e+00 : f32
    %div3A_35 = vector.broadcast %div3A : f32 to vector<3136x4xf32>
    %div3A_36 = arith.divf %div3A_35, %add3A_34 : vector<3136x4xf32>
    %broadcast_in_dim3A = vector.shape_cast %exp3A : vector<3136x4xf32> to vector<3136x4x1xf32>
    %broadcast_in_dim3A_37 = vector.shape_cast %broadcast_in_dim3A : vector<3136x4x1xf32> to vector<3136x4x1xf32>
    %broadcast_in_dim3A_38 = vector.broadcast %broadcast_in_dim3A_37 : vector<3136x4x1xf32> to vector<3136x4x16xf32>
    %reshape3A = vector.shape_cast %broadcast_in_dim3A_38 : vector<3136x4x16xf32> to vector<3136x64xf32>
    %broadcast_in_dim3A_39 = vector.shape_cast %div3A_36 : vector<3136x4xf32> to vector<3136x4x1xf32>
    %broadcast_in_dim3A_40 = vector.shape_cast %broadcast_in_dim3A_39 : vector<3136x4x1xf32> to vector<3136x4x1xf32>
    %broadcast_in_dim3A_41 = vector.broadcast %broadcast_in_dim3A_40 : vector<3136x4x1xf32> to vector<3136x4x16xf32>
    %reshape3A_42 = vector.shape_cast %broadcast_in_dim3A_41 : vector<3136x4x16xf32> to vector<3136x64xf32>
    %get3A_43 = arith.constant 0 : index
    %get3A_44 = arith.constant 0 : index
    %get3A_45 = vector.load %arg6[%get3A_43, %get3A_44] : memref<3136x64xf32, #tpu.memory_space<vmem>>, vector<3136x64xf32>
    %mul3A_46 = arith.mulf %reshape3A, %get3A_45 : vector<3136x64xf32>
    %add3A_47 = arith.addf %get3A_1, %mul3A_46 : vector<3136x64xf32>
    %mul3A_48 = arith.mulf %add3A_47, %reshape3A_42 : vector<3136x64xf32>
    %get3A_49 = arith.constant 0 : index
    %get3A_50 = arith.constant 0 : index
    %get3A_51 = vector.load %arg7[%get3A_49, %get3A_50] : memref<1x64xf32, #tpu.memory_space<vmem>>, vector<1x64xf32>
    %add3A_52 = vector.broadcast %get3A_51 : vector<1x64xf32> to vector<3136x64xf32>
    %add3A_53 = arith.addf %mul3A_48, %add3A_52 : vector<3136x64xf32>
    %gt3A_54 = arith.constant 0.000000e+00 : f32
    %gt3A_55 = vector.broadcast %gt3A_54 : f32 to vector<3136x64xf32>
    %gt3A_56 = arith.cmpf ogt, %add3A_53, %gt3A_55 : vector<3136x64xf32>
    %mul3A_57 = arith.constant 0.00999999977 : f32
    %mul3A_58 = vector.broadcast %mul3A_57 : f32 to vector<3136x64xf32>
    %mul3A_59 = arith.mulf %mul3A_58, %add3A_53 : vector<3136x64xf32>
    %select_n3A_60 = arith.select %gt3A_56, %add3A_53, %mul3A_59 : vector<3136x64xi1>, vector<3136x64xf32>
    %get3A_61 = arith.constant 0 : index
    %get3A_62 = arith.constant 0 : index
    %get3A_63 = vector.load %arg8[%get3A_61, %get3A_62] : memref<64x64xf32, #tpu.memory_space<vmem>>, vector<64x64xf32>
    %convert_element_type3A = arith.truncf %select_n3A_60 : vector<3136x64xf32> to vector<3136x64xbf16>
    %convert_element_type3A_64 = arith.truncf %get3A_63 : vector<64x64xf32> to vector<64x64xbf16>
    %dot_general3A = arith.constant dense<0.000000e+00> : vector<3136x64xf32>
    %dot_general3A_65 = tpu.matmul %convert_element_type3A, %convert_element_type3A_64, %dot_general3A {dimension_numbers = #tpu.dot_dimension_numbers<[1], [0], [0], [1], [0, 0, 1, 1], [], []>, transpose_lhs_hint = false} : vector<3136x64xbf16>, vector<64x64xbf16>, vector<3136x64xf32> -> vector<3136x64xf32>
    %get3A_66 = arith.constant 0 : index
    %get3A_67 = arith.constant 0 : index
    %get3A_68 = vector.load %arg9[%get3A_66, %get3A_67] : memref<64x4xf32, #tpu.memory_space<vmem>>, vector<64x4xf32>
    %dot_general3A_69 = arith.constant dense<0.000000e+00> : vector<3136x4xf32>
    %dot_general3A_70 = tpu.matmul %dot_general3A_65, %get3A_68, %dot_general3A_69 {dimension_numbers = #tpu.dot_dimension_numbers<[1], [0], [0], [1], [0, 0, 1, 1], [], []>, precision = #tpu.contract_precision<fp32>, transpose_lhs_hint = false} : vector<3136x64xf32>, vector<64x4xf32>, vector<3136x4xf32> -> vector<3136x4xf32>
    %get3A_71 = arith.constant 0 : index
    %get3A_72 = arith.constant 0 : index
    %get3A_73 = vector.load %arg10[%get3A_71, %get3A_72] : memref<64x4xf32, #tpu.memory_space<vmem>>, vector<64x4xf32>
    %dot_general3A_74 = arith.constant dense<0.000000e+00> : vector<3136x4xf32>
    %dot_general3A_75 = tpu.matmul %dot_general3A_65, %get3A_73, %dot_general3A_74 {dimension_numbers = #tpu.dot_dimension_numbers<[1], [0], [0], [1], [0, 0, 1, 1], [], []>, precision = #tpu.contract_precision<fp32>, transpose_lhs_hint = false} : vector<3136x64xf32>, vector<64x4xf32>, vector<3136x4xf32> -> vector<3136x4xf32>
    %swap3A = arith.constant 0 : index
    %swap3A_76 = arith.constant 0 : index
    %swap3A_77 = vector.load %arg11[%swap3A, %swap3A_76] : memref<3136x64xf32, #tpu.memory_space<vmem>>, vector<3136x64xf32>
    tpu.vector_store %arg11[%swap3A, %swap3A_76], %dot_general3A_65 {strides = array<i32>} : memref<3136x64xf32, #tpu.memory_space<vmem>>, vector<3136x64xf32>,
    %concatenate3A = tpu.concatenate %dot_general3A_70, %dot_general3A_75 in 1 : vector<3136x4xf32>, vector<3136x4xf32> -> vector<3136x8xf32>
    %swap3A_78 = arith.constant 0 : index
    %swap3A_79 = arith.constant 0 : index
    %swap3A_80 = vector.load %arg12[%swap3A_78, %swap3A_79] : memref<3136x8xf32, #tpu.memory_space<vmem>>, vector<3136x8xf32>
    tpu.vector_store %arg12[%swap3A_78, %swap3A_79], %concatenate3A {strides = array<i32>} : memref<3136x8xf32, #tpu.memory_space<vmem>>, vector<3136x8xf32>,
    %reduce_max3A = arith.constant dense<0xFF800000> : vector<4xf32>
    %reduce_max3A_81 = vector.multi_reduction <maximumf>, %dot_general3A_70, %reduce_max3A [0] : vector<3136x4xf32> to vector<4xf32>
    %reshape3A_82 = vector.shape_cast %reduce_max3A_81 : vector<4xf32> to vector<1x1x4xf32>
    %swap3A_83 = arith.constant 0 : index
    %swap3A_84 = arith.constant 0 : index
    %swap3A_85 = arith.constant 0 : index
    %swap3A_86 = vector.load %arg13[%swap3A_83, %swap3A_84, %swap3A_85] : memref<1x1x4xf32, #tpu.memory_space<vmem>>, vector<1x1x4xf32>
    tpu.vector_store %arg13[%swap3A_83, %swap3A_84, %swap3A_85], %reshape3A_82 {strides = array<i32>} : memref<1x1x4xf32, #tpu.memory_space<vmem>>, vector<1x1x4xf32>,
    return
  }
  func.func @transform_0(%arg0: i32) -> (i32, i32) {
    %c0_i32 = arith.constant 0 : i32
    %c0_i32_0 = arith.constant 0 : i32
    return %arg0, %c0_i32 : i32, i32
  }
  func.func @transform_1(%arg0: i32) -> (i32, i32) {
    %c0_i32 = arith.constant 0 : i32
    %c0_i32_0 = arith.constant 0 : i32
    return %arg0, %c0_i32 : i32, i32
  }
  func.func @transform_2(%arg0: i32) -> (i32, i32) {
    %c0_i32 = arith.constant 0 : i32
    %c0_i32_0 = arith.constant 0 : i32
    return %arg0, %c0_i32 : i32, i32
  }
  func.func @transform_3(%arg0: i32) -> (i32, i32) {
    %c0_i32 = arith.constant 0 : i32
    %c0_i32_0 = arith.constant 0 : i32
    return %arg0, %c0_i32 : i32, i32
  }
  func.func @transform_4(%arg0: i32) -> (i32, i32) {
    %c0_i32 = arith.constant 0 : i32
    %c0_i32_0 = arith.constant 0 : i32
    %c0_i32_1 = arith.constant 0 : i32
    return %c0_i32, %c0_i32_0 : i32, i32
  }
  func.func @transform_5(%arg0: i32) -> (i32, i32) {
    %c0_i32 = arith.constant 0 : i32
    %c0_i32_0 = arith.constant 0 : i32
    return %arg0, %c0_i32 : i32, i32
  }
  func.func @transform_6(%arg0: i32) -> (i32, i32) {
    %c0_i32 = arith.constant 0 : i32
    %c0_i32_0 = arith.constant 0 : i32
    %c0_i32_1 = arith.constant 0 : i32
    return %c0_i32, %c0_i32_0 : i32, i32
  }
  func.func @transform_7(%arg0: i32) -> (i32, i32) {
    %c0_i32 = arith.constant 0 : i32
    %c0_i32_0 = arith.constant 0 : i32
    %c0_i32_1 = arith.constant 0 : i32
    return %c0_i32, %c0_i32_0 : i32, i32
  }
  func.func @transform_8(%arg0: i32) -> (i32, i32) {
    %c0_i32 = arith.constant 0 : i32
    %c0_i32_0 = arith.constant 0 : i32
    %c0_i32_1 = arith.constant 0 : i32
    return %c0_i32, %c0_i32_0 : i32, i32
  }
  func.func @transform_9(%arg0: i32) -> (i32, i32) {
    %c0_i32 = arith.constant 0 : i32
    %c0_i32_0 = arith.constant 0 : i32
    %c0_i32_1 = arith.constant 0 : i32
    return %c0_i32, %c0_i32_0 : i32, i32
  }
  func.func @transform_10(%arg0: i32) -> (i32, i32) {
    %c0_i32 = arith.constant 0 : i32
    %c0_i32_0 = arith.constant 0 : i32
    return %arg0, %c0_i32 : i32, i32
  }
  func.func @transform_11(%arg0: i32) -> (i32, i32) {
    %c0_i32 = arith.constant 0 : i32
    %c0_i32_0 = arith.constant 0 : i32
    return %arg0, %c0_i32 : i32, i32
  }
  func.func @transform_12(%arg0: i32) -> (i32, i32, i32) {
    %c0_i32 = arith.constant 0 : i32
    %c0_i32_0 = arith.constant 0 : i32
    %c0_i32_1 = arith.constant 0 : i32
    return %arg0, %c0_i32, %c0_i32_0 : i32, i32, i32
  }
}

module attributes {stable_mosaic.version = 14 : i64} {
  func.func @_tcc_body(%arg0: i32, %arg1: memref<3136x64xf32, #tpu.memory_space<vmem>>, %arg2: memref<3136x8xf32, #tpu.memory_space<vmem>>, %arg3: memref<3136x8xf32, #tpu.memory_space<vmem>>, %arg4: memref<3136x8xf32, #tpu.memory_space<vmem>>, %arg5: memref<1x4xf32, #tpu.memory_space<vmem>>, %arg6: memref<3136x64xf32, #tpu.memory_space<vmem>>, %arg7: memref<1x64xf32, #tpu.memory_space<vmem>>, %arg8: memref<1x1x3136xi32, #tpu.memory_space<vmem>>, %arg9: memref<64x2xf32, #tpu.memory_space<vmem>>, %arg10: memref<1x2xf32, #tpu.memory_space<vmem>>, %arg11: memref<64x2xf32, #tpu.memory_space<vmem>>, %arg12: memref<64x2xf32, #tpu.memory_space<vmem>>, %arg13: memref<64x64xf32, #tpu.memory_space<vmem>>, %arg14: memref<1x64xf32, #tpu.memory_space<vmem>>) attributes {dimension_semantics = [#tpu.dimension_semantics<arbitrary>], iteration_bounds = array<i64: 32>, scalar_prefetch = 0 : i64, scratch_operands = 2 : i64, tpu.core_type = #tpu.core_type<tc>, window_params = [{transform_indices = @transform_0, window_bounds = array<i64: 3136, 64>}, {transform_indices = @transform_1, window_bounds = array<i64: 3136, 8>}, {transform_indices = @transform_2, window_bounds = array<i64: 3136, 8>}, {transform_indices = @transform_3, window_bounds = array<i64: 3136, 8>}, {pipeline_mode = #tpu.pipeline_mode<synchronous>, transform_indices = @transform_4, window_bounds = array<i64: 1, 4>}, {transform_indices = @transform_5, window_bounds = array<i64: 3136, 64>}, {pipeline_mode = #tpu.pipeline_mode<synchronous>, transform_indices = @transform_6, window_bounds = array<i64: 1, 64>}, {transform_indices = @transform_7, window_bounds = array<i64: 1, 1, 3136>}, {pipeline_mode = #tpu.pipeline_mode<synchronous>, transform_indices = @transform_8, window_bounds = array<i64: 64, 2>}, {pipeline_mode = #tpu.pipeline_mode<synchronous>, transform_indices = @transform_9, window_bounds = array<i64: 1, 2>}, {pipeline_mode = #tpu.pipeline_mode<synchronous>, transform_indices = @transform_10, window_bounds = array<i64: 64, 2>}, {pipeline_mode = #tpu.pipeline_mode<synchronous>, transform_indices = @transform_11, window_bounds = array<i64: 64, 2>}]} {
    %get3A = arith.constant 0 : index
    %get3A_0 = arith.constant 0 : index
    %get3A_1 = vector.load %arg1[%get3A, %get3A_0] : memref<3136x64xf32, #tpu.memory_space<vmem>>, vector<3136x64xf32>
    %get3A_2 = arith.constant 0 : index
    %get3A_3 = arith.constant 0 : index
    %get3A_4 = vector.load %arg2[%get3A_2, %get3A_3] : memref<3136x8xf32, #tpu.memory_space<vmem>>, vector<3136x8xf32>
    %slice3A = vector.extract_strided_slice %get3A_4 {offsets = [0, 0], sizes = [3136, 4], strides = [1, 1]} : vector<3136x8xf32> to vector<3136x4xf32>
    %get3A_5 = arith.constant 0 : index
    %get3A_6 = arith.constant 0 : index
    %get3A_7 = vector.load %arg3[%get3A_5, %get3A_6] : memref<3136x8xf32, #tpu.memory_space<vmem>>, vector<3136x8xf32>
    %slice3A_8 = vector.extract_strided_slice %get3A_7 {offsets = [0, 0], sizes = [3136, 4], strides = [1, 1]} : vector<3136x8xf32> to vector<3136x4xf32>
    %get3A_9 = arith.constant 0 : index
    %get3A_10 = arith.constant 0 : index
    %get3A_11 = vector.load %arg4[%get3A_9, %get3A_10] : memref<3136x8xf32, #tpu.memory_space<vmem>>, vector<3136x8xf32>
    %slice3A_12 = vector.extract_strided_slice %get3A_11 {offsets = [0, 0], sizes = [3136, 4], strides = [1, 1]} : vector<3136x8xf32> to vector<3136x4xf32>
    %slice3A_13 = vector.extract_strided_slice %get3A_11 {offsets = [0, 4], sizes = [3136, 4], strides = [1, 1]} : vector<3136x8xf32> to vector<3136x4xf32>
    %get3A_14 = arith.constant 0 : index
    %get3A_15 = arith.constant 0 : index
    %get3A_16 = vector.load %arg5[%get3A_14, %get3A_15] : memref<1x4xf32, #tpu.memory_space<vmem>>, vector<1x4xf32>
    %add3A = vector.broadcast %get3A_16 : vector<1x4xf32> to vector<3136x4xf32>
    %add3A_17 = arith.addf %add3A, %slice3A_13 : vector<3136x4xf32>
    %gt3A = arith.constant 0.000000e+00 : f32
    %gt3A_18 = vector.broadcast %gt3A : f32 to vector<3136x4xf32>
    %gt3A_19 = arith.cmpf ogt, %add3A_17, %gt3A_18 : vector<3136x4xf32>
    %mul3A = arith.constant 2.000000e-01 : f32
    %mul3A_20 = vector.broadcast %mul3A : f32 to vector<3136x4xf32>
    %mul3A_21 = arith.mulf %mul3A_20, %add3A_17 : vector<3136x4xf32>
    %select_n3A = arith.select %gt3A_19, %add3A_17, %mul3A_21 : vector<3136x4xi1>, vector<3136x4xf32>
    %add3A_22 = arith.addf %slice3A_12, %slice3A_13 : vector<3136x4xf32>
    %gt3A_23 = arith.constant 0.000000e+00 : f32
    %gt3A_24 = vector.broadcast %gt3A_23 : f32 to vector<3136x4xf32>
    %gt3A_25 = arith.cmpf ogt, %add3A_22, %gt3A_24 : vector<3136x4xf32>
    %mul3A_26 = arith.constant 2.000000e-01 : f32
    %mul3A_27 = vector.broadcast %mul3A_26 : f32 to vector<3136x4xf32>
    %mul3A_28 = arith.mulf %mul3A_27, %add3A_22 : vector<3136x4xf32>
    %select_n3A_29 = arith.select %gt3A_25, %add3A_22, %mul3A_28 : vector<3136x4xi1>, vector<3136x4xf32>
    %sub3A = arith.subf %select_n3A_29, %select_n3A : vector<3136x4xf32>
    %exp3A = math.exp %sub3A : vector<3136x4xf32>
    %add3A_30 = arith.addf %slice3A, %slice3A_8 : vector<3136x4xf32>
    %add3A_31 = arith.addf %add3A_30, %exp3A : vector<3136x4xf32>
    %add3A_32 = arith.constant 1.000000e-16 : f32
    %add3A_33 = vector.broadcast %add3A_32 : f32 to vector<3136x4xf32>
    %add3A_34 = arith.addf %add3A_31, %add3A_33 : vector<3136x4xf32>
    %div3A = arith.constant 1.000000e+00 : f32
    %div3A_35 = vector.broadcast %div3A : f32 to vector<3136x4xf32>
    %div3A_36 = arith.divf %div3A_35, %add3A_34 : vector<3136x4xf32>
    %broadcast_in_dim3A = vector.shape_cast %exp3A : vector<3136x4xf32> to vector<3136x4x1xf32>
    %broadcast_in_dim3A_37 = vector.shape_cast %broadcast_in_dim3A : vector<3136x4x1xf32> to vector<3136x4x1xf32>
    %broadcast_in_dim3A_38 = vector.broadcast %broadcast_in_dim3A_37 : vector<3136x4x1xf32> to vector<3136x4x16xf32>
    %reshape3A = vector.shape_cast %broadcast_in_dim3A_38 : vector<3136x4x16xf32> to vector<3136x64xf32>
    %broadcast_in_dim3A_39 = vector.shape_cast %div3A_36 : vector<3136x4xf32> to vector<3136x4x1xf32>
    %broadcast_in_dim3A_40 = vector.shape_cast %broadcast_in_dim3A_39 : vector<3136x4x1xf32> to vector<3136x4x1xf32>
    %broadcast_in_dim3A_41 = vector.broadcast %broadcast_in_dim3A_40 : vector<3136x4x1xf32> to vector<3136x4x16xf32>
    %reshape3A_42 = vector.shape_cast %broadcast_in_dim3A_41 : vector<3136x4x16xf32> to vector<3136x64xf32>
    %get3A_43 = arith.constant 0 : index
    %get3A_44 = arith.constant 0 : index
    %get3A_45 = vector.load %arg6[%get3A_43, %get3A_44] : memref<3136x64xf32, #tpu.memory_space<vmem>>, vector<3136x64xf32>
    %mul3A_46 = arith.mulf %reshape3A, %get3A_45 : vector<3136x64xf32>
    %add3A_47 = arith.addf %get3A_1, %mul3A_46 : vector<3136x64xf32>
    %mul3A_48 = arith.mulf %add3A_47, %reshape3A_42 : vector<3136x64xf32>
    %get3A_49 = arith.constant 0 : index
    %get3A_50 = arith.constant 0 : index
    %get3A_51 = vector.load %arg7[%get3A_49, %get3A_50] : memref<1x64xf32, #tpu.memory_space<vmem>>, vector<1x64xf32>
    %add3A_52 = vector.broadcast %get3A_51 : vector<1x64xf32> to vector<3136x64xf32>
    %add3A_53 = arith.addf %mul3A_48, %add3A_52 : vector<3136x64xf32>
    %gt3A_54 = arith.constant 0.000000e+00 : f32
    %gt3A_55 = vector.broadcast %gt3A_54 : f32 to vector<3136x64xf32>
    %gt3A_56 = arith.cmpf ogt, %add3A_53, %gt3A_55 : vector<3136x64xf32>
    %mul3A_57 = arith.constant 0.00999999977 : f32
    %mul3A_58 = vector.broadcast %mul3A_57 : f32 to vector<3136x64xf32>
    %mul3A_59 = arith.mulf %mul3A_58, %add3A_53 : vector<3136x64xf32>
    %select_n3A_60 = arith.select %gt3A_56, %add3A_53, %mul3A_59 : vector<3136x64xi1>, vector<3136x64xf32>
    %get3A_61 = arith.constant 0 : index
    %get3A_62 = arith.constant 0 : index
    %get3A_63 = arith.constant 0 : index
    %get3A_64 = vector.load %arg8[%get3A_61, %get3A_62, %get3A_63] : memref<1x1x3136xi32, #tpu.memory_space<vmem>>, vector<1x1x3136xi32>
    %get3A_65 = vector.shape_cast %get3A_64 : vector<1x1x3136xi32> to vector<3136xi32>
    %broadcast_in_dim3A_66 = vector.shape_cast %get3A_65 : vector<3136xi32> to vector<3136x1xi32>
    %iota3A = tpu.iota {dimensions = array<i32: 1>} : vector<3136x64xi32>
    %eq3A = vector.broadcast %broadcast_in_dim3A_66 : vector<3136x1xi32> to vector<3136x64xi32>
    %eq3A_67 = arith.cmpi eq, %eq3A, %iota3A : vector<3136x64xi32>
    %convert_element_type3A = arith.extui %eq3A_67 : vector<3136x64xi1> to vector<3136x64xi32>
    %convert_element_type3A_68 = arith.sitofp %convert_element_type3A : vector<3136x64xi32> to vector<3136x64xf32>
    %dot_general3A = arith.constant dense<0.000000e+00> : vector<64x64xf32>
    %dot_general3A_69 = tpu.matmul %convert_element_type3A_68, %select_n3A_60, %dot_general3A {dimension_numbers = #tpu.dot_dimension_numbers<[0], [0], [1], [1], [0, 1, 1, 1], [], []>, precision = #tpu.contract_precision<fp32>, transpose_lhs_hint = false} : vector<3136x64xf32>, vector<3136x64xf32>, vector<64x64xf32> -> vector<64x64xf32>
    %reduce_sum3A = arith.constant dense<0.000000e+00> : vector<64xf32>
    %reduce_sum3A_70 = vector.multi_reduction <add>, %convert_element_type3A_68, %reduce_sum3A [0] : vector<3136x64xf32> to vector<64xf32>
    %broadcast_in_dim3A_71 = vector.shape_cast %reduce_sum3A_70 : vector<64xf32> to vector<1x64xf32>
    %eq3A_72 = arith.constant 0 : i32
    %eq3A_73 = arith.cmpi eq, %arg0, %eq3A_72 : i32
    %convert_element_type3A_74 = arith.extui %eq3A_73 : i1 to i32
    %cond3A = arith.constant 0 : i32
    %cond3A_75 = arith.cmpi ne, %convert_element_type3A_74, %cond3A : i32
    scf.if %cond3A_75 {
      %swap3A = arith.constant 0 : index
      %swap3A_85 = arith.constant 0 : index
      %swap3A_86 = vector.load %arg13[%swap3A, %swap3A_85] : memref<64x64xf32, #tpu.memory_space<vmem>>, vector<64x64xf32>
      tpu.vector_store %arg13[%swap3A, %swap3A_85], %dot_general3A_69 {strides = array<i32>} : memref<64x64xf32, #tpu.memory_space<vmem>>, vector<64x64xf32>,
      %swap3A_87 = arith.constant 0 : index
      %swap3A_88 = arith.constant 0 : index
      %swap3A_89 = vector.load %arg14[%swap3A_87, %swap3A_88] : memref<1x64xf32, #tpu.memory_space<vmem>>, vector<1x64xf32>
      tpu.vector_store %arg14[%swap3A_87, %swap3A_88], %broadcast_in_dim3A_71 {strides = array<i32>} : memref<1x64xf32, #tpu.memory_space<vmem>>, vector<1x64xf32>,
    } else {
    }
    %ne3A = arith.constant 0 : i32
    %ne3A_76 = arith.cmpi ne, %arg0, %ne3A : i32
    %convert_element_type3A_77 = arith.extui %ne3A_76 : i1 to i32
    %cond3A_78 = arith.constant 0 : i32
    %cond3A_79 = arith.cmpi ne, %convert_element_type3A_77, %cond3A_78 : i32
    scf.if %cond3A_79 {
      %get3A_85 = arith.constant 0 : index
      %get3A_86 = arith.constant 0 : index
      %get3A_87 = vector.load %arg13[%get3A_85, %get3A_86] : memref<64x64xf32, #tpu.memory_space<vmem>>, vector<64x64xf32>
      %add3A_88 = arith.addf %get3A_87, %dot_general3A_69 : vector<64x64xf32>
      %swap3A = arith.constant 0 : index
      %swap3A_89 = arith.constant 0 : index
      %swap3A_90 = vector.load %arg13[%swap3A, %swap3A_89] : memref<64x64xf32, #tpu.memory_space<vmem>>, vector<64x64xf32>
      tpu.vector_store %arg13[%swap3A, %swap3A_89], %add3A_88 {strides = array<i32>} : memref<64x64xf32, #tpu.memory_space<vmem>>, vector<64x64xf32>,
      %get3A_91 = arith.constant 0 : index
      %get3A_92 = arith.constant 0 : index
      %get3A_93 = vector.load %arg14[%get3A_91, %get3A_92] : memref<1x64xf32, #tpu.memory_space<vmem>>, vector<1x64xf32>
      %add3A_94 = arith.addf %get3A_93, %broadcast_in_dim3A_71 : vector<1x64xf32>
      %swap3A_95 = arith.constant 0 : index
      %swap3A_96 = arith.constant 0 : index
      %swap3A_97 = vector.load %arg14[%swap3A_95, %swap3A_96] : memref<1x64xf32, #tpu.memory_space<vmem>>, vector<1x64xf32>
      tpu.vector_store %arg14[%swap3A_95, %swap3A_96], %add3A_94 {strides = array<i32>} : memref<1x64xf32, #tpu.memory_space<vmem>>, vector<1x64xf32>,
    } else {
    }
    %eq3A_80 = arith.constant 31 : i32
    %eq3A_81 = arith.cmpi eq, %arg0, %eq3A_80 : i32
    %convert_element_type3A_82 = arith.extui %eq3A_81 : i1 to i32
    %cond3A_83 = arith.constant 0 : i32
    %cond3A_84 = arith.cmpi ne, %convert_element_type3A_82, %cond3A_83 : i32
    scf.if %cond3A_84 {
      %get3A_85 = arith.constant 0 : index
      %get3A_86 = arith.constant 0 : index
      %get3A_87 = vector.load %arg14[%get3A_85, %get3A_86] : memref<1x64xf32, #tpu.memory_space<vmem>>, vector<1x64xf32>
      %max3A = arith.constant 1.000000e+00 : f32
      %max3A_88 = vector.broadcast %max3A : f32 to vector<1x64xf32>
      %max3A_89 = arith.maximumf %get3A_87, %max3A_88 : vector<1x64xf32>
      %reshape3A_90 = vector.shape_cast %max3A_89 : vector<1x64xf32> to vector<64x1xf32>
      %get3A_91 = arith.constant 0 : index
      %get3A_92 = arith.constant 0 : index
      %get3A_93 = vector.load %arg13[%get3A_91, %get3A_92] : memref<64x64xf32, #tpu.memory_space<vmem>>, vector<64x64xf32>
      %div3A_94 = vector.broadcast %reshape3A_90 : vector<64x1xf32> to vector<64x64xf32>
      %div3A_95 = arith.divf %get3A_93, %div3A_94 : vector<64x64xf32>
      %get3A_96 = arith.constant 0 : index
      %get3A_97 = arith.constant 0 : index
      %get3A_98 = vector.load %arg9[%get3A_96, %get3A_97] : memref<64x2xf32, #tpu.memory_space<vmem>>, vector<64x2xf32>
      %dot_general3A_99 = arith.constant dense<0.000000e+00> : vector<64x2xf32>
      %dot_general3A_100 = tpu.matmul %div3A_95, %get3A_98, %dot_general3A_99 {dimension_numbers = #tpu.dot_dimension_numbers<[1], [0], [0], [1], [0, 0, 1, 1], [], []>, precision = #tpu.contract_precision<fp32>, transpose_lhs_hint = false} : vector<64x64xf32>, vector<64x2xf32>, vector<64x2xf32> -> vector<64x2xf32>
      %get3A_101 = arith.constant 0 : index
      %get3A_102 = arith.constant 0 : index
      %get3A_103 = vector.load %arg10[%get3A_101, %get3A_102] : memref<1x2xf32, #tpu.memory_space<vmem>>, vector<1x2xf32>
      %add3A_104 = vector.broadcast %get3A_103 : vector<1x2xf32> to vector<64x2xf32>
      %add3A_105 = arith.addf %dot_general3A_100, %add3A_104 : vector<64x2xf32>
      %reduce_max3A = arith.constant dense<0xFF800000> : vector<64xf32>
      %reduce_max3A_106 = vector.multi_reduction <maximumf>, %add3A_105, %reduce_max3A [1] : vector<64x2xf32> to vector<64xf32>
      %broadcast_in_dim3A_107 = vector.shape_cast %reduce_max3A_106 : vector<64xf32> to vector<64x1xf32>
      %sub3A_108 = vector.broadcast %broadcast_in_dim3A_107 : vector<64x1xf32> to vector<64x2xf32>
      %sub3A_109 = arith.subf %add3A_105, %sub3A_108 : vector<64x2xf32>
      %exp3A_110 = math.exp %sub3A_109 : vector<64x2xf32>
      %reduce_sum3A_111 = arith.constant dense<0.000000e+00> : vector<64xf32>
      %reduce_sum3A_112 = vector.multi_reduction <add>, %exp3A_110, %reduce_sum3A_111 [1] : vector<64x2xf32> to vector<64xf32>
      %broadcast_in_dim3A_113 = vector.shape_cast %reduce_sum3A_112 : vector<64xf32> to vector<64x1xf32>
      %div3A_114 = vector.broadcast %broadcast_in_dim3A_113 : vector<64x1xf32> to vector<64x2xf32>
      %div3A_115 = arith.divf %exp3A_110, %div3A_114 : vector<64x2xf32>
      %swap3A = arith.constant 0 : index
      %swap3A_116 = arith.constant 0 : index
      %swap3A_117 = vector.load %arg11[%swap3A, %swap3A_116] : memref<64x2xf32, #tpu.memory_space<vmem>>, vector<64x2xf32>
      tpu.vector_store %arg11[%swap3A, %swap3A_116], %add3A_105 {strides = array<i32>} : memref<64x2xf32, #tpu.memory_space<vmem>>, vector<64x2xf32>,
      %swap3A_118 = arith.constant 0 : index
      %swap3A_119 = arith.constant 0 : index
      %swap3A_120 = vector.load %arg12[%swap3A_118, %swap3A_119] : memref<64x2xf32, #tpu.memory_space<vmem>>, vector<64x2xf32>
      tpu.vector_store %arg12[%swap3A_118, %swap3A_119], %div3A_115 {strides = array<i32>} : memref<64x2xf32, #tpu.memory_space<vmem>>, vector<64x2xf32>,
    } else {
    }
    return
  }
  func.func @transform_0(%arg0: i32) -> (i32, i32) {
    %c0_i32 = arith.constant 0 : i32
    %c0_i32_0 = arith.constant 0 : i32
    return %arg0, %c0_i32 : i32, i32
  }
  func.func @transform_1(%arg0: i32) -> (i32, i32) {
    %c0_i32 = arith.constant 0 : i32
    %c0_i32_0 = arith.constant 0 : i32
    return %arg0, %c0_i32 : i32, i32
  }
  func.func @transform_2(%arg0: i32) -> (i32, i32) {
    %c0_i32 = arith.constant 0 : i32
    %c0_i32_0 = arith.constant 0 : i32
    return %arg0, %c0_i32 : i32, i32
  }
  func.func @transform_3(%arg0: i32) -> (i32, i32) {
    %c0_i32 = arith.constant 0 : i32
    %c0_i32_0 = arith.constant 0 : i32
    return %arg0, %c0_i32 : i32, i32
  }
  func.func @transform_4(%arg0: i32) -> (i32, i32) {
    %c0_i32 = arith.constant 0 : i32
    %c0_i32_0 = arith.constant 0 : i32
    %c0_i32_1 = arith.constant 0 : i32
    return %c0_i32, %c0_i32_0 : i32, i32
  }
  func.func @transform_5(%arg0: i32) -> (i32, i32) {
    %c0_i32 = arith.constant 0 : i32
    %c0_i32_0 = arith.constant 0 : i32
    return %arg0, %c0_i32 : i32, i32
  }
  func.func @transform_6(%arg0: i32) -> (i32, i32) {
    %c0_i32 = arith.constant 0 : i32
    %c0_i32_0 = arith.constant 0 : i32
    %c0_i32_1 = arith.constant 0 : i32
    return %c0_i32, %c0_i32_0 : i32, i32
  }
  func.func @transform_7(%arg0: i32) -> (i32, i32, i32) {
    %c0_i32 = arith.constant 0 : i32
    %c0_i32_0 = arith.constant 0 : i32
    %c0_i32_1 = arith.constant 0 : i32
    return %arg0, %c0_i32, %c0_i32_0 : i32, i32, i32
  }
  func.func @transform_8(%arg0: i32) -> (i32, i32) {
    %c0_i32 = arith.constant 0 : i32
    %c0_i32_0 = arith.constant 0 : i32
    %c0_i32_1 = arith.constant 0 : i32
    return %c0_i32, %c0_i32_0 : i32, i32
  }
  func.func @transform_9(%arg0: i32) -> (i32, i32) {
    %c0_i32 = arith.constant 0 : i32
    %c0_i32_0 = arith.constant 0 : i32
    %c0_i32_1 = arith.constant 0 : i32
    return %c0_i32, %c0_i32_0 : i32, i32
  }
  func.func @transform_10(%arg0: i32) -> (i32, i32) {
    %c0_i32 = arith.constant 0 : i32
    %c0_i32_0 = arith.constant 0 : i32
    %c0_i32_1 = arith.constant 0 : i32
    return %c0_i32, %c0_i32_0 : i32, i32
  }
  func.func @transform_11(%arg0: i32) -> (i32, i32) {
    %c0_i32 = arith.constant 0 : i32
    %c0_i32_0 = arith.constant 0 : i32
    %c0_i32_1 = arith.constant 0 : i32
    return %c0_i32, %c0_i32_0 : i32, i32
  }
}

</mosaic_0001>

<sc_bundles>
// kernel: kernel.15.cloned.1.call-start
scs
__scs_entry_jumppad:
0x0: {  	(pc) =	sbr.rel $0x88, $3  }
0x1: {  	(tag) =	ssettag $0x0;
	lr =	simm.s32 $0x1  }
0x2: {  	[smem:$0x3F89] =	sst lr;
	_ =	strace $0xD0000000  }
0x3: {  	_ = 	snop  }
0x4: {  	_ = 	snop  }
0x5: {  	_ = 	snop  }
0x6: {  	_ = 	snop  }
0x7: {  	_ = 	snop  }
__scs_overlays_trampoline_lowered:
0x8: {  	[smem:$0x3F98] =	sst s0  }
0x9: {  	[smem:$0x3F99] =	sst s1  }
0xa: {  	[smem:$0x3F9A] =	sst s2  }
0xb: {  	[smem:$0x3F9B] =	sst s3  }
0xc: {  	[smem:$0x3F9C] =	sst s4  }
0xd: {  	[smem:$0x3F9D] =	sst s5  }
0xe: {  	[smem:$0x3F9E] =	sst s6  }
0xf: {  	[smem:$0x3F9F] =	sst s7  }
0x10: {  	[smem:$0x3FA0] =	sst s8  }
0x11: {  	[smem:$0x3FA1] =	sst s9;
	s0 =	simm.s32 @!p0 $0x0  }
0x12: {  	s1 =	sld [smem:$0x3F87];
	s0 =	simm.s32 @p0 $0x1  }
0x13: {  	[smem:$0x3FA2] =	sst s0;
	s0 =	simm.s32 @!p1 $0x0  }
0x14: {  	s2 =	sld [smem:$0x3F86];
	s0 =	simm.s32 @p1 $0x1  }
0x15: {  	[smem:$0x3FA3] =	sst s0;
	s0 =	simm.s32 @!p2 $0x0  }
0x16: {  	s3 =	sld [smem:$0x3FDB];
	s0 =	simm.s32 @p2 $0x1  }
0x17: {  	s4 =	simm.s32 $0x1BF5;
	[smem:$0x3FA5] =	sst s0  }
0x18: {  	s0 =	sld [smem:$0x3F88];
	_ =	swait.ge [sflag:s4], $0x0  }
0x19: {  	s7 =	sld [smem:$0x3F89]  }
0x1a: {  	s8 =	sadd.s32 $0xFFFFE003, lr  }
0x1b: {  	s9 =	sadd.s32 $0xFFFFFEF7, lr;
	s5 =	simm.s32 $0xFFFFFFFF;
	p2 =	slt.u32 s8, $0xFFFFF086  }
0x1c: {  	p1 =	slt.u32 s9, $0xF7A;
	s5 =	simm.s32 @!p2 $0x0  }
0x1d: {  	s5 =	simm.s32 @p1 $0x1;
	p0 =	seq.s32 s7, s2  }
0x1e: {  	s7 =	smul.u32 @!p0 $0xF7A, s2;
	p2 =	seq.s32 @!p0 s5, $0x0  }
0x1f: {  	s9 =	smul.u32 $0xF7A, s1;
	s8 =	simm.s32 @!p0 $0x1BF5;
	p2 =	por !p2, p0  }
0x20: {  	[sflag:s8] =	ssyncset.s32 @!p0 $0xFFFFF086;
	s6 =	sadd.s32 @!p0 s3, s7;
	s7 =	simm.s32 @!p0 $0x108  }
0x21: {  	s3 =	sadd.s32 s3, s9;
	s6 =	sadd.s32 @!p0 $0x88, s6;
	s7 =	simm.s32 @p2 $0x1082  }
0x22: {  	[simem:s7], [sflag:s8] =	dma.local @!p0 [hbm:s6], $0xF7A  }
0x23: {  	s9 =	sor.u32 $0xD0000000, s2;
	s6 =	simm.s32 $0x108;
	_ =	swait.ge @!p0 [sflag:s8], $0x0  }
0x24: {  	s3 =	sadd.s32 $0x88, s3;
	s6 =	simm.s32 @!p1 $0x1082;
	[sflag:s4] =	ssyncset.s32 $0xFFFFF086  }
0x25: {  	[simem:s6], [sflag:s4] =	dma.local [hbm:s3], $0xF7A  }
0x26: {  	[smem:$0x3F89] =	sst s1;
	(tag) =	ssettag s2;
	_ =	strace s9  }
0x27: {  	s1 =	sld [smem:$0x3F99]  }
0x28: {  	s2 =	sld [smem:$0x3F9A]  }
0x29: {  	s4 =	sld [smem:$0x3F9C]  }
0x2a: {  	p0 =	seq.s32 s5, $0x0;
	s5 =	sld [smem:$0x3F9D]  }
0x2b: {  	s6 =	sld [smem:$0x3F9E]  }
0x2c: {  	s7 =	sld [smem:$0x3F9F]  }
0x2d: {  	s3 =	simm.s32 $0x108;
	s8 =	sld [smem:$0x3FA0]  }
0x2e: {  	s3 =	simm.s32 @!p0 $0x1082;
	s9 =	sld [smem:$0x3FA1]  }
0x2f: {  	lr =	sadd.s32 s0, s3;
	s0 =	sld [smem:$0x3F98]  }
0x30: {  	s3 =	sld [smem:$0x3F9B]  }
0x31: {  	[smem:$0x3FA4] =	sst s10  }
0x32: {  	s10 =	sld [smem:$0x3FA2];
	_ =	sdelay $0x3  }
0x33: {  	p0 =	seq.s32 s10, $0x1;
	s10 =	sld [smem:$0x3FA4];
	_ =	sdelay $0x3  }
0x34: {  	[smem:$0x3FA4] =	sst s10  }
0x35: {  	s10 =	sld [smem:$0x3FA3];
	_ =	sdelay $0x3  }
0x36: {  	p1 =	seq.s32 s10, $0x1;
	s10 =	sld [smem:$0x3FA4];
	_ =	sdelay $0x3  }
0x37: {  	[smem:$0x3FA4] =	sst s10  }
0x38: {  	s10 =	sld [smem:$0x3FA5]  }
0x39: {  	_ = 	snop;
	(pc) =	sbr.ind lr, $3  }
0x3a: {  	_ = 	snop  }
0x3b: {  	_ = 	snop  }
0x3c: {  	p2 =	seq.s32 s10, $0x1;
	s10 =	sld [smem:$0x3FA4]  }
0x3d: {  	_ =	shalt  }
0x3e: {  	_ =	shalt  }
0x3f: {  	_ =	shalt  }
0x40: {  	_ =	shalt  }
0x41: {  	_ =	shalt  }
0x42: {  	_ =	shalt  }
0x43: {  	_ =	shalt  }
0x44: {  	_ =	shalt  }
0x45: {  	_ =	shalt  }
0x46: {  	_ =	shalt  }
0x47: {  	_ =	shalt  }
0x48: {  	_ =	shalt  }
0x49: {  	_ =	shalt  }
0x4a: {  	_ =	shalt  }
0x4b: {  	_ =	shalt  }
0x4c: {  	_ =	shalt  }
0x4d: {  	_ =	shalt  }
0x4e: {  	_ =	shalt  }
0x4f: {  	_ =	shalt  }
0x50: {  	_ =	shalt  }
0x51: {  	_ =	shalt  }
0x52: {  	_ =	shalt  }
0x53: {  	_ =	shalt  }
0x54: {  	_ =	shalt  }
0x55: {  	_ =	shalt  }
0x56: {  	_ =	shalt  }
0x57: {  	_ =	shalt  }
0x58: {  	_ =	shalt  }
0x59: {  	_ =	shalt  }
0x5a: {  	_ =	shalt  }
0x5b: {  	_ =	shalt  }
0x5c: {  	_ =	shalt  }
0x5d: {  	_ =	shalt  }
0x5e: {  	_ =	shalt  }
0x5f: {  	_ =	shalt  }
0x60: {  	_ =	shalt  }
0x61: {  	_ =	shalt  }
0x62: {  	_ =	shalt  }
0x63: {  	_ =	shalt  }
0x64: {  	_ =	shalt  }
0x65: {  	_ =	shalt  }
0x66: {  	_ =	shalt  }
0x67: {  	_ =	shalt  }
0x68: {  	_ =	shalt  }
0x69: {  	_ =	shalt  }
0x6a: {  	_ =	shalt  }
0x6b: {  	_ =	shalt  }
0x6c: {  	_ =	shalt  }
0x6d: {  	_ =	shalt  }
0x6e: {  	_ =	shalt  }
0x6f: {  	_ =	shalt  }
0x70: {  	_ =	shalt  }
0x71: {  	_ =	shalt  }
0x72: {  	_ =	shalt  }
0x73: {  	_ =	shalt  }
0x74: {  	_ =	shalt  }
0x75: {  	_ =	shalt  }
0x76: {  	_ =	shalt  }
0x77: {  	_ =	shalt  }
0x78: {  	_ =	shalt  }
0x79: {  	_ =	shalt  }
0x7a: {  	_ =	shalt  }
0x7b: {  	_ =	shalt  }
0x7c: {  	_ =	shalt  }
0x7d: {  	_ =	shalt  }
0x7e: {  	_ =	shalt  }
0x7f: {  	_ =	shalt  }
0x80: {  	_ =	shalt  }
0x81: {  	_ =	shalt  }
0x82: {  	_ =	shalt  }
0x83: {  	_ =	shalt  }
0x84: {  	_ =	shalt  }
0x85: {  	_ =	shalt  }
0x86: {  	_ =	shalt  }
0x87: {  	_ =	shalt  }
.Lfunc_end0:
.L_simem_size_0:
called_computation_lowered:
.L_overlay_start_0:
0x88: {  	s2 =	sld [smem:$0x3FD9]  }
0x89: {  	s3 =	sld [smem:$0x3FFE];
	_ =	sdelay $0x1  }
0x8a: {  	s1 =	srdreg.scid  }
0x8b: {  	s0 =	sand.u32 $0x1, s1  }
0x8c: {  	s14 =	sshll.u32 s0, $0xA;
	s2 =	sadd.s32 s3, s2  }
0x8d: {  	s2 =	sadd.s32 s2, s14  }
0x8e: {  	[smem:$0x3FB0] =	sst s2  }
0x8f: {  	_ = 	snop  }
0x90: {  	s2 =	sld [smem:$0x3FD0];
	_ =	sdelay $0x2  }
0x91: {  	s15 =	simm.s32 $0xA;
	s4 =	simm.s32 $0x10  }
0x92: {  	[smem:s4], [sflag:s15] =	dma.local [hbm:s2], $0x1  }
0x93: {  	_ =	swait.eq [sflag:s15], $0x1  }
0x94: {  	[sflag:s15] =	ssyncset.done $0x0  }
0x95: {  	[sflag:s15] =	ssyncadd.s32 $0xFFFFFFFF  }
0x96: {  	s16 =	sld [smem:$0x11];
	(tm) =	ssettm $0x1  }
0x97: {  	s17 =	sld [smem:$0x3FFB];
	_ =	sdelay $0x3  }
0x98: {  	_ =	strace s17  }
0x99: {  	s3 =	sld [smem:$0x3FFC];
	_ =	sdelay $0x3  }
0x9a: {  	_ =	strace s3  }
0x9b: {  	s3 =	sld [smem:$0x3FFD];
	_ =	sdelay $0x3  }
0x9c: {  	_ =	strace s3  }
0x9d: {  	_ =	strace $0x8FFFFFFF  }
0x9e: {  	s18 =	sld [smem:$0x3FDB];
	_ =	sdelay $0x1  }
0x9f: {  	s19 =	simm.s32 $_scs_section_size  }
0xa0: {  	s5 =	simm.s32 $_size__tile_overlayer_lowered;
	s6 =	simm.s32 $_tile_overlayer_lowered  }
0xa1: {  	s22 =	simm.s32 $0x1BFF;
	s21 =	sshll.u32 s6, $0x1;
	s3 =	sadd.s32 s19, s18  }
0xa2: {  	s7 =	simm.s32 $0x0;
	s20 =	sshll.u32 s5, $0x1;
	s5 =	sadd.s32 s21, s3  }
0xa3: {  	[timem:s7], [sflag:s22] =	dma.local [hbm:s5], s20  }
0xa4: {  	_ =	swait.ge [sflag:s22], s20  }
0xa5: {  	s4 =	ssub.s32 $0x0, s20;
	[sflag:s22] =	ssyncset.done $0x0  }
0xa6: {  	[sflag:s22] =	ssyncadd.s32 s4;
	_ =	sdelay $0x1  }
0xa7: {  	s23 =	simm.s32 $0x1B8B  }
0xa8: {  	_ =	swait.ge [sflag:s23], $0x1  }
0xa9: {  	[sflag:s23] =	ssyncset.done $0x0  }
0xaa: {  	s25 =	simm.s32 $0x1B8E;
	s24 =	sld [smem:$0x3FFE];
	[sflag:s23] =	ssyncadd.s32 $0xFFFFFFFF  }
0xab: {  	s26 =	simm.s32 $execute0_lowered;
	[smem:$0x3FD2] =	sst s25  }
0xac: {  	s5 =	sshll.u32 s26, $0x1;
	_ =	strace $0x80000046;
	[dreg:$0x1] =	wrdreg $0xFFFFFFFF  }
0xad: {  	s28 =	simm.s32 $_size_execute0_lowered;
	s3 =	sadd.s32 s3, s5;
	[dreg:$0x0] =	wrdreg $0x0  }
0xae: {  	s5 =	sshll.u32 s28, $0x1;
	[dreg:$0x2] =	wrdreg s3  }
0xaf: {  	[dreg:$0x3] =	wrdreg s5  }
0xb0: {  	[dreg:$0x4] =	wrdreg $0xC0  }
0xb1: {  	_ =	task [dreg:s7], $0x5FFFF  }
0xb2: {  	[dreg:$0x1] =	wrdreg $0xFFFFFFFF  }
0xb3: {  	[dreg:$0x0] =	wrdreg $0x60  }
0xb4: {  	[dreg:$0x2] =	wrdreg s16  }
0xb5: {  	[dreg:$0x3] =	wrdreg s24  }
0xb6: {  	[dreg:$0x4] =	wrdreg $0x109B00  }
0xb7: {  	[dreg:$0x5] =	wrdreg $0x9  }
0xb8: {  	_ =	task.clear_ibuf [dreg:s7], $0x6FFFF;
	_ =	strace $0x90000046  }
0xb9: {  	s29 =	simm.s32 $0x9;
	_ =	strace $0x80000048  }
0xba: {  	_ =	swait.ge [sflag:s29], $0x1  }
0xbb: {  	[sflag:s29] =	ssyncadd.s32 $0xFFFFFFFF  }
0xbc: {  	_ =	strace $0x90000048  }
0xbd: {  	_ =	sfence  }
0xbe: {  	s30 =	sld [smem:$0x0];
	_ =	sdelay $0x2  }
0xbf: {  	s31 =	sshll.u32 s1, $0xD;
	s1 =	sshrl.u32 s1, $0x2  }
0xc0: {  	s3 =	sand.u32 $0x4000, s31;
	s1 =	sadd.s32 s1, s30  }
0xc1: {  	s0 =	sor.u32 s3, s0;
	s1 =	sshll.u32 s1, $0x11  }
0xc2: {  	s0 =	sor.u32 s1, s0  }
0xc3: {  	s0 =	sadd.s32 $0x8F2B, s0  }
0xc4: {  	[sflag:s0] =	ssyncadd.remote.s32 $0x1  }
0xc5: {  	_ =	sfence.sel $0xFFFF  }
0xc6: {  	[dreg:$0x0] =	wrdreg $0xFFFFFFFF;
	(pc) =	sbr.abs _section_cstart, $3  }
0xc7: {  	[dreg:$0x1] =	wrdreg $0xFFFFFFFF  }
0xc8: {  	_ =	task.clear_ibuf [dreg:s7], $0x2FFFF;
	_ =	strace $0x9FFFFFFF  }
0xc9: {  	(tm) =	ssettm $0x7FFFFFFF  }
tec
execute0_lowered:
.L_overlay_start_1:
0x0: {  	(tag) =	ssettag $0x1  }
0x1: {  	s1 =	rddreg [dreg:$0x0]  }
0x2: {  	s10 =	rddreg [dreg:$0x1]  }
0x3: {  	s2 =	rddreg [dreg:$0x2]  }
0x4: {  	s0 =	rddreg [dreg:$0x3]  }
0x5: {  	s3 =	simm.s32 $0x0;
	s7 =	srdreg.scid;
	s4 =	stileid.u32  }
0x6: {  	s18 =	simm.s32 $0x7E0;
	s19 =	simm.s32 $0x7D0;
	s20 =	simm.s32 $0xFB0  }
0x7: {  	s21 =	simm.s32 $0x1;
	s22 =	simm.s32 $0x4E30;
	s23 =	simm.s32 $0x8CB0  }
0x8: {  	s24 =	simm.s32 $0x0;
	[smem:$0x7FF] =	sst s3;
	s5 =	sadd.s32 $0x81600, s10  }
0x9: {  	s6 =	sadd.s32 $0x50800, s10;
	s11 =	smul.u32 $0xC400, s4;
	s9 =	sand.u32 $0x1, s7  }
0xa: {  	s7 =	sadd.s32 $0x1FA00, s10;
	s8 =	sadd.s32 $0x7200, s10;
	s14 =	smul.u32 $0xC350, s4  }
0xb: {  	s31 =	sshll.u32 s4, $0x6;
	_ =	strace $0x80000047;
	p0 =	seq.s32 s9, $0x1  }
0xc: {  	s13 =	smul.u32 $0xC3500, s9;
	s29 =	ssub.s32 $0x2, s9;
	s12 =	sadd.s32 $0xC4000, s11  }
0xd: {  	s15 =	sadd.s32 s11, s2;
	s16 =	sshrl.u32 s29, $0x1;
	s11 =	smov.u32 @p0 s12  }
0xe: {  	s9 =	sadd.s32 $0xB4000, s10;
	s30 =	ssub.s32 s29, s16;
	s11 =	sshrl.u32 s11, $0x3  }
0xf: {  	v0 =	vlaneseq.u32;
	s15 =	sshrl.u32 s15, $0x3;
	s16 =	simm.s32 $0xCB30;
	s17 =	sadd.s32 s11, s10  }
0x10: {  	v1 =	vshrl.u32 v0, $0x2;
	v0 =	vand.u32 $0x3, v0;
	s10 =	sadd.s32 s14, s13;
	s11 =	smax.u32 s30, $0x1;
	s13 =	simm.s32 $0x2  }
0x11: {  	v3 =	vimm.f32 $0.0e+00;
	v1 =	vmul.u32 $0x8, v1;
	v2 =	vor.u32 $0x4, v0;
	s14 =	sor.u32 $0x1C02, s31;
	s12 =	sadd.s32 $0x83000, s17;
	s17 =	simm.s32 $0x10  }
.LBB2_1:
0x12: {  	[tilespmem:s3], [sflag:$0x2] =	stream.linear.gather [hbm4b:s1+s3], $0x10, $0x38;
	[tilespmem:$0x1CDB0] =	vst v63  }
0x13: {  	_ =	swait.ge [sflag:s13], $0x10  }
0x14: {  	[sflag:s13] =	ssyncset.done $0x0  }
0x15: {  	[sflag:s13] =	ssyncadd.s32 $0xFFFFFFF0  }
0x16: {  	v4 =	vmov s3;
	[spmem:s15], [sflag:s14] =	dma.local [hbm:s5], $0x1880  }
0x17: {  	v4 =	vshll.u32 v4, $0x3;
	_ =	swait.ge [sflag:s13], $0x1880  }
0x18: {  	v4 =	vor.u32 v1, v4;
	[sflag:s13] =	ssyncset.done $0x0  }
0x19: {  	s25 =	simm.s32 $0x4;
	v4 =	vor.u32 v2, v4;
	[sflag:s13] =	ssyncadd.s32 $0xFFFFE780  }
.LBB2_2:
0x1a: {  	p0 =	sne.s32 s25, $0x7CC  }
.Ltmp0:
0x1b: {  	_ = 	snop;
	(pc) =	sbr.rel @p0 .LBB2_2-.Ltmp0, $4  }
0x1c: {  	v5 =	vmov s25  }
0x1d: {  	v5 =	vshll.u32 v5, $0x3  }
0x1e: {  	v5 =	vor.u32 v1, v5  }
0x1f: {  	s25 =	sadd.s32 $0x4, s25;
	[tilespmem:v4+s16+$0x0] =	vst.idx.msk $0xffff, v3;
	v4 =	vor.u32 v2, v5  }
0x20: {  	_ =	sdelay $0x3  }
0x21: {  	[tilespmem:v4+s16+$0x0] =	vst.idx.msk $0xffff, v3  }
0x22: {  	s25 =	simm.s32 $0x0;
	s26 =	simm.s32 $0x0;
	[bflag:$0x0] =	sbarrier.arrive $0xFFFF  }
.LBB2_4:
0x23: {  	s28 =	smul.u32 $0x7D0, s26;
	_ =	sdelay $0x1  }
0x24: {  	s28 =	sadd.s32 s28, s10  }
0x25: {  	s29 =	sshrl.u32 s28, $0x3  }
0x26: {  	s30 =	sadd.s32 s6, s29  }
0x27: {  	[tilespmem:s17], [sflag:$0x2] =	stream.linear.gather [hbm4b:s30+s25], $0x7D0, $0x38;
	[tilespmem:$0x1CDB0] =	vst v63  }
0x28: {  	_ =	swait.ge [sflag:s13], $0x7D0  }
0x29: {  	[sflag:s13] =	ssyncset.done $0x0  }
0x2a: {  	s29 =	sadd.s32 s7, s29;
	[sflag:s13] =	ssyncadd.s32 $0xFFFFF830  }
0x2b: {  	[tilespmem:s18], [sflag:$0x2] =	stream.linear.gather [hbm4b:s29+s25], $0x7D0, $0x38;
	[tilespmem:$0x1CDB0] =	vst v63  }
0x2c: {  	_ =	swait.ge [sflag:s13], $0x7D0  }
0x2d: {  	[sflag:s13] =	ssyncset.done $0x0  }
0x2e: {  	[sflag:s13] =	ssyncadd.s32 $0xFFFFF830  }
0x2f: {  	[tilespmem:s20], [sflag:$0x1] =	stream.indirect.gather [hbm4b:s8+s19], $0x8, s17, s19, $0xb8;
	[tilespmem:$0x1CDB0] =	vst v63  }
0x30: {  	v4 =	vmov s25;
	_ =	swait.ge [sflag:s21], $0x3E80  }
0x31: {  	v4 =	vshll.u32 v4, $0x3;
	[sflag:s21] =	ssyncset.done $0x0  }
0x32: {  	v5 =	vor.u32 v1, v4;
	[sflag:s21] =	ssyncadd.s32 $0xFFFFC180  }
0x33: {  	v4 =	vor.u32 v0, v5;
	[tilespmem:s22], [sflag:$0x1] =	stream.indirect.gather [hbm4b:s8+s19], $0x8, s18, s19, $0xb8;
	[tilespmem:$0x1CDB0] =	vst v63  }
0x34: {  	v6 =	vor.u32 v2, v5;
	_ =	swait.ge [sflag:s21], $0x3E80  }
0x35: {  	[sflag:s21] =	ssyncset.done $0x0  }
0x36: {  	[sflag:s21] =	ssyncadd.s32 $0xFFFFC180  }
0x37: {  	v5 =	vld [tilespmem:$0x0]  }
0x38: {  	v7 =	vld.idx.msk [tilespmem:v4+s20+$0x0], $0xffff  }
0x39: {  	v6 =	vld.idx.msk [tilespmem:v6+s22+$0x0], $0xffff;
	_ =	sdelay $0x4  }
0x3a: {  	v7 =	vadd.f32 v6, v7;
	v6 =	vadd.f32 v6, v5;
	_ =	sdelay $0x1  }
0x3b: {  	v8 =	vmul.f32 $2.000000030e-01, v7;
	v9 =	vmul.f32 $2.000000030e-01, v6  }
0x3c: {  	vm0 =	vgt.f32 v7, $0.0e+00;
	vm1 =	vgt.f32 v6, $0.0e+00  }
0x3d: {  	v7 =	vsel vm0, v7, v8;
	v6 =	vsel vm1, v6, v9  }
0x3e: {  	v6 =	vsub.f32 v7, v6;
	_ =	sdelay $0x1  }
0x3f: {  	v6 =	vmul.f32 $1.442695020e+00, v6;
	_ =	sdelay $0x1  }
0x40: {  	(erf) = vpow2.f32 v6;
	_ =	sdelay $0x2  }
0x41: {  	s29 =	simm.s32 $0x4  }
0x42: {  	v7 =	vmov s29  }
0x43: {  	v7 =	vshll.u32 v7, $0x3  }
0x44: {  	s29 =	simm.s32 $0x8;
	v6 =	vor.u32 v1, v7  }
.LBB2_5:
0x45: {  	p0 =	sne.s32 s29, $0x7CC;
	v7 =	vor.u32 v0, v6  }
0x46: {  	v6 =	vor.u32 v2, v6  }
0x47: {  	v8 =	vpop (erf)  }
0x48: {  	[tilespmem:v4+s23+$0x0] =	vst.idx.msk $0xffff, v8  }
0x49: {  	[tilespmem:v4+s16+$0x0] =	vst.idx.msk $0xffff, v8;
	v4 =	vmov v7  }
0x4a: {  	v7 =	vld.idx.msk [tilespmem:v7+s20+$0x0], $0xffff  }
0x4b: {  	v6 =	vld.idx.msk [tilespmem:v6+s22+$0x0], $0xffff;
	_ =	sdelay $0x5  }
0x4c: {  	v7 =	vadd.f32 v6, v7;
	v6 =	vadd.f32 v6, v5;
	_ =	sdelay $0x1  }
0x4d: {  	v8 =	vmul.f32 $2.000000030e-01, v7;
	v9 =	vmul.f32 $2.000000030e-01, v6  }
0x4e: {  	vm0 =	vgt.f32 v7, $0.0e+00;
	vm1 =	vgt.f32 v6, $0.0e+00  }
0x4f: {  	v7 =	vsel vm0, v7, v8;
	v6 =	vsel vm1, v6, v9  }
0x50: {  	v6 =	vsub.f32 v7, v6;
	_ =	sdelay $0x1  }
0x51: {  	v6 =	vmul.f32 $1.442695020e+00, v6;
	_ =	sdelay $0x1  }
0x52: {  	(erf) = vpow2.f32 v6;
	_ =	sdelay $0x1  }
.Ltmp1:
0x53: {  	(pc) =	sbr.rel @p0 .LBB2_5-.Ltmp1, $4  }
0x54: {  	_ = 	snop  }
0x55: {  	v6 =	vmov s29  }
0x56: {  	v6 =	vshll.u32 v6, $0x3  }
0x57: {  	s29 =	sadd.s32 $0x4, s29;
	v6 =	vor.u32 v1, v6  }
0x58: {  	_ = 	snop  }
0x59: {  	v7 =	vor.u32 v0, v6  }
0x5a: {  	v61 =	vor.u32 v2, v6  }
0x5b: {  	v8 =	vpop (erf)  }
0x5c: {  	[tilespmem:v4+s23+$0x0] =	vst.idx.msk $0xffff, v8  }
0x5d: {  	[tilespmem:v4+s16+$0x0] =	vst.idx.msk $0xffff, v8  }
0x5e: {  	v4 =	vld.idx.msk [tilespmem:v7+s20+$0x0], $0xffff  }
0x5f: {  	v6 =	vld.idx.msk [tilespmem:v61+s22+$0x0], $0xffff;
	_ =	sdelay $0x4  }
0x60: {  	v4 =	vadd.f32 v6, v4;
	v5 =	vadd.f32 v6, v5;
	_ =	sdelay $0x1  }
0x61: {  	v62 =	vmul.f32 $2.000000030e-01, v4;
	v63 =	vmul.f32 $2.000000030e-01, v5  }
0x62: {  	vm0 =	vgt.f32 v4, $0.0e+00;
	vm1 =	vgt.f32 v5, $0.0e+00  }
0x63: {  	v4 =	vsel vm0, v4, v62;
	v5 =	vsel vm1, v5, v63  }
0x64: {  	v4 =	vsub.f32 v4, v5;
	_ =	sdelay $0x1  }
0x65: {  	v4 =	vmul.f32 $1.442695020e+00, v4;
	_ =	sdelay $0x1  }
0x66: {  	(erf) = vpow2.f32 v4;
	_ =	sdelay $0x8  }
0x67: {  	v4 =	vpop (erf)  }
0x68: {  	[tilespmem:v7+s23+$0x0] =	vst.idx.msk $0xffff, v4  }
0x69: {  	s28 =	sadd.s32 s9, s28;
	[tilespmem:v7+s16+$0x0] =	vst.idx.msk $0xffff, v4  }
0x6a: {  	[hbm4b:s28+s3] =	stream.linear.scatter [tilespmem:s23], [sflag:$0x2], $0x3E80, $0x38;
	[tilespmem:$0x1CDB0] =	vst v63  }
0x6b: {  	s26 =	sadd.s32 $0x1, s26;
	_ =	swait.ge [sflag:s13], $0x3E80  }
0x6c: {  	p0 =	sne.s32 s26, $0x19;
	[sflag:s13] =	ssyncset.done $0x0  }
.Ltmp2:
0x6d: {  	[sflag:s13] =	ssyncadd.s32 $0xFFFFC180;
	(pc) =	sbr.rel @p0 .LBB2_4-.Ltmp2, $4  }
0x6e: {  	[spmem:s2] =	stream.indirect.scatter.add.f32 [tilespmem:s16], [sflag:$0x2], $0x8, s18, s19, $0xb8;
	[tilespmem:$0x1CDB0] =	vst v63  }
0x6f: {  	_ =	swait.ge [sflag:s13], $0x3E80  }
0x70: {  	[sflag:s13] =	ssyncset.done $0x0  }
0x71: {  	[sflag:s13] =	ssyncadd.s32 $0xFFFFC180  }
0x72: {  	s24 =	sadd.s32 $0x1, s24  }
0x73: {  	p0 =	sne.s32 s24, s11  }
.Ltmp3:
0x74: {  	[bflag:$0x0] =	sbarrier.arrive $0xFFFF;
	(pc) =	sbr.rel @p0 .LBB2_1-.Ltmp3, $4  }
0x75: {  	[hbm:s12], [sflag:s14] =	dma.local [spmem:s15], $0x1880  }
0x76: {  	_ =	swait.ge [sflag:s13], $0x1880  }
0x77: {  	[sflag:s13] =	ssyncset.done $0x0  }
0x78: {  	[sflag:s13] =	ssyncadd.s32 $0xFFFFE780  }
0x79: {  	_ =	sfence.sel $0x180000  }
0x7a: {  	[bflag:$0x0] =	sbarrier.arrive $0xFFFF  }
0x7b: {  	p0 =	sne.s32 s4, $0x0;
	_ =	strace $0x90000047  }
0x7c: {  	s0 =	sadd.s32 @!p0 $0x100000, s0;
	[bflag:$0x2] =	sbarrier.arrive $0xFFFF  }
0x7d: {  	[sflag:s0] =	ssyncadd.tile.s32 @!p0 $0x1;
	_ =	shalt  }
.Lfunc_end2:
_tile_overlayer_lowered:
.L_overlay_start_2:
0x7e: {  	(tag) =	ssettag $0x2  }
0x7f: {  	s0 =	rddreg [dreg:$0x0];
	s2 =	stileid.u32  }
0x80: {  	s1 =	rddreg [dreg:$0x1];
	p0 =	sne.s32 s2, $0x0  }
0x81: {  	s3 =	rddreg [dreg:$0x2];
	[bflag:$0x3] =	sbarrier.arrive $0xFFFF;
	s2 =	simm.s32 @!p0 $0x1C02  }
0x82: {  	[timem:s3], [sflag:s2] =	dma.local @!p0 [hbm:s0], s1  }
0x83: {  	s0 =	simm.s32 @!p0 $0x2  }
0x84: {  	_ =	swait.ge @!p0 [sflag:s0], s1  }
0x85: {  	s1 =	ssub.s32 @!p0 $0x0, s1;
	[sflag:s0] =	ssyncset.done @!p0 $0x0  }
0x86: {  	[sflag:s0] =	ssyncadd.s32 @!p0 s1  }
0x87: {  	[bflag:$0x3] =	sbarrier.arrive $0xFFFF  }
0x88: {  	_ =	shalt  }

// kernel: kernel.18.cloned.1.call-start
scs
__scs_entry_jumppad:
0x0: {  	(pc) =	sbr.rel $0x88, $3  }
0x1: {  	(tag) =	ssettag $0x0;
	lr =	simm.s32 $0x1  }
0x2: {  	[smem:$0x3F89] =	sst lr;
	_ =	strace $0xD0000000  }
0x3: {  	_ = 	snop  }
0x4: {  	_ = 	snop  }
0x5: {  	_ = 	snop  }
0x6: {  	_ = 	snop  }
0x7: {  	_ = 	snop  }
__scs_overlays_trampoline_lowered:
0x8: {  	[smem:$0x3F98] =	sst s0  }
0x9: {  	[smem:$0x3F99] =	sst s1  }
0xa: {  	[smem:$0x3F9A] =	sst s2  }
0xb: {  	[smem:$0x3F9B] =	sst s3  }
0xc: {  	[smem:$0x3F9C] =	sst s4  }
0xd: {  	[smem:$0x3F9D] =	sst s5  }
0xe: {  	[smem:$0x3F9E] =	sst s6  }
0xf: {  	[smem:$0x3F9F] =	sst s7  }
0x10: {  	[smem:$0x3FA0] =	sst s8  }
0x11: {  	[smem:$0x3FA1] =	sst s9;
	s0 =	simm.s32 @!p0 $0x0  }
0x12: {  	s1 =	sld [smem:$0x3F87];
	s0 =	simm.s32 @p0 $0x1  }
0x13: {  	[smem:$0x3FA2] =	sst s0;
	s0 =	simm.s32 @!p1 $0x0  }
0x14: {  	s2 =	sld [smem:$0x3F86];
	s0 =	simm.s32 @p1 $0x1  }
0x15: {  	[smem:$0x3FA3] =	sst s0;
	s0 =	simm.s32 @!p2 $0x0  }
0x16: {  	s3 =	sld [smem:$0x3FDB];
	s0 =	simm.s32 @p2 $0x1  }
0x17: {  	s4 =	simm.s32 $0x1BF5;
	[smem:$0x3FA5] =	sst s0  }
0x18: {  	s0 =	sld [smem:$0x3F88];
	_ =	swait.ge [sflag:s4], $0x0  }
0x19: {  	s7 =	sld [smem:$0x3F89]  }
0x1a: {  	s8 =	sadd.s32 $0xFFFFE003, lr  }
0x1b: {  	s9 =	sadd.s32 $0xFFFFFEF7, lr;
	s5 =	simm.s32 $0xFFFFFFFF;
	p2 =	slt.u32 s8, $0xFFFFF086  }
0x1c: {  	p1 =	slt.u32 s9, $0xF7A;
	s5 =	simm.s32 @!p2 $0x0  }
0x1d: {  	s5 =	simm.s32 @p1 $0x1;
	p0 =	seq.s32 s7, s2  }
0x1e: {  	s7 =	smul.u32 @!p0 $0xF7A, s2;
	p2 =	seq.s32 @!p0 s5, $0x0  }
0x1f: {  	s9 =	smul.u32 $0xF7A, s1;
	s8 =	simm.s32 @!p0 $0x1BF5;
	p2 =	por !p2, p0  }
0x20: {  	[sflag:s8] =	ssyncset.s32 @!p0 $0xFFFFF086;
	s6 =	sadd.s32 @!p0 s3, s7;
	s7 =	simm.s32 @!p0 $0x108  }
0x21: {  	s3 =	sadd.s32 s3, s9;
	s6 =	sadd.s32 @!p0 $0x88, s6;
	s7 =	simm.s32 @p2 $0x1082  }
0x22: {  	[simem:s7], [sflag:s8] =	dma.local @!p0 [hbm:s6], $0xF7A  }
0x23: {  	s9 =	sor.u32 $0xD0000000, s2;
	s6 =	simm.s32 $0x108;
	_ =	swait.ge @!p0 [sflag:s8], $0x0  }
0x24: {  	s3 =	sadd.s32 $0x88, s3;
	s6 =	simm.s32 @!p1 $0x1082;
	[sflag:s4] =	ssyncset.s32 $0xFFFFF086  }
0x25: {  	[simem:s6], [sflag:s4] =	dma.local [hbm:s3], $0xF7A  }
0x26: {  	[smem:$0x3F89] =	sst s1;
	(tag) =	ssettag s2;
	_ =	strace s9  }
0x27: {  	s1 =	sld [smem:$0x3F99]  }
0x28: {  	s2 =	sld [smem:$0x3F9A]  }
0x29: {  	s4 =	sld [smem:$0x3F9C]  }
0x2a: {  	p0 =	seq.s32 s5, $0x0;
	s5 =	sld [smem:$0x3F9D]  }
0x2b: {  	s6 =	sld [smem:$0x3F9E]  }
0x2c: {  	s7 =	sld [smem:$0x3F9F]  }
0x2d: {  	s3 =	simm.s32 $0x108;
	s8 =	sld [smem:$0x3FA0]  }
0x2e: {  	s3 =	simm.s32 @!p0 $0x1082;
	s9 =	sld [smem:$0x3FA1]  }
0x2f: {  	lr =	sadd.s32 s0, s3;
	s0 =	sld [smem:$0x3F98]  }
0x30: {  	s3 =	sld [smem:$0x3F9B]  }
0x31: {  	[smem:$0x3FA4] =	sst s10  }
0x32: {  	s10 =	sld [smem:$0x3FA2];
	_ =	sdelay $0x3  }
0x33: {  	p0 =	seq.s32 s10, $0x1;
	s10 =	sld [smem:$0x3FA4];
	_ =	sdelay $0x3  }
0x34: {  	[smem:$0x3FA4] =	sst s10  }
0x35: {  	s10 =	sld [smem:$0x3FA3];
	_ =	sdelay $0x3  }
0x36: {  	p1 =	seq.s32 s10, $0x1;
	s10 =	sld [smem:$0x3FA4];
	_ =	sdelay $0x3  }
0x37: {  	[smem:$0x3FA4] =	sst s10  }
0x38: {  	s10 =	sld [smem:$0x3FA5]  }
0x39: {  	_ = 	snop;
	(pc) =	sbr.ind lr, $3  }
0x3a: {  	_ = 	snop  }
0x3b: {  	_ = 	snop  }
0x3c: {  	p2 =	seq.s32 s10, $0x1;
	s10 =	sld [smem:$0x3FA4]  }
0x3d: {  	_ =	shalt  }
0x3e: {  	_ =	shalt  }
0x3f: {  	_ =	shalt  }
0x40: {  	_ =	shalt  }
0x41: {  	_ =	shalt  }
0x42: {  	_ =	shalt  }
0x43: {  	_ =	shalt  }
0x44: {  	_ =	shalt  }
0x45: {  	_ =	shalt  }
0x46: {  	_ =	shalt  }
0x47: {  	_ =	shalt  }
0x48: {  	_ =	shalt  }
0x49: {  	_ =	shalt  }
0x4a: {  	_ =	shalt  }
0x4b: {  	_ =	shalt  }
0x4c: {  	_ =	shalt  }
0x4d: {  	_ =	shalt  }
0x4e: {  	_ =	shalt  }
0x4f: {  	_ =	shalt  }
0x50: {  	_ =	shalt  }
0x51: {  	_ =	shalt  }
0x52: {  	_ =	shalt  }
0x53: {  	_ =	shalt  }
0x54: {  	_ =	shalt  }
0x55: {  	_ =	shalt  }
0x56: {  	_ =	shalt  }
0x57: {  	_ =	shalt  }
0x58: {  	_ =	shalt  }
0x59: {  	_ =	shalt  }
0x5a: {  	_ =	shalt  }
0x5b: {  	_ =	shalt  }
0x5c: {  	_ =	shalt  }
0x5d: {  	_ =	shalt  }
0x5e: {  	_ =	shalt  }
0x5f: {  	_ =	shalt  }
0x60: {  	_ =	shalt  }
0x61: {  	_ =	shalt  }
0x62: {  	_ =	shalt  }
0x63: {  	_ =	shalt  }
0x64: {  	_ =	shalt  }
0x65: {  	_ =	shalt  }
0x66: {  	_ =	shalt  }
0x67: {  	_ =	shalt  }
0x68: {  	_ =	shalt  }
0x69: {  	_ =	shalt  }
0x6a: {  	_ =	shalt  }
0x6b: {  	_ =	shalt  }
0x6c: {  	_ =	shalt  }
0x6d: {  	_ =	shalt  }
0x6e: {  	_ =	shalt  }
0x6f: {  	_ =	shalt  }
0x70: {  	_ =	shalt  }
0x71: {  	_ =	shalt  }
0x72: {  	_ =	shalt  }
0x73: {  	_ =	shalt  }
0x74: {  	_ =	shalt  }
0x75: {  	_ =	shalt  }
0x76: {  	_ =	shalt  }
0x77: {  	_ =	shalt  }
0x78: {  	_ =	shalt  }
0x79: {  	_ =	shalt  }
0x7a: {  	_ =	shalt  }
0x7b: {  	_ =	shalt  }
0x7c: {  	_ =	shalt  }
0x7d: {  	_ =	shalt  }
0x7e: {  	_ =	shalt  }
0x7f: {  	_ =	shalt  }
0x80: {  	_ =	shalt  }
0x81: {  	_ =	shalt  }
0x82: {  	_ =	shalt  }
0x83: {  	_ =	shalt  }
0x84: {  	_ =	shalt  }
0x85: {  	_ =	shalt  }
0x86: {  	_ =	shalt  }
0x87: {  	_ =	shalt  }
.Lfunc_end0:
.L_simem_size_0:
called_computation.1_lowered:
.L_overlay_start_0:
0x88: {  	s2 =	sld [smem:$0x3FD9]  }
0x89: {  	s3 =	sld [smem:$0x3FFE];
	_ =	sdelay $0x1  }
0x8a: {  	s1 =	srdreg.scid  }
0x8b: {  	s0 =	sand.u32 $0x1, s1  }
0x8c: {  	s16 =	sshll.u32 s0, $0xA;
	s2 =	sadd.s32 s3, s2  }
0x8d: {  	s2 =	sadd.s32 s2, s16  }
0x8e: {  	[smem:$0x3FB0] =	sst s2  }
0x8f: {  	_ = 	snop  }
0x90: {  	(tm) =	ssettm $0x1  }
0x91: {  	s17 =	sld [smem:$0x3FFB];
	_ =	sdelay $0x3  }
0x92: {  	_ =	strace s17  }
0x93: {  	s2 =	sld [smem:$0x3FFC];
	_ =	sdelay $0x3  }
0x94: {  	_ =	strace s2  }
0x95: {  	s2 =	sld [smem:$0x3FFD];
	_ =	sdelay $0x3  }
0x96: {  	_ =	strace s2  }
0x97: {  	_ =	strace $0x8FFFFFFF  }
0x98: {  	s18 =	sld [smem:$0x3FDB];
	_ =	sdelay $0x1  }
0x99: {  	s19 =	simm.s32 $_scs_section_size  }
0x9a: {  	s4 =	simm.s32 $_size__tile_overlayer_lowered;
	s5 =	simm.s32 $_tile_overlayer_lowered  }
0x9b: {  	s22 =	simm.s32 $0x1BFF;
	s21 =	sshll.u32 s5, $0x1;
	s2 =	sadd.s32 s19, s18  }
0x9c: {  	s6 =	simm.s32 $0x0;
	s20 =	sshll.u32 s4, $0x1;
	s4 =	sadd.s32 s21, s2  }
0x9d: {  	[timem:s6], [sflag:s22] =	dma.local [hbm:s4], s20  }
0x9e: {  	_ =	swait.ge [sflag:s22], s20  }
0x9f: {  	s3 =	ssub.s32 $0x0, s20;
	[sflag:s22] =	ssyncset.done $0x0  }
0xa0: {  	[sflag:s22] =	ssyncadd.s32 s3;
	_ =	sdelay $0x1  }
0xa1: {  	s23 =	simm.s32 $0x1B8B  }
0xa2: {  	_ =	swait.ge [sflag:s23], $0x1  }
0xa3: {  	[sflag:s23] =	ssyncset.done $0x0  }
0xa4: {  	s25 =	simm.s32 $0x1B8E;
	s24 =	sld [smem:$0x3FFE];
	[sflag:s23] =	ssyncadd.s32 $0xFFFFFFFF  }
0xa5: {  	s26 =	simm.s32 $execute0_lowered;
	[smem:$0x3FD2] =	sst s25  }
0xa6: {  	s4 =	sshll.u32 s26, $0x1;
	_ =	strace $0x80000049;
	[dreg:$0x1] =	wrdreg $0xFFFFFFFF  }
0xa7: {  	s28 =	simm.s32 $_size_execute0_lowered;
	s2 =	sadd.s32 s2, s4;
	[dreg:$0x0] =	wrdreg $0x0  }
0xa8: {  	s4 =	sshll.u32 s28, $0x1;
	[dreg:$0x2] =	wrdreg s2  }
0xa9: {  	[dreg:$0x3] =	wrdreg s4  }
0xaa: {  	[dreg:$0x4] =	wrdreg $0xC0  }
0xab: {  	_ =	task [dreg:s6], $0x5FFFF  }
0xac: {  	[dreg:$0x1] =	wrdreg $0xFFFFFFFF  }
0xad: {  	[dreg:$0x0] =	wrdreg $0x60  }
0xae: {  	[dreg:$0x2] =	wrdreg s24  }
0xaf: {  	[dreg:$0x3] =	wrdreg $0x54600  }
0xb0: {  	[dreg:$0x4] =	wrdreg $0x9  }
0xb1: {  	_ =	task.clear_ibuf [dreg:s6], $0x5FFFF;
	_ =	strace $0x90000049  }
0xb2: {  	s29 =	simm.s32 $0x9;
	_ =	strace $0x8000004B  }
0xb3: {  	_ =	swait.ge [sflag:s29], $0x1  }
0xb4: {  	[sflag:s29] =	ssyncadd.s32 $0xFFFFFFFF  }
0xb5: {  	_ =	strace $0x9000004B  }
0xb6: {  	_ =	sfence  }
0xb7: {  	s30 =	sld [smem:$0x0];
	_ =	sdelay $0x2  }
0xb8: {  	s31 =	sshll.u32 s1, $0xD;
	s1 =	sshrl.u32 s1, $0x2  }
0xb9: {  	s3 =	sand.u32 $0x4000, s31;
	s1 =	sadd.s32 s1, s30  }
0xba: {  	s0 =	sor.u32 s3, s0;
	s1 =	sshll.u32 s1, $0x11  }
0xbb: {  	s0 =	sor.u32 s1, s0  }
0xbc: {  	s0 =	sadd.s32 $0x8F2B, s0  }
0xbd: {  	[sflag:s0] =	ssyncadd.remote.s32 $0x1  }
0xbe: {  	_ =	sfence.sel $0xFFFF  }
0xbf: {  	[dreg:$0x0] =	wrdreg $0xFFFFFFFF;
	(pc) =	sbr.abs _section_cstart, $3  }
0xc0: {  	[dreg:$0x1] =	wrdreg $0xFFFFFFFF  }
0xc1: {  	_ =	task.clear_ibuf [dreg:s6], $0x2FFFF;
	_ =	strace $0x9FFFFFFF  }
0xc2: {  	(tm) =	ssettm $0x7FFFFFFF  }
0xc3: {  	_ =	shalt  }
tec
execute0_lowered:
.L_overlay_start_1:
0x0: {  	(tag) =	ssettag $0x1  }
0x1: {  	s9 =	rddreg [dreg:$0x0]  }
0x2: {  	s1 =	rddreg [dreg:$0x1]  }
0x3: {  	s0 =	rddreg [dreg:$0x2];
	s2 =	simm.s32 $0x0;
	s8 =	srdreg.scid  }
0x4: {  	s3 =	stileid.u32;
	s17 =	simm.s32 $0x2;
	s18 =	simm.s32 $0x320  }
0x5: {  	s21 =	simm.s32 $0x8;
	[smem:$0x7FF] =	sst s2;
	s4 =	sadd.s32 $0x2FEA00, s9  }
0x6: {  	s5 =	sadd.s32 $0x50800, s9;
	s6 =	sadd.s32 $0x1FA00, s9;
	s7 =	sadd.s32 $0xB4000, s9  }
0x7: {  	s11 =	sand.u32 $0x1, s8;
	s10 =	smul.u32 $0x62000, s3;
	s8 =	sadd.s32 $0x23AA00, s9  }
0x8: {  	s13 =	sadd.s32 $0x624000, s9;
	s14 =	sshll.u32 s3, $0x6;
	s30 =	smul.u32 $0xC400, s3  }
0x9: {  	_ =	strace $0x8000004A;
	s29 =	ssub.s32 $0x2, s11;
	s9 =	sor.u32 $0x1C02, s14  }
0xa: {  	s19 =	sshll.u32 s11, $0x1;
	p0 =	seq.s32 s11, $0x0;
	s16 =	sshll.u32 s11, $0x2  }
0xb: {  	s20 =	sshllo.u32 s11, $0x1;
	s12 =	sshrl.u32 s29, $0x1;
	s10 =	sshrl.u32 s10, $0x2  }
0xc: {  	s16 =	sadd.s32 s16, s13;
	s17 =	simm.s32 @!p0 $0x6;
	v0 =	vmov s19;
	s19 =	simm.s32 $0x1  }
0xd: {  	v1 =	vmov s20;
	s20 =	simm.s32 $0x2260;
	s12 =	ssub.s32 s29, s12;
	s15 =	sadd.s32 s10, s1  }
0xe: {  	s10 =	smul.u32 $0x186A0, s3;
	s31 =	sadd.s32 s17, s13;
	s13 =	simm.s32 $0x2  }
0xf: {  	s17 =	simm.s32 $0x960;
	s11 =	smax.u32 s12, $0x1;
	s12 =	sadd.s32 s16, s30  }
0x10: {  	s14 =	sadd.s32 s30, s31;
	s15 =	sshrl.u32 s15, $0x3;
	s16 =	simm.s32 $0x640  }
.LBB2_1:
0x11: {  	[spmem:s15], [sflag:s9] =	dma.local [hbm:s4], $0x3100  }
0x12: {  	_ =	swait.ge [sflag:s13], $0x3100  }
0x13: {  	[sflag:s13] =	ssyncset.done $0x0  }
0x14: {  	[sflag:s13] =	ssyncadd.s32 $0xFFFFCF00  }
0x15: {  	s22 =	simm.s32 $0x0;
	[bflag:$0x0] =	sbarrier.arrive $0xFFFF  }
.LBB2_2:
0x16: {  	s23 =	smul.u32 $0x320, s22;
	_ =	sdelay $0x1  }
0x17: {  	s23 =	sadd.s32 s10, s23  }
0x18: {  	s24 =	sshrl.u32 s23, $0x3  }
0x19: {  	s26 =	simm.s32 $0x0;
	s25 =	sadd.s32 s5, s24  }
0x1a: {  	[tilespmem:s26], [sflag:$0x2] =	stream.linear.gather [hbm4b:s25+s26], $0x320, $0x38;
	[tilespmem:$0x1DC60] =	vst v63  }
0x1b: {  	_ =	swait.ge [sflag:s13], $0x320  }
0x1c: {  	[sflag:s13] =	ssyncset.done $0x0  }
0x1d: {  	s24 =	sadd.s32 s6, s24;
	[sflag:s13] =	ssyncadd.s32 $0xFFFFFCE0  }
0x1e: {  	[tilespmem:s16], [sflag:$0x2] =	stream.linear.gather [hbm4b:s24+s26], $0x320, $0x38;
	[tilespmem:$0x1DC60] =	vst v63  }
0x1f: {  	_ =	swait.ge [sflag:s13], $0x320  }
0x20: {  	[sflag:s13] =	ssyncset.done $0x0  }
0x21: {  	s23 =	sadd.s32 s7, s23;
	[sflag:s13] =	ssyncadd.s32 $0xFFFFFCE0  }
0x22: {  	[tilespmem:s17], [sflag:$0x2] =	stream.linear.gather [hbm4b:s23+s26], $0x1900, $0x38;
	[tilespmem:$0x1DC60] =	vst v63  }
0x23: {  	_ =	swait.ge [sflag:s13], $0x1900  }
0x24: {  	[sflag:s13] =	ssyncset.done $0x0  }
0x25: {  	s23 =	simm.s32 $0x0;
	[sflag:s13] =	ssyncadd.s32 $0xFFFFE700  }
0x26: {  	v2 =	vld [tilespmem:s23+$0x0]  }
0x27: {  	s24 =	simm.s32 $0x40  }
.LBB2_3:
0x28: {  	p0 =	sne.s32 s24, $0xC40  }
.Ltmp0:
0x29: {  	_ = 	snop;
	(pc) =	sbr.rel @p0 .LBB2_3-.Ltmp0, $4  }
0x2a: {  	_ = 	snop  }
0x2b: {  	s25 =	sshra.s32 s24, $0x2;
	s24 =	sadd.s32 $0x40, s24;
	v3 =	vshll.u32 v2, $0x2  }
0x2c: {  	v2 =	vld [tilespmem:s25+$0x0];
	v3 =	vor.u32 v0, v3  }
0x2d: {  	[tilespmem:s23+$0x320] =	vst v3;
	s23 =	smov.u32 s25  }
0x2e: {  	_ =	sdelay $0x1  }
0x2f: {  	s24 =	simm.s32 $0x0  }
0x30: {  	v3 =	vor.u32 s24, v0;
	v2 =	vshll.u32 v2, $0x2  }
0x31: {  	v3 =	vbroadcast v3, $0x0;
	v2 =	vor.u32 v0, v2  }
0x32: {  	[tilespmem:s23+$0x320] =	vst v2;
	s23 =	simm.s32 $0x2260  }
0x33: {  	[tilespmem:s23], [sflag:$0x1] =	stream.indirect.gather [hbm4b:s8+s18], $0x10, s18, s18, $0xb8;
	[tilespmem:$0x1DC60] =	vst v63  }
0x34: {  	_ =	swait.ge [sflag:s19], $0x3200  }
0x35: {  	[sflag:s19] =	ssyncset.done $0x0  }
0x36: {  	[sflag:s19] =	ssyncadd.s32 $0xFFFFCE00  }
0x37: {  	v2 =	vld.idx.msk [tilespmem:v3+s17+$0x0], $0xffff  }
0x38: {  	s25 =	simm.s32 $0x8;
	s24 =	simm.s32 $0x2;
	v3 =	vld [tilespmem:s23+$0x0]  }
.LBB2_5:
0x39: {  	p0 =	sne.s32 s24, $0x31F;
	v4 =	vor.u32 s25, v0  }
0x3a: {  	v4 =	vbroadcast v4, $0x0;
	_ =	sdelay $0x2  }
.Ltmp1:
0x3b: {  	v2 =	vmul.f32 v3, v2;
	(pc) =	sbr.rel @p0 .LBB2_5-.Ltmp1, $4  }
0x3c: {  	_ = 	snop  }
0x3d: {  	[tilespmem:s23+$0x0] =	vst v2  }
0x3e: {  	s23 =	sadd.s32 $0x10, s23;
	v2 =	vld.idx.msk [tilespmem:v4+s17+$0x0], $0xffff  }
0x3f: {  	s25 =	sshll.u32 s24, $0x3;
	s24 =	sadd.s32 $0x1, s24;
	v3 =	vld [tilespmem:s23+$0x0]  }
0x40: {  	v4 =	vor.u32 s25, v0  }
0x41: {  	v4 =	vbroadcast v4, $0x0;
	_ =	sdelay $0x2  }
0x42: {  	v2 =	vmul.f32 v3, v2;
	_ =	sdelay $0x1  }
0x43: {  	[tilespmem:s23+$0x0] =	vst v2  }
0x44: {  	s31 =	sadd.s32 $0x10, s23;
	v2 =	vld.idx.msk [tilespmem:v4+s17+$0x0], $0xffff  }
0x45: {  	v3 =	vld [tilespmem:s31+$0x0];
	_ =	sdelay $0x4  }
0x46: {  	s22 =	sadd.s32 $0x1, s22;
	v2 =	vmul.f32 v3, v2  }
0x47: {  	p0 =	sne.s32 s22, $0x7D  }
.Ltmp2:
0x48: {  	[tilespmem:s31+$0x0] =	vst v2;
	(pc) =	sbr.rel @p0 .LBB2_2-.Ltmp2, $4  }
0x49: {  	[spmem:s1] =	stream.indirect.scatter.add.f32 [tilespmem:s20], [sflag:$0x2], $0x10, s16, s18, $0xb8;
	[tilespmem:$0x1DC60] =	vst v63  }
0x4a: {  	_ =	swait.ge [sflag:s13], $0x3200  }
0x4b: {  	[sflag:s13] =	ssyncset.done $0x0  }
0x4c: {  	[sflag:s13] =	ssyncadd.s32 $0xFFFFCE00  }
0x4d: {  	[bflag:$0x0] =	sbarrier.arrive $0xFFFF  }
0x4e: {  	[hbm:s12@s21], [sflag:s9] =	dma.strided [spmem:s15@s13], $0x3100, s19, $0x2   }
0x4f: {  	_ =	swait.ge [sflag:s13], $0x3100  }
0x50: {  	[sflag:s13] =	ssyncset.done $0x0  }
0x51: {  	[sflag:s13] =	ssyncadd.s32 $0xFFFFCF00  }
0x52: {  	[spmem:s15], [sflag:s9] =	dma.local [hbm:s4], $0x3100  }
0x53: {  	_ =	swait.ge [sflag:s13], $0x3100  }
0x54: {  	[sflag:s13] =	ssyncset.done $0x0  }
0x55: {  	[sflag:s13] =	ssyncadd.s32 $0xFFFFCF00  }
0x56: {  	s22 =	simm.s32 $0x0;
	s23 =	simm.s32 $0x0;
	[bflag:$0x0] =	sbarrier.arrive $0xFFFF  }
.LBB2_8:
0x57: {  	s24 =	smul.u32 $0x320, s23;
	_ =	sdelay $0x1  }
0x58: {  	s24 =	sadd.s32 s10, s24  }
0x59: {  	s25 =	sshrl.u32 s24, $0x3  }
0x5a: {  	s26 =	sadd.s32 s5, s25  }
0x5b: {  	[tilespmem:s22], [sflag:$0x2] =	stream.linear.gather [hbm4b:s26+s22], $0x320, $0x38;
	[tilespmem:$0x1DC60] =	vst v63  }
0x5c: {  	_ =	swait.ge [sflag:s13], $0x320  }
0x5d: {  	[sflag:s13] =	ssyncset.done $0x0  }
0x5e: {  	s25 =	sadd.s32 s6, s25;
	[sflag:s13] =	ssyncadd.s32 $0xFFFFFCE0  }
0x5f: {  	[tilespmem:s16], [sflag:$0x2] =	stream.linear.gather [hbm4b:s25+s22], $0x320, $0x38;
	[tilespmem:$0x1DC60] =	vst v63  }
0x60: {  	_ =	swait.ge [sflag:s13], $0x320  }
0x61: {  	[sflag:s13] =	ssyncset.done $0x0  }
0x62: {  	s24 =	sadd.s32 s7, s24;
	[sflag:s13] =	ssyncadd.s32 $0xFFFFFCE0  }
0x63: {  	[tilespmem:s17], [sflag:$0x2] =	stream.linear.gather [hbm4b:s24+s22], $0x1900, $0x38;
	[tilespmem:$0x1DC60] =	vst v63  }
0x64: {  	_ =	swait.ge [sflag:s13], $0x1900  }
0x65: {  	[sflag:s13] =	ssyncset.done $0x0  }
0x66: {  	s24 =	simm.s32 $0x0;
	[sflag:s13] =	ssyncadd.s32 $0xFFFFE700  }
0x67: {  	v2 =	vld [tilespmem:s24+$0x0]  }
0x68: {  	s25 =	simm.s32 $0x40  }
.LBB2_9:
0x69: {  	p0 =	sne.s32 s25, $0xC40  }
.Ltmp3:
0x6a: {  	_ = 	snop;
	(pc) =	sbr.rel @p0 .LBB2_9-.Ltmp3, $4  }
0x6b: {  	_ = 	snop  }
0x6c: {  	s26 =	sshra.s32 s25, $0x2;
	s25 =	sadd.s32 $0x40, s25;
	v3 =	vshll.u32 v2, $0x2  }
0x6d: {  	v2 =	vld [tilespmem:s26+$0x0];
	v3 =	vor.u32 v1, v3  }
0x6e: {  	[tilespmem:s24+$0x320] =	vst v3;
	s24 =	smov.u32 s26  }
0x6f: {  	_ =	sdelay $0x1  }
0x70: {  	s25 =	simm.s32 $0x0  }
0x71: {  	v3 =	vor.u32 s25, v1;
	v2 =	vshll.u32 v2, $0x2  }
0x72: {  	v3 =	vbroadcast v3, $0x0;
	v2 =	vor.u32 v1, v2  }
0x73: {  	[tilespmem:s24+$0x320] =	vst v2;
	s24 =	simm.s32 $0x2260  }
0x74: {  	[tilespmem:s24], [sflag:$0x1] =	stream.indirect.gather [hbm4b:s8+s18], $0x10, s18, s18, $0xb8;
	[tilespmem:$0x1DC60] =	vst v63  }
0x75: {  	_ =	swait.ge [sflag:s19], $0x3200  }
0x76: {  	[sflag:s19] =	ssyncset.done $0x0  }
0x77: {  	[sflag:s19] =	ssyncadd.s32 $0xFFFFCE00  }
0x78: {  	v2 =	vld.idx.msk [tilespmem:v3+s17+$0x0], $0xffff  }
0x79: {  	s26 =	simm.s32 $0x8;
	s25 =	simm.s32 $0x2;
	v3 =	vld [tilespmem:s24+$0x0]  }
.LBB2_11:
0x7a: {  	p0 =	sne.s32 s25, $0x31F;
	v4 =	vor.u32 s26, v1  }
0x7b: {  	v4 =	vbroadcast v4, $0x0;
	_ =	sdelay $0x2  }
.Ltmp4:
0x7c: {  	v2 =	vmul.f32 v3, v2;
	(pc) =	sbr.rel @p0 .LBB2_11-.Ltmp4, $4  }
0x7d: {  	_ = 	snop  }
0x7e: {  	[tilespmem:s24+$0x0] =	vst v2  }
0x7f: {  	s24 =	sadd.s32 $0x10, s24;
	v2 =	vld.idx.msk [tilespmem:v4+s17+$0x0], $0xffff  }
0x80: {  	s26 =	sshll.u32 s25, $0x3;
	s25 =	sadd.s32 $0x1, s25;
	v3 =	vld [tilespmem:s24+$0x0]  }
0x81: {  	v4 =	vor.u32 s26, v1  }
0x82: {  	v4 =	vbroadcast v4, $0x0;
	_ =	sdelay $0x2  }
0x83: {  	v2 =	vmul.f32 v3, v2;
	_ =	sdelay $0x1  }
0x84: {  	[tilespmem:s24+$0x0] =	vst v2  }
0x85: {  	s31 =	sadd.s32 $0x10, s24;
	v2 =	vld.idx.msk [tilespmem:v4+s17+$0x0], $0xffff  }
0x86: {  	v3 =	vld [tilespmem:s31+$0x0];
	_ =	sdelay $0x4  }
0x87: {  	s23 =	sadd.s32 $0x1, s23;
	v2 =	vmul.f32 v3, v2  }
0x88: {  	p0 =	sne.s32 s23, $0x7D  }
.Ltmp5:
0x89: {  	[tilespmem:s31+$0x0] =	vst v2;
	(pc) =	sbr.rel @p0 .LBB2_8-.Ltmp5, $4  }
0x8a: {  	[spmem:s1] =	stream.indirect.scatter.add.f32 [tilespmem:s20], [sflag:$0x2], $0x10, s16, s18, $0xb8;
	[tilespmem:$0x1DC60] =	vst v63  }
0x8b: {  	_ =	swait.ge [sflag:s13], $0x3200  }
0x8c: {  	[sflag:s13] =	ssyncset.done $0x0  }
0x8d: {  	[sflag:s13] =	ssyncadd.s32 $0xFFFFCE00  }
0x8e: {  	s2 =	sadd.s32 $0x1, s2  }
0x8f: {  	p0 =	sne.s32 s2, s11  }
.Ltmp6:
0x90: {  	[bflag:$0x0] =	sbarrier.arrive $0xFFFF;
	(pc) =	sbr.rel @p0 .LBB2_1-.Ltmp6, $4  }
0x91: {  	[hbm:s14@s21], [sflag:s9] =	dma.strided [spmem:s15@s13], $0x3100, s19, $0x2   }
0x92: {  	_ =	swait.ge [sflag:s13], $0x3100  }
0x93: {  	[sflag:s13] =	ssyncset.done $0x0  }
0x94: {  	[sflag:s13] =	ssyncadd.s32 $0xFFFFCF00  }
0x95: {  	_ =	sfence.sel $0x180000  }
0x96: {  	[bflag:$0x0] =	sbarrier.arrive $0xFFFF  }
0x97: {  	p0 =	sne.s32 s3, $0x0;
	_ =	strace $0x9000004A  }
0x98: {  	s0 =	sadd.s32 @!p0 $0x100000, s0;
	[bflag:$0x2] =	sbarrier.arrive $0xFFFF  }
0x99: {  	[sflag:s0] =	ssyncadd.tile.s32 @!p0 $0x1;
	_ =	shalt  }
.Lfunc_end2:
_tile_overlayer_lowered:
.L_overlay_start_2:
0x9a: {  	(tag) =	ssettag $0x2  }
0x9b: {  	s0 =	rddreg [dreg:$0x0];
	s2 =	stileid.u32  }
0x9c: {  	s1 =	rddreg [dreg:$0x1];
	p0 =	sne.s32 s2, $0x0  }
0x9d: {  	s3 =	rddreg [dreg:$0x2];
	[bflag:$0x3] =	sbarrier.arrive $0xFFFF;
	s2 =	simm.s32 @!p0 $0x1C02  }
0x9e: {  	[timem:s3], [sflag:s2] =	dma.local @!p0 [hbm:s0], s1  }
0x9f: {  	s0 =	simm.s32 @!p0 $0x2  }
0xa0: {  	_ =	swait.ge @!p0 [sflag:s0], s1  }
0xa1: {  	s1 =	ssub.s32 @!p0 $0x0, s1;
	[sflag:s0] =	ssyncset.done @!p0 $0x0  }
0xa2: {  	[sflag:s0] =	ssyncadd.s32 @!p0 s1  }
0xa3: {  	[bflag:$0x3] =	sbarrier.arrive $0xFFFF  }
0xa4: {  	_ =	shalt  }

// kernel: kernel.21.cloned.1.call-start
scs
__scs_entry_jumppad:
0x0: {  	(pc) =	sbr.rel $0x88, $3  }
0x1: {  	(tag) =	ssettag $0x0;
	lr =	simm.s32 $0x1  }
0x2: {  	[smem:$0x3F89] =	sst lr;
	_ =	strace $0xD0000000  }
0x3: {  	_ = 	snop  }
0x4: {  	_ = 	snop  }
0x5: {  	_ = 	snop  }
0x6: {  	_ = 	snop  }
0x7: {  	_ = 	snop  }
__scs_overlays_trampoline_lowered:
0x8: {  	[smem:$0x3F98] =	sst s0  }
0x9: {  	[smem:$0x3F99] =	sst s1  }
0xa: {  	[smem:$0x3F9A] =	sst s2  }
0xb: {  	[smem:$0x3F9B] =	sst s3  }
0xc: {  	[smem:$0x3F9C] =	sst s4  }
0xd: {  	[smem:$0x3F9D] =	sst s5  }
0xe: {  	[smem:$0x3F9E] =	sst s6  }
0xf: {  	[smem:$0x3F9F] =	sst s7  }
0x10: {  	[smem:$0x3FA0] =	sst s8  }
0x11: {  	[smem:$0x3FA1] =	sst s9;
	s0 =	simm.s32 @!p0 $0x0  }
0x12: {  	s1 =	sld [smem:$0x3F87];
	s0 =	simm.s32 @p0 $0x1  }
0x13: {  	[smem:$0x3FA2] =	sst s0;
	s0 =	simm.s32 @!p1 $0x0  }
0x14: {  	s2 =	sld [smem:$0x3F86];
	s0 =	simm.s32 @p1 $0x1  }
0x15: {  	[smem:$0x3FA3] =	sst s0;
	s0 =	simm.s32 @!p2 $0x0  }
0x16: {  	s3 =	sld [smem:$0x3FDB];
	s0 =	simm.s32 @p2 $0x1  }
0x17: {  	s4 =	simm.s32 $0x1BF5;
	[smem:$0x3FA5] =	sst s0  }
0x18: {  	s0 =	sld [smem:$0x3F88];
	_ =	swait.ge [sflag:s4], $0x0  }
0x19: {  	s7 =	sld [smem:$0x3F89]  }
0x1a: {  	s8 =	sadd.s32 $0xFFFFE003, lr  }
0x1b: {  	s9 =	sadd.s32 $0xFFFFFEF7, lr;
	s5 =	simm.s32 $0xFFFFFFFF;
	p2 =	slt.u32 s8, $0xFFFFF086  }
0x1c: {  	p1 =	slt.u32 s9, $0xF7A;
	s5 =	simm.s32 @!p2 $0x0  }
0x1d: {  	s5 =	simm.s32 @p1 $0x1;
	p0 =	seq.s32 s7, s2  }
0x1e: {  	s7 =	smul.u32 @!p0 $0xF7A, s2;
	p2 =	seq.s32 @!p0 s5, $0x0  }
0x1f: {  	s9 =	smul.u32 $0xF7A, s1;
	s8 =	simm.s32 @!p0 $0x1BF5;
	p2 =	por !p2, p0  }
0x20: {  	[sflag:s8] =	ssyncset.s32 @!p0 $0xFFFFF086;
	s6 =	sadd.s32 @!p0 s3, s7;
	s7 =	simm.s32 @!p0 $0x108  }
0x21: {  	s3 =	sadd.s32 s3, s9;
	s6 =	sadd.s32 @!p0 $0x88, s6;
	s7 =	simm.s32 @p2 $0x1082  }
0x22: {  	[simem:s7], [sflag:s8] =	dma.local @!p0 [hbm:s6], $0xF7A  }
0x23: {  	s9 =	sor.u32 $0xD0000000, s2;
	s6 =	simm.s32 $0x108;
	_ =	swait.ge @!p0 [sflag:s8], $0x0  }
0x24: {  	s3 =	sadd.s32 $0x88, s3;
	s6 =	simm.s32 @!p1 $0x1082;
	[sflag:s4] =	ssyncset.s32 $0xFFFFF086  }
0x25: {  	[simem:s6], [sflag:s4] =	dma.local [hbm:s3], $0xF7A  }
0x26: {  	[smem:$0x3F89] =	sst s1;
	(tag) =	ssettag s2;
	_ =	strace s9  }
0x27: {  	s1 =	sld [smem:$0x3F99]  }
0x28: {  	s2 =	sld [smem:$0x3F9A]  }
0x29: {  	s4 =	sld [smem:$0x3F9C]  }
0x2a: {  	p0 =	seq.s32 s5, $0x0;
	s5 =	sld [smem:$0x3F9D]  }
0x2b: {  	s6 =	sld [smem:$0x3F9E]  }
0x2c: {  	s7 =	sld [smem:$0x3F9F]  }
0x2d: {  	s3 =	simm.s32 $0x108;
	s8 =	sld [smem:$0x3FA0]  }
0x2e: {  	s3 =	simm.s32 @!p0 $0x1082;
	s9 =	sld [smem:$0x3FA1]  }
0x2f: {  	lr =	sadd.s32 s0, s3;
	s0 =	sld [smem:$0x3F98]  }
0x30: {  	s3 =	sld [smem:$0x3F9B]  }
0x31: {  	[smem:$0x3FA4] =	sst s10  }
0x32: {  	s10 =	sld [smem:$0x3FA2];
	_ =	sdelay $0x3  }
0x33: {  	p0 =	seq.s32 s10, $0x1;
	s10 =	sld [smem:$0x3FA4];
	_ =	sdelay $0x3  }
0x34: {  	[smem:$0x3FA4] =	sst s10  }
0x35: {  	s10 =	sld [smem:$0x3FA3];
	_ =	sdelay $0x3  }
0x36: {  	p1 =	seq.s32 s10, $0x1;
	s10 =	sld [smem:$0x3FA4];
	_ =	sdelay $0x3  }
0x37: {  	[smem:$0x3FA4] =	sst s10  }
0x38: {  	s10 =	sld [smem:$0x3FA5]  }
0x39: {  	_ = 	snop;
	(pc) =	sbr.ind lr, $3  }
0x3a: {  	_ = 	snop  }
0x3b: {  	_ = 	snop  }
0x3c: {  	p2 =	seq.s32 s10, $0x1;
	s10 =	sld [smem:$0x3FA4]  }
0x3d: {  	_ =	shalt  }
0x3e: {  	_ =	shalt  }
0x3f: {  	_ =	shalt  }
0x40: {  	_ =	shalt  }
0x41: {  	_ =	shalt  }
0x42: {  	_ =	shalt  }
0x43: {  	_ =	shalt  }
0x44: {  	_ =	shalt  }
0x45: {  	_ =	shalt  }
0x46: {  	_ =	shalt  }
0x47: {  	_ =	shalt  }
0x48: {  	_ =	shalt  }
0x49: {  	_ =	shalt  }
0x4a: {  	_ =	shalt  }
0x4b: {  	_ =	shalt  }
0x4c: {  	_ =	shalt  }
0x4d: {  	_ =	shalt  }
0x4e: {  	_ =	shalt  }
0x4f: {  	_ =	shalt  }
0x50: {  	_ =	shalt  }
0x51: {  	_ =	shalt  }
0x52: {  	_ =	shalt  }
0x53: {  	_ =	shalt  }
0x54: {  	_ =	shalt  }
0x55: {  	_ =	shalt  }
0x56: {  	_ =	shalt  }
0x57: {  	_ =	shalt  }
0x58: {  	_ =	shalt  }
0x59: {  	_ =	shalt  }
0x5a: {  	_ =	shalt  }
0x5b: {  	_ =	shalt  }
0x5c: {  	_ =	shalt  }
0x5d: {  	_ =	shalt  }
0x5e: {  	_ =	shalt  }
0x5f: {  	_ =	shalt  }
0x60: {  	_ =	shalt  }
0x61: {  	_ =	shalt  }
0x62: {  	_ =	shalt  }
0x63: {  	_ =	shalt  }
0x64: {  	_ =	shalt  }
0x65: {  	_ =	shalt  }
0x66: {  	_ =	shalt  }
0x67: {  	_ =	shalt  }
0x68: {  	_ =	shalt  }
0x69: {  	_ =	shalt  }
0x6a: {  	_ =	shalt  }
0x6b: {  	_ =	shalt  }
0x6c: {  	_ =	shalt  }
0x6d: {  	_ =	shalt  }
0x6e: {  	_ =	shalt  }
0x6f: {  	_ =	shalt  }
0x70: {  	_ =	shalt  }
0x71: {  	_ =	shalt  }
0x72: {  	_ =	shalt  }
0x73: {  	_ =	shalt  }
0x74: {  	_ =	shalt  }
0x75: {  	_ =	shalt  }
0x76: {  	_ =	shalt  }
0x77: {  	_ =	shalt  }
0x78: {  	_ =	shalt  }
0x79: {  	_ =	shalt  }
0x7a: {  	_ =	shalt  }
0x7b: {  	_ =	shalt  }
0x7c: {  	_ =	shalt  }
0x7d: {  	_ =	shalt  }
0x7e: {  	_ =	shalt  }
0x7f: {  	_ =	shalt  }
0x80: {  	_ =	shalt  }
0x81: {  	_ =	shalt  }
0x82: {  	_ =	shalt  }
0x83: {  	_ =	shalt  }
0x84: {  	_ =	shalt  }
0x85: {  	_ =	shalt  }
0x86: {  	_ =	shalt  }
0x87: {  	_ =	shalt  }
.Lfunc_end0:
.L_simem_size_0:
called_computation.2_lowered:
.L_overlay_start_0:
0x88: {  	s2 =	sld [smem:$0x3FD9]  }
0x89: {  	s3 =	sld [smem:$0x3FFE];
	_ =	sdelay $0x1  }
0x8a: {  	s1 =	srdreg.scid  }
0x8b: {  	s0 =	sand.u32 $0x1, s1  }
0x8c: {  	s14 =	sshll.u32 s0, $0xA;
	s2 =	sadd.s32 s3, s2  }
0x8d: {  	s2 =	sadd.s32 s2, s14  }
0x8e: {  	[smem:$0x3FB0] =	sst s2  }
0x8f: {  	_ = 	snop  }
0x90: {  	s2 =	sld [smem:$0x3FD0];
	_ =	sdelay $0x2  }
0x91: {  	s15 =	simm.s32 $0xA;
	s4 =	simm.s32 $0x10  }
0x92: {  	[smem:s4], [sflag:s15] =	dma.local [hbm:s2], $0x1  }
0x93: {  	_ =	swait.eq [sflag:s15], $0x1  }
0x94: {  	[sflag:s15] =	ssyncset.done $0x0  }
0x95: {  	[sflag:s15] =	ssyncadd.s32 $0xFFFFFFFF  }
0x96: {  	s16 =	sld [smem:$0x11];
	(tm) =	ssettm $0x1  }
0x97: {  	s17 =	sld [smem:$0x3FFB];
	_ =	sdelay $0x3  }
0x98: {  	_ =	strace s17  }
0x99: {  	s3 =	sld [smem:$0x3FFC];
	_ =	sdelay $0x3  }
0x9a: {  	_ =	strace s3  }
0x9b: {  	s3 =	sld [smem:$0x3FFD];
	_ =	sdelay $0x3  }
0x9c: {  	_ =	strace s3  }
0x9d: {  	_ =	strace $0x8FFFFFFF  }
0x9e: {  	s18 =	sld [smem:$0x3FDB];
	_ =	sdelay $0x1  }
0x9f: {  	s19 =	simm.s32 $_scs_section_size  }
0xa0: {  	s5 =	simm.s32 $_size__tile_overlayer_lowered;
	s6 =	simm.s32 $_tile_overlayer_lowered  }
0xa1: {  	s22 =	simm.s32 $0x1BFF;
	s21 =	sshll.u32 s6, $0x1;
	s3 =	sadd.s32 s19, s18  }
0xa2: {  	s7 =	simm.s32 $0x0;
	s20 =	sshll.u32 s5, $0x1;
	s5 =	sadd.s32 s21, s3  }
0xa3: {  	[timem:s7], [sflag:s22] =	dma.local [hbm:s5], s20  }
0xa4: {  	_ =	swait.ge [sflag:s22], s20  }
0xa5: {  	s4 =	ssub.s32 $0x0, s20;
	[sflag:s22] =	ssyncset.done $0x0  }
0xa6: {  	[sflag:s22] =	ssyncadd.s32 s4;
	_ =	sdelay $0x1  }
0xa7: {  	s23 =	simm.s32 $0x1B8B  }
0xa8: {  	_ =	swait.ge [sflag:s23], $0x1  }
0xa9: {  	[sflag:s23] =	ssyncset.done $0x0  }
0xaa: {  	s25 =	simm.s32 $0x1B8E;
	s24 =	sld [smem:$0x3FFE];
	[sflag:s23] =	ssyncadd.s32 $0xFFFFFFFF  }
0xab: {  	s26 =	simm.s32 $execute0_lowered;
	[smem:$0x3FD2] =	sst s25  }
0xac: {  	s5 =	sshll.u32 s26, $0x1;
	_ =	strace $0x8000004C;
	[dreg:$0x1] =	wrdreg $0xFFFFFFFF  }
0xad: {  	s28 =	simm.s32 $_size_execute0_lowered;
	s3 =	sadd.s32 s3, s5;
	[dreg:$0x0] =	wrdreg $0x0  }
0xae: {  	s5 =	sshll.u32 s28, $0x1;
	[dreg:$0x2] =	wrdreg s3  }
0xaf: {  	[dreg:$0x3] =	wrdreg s5  }
0xb0: {  	[dreg:$0x4] =	wrdreg $0xC0  }
0xb1: {  	_ =	task [dreg:s7], $0x5FFFF  }
0xb2: {  	[dreg:$0x1] =	wrdreg $0xFFFFFFFF  }
0xb3: {  	[dreg:$0x0] =	wrdreg $0x60  }
0xb4: {  	[dreg:$0x2] =	wrdreg s16  }
0xb5: {  	[dreg:$0x3] =	wrdreg s24  }
0xb6: {  	[dreg:$0x4] =	wrdreg $0x109B00  }
0xb7: {  	[dreg:$0x5] =	wrdreg $0x9  }
0xb8: {  	_ =	task.clear_ibuf [dreg:s7], $0x6FFFF;
	_ =	strace $0x9000004C  }
0xb9: {  	s29 =	simm.s32 $0x9;
	_ =	strace $0x8000004E  }
0xba: {  	_ =	swait.ge [sflag:s29], $0x1  }
0xbb: {  	[sflag:s29] =	ssyncadd.s32 $0xFFFFFFFF  }
0xbc: {  	_ =	strace $0x9000004E  }
0xbd: {  	_ =	sfence  }
0xbe: {  	s30 =	sld [smem:$0x0];
	_ =	sdelay $0x2  }
0xbf: {  	s31 =	sshll.u32 s1, $0xD;
	s1 =	sshrl.u32 s1, $0x2  }
0xc0: {  	s3 =	sand.u32 $0x4000, s31;
	s1 =	sadd.s32 s1, s30  }
0xc1: {  	s0 =	sor.u32 s3, s0;
	s1 =	sshll.u32 s1, $0x11  }
0xc2: {  	s0 =	sor.u32 s1, s0  }
0xc3: {  	s0 =	sadd.s32 $0x8F2B, s0  }
0xc4: {  	[sflag:s0] =	ssyncadd.remote.s32 $0x1  }
0xc5: {  	_ =	sfence.sel $0xFFFF  }
0xc6: {  	[dreg:$0x0] =	wrdreg $0xFFFFFFFF;
	(pc) =	sbr.abs _section_cstart, $3  }
0xc7: {  	[dreg:$0x1] =	wrdreg $0xFFFFFFFF  }
0xc8: {  	_ =	task.clear_ibuf [dreg:s7], $0x2FFFF;
	_ =	strace $0x9FFFFFFF  }
0xc9: {  	(tm) =	ssettm $0x7FFFFFFF  }
tec
execute0_lowered:
.L_overlay_start_1:
0x0: {  	(tag) =	ssettag $0x1  }
0x1: {  	s1 =	rddreg [dreg:$0x0]  }
0x2: {  	s10 =	rddreg [dreg:$0x1]  }
0x3: {  	s2 =	rddreg [dreg:$0x2]  }
0x4: {  	s0 =	rddreg [dreg:$0x3]  }
0x5: {  	s3 =	simm.s32 $0x0;
	s7 =	srdreg.scid;
	s4 =	stileid.u32  }
0x6: {  	s18 =	simm.s32 $0x7E0;
	s19 =	simm.s32 $0x7D0;
	s20 =	simm.s32 $0xFB0  }
0x7: {  	s21 =	simm.s32 $0x1;
	s22 =	simm.s32 $0x4E30;
	s23 =	simm.s32 $0x8CB0  }
0x8: {  	s24 =	simm.s32 $0x0;
	[smem:$0x7FF] =	sst s3;
	s5 =	sadd.s32 $0x81600, s10  }
0x9: {  	s6 =	sadd.s32 $0x50800, s10;
	s11 =	smul.u32 $0xC400, s4;
	s9 =	sand.u32 $0x1, s7  }
0xa: {  	s7 =	sadd.s32 $0x1FA00, s10;
	s8 =	sadd.s32 $0x6E00, s10;
	s14 =	smul.u32 $0xC350, s4  }
0xb: {  	s31 =	sshll.u32 s4, $0x6;
	_ =	strace $0x8000004D;
	p0 =	seq.s32 s9, $0x1  }
0xc: {  	s13 =	smul.u32 $0xC3500, s9;
	s29 =	ssub.s32 $0x2, s9;
	s12 =	sadd.s32 $0xC4000, s11  }
0xd: {  	s15 =	sadd.s32 s11, s2;
	s16 =	sshrl.u32 s29, $0x1;
	s11 =	smov.u32 @p0 s12  }
0xe: {  	s9 =	sadd.s32 $0xB4000, s10;
	s30 =	ssub.s32 s29, s16;
	s11 =	sshrl.u32 s11, $0x3  }
0xf: {  	v0 =	vlaneseq.u32;
	s15 =	sshrl.u32 s15, $0x3;
	s16 =	simm.s32 $0xCB30;
	s17 =	sadd.s32 s11, s10  }
0x10: {  	v1 =	vshrl.u32 v0, $0x2;
	v0 =	vand.u32 $0x3, v0;
	s10 =	sadd.s32 s14, s13;
	s11 =	smax.u32 s30, $0x1;
	s13 =	simm.s32 $0x2  }
0x11: {  	v3 =	vimm.f32 $0.0e+00;
	v1 =	vmul.u32 $0x8, v1;
	v2 =	vor.u32 $0x4, v0;
	s14 =	sor.u32 $0x1C02, s31;
	s12 =	sadd.s32 $0x83000, s17;
	s17 =	simm.s32 $0x10  }
.LBB2_1:
0x12: {  	[tilespmem:s3], [sflag:$0x2] =	stream.linear.gather [hbm4b:s1+s3], $0x10, $0x38;
	[tilespmem:$0x1CDB0] =	vst v63  }
0x13: {  	_ =	swait.ge [sflag:s13], $0x10  }
0x14: {  	[sflag:s13] =	ssyncset.done $0x0  }
0x15: {  	[sflag:s13] =	ssyncadd.s32 $0xFFFFFFF0  }
0x16: {  	v4 =	vmov s3;
	[spmem:s15], [sflag:s14] =	dma.local [hbm:s5], $0x1880  }
0x17: {  	v4 =	vshll.u32 v4, $0x3;
	_ =	swait.ge [sflag:s13], $0x1880  }
0x18: {  	v4 =	vor.u32 v1, v4;
	[sflag:s13] =	ssyncset.done $0x0  }
0x19: {  	s25 =	simm.s32 $0x4;
	v4 =	vor.u32 v2, v4;
	[sflag:s13] =	ssyncadd.s32 $0xFFFFE780  }
.LBB2_2:
0x1a: {  	p0 =	sne.s32 s25, $0x7CC  }
.Ltmp0:
0x1b: {  	_ = 	snop;
	(pc) =	sbr.rel @p0 .LBB2_2-.Ltmp0, $4  }
0x1c: {  	v5 =	vmov s25  }
0x1d: {  	v5 =	vshll.u32 v5, $0x3  }
0x1e: {  	v5 =	vor.u32 v1, v5  }
0x1f: {  	s25 =	sadd.s32 $0x4, s25;
	[tilespmem:v4+s16+$0x0] =	vst.idx.msk $0xffff, v3;
	v4 =	vor.u32 v2, v5  }
0x20: {  	_ =	sdelay $0x3  }
0x21: {  	[tilespmem:v4+s16+$0x0] =	vst.idx.msk $0xffff, v3  }
0x22: {  	s25 =	simm.s32 $0x0;
	s26 =	simm.s32 $0x0;
	[bflag:$0x0] =	sbarrier.arrive $0xFFFF  }
.LBB2_4:
0x23: {  	s28 =	smul.u32 $0x7D0, s26;
	_ =	sdelay $0x1  }
0x24: {  	s28 =	sadd.s32 s28, s10  }
0x25: {  	s29 =	sshrl.u32 s28, $0x3  }
0x26: {  	s30 =	sadd.s32 s6, s29  }
0x27: {  	[tilespmem:s17], [sflag:$0x2] =	stream.linear.gather [hbm4b:s30+s25], $0x7D0, $0x38;
	[tilespmem:$0x1CDB0] =	vst v63  }
0x28: {  	_ =	swait.ge [sflag:s13], $0x7D0  }
0x29: {  	[sflag:s13] =	ssyncset.done $0x0  }
0x2a: {  	s29 =	sadd.s32 s7, s29;
	[sflag:s13] =	ssyncadd.s32 $0xFFFFF830  }
0x2b: {  	[tilespmem:s18], [sflag:$0x2] =	stream.linear.gather [hbm4b:s29+s25], $0x7D0, $0x38;
	[tilespmem:$0x1CDB0] =	vst v63  }
0x2c: {  	_ =	swait.ge [sflag:s13], $0x7D0  }
0x2d: {  	[sflag:s13] =	ssyncset.done $0x0  }
0x2e: {  	[sflag:s13] =	ssyncadd.s32 $0xFFFFF830  }
0x2f: {  	[tilespmem:s20], [sflag:$0x1] =	stream.indirect.gather [hbm4b:s8+s19], $0x8, s17, s19, $0xb8;
	[tilespmem:$0x1CDB0] =	vst v63  }
0x30: {  	v4 =	vmov s25;
	_ =	swait.ge [sflag:s21], $0x3E80  }
0x31: {  	v4 =	vshll.u32 v4, $0x3;
	[sflag:s21] =	ssyncset.done $0x0  }
0x32: {  	v5 =	vor.u32 v1, v4;
	[sflag:s21] =	ssyncadd.s32 $0xFFFFC180  }
0x33: {  	v4 =	vor.u32 v0, v5;
	[tilespmem:s22], [sflag:$0x1] =	stream.indirect.gather [hbm4b:s8+s19], $0x8, s18, s19, $0xb8;
	[tilespmem:$0x1CDB0] =	vst v63  }
0x34: {  	v6 =	vor.u32 v2, v5;
	_ =	swait.ge [sflag:s21], $0x3E80  }
0x35: {  	[sflag:s21] =	ssyncset.done $0x0  }
0x36: {  	[sflag:s21] =	ssyncadd.s32 $0xFFFFC180  }
0x37: {  	v5 =	vld [tilespmem:$0x0]  }
0x38: {  	v7 =	vld.idx.msk [tilespmem:v4+s20+$0x0], $0xffff  }
0x39: {  	v6 =	vld.idx.msk [tilespmem:v6+s22+$0x0], $0xffff;
	_ =	sdelay $0x4  }
0x3a: {  	v7 =	vadd.f32 v6, v7;
	v6 =	vadd.f32 v6, v5;
	_ =	sdelay $0x1  }
0x3b: {  	v8 =	vmul.f32 $2.000000030e-01, v7;
	v9 =	vmul.f32 $2.000000030e-01, v6  }
0x3c: {  	vm0 =	vgt.f32 v7, $0.0e+00;
	vm1 =	vgt.f32 v6, $0.0e+00  }
0x3d: {  	v7 =	vsel vm0, v7, v8;
	v6 =	vsel vm1, v6, v9  }
0x3e: {  	v6 =	vsub.f32 v7, v6;
	_ =	sdelay $0x1  }
0x3f: {  	v6 =	vmul.f32 $1.442695020e+00, v6;
	_ =	sdelay $0x1  }
0x40: {  	(erf) = vpow2.f32 v6;
	_ =	sdelay $0x2  }
0x41: {  	s29 =	simm.s32 $0x4  }
0x42: {  	v7 =	vmov s29  }
0x43: {  	v7 =	vshll.u32 v7, $0x3  }
0x44: {  	s29 =	simm.s32 $0x8;
	v6 =	vor.u32 v1, v7  }
.LBB2_5:
0x45: {  	p0 =	sne.s32 s29, $0x7CC;
	v7 =	vor.u32 v0, v6  }
0x46: {  	v6 =	vor.u32 v2, v6  }
0x47: {  	v8 =	vpop (erf)  }
0x48: {  	[tilespmem:v4+s23+$0x0] =	vst.idx.msk $0xffff, v8  }
0x49: {  	[tilespmem:v4+s16+$0x0] =	vst.idx.msk $0xffff, v8;
	v4 =	vmov v7  }
0x4a: {  	v7 =	vld.idx.msk [tilespmem:v7+s20+$0x0], $0xffff  }
0x4b: {  	v6 =	vld.idx.msk [tilespmem:v6+s22+$0x0], $0xffff;
	_ =	sdelay $0x5  }
0x4c: {  	v7 =	vadd.f32 v6, v7;
	v6 =	vadd.f32 v6, v5;
	_ =	sdelay $0x1  }
0x4d: {  	v8 =	vmul.f32 $2.000000030e-01, v7;
	v9 =	vmul.f32 $2.000000030e-01, v6  }
0x4e: {  	vm0 =	vgt.f32 v7, $0.0e+00;
	vm1 =	vgt.f32 v6, $0.0e+00  }
0x4f: {  	v7 =	vsel vm0, v7, v8;
	v6 =	vsel vm1, v6, v9  }
0x50: {  	v6 =	vsub.f32 v7, v6;
	_ =	sdelay $0x1  }
0x51: {  	v6 =	vmul.f32 $1.442695020e+00, v6;
	_ =	sdelay $0x1  }
0x52: {  	(erf) = vpow2.f32 v6;
	_ =	sdelay $0x1  }
.Ltmp1:
0x53: {  	(pc) =	sbr.rel @p0 .LBB2_5-.Ltmp1, $4  }
0x54: {  	_ = 	snop  }
0x55: {  	v6 =	vmov s29  }
0x56: {  	v6 =	vshll.u32 v6, $0x3  }
0x57: {  	s29 =	sadd.s32 $0x4, s29;
	v6 =	vor.u32 v1, v6  }
0x58: {  	_ = 	snop  }
0x59: {  	v7 =	vor.u32 v0, v6  }
0x5a: {  	v61 =	vor.u32 v2, v6  }
0x5b: {  	v8 =	vpop (erf)  }
0x5c: {  	[tilespmem:v4+s23+$0x0] =	vst.idx.msk $0xffff, v8  }
0x5d: {  	[tilespmem:v4+s16+$0x0] =	vst.idx.msk $0xffff, v8  }
0x5e: {  	v4 =	vld.idx.msk [tilespmem:v7+s20+$0x0], $0xffff  }
0x5f: {  	v6 =	vld.idx.msk [tilespmem:v61+s22+$0x0], $0xffff;
	_ =	sdelay $0x4  }
0x60: {  	v4 =	vadd.f32 v6, v4;
	v5 =	vadd.f32 v6, v5;
	_ =	sdelay $0x1  }
0x61: {  	v62 =	vmul.f32 $2.000000030e-01, v4;
	v63 =	vmul.f32 $2.000000030e-01, v5  }
0x62: {  	vm0 =	vgt.f32 v4, $0.0e+00;
	vm1 =	vgt.f32 v5, $0.0e+00  }
0x63: {  	v4 =	vsel vm0, v4, v62;
	v5 =	vsel vm1, v5, v63  }
0x64: {  	v4 =	vsub.f32 v4, v5;
	_ =	sdelay $0x1  }
0x65: {  	v4 =	vmul.f32 $1.442695020e+00, v4;
	_ =	sdelay $0x1  }
0x66: {  	(erf) = vpow2.f32 v4;
	_ =	sdelay $0x8  }
0x67: {  	v4 =	vpop (erf)  }
0x68: {  	[tilespmem:v7+s23+$0x0] =	vst.idx.msk $0xffff, v4  }
0x69: {  	s28 =	sadd.s32 s9, s28;
	[tilespmem:v7+s16+$0x0] =	vst.idx.msk $0xffff, v4  }
0x6a: {  	[hbm4b:s28+s3] =	stream.linear.scatter [tilespmem:s23], [sflag:$0x2], $0x3E80, $0x38;
	[tilespmem:$0x1CDB0] =	vst v63  }
0x6b: {  	s26 =	sadd.s32 $0x1, s26;
	_ =	swait.ge [sflag:s13], $0x3E80  }
0x6c: {  	p0 =	sne.s32 s26, $0x19;
	[sflag:s13] =	ssyncset.done $0x0  }
.Ltmp2:
0x6d: {  	[sflag:s13] =	ssyncadd.s32 $0xFFFFC180;
	(pc) =	sbr.rel @p0 .LBB2_4-.Ltmp2, $4  }
0x6e: {  	[spmem:s2] =	stream.indirect.scatter.add.f32 [tilespmem:s16], [sflag:$0x2], $0x8, s18, s19, $0xb8;
	[tilespmem:$0x1CDB0] =	vst v63  }
0x6f: {  	_ =	swait.ge [sflag:s13], $0x3E80  }
0x70: {  	[sflag:s13] =	ssyncset.done $0x0  }
0x71: {  	[sflag:s13] =	ssyncadd.s32 $0xFFFFC180  }
0x72: {  	s24 =	sadd.s32 $0x1, s24  }
0x73: {  	p0 =	sne.s32 s24, s11  }
.Ltmp3:
0x74: {  	[bflag:$0x0] =	sbarrier.arrive $0xFFFF;
	(pc) =	sbr.rel @p0 .LBB2_1-.Ltmp3, $4  }
0x75: {  	[hbm:s12], [sflag:s14] =	dma.local [spmem:s15], $0x1880  }
0x76: {  	_ =	swait.ge [sflag:s13], $0x1880  }
0x77: {  	[sflag:s13] =	ssyncset.done $0x0  }
0x78: {  	[sflag:s13] =	ssyncadd.s32 $0xFFFFE780  }
0x79: {  	_ =	sfence.sel $0x180000  }
0x7a: {  	[bflag:$0x0] =	sbarrier.arrive $0xFFFF  }
0x7b: {  	p0 =	sne.s32 s4, $0x0;
	_ =	strace $0x9000004D  }
0x7c: {  	s0 =	sadd.s32 @!p0 $0x100000, s0;
	[bflag:$0x2] =	sbarrier.arrive $0xFFFF  }
0x7d: {  	[sflag:s0] =	ssyncadd.tile.s32 @!p0 $0x1;
	_ =	shalt  }
.Lfunc_end2:
_tile_overlayer_lowered:
.L_overlay_start_2:
0x7e: {  	(tag) =	ssettag $0x2  }
0x7f: {  	s0 =	rddreg [dreg:$0x0];
	s2 =	stileid.u32  }
0x80: {  	s1 =	rddreg [dreg:$0x1];
	p0 =	sne.s32 s2, $0x0  }
0x81: {  	s3 =	rddreg [dreg:$0x2];
	[bflag:$0x3] =	sbarrier.arrive $0xFFFF;
	s2 =	simm.s32 @!p0 $0x1C02  }
0x82: {  	[timem:s3], [sflag:s2] =	dma.local @!p0 [hbm:s0], s1  }
0x83: {  	s0 =	simm.s32 @!p0 $0x2  }
0x84: {  	_ =	swait.ge @!p0 [sflag:s0], s1  }
0x85: {  	s1 =	ssub.s32 @!p0 $0x0, s1;
	[sflag:s0] =	ssyncset.done @!p0 $0x0  }
0x86: {  	[sflag:s0] =	ssyncadd.s32 @!p0 s1  }
0x87: {  	[bflag:$0x3] =	sbarrier.arrive $0xFFFF  }
0x88: {  	_ =	shalt  }

// kernel: kernel.24.cloned.1.call-start
scs
__scs_entry_jumppad:
0x0: {  	(pc) =	sbr.rel $0x88, $3  }
0x1: {  	(tag) =	ssettag $0x0;
	lr =	simm.s32 $0x1  }
0x2: {  	[smem:$0x3F89] =	sst lr;
	_ =	strace $0xD0000000  }
0x3: {  	_ = 	snop  }
0x4: {  	_ = 	snop  }
0x5: {  	_ = 	snop  }
0x6: {  	_ = 	snop  }
0x7: {  	_ = 	snop  }
__scs_overlays_trampoline_lowered:
0x8: {  	[smem:$0x3F98] =	sst s0  }
0x9: {  	[smem:$0x3F99] =	sst s1  }
0xa: {  	[smem:$0x3F9A] =	sst s2  }
0xb: {  	[smem:$0x3F9B] =	sst s3  }
0xc: {  	[smem:$0x3F9C] =	sst s4  }
0xd: {  	[smem:$0x3F9D] =	sst s5  }
0xe: {  	[smem:$0x3F9E] =	sst s6  }
0xf: {  	[smem:$0x3F9F] =	sst s7  }
0x10: {  	[smem:$0x3FA0] =	sst s8  }
0x11: {  	[smem:$0x3FA1] =	sst s9;
	s0 =	simm.s32 @!p0 $0x0  }
0x12: {  	s1 =	sld [smem:$0x3F87];
	s0 =	simm.s32 @p0 $0x1  }
0x13: {  	[smem:$0x3FA2] =	sst s0;
	s0 =	simm.s32 @!p1 $0x0  }
0x14: {  	s2 =	sld [smem:$0x3F86];
	s0 =	simm.s32 @p1 $0x1  }
0x15: {  	[smem:$0x3FA3] =	sst s0;
	s0 =	simm.s32 @!p2 $0x0  }
0x16: {  	s3 =	sld [smem:$0x3FDB];
	s0 =	simm.s32 @p2 $0x1  }
0x17: {  	s4 =	simm.s32 $0x1BF5;
	[smem:$0x3FA5] =	sst s0  }
0x18: {  	s0 =	sld [smem:$0x3F88];
	_ =	swait.ge [sflag:s4], $0x0  }
0x19: {  	s7 =	sld [smem:$0x3F89]  }
0x1a: {  	s8 =	sadd.s32 $0xFFFFE003, lr  }
0x1b: {  	s9 =	sadd.s32 $0xFFFFFEF7, lr;
	s5 =	simm.s32 $0xFFFFFFFF;
	p2 =	slt.u32 s8, $0xFFFFF086  }
0x1c: {  	p1 =	slt.u32 s9, $0xF7A;
	s5 =	simm.s32 @!p2 $0x0  }
0x1d: {  	s5 =	simm.s32 @p1 $0x1;
	p0 =	seq.s32 s7, s2  }
0x1e: {  	s7 =	smul.u32 @!p0 $0xF7A, s2;
	p2 =	seq.s32 @!p0 s5, $0x0  }
0x1f: {  	s9 =	smul.u32 $0xF7A, s1;
	s8 =	simm.s32 @!p0 $0x1BF5;
	p2 =	por !p2, p0  }
0x20: {  	[sflag:s8] =	ssyncset.s32 @!p0 $0xFFFFF086;
	s6 =	sadd.s32 @!p0 s3, s7;
	s7 =	simm.s32 @!p0 $0x108  }
0x21: {  	s3 =	sadd.s32 s3, s9;
	s6 =	sadd.s32 @!p0 $0x88, s6;
	s7 =	simm.s32 @p2 $0x1082  }
0x22: {  	[simem:s7], [sflag:s8] =	dma.local @!p0 [hbm:s6], $0xF7A  }
0x23: {  	s9 =	sor.u32 $0xD0000000, s2;
	s6 =	simm.s32 $0x108;
	_ =	swait.ge @!p0 [sflag:s8], $0x0  }
0x24: {  	s3 =	sadd.s32 $0x88, s3;
	s6 =	simm.s32 @!p1 $0x1082;
	[sflag:s4] =	ssyncset.s32 $0xFFFFF086  }
0x25: {  	[simem:s6], [sflag:s4] =	dma.local [hbm:s3], $0xF7A  }
0x26: {  	[smem:$0x3F89] =	sst s1;
	(tag) =	ssettag s2;
	_ =	strace s9  }
0x27: {  	s1 =	sld [smem:$0x3F99]  }
0x28: {  	s2 =	sld [smem:$0x3F9A]  }
0x29: {  	s4 =	sld [smem:$0x3F9C]  }
0x2a: {  	p0 =	seq.s32 s5, $0x0;
	s5 =	sld [smem:$0x3F9D]  }
0x2b: {  	s6 =	sld [smem:$0x3F9E]  }
0x2c: {  	s7 =	sld [smem:$0x3F9F]  }
0x2d: {  	s3 =	simm.s32 $0x108;
	s8 =	sld [smem:$0x3FA0]  }
0x2e: {  	s3 =	simm.s32 @!p0 $0x1082;
	s9 =	sld [smem:$0x3FA1]  }
0x2f: {  	lr =	sadd.s32 s0, s3;
	s0 =	sld [smem:$0x3F98]  }
0x30: {  	s3 =	sld [smem:$0x3F9B]  }
0x31: {  	[smem:$0x3FA4] =	sst s10  }
0x32: {  	s10 =	sld [smem:$0x3FA2];
	_ =	sdelay $0x3  }
0x33: {  	p0 =	seq.s32 s10, $0x1;
	s10 =	sld [smem:$0x3FA4];
	_ =	sdelay $0x3  }
0x34: {  	[smem:$0x3FA4] =	sst s10  }
0x35: {  	s10 =	sld [smem:$0x3FA3];
	_ =	sdelay $0x3  }
0x36: {  	p1 =	seq.s32 s10, $0x1;
	s10 =	sld [smem:$0x3FA4];
	_ =	sdelay $0x3  }
0x37: {  	[smem:$0x3FA4] =	sst s10  }
0x38: {  	s10 =	sld [smem:$0x3FA5]  }
0x39: {  	_ = 	snop;
	(pc) =	sbr.ind lr, $3  }
0x3a: {  	_ = 	snop  }
0x3b: {  	_ = 	snop  }
0x3c: {  	p2 =	seq.s32 s10, $0x1;
	s10 =	sld [smem:$0x3FA4]  }
0x3d: {  	_ =	shalt  }
0x3e: {  	_ =	shalt  }
0x3f: {  	_ =	shalt  }
0x40: {  	_ =	shalt  }
0x41: {  	_ =	shalt  }
0x42: {  	_ =	shalt  }
0x43: {  	_ =	shalt  }
0x44: {  	_ =	shalt  }
0x45: {  	_ =	shalt  }
0x46: {  	_ =	shalt  }
0x47: {  	_ =	shalt  }
0x48: {  	_ =	shalt  }
0x49: {  	_ =	shalt  }
0x4a: {  	_ =	shalt  }
0x4b: {  	_ =	shalt  }
0x4c: {  	_ =	shalt  }
0x4d: {  	_ =	shalt  }
0x4e: {  	_ =	shalt  }
0x4f: {  	_ =	shalt  }
0x50: {  	_ =	shalt  }
0x51: {  	_ =	shalt  }
0x52: {  	_ =	shalt  }
0x53: {  	_ =	shalt  }
0x54: {  	_ =	shalt  }
0x55: {  	_ =	shalt  }
0x56: {  	_ =	shalt  }
0x57: {  	_ =	shalt  }
0x58: {  	_ =	shalt  }
0x59: {  	_ =	shalt  }
0x5a: {  	_ =	shalt  }
0x5b: {  	_ =	shalt  }
0x5c: {  	_ =	shalt  }
0x5d: {  	_ =	shalt  }
0x5e: {  	_ =	shalt  }
0x5f: {  	_ =	shalt  }
0x60: {  	_ =	shalt  }
0x61: {  	_ =	shalt  }
0x62: {  	_ =	shalt  }
0x63: {  	_ =	shalt  }
0x64: {  	_ =	shalt  }
0x65: {  	_ =	shalt  }
0x66: {  	_ =	shalt  }
0x67: {  	_ =	shalt  }
0x68: {  	_ =	shalt  }
0x69: {  	_ =	shalt  }
0x6a: {  	_ =	shalt  }
0x6b: {  	_ =	shalt  }
0x6c: {  	_ =	shalt  }
0x6d: {  	_ =	shalt  }
0x6e: {  	_ =	shalt  }
0x6f: {  	_ =	shalt  }
0x70: {  	_ =	shalt  }
0x71: {  	_ =	shalt  }
0x72: {  	_ =	shalt  }
0x73: {  	_ =	shalt  }
0x74: {  	_ =	shalt  }
0x75: {  	_ =	shalt  }
0x76: {  	_ =	shalt  }
0x77: {  	_ =	shalt  }
0x78: {  	_ =	shalt  }
0x79: {  	_ =	shalt  }
0x7a: {  	_ =	shalt  }
0x7b: {  	_ =	shalt  }
0x7c: {  	_ =	shalt  }
0x7d: {  	_ =	shalt  }
0x7e: {  	_ =	shalt  }
0x7f: {  	_ =	shalt  }
0x80: {  	_ =	shalt  }
0x81: {  	_ =	shalt  }
0x82: {  	_ =	shalt  }
0x83: {  	_ =	shalt  }
0x84: {  	_ =	shalt  }
0x85: {  	_ =	shalt  }
0x86: {  	_ =	shalt  }
0x87: {  	_ =	shalt  }
.Lfunc_end0:
.L_simem_size_0:
called_computation.3_lowered:
.L_overlay_start_0:
0x88: {  	s2 =	sld [smem:$0x3FD9]  }
0x89: {  	s3 =	sld [smem:$0x3FFE];
	_ =	sdelay $0x1  }
0x8a: {  	s1 =	srdreg.scid  }
0x8b: {  	s0 =	sand.u32 $0x1, s1  }
0x8c: {  	s16 =	sshll.u32 s0, $0xA;
	s2 =	sadd.s32 s3, s2  }
0x8d: {  	s2 =	sadd.s32 s2, s16  }
0x8e: {  	[smem:$0x3FB0] =	sst s2  }
0x8f: {  	_ = 	snop  }
0x90: {  	(tm) =	ssettm $0x1  }
0x91: {  	s17 =	sld [smem:$0x3FFB];
	_ =	sdelay $0x3  }
0x92: {  	_ =	strace s17  }
0x93: {  	s2 =	sld [smem:$0x3FFC];
	_ =	sdelay $0x3  }
0x94: {  	_ =	strace s2  }
0x95: {  	s2 =	sld [smem:$0x3FFD];
	_ =	sdelay $0x3  }
0x96: {  	_ =	strace s2  }
0x97: {  	_ =	strace $0x8FFFFFFF  }
0x98: {  	s18 =	sld [smem:$0x3FDB];
	_ =	sdelay $0x1  }
0x99: {  	s19 =	simm.s32 $_scs_section_size  }
0x9a: {  	s4 =	simm.s32 $_size__tile_overlayer_lowered;
	s5 =	simm.s32 $_tile_overlayer_lowered  }
0x9b: {  	s22 =	simm.s32 $0x1BFF;
	s21 =	sshll.u32 s5, $0x1;
	s2 =	sadd.s32 s19, s18  }
0x9c: {  	s6 =	simm.s32 $0x0;
	s20 =	sshll.u32 s4, $0x1;
	s4 =	sadd.s32 s21, s2  }
0x9d: {  	[timem:s6], [sflag:s22] =	dma.local [hbm:s4], s20  }
0x9e: {  	_ =	swait.ge [sflag:s22], s20  }
0x9f: {  	s3 =	ssub.s32 $0x0, s20;
	[sflag:s22] =	ssyncset.done $0x0  }
0xa0: {  	[sflag:s22] =	ssyncadd.s32 s3;
	_ =	sdelay $0x1  }
0xa1: {  	s23 =	simm.s32 $0x1B8B  }
0xa2: {  	_ =	swait.ge [sflag:s23], $0x1  }
0xa3: {  	[sflag:s23] =	ssyncset.done $0x0  }
0xa4: {  	s25 =	simm.s32 $0x1B8E;
	s24 =	sld [smem:$0x3FFE];
	[sflag:s23] =	ssyncadd.s32 $0xFFFFFFFF  }
0xa5: {  	s26 =	simm.s32 $execute0_lowered;
	[smem:$0x3FD2] =	sst s25  }
0xa6: {  	s4 =	sshll.u32 s26, $0x1;
	_ =	strace $0x8000004F;
	[dreg:$0x1] =	wrdreg $0xFFFFFFFF  }
0xa7: {  	s28 =	simm.s32 $_size_execute0_lowered;
	s2 =	sadd.s32 s2, s4;
	[dreg:$0x0] =	wrdreg $0x0  }
0xa8: {  	s4 =	sshll.u32 s28, $0x1;
	[dreg:$0x2] =	wrdreg s2  }
0xa9: {  	[dreg:$0x3] =	wrdreg s4  }
0xaa: {  	[dreg:$0x4] =	wrdreg $0xC0  }
0xab: {  	_ =	task [dreg:s6], $0x5FFFF  }
0xac: {  	[dreg:$0x1] =	wrdreg $0xFFFFFFFF  }
0xad: {  	[dreg:$0x0] =	wrdreg $0x60  }
0xae: {  	[dreg:$0x2] =	wrdreg s24  }
0xaf: {  	[dreg:$0x3] =	wrdreg $0x54600  }
0xb0: {  	[dreg:$0x4] =	wrdreg $0x9  }
0xb1: {  	_ =	task.clear_ibuf [dreg:s6], $0x5FFFF;
	_ =	strace $0x9000004F  }
0xb2: {  	s29 =	simm.s32 $0x9;
	_ =	strace $0x80000051  }
0xb3: {  	_ =	swait.ge [sflag:s29], $0x1  }
0xb4: {  	[sflag:s29] =	ssyncadd.s32 $0xFFFFFFFF  }
0xb5: {  	_ =	strace $0x90000051  }
0xb6: {  	_ =	sfence  }
0xb7: {  	s30 =	sld [smem:$0x0];
	_ =	sdelay $0x2  }
0xb8: {  	s31 =	sshll.u32 s1, $0xD;
	s1 =	sshrl.u32 s1, $0x2  }
0xb9: {  	s3 =	sand.u32 $0x4000, s31;
	s1 =	sadd.s32 s1, s30  }
0xba: {  	s0 =	sor.u32 s3, s0;
	s1 =	sshll.u32 s1, $0x11  }
0xbb: {  	s0 =	sor.u32 s1, s0  }
0xbc: {  	s0 =	sadd.s32 $0x8F2B, s0  }
0xbd: {  	[sflag:s0] =	ssyncadd.remote.s32 $0x1  }
0xbe: {  	_ =	sfence.sel $0xFFFF  }
0xbf: {  	[dreg:$0x0] =	wrdreg $0xFFFFFFFF;
	(pc) =	sbr.abs _section_cstart, $3  }
0xc0: {  	[dreg:$0x1] =	wrdreg $0xFFFFFFFF  }
0xc1: {  	_ =	task.clear_ibuf [dreg:s6], $0x2FFFF;
	_ =	strace $0x9FFFFFFF  }
0xc2: {  	(tm) =	ssettm $0x7FFFFFFF  }
0xc3: {  	_ =	shalt  }
tec
execute0_lowered:
.L_overlay_start_1:
0x0: {  	(tag) =	ssettag $0x1  }
0x1: {  	s9 =	rddreg [dreg:$0x0]  }
0x2: {  	s1 =	rddreg [dreg:$0x1]  }
0x3: {  	s0 =	rddreg [dreg:$0x2];
	s2 =	simm.s32 $0x0;
	s8 =	srdreg.scid  }
0x4: {  	s3 =	stileid.u32;
	s17 =	simm.s32 $0x2;
	s18 =	simm.s32 $0x320  }
0x5: {  	s21 =	simm.s32 $0x8;
	[smem:$0x7FF] =	sst s2;
	s4 =	sadd.s32 $0x2FEA00, s9  }
0x6: {  	s5 =	sadd.s32 $0x50800, s9;
	s6 =	sadd.s32 $0x1FA00, s9;
	s7 =	sadd.s32 $0xB4000, s9  }
0x7: {  	s11 =	sand.u32 $0x1, s8;
	s10 =	smul.u32 $0x62000, s3;
	s8 =	sadd.s32 $0x23AA00, s9  }
0x8: {  	s13 =	sadd.s32 $0x301C00, s9;
	s14 =	sshll.u32 s3, $0x6;
	s30 =	smul.u32 $0xC400, s3  }
0x9: {  	_ =	strace $0x80000050;
	s29 =	ssub.s32 $0x2, s11;
	s9 =	sor.u32 $0x1C02, s14  }
0xa: {  	s19 =	sshll.u32 s11, $0x1;
	p0 =	seq.s32 s11, $0x0;
	s16 =	sshll.u32 s11, $0x2  }
0xb: {  	s20 =	sshllo.u32 s11, $0x1;
	s12 =	sshrl.u32 s29, $0x1;
	s10 =	sshrl.u32 s10, $0x2  }
0xc: {  	s16 =	sadd.s32 s16, s13;
	s17 =	simm.s32 @!p0 $0x6;
	v0 =	vmov s19;
	s19 =	simm.s32 $0x1  }
0xd: {  	v1 =	vmov s20;
	s20 =	simm.s32 $0x2260;
	s12 =	ssub.s32 s29, s12;
	s15 =	sadd.s32 s10, s1  }
0xe: {  	s10 =	smul.u32 $0x186A0, s3;
	s31 =	sadd.s32 s17, s13;
	s13 =	simm.s32 $0x2  }
0xf: {  	s17 =	simm.s32 $0x960;
	s11 =	smax.u32 s12, $0x1;
	s12 =	sadd.s32 s16, s30  }
0x10: {  	s14 =	sadd.s32 s30, s31;
	s15 =	sshrl.u32 s15, $0x3;
	s16 =	simm.s32 $0x640  }
.LBB2_1:
0x11: {  	[spmem:s15], [sflag:s9] =	dma.local [hbm:s4], $0x3100  }
0x12: {  	_ =	swait.ge [sflag:s13], $0x3100  }
0x13: {  	[sflag:s13] =	ssyncset.done $0x0  }
0x14: {  	[sflag:s13] =	ssyncadd.s32 $0xFFFFCF00  }
0x15: {  	s22 =	simm.s32 $0x0;
	[bflag:$0x0] =	sbarrier.arrive $0xFFFF  }
.LBB2_2:
0x16: {  	s23 =	smul.u32 $0x320, s22;
	_ =	sdelay $0x1  }
0x17: {  	s23 =	sadd.s32 s10, s23  }
0x18: {  	s24 =	sshrl.u32 s23, $0x3  }
0x19: {  	s26 =	simm.s32 $0x0;
	s25 =	sadd.s32 s5, s24  }
0x1a: {  	[tilespmem:s26], [sflag:$0x2] =	stream.linear.gather [hbm4b:s25+s26], $0x320, $0x38;
	[tilespmem:$0x1DC60] =	vst v63  }
0x1b: {  	_ =	swait.ge [sflag:s13], $0x320  }
0x1c: {  	[sflag:s13] =	ssyncset.done $0x0  }
0x1d: {  	s24 =	sadd.s32 s6, s24;
	[sflag:s13] =	ssyncadd.s32 $0xFFFFFCE0  }
0x1e: {  	[tilespmem:s16], [sflag:$0x2] =	stream.linear.gather [hbm4b:s24+s26], $0x320, $0x38;
	[tilespmem:$0x1DC60] =	vst v63  }
0x1f: {  	_ =	swait.ge [sflag:s13], $0x320  }
0x20: {  	[sflag:s13] =	ssyncset.done $0x0  }
0x21: {  	s23 =	sadd.s32 s7, s23;
	[sflag:s13] =	ssyncadd.s32 $0xFFFFFCE0  }
0x22: {  	[tilespmem:s17], [sflag:$0x2] =	stream.linear.gather [hbm4b:s23+s26], $0x1900, $0x38;
	[tilespmem:$0x1DC60] =	vst v63  }
0x23: {  	_ =	swait.ge [sflag:s13], $0x1900  }
0x24: {  	[sflag:s13] =	ssyncset.done $0x0  }
0x25: {  	s23 =	simm.s32 $0x0;
	[sflag:s13] =	ssyncadd.s32 $0xFFFFE700  }
0x26: {  	v2 =	vld [tilespmem:s23+$0x0]  }
0x27: {  	s24 =	simm.s32 $0x40  }
.LBB2_3:
0x28: {  	p0 =	sne.s32 s24, $0xC40  }
.Ltmp0:
0x29: {  	_ = 	snop;
	(pc) =	sbr.rel @p0 .LBB2_3-.Ltmp0, $4  }
0x2a: {  	_ = 	snop  }
0x2b: {  	s25 =	sshra.s32 s24, $0x2;
	s24 =	sadd.s32 $0x40, s24;
	v3 =	vshll.u32 v2, $0x2  }
0x2c: {  	v2 =	vld [tilespmem:s25+$0x0];
	v3 =	vor.u32 v0, v3  }
0x2d: {  	[tilespmem:s23+$0x320] =	vst v3;
	s23 =	smov.u32 s25  }
0x2e: {  	_ =	sdelay $0x1  }
0x2f: {  	s24 =	simm.s32 $0x0  }
0x30: {  	v3 =	vor.u32 s24, v0;
	v2 =	vshll.u32 v2, $0x2  }
0x31: {  	v3 =	vbroadcast v3, $0x0;
	v2 =	vor.u32 v0, v2  }
0x32: {  	[tilespmem:s23+$0x320] =	vst v2;
	s23 =	simm.s32 $0x2260  }
0x33: {  	[tilespmem:s23], [sflag:$0x1] =	stream.indirect.gather [hbm4b:s8+s18], $0x10, s18, s18, $0xb8;
	[tilespmem:$0x1DC60] =	vst v63  }
0x34: {  	_ =	swait.ge [sflag:s19], $0x3200  }
0x35: {  	[sflag:s19] =	ssyncset.done $0x0  }
0x36: {  	[sflag:s19] =	ssyncadd.s32 $0xFFFFCE00  }
0x37: {  	v2 =	vld.idx.msk [tilespmem:v3+s17+$0x0], $0xffff  }
0x38: {  	s25 =	simm.s32 $0x8;
	s24 =	simm.s32 $0x2;
	v3 =	vld [tilespmem:s23+$0x0]  }
.LBB2_5:
0x39: {  	p0 =	sne.s32 s24, $0x31F;
	v4 =	vor.u32 s25, v0  }
0x3a: {  	v4 =	vbroadcast v4, $0x0;
	_ =	sdelay $0x2  }
.Ltmp1:
0x3b: {  	v2 =	vmul.f32 v3, v2;
	(pc) =	sbr.rel @p0 .LBB2_5-.Ltmp1, $4  }
0x3c: {  	_ = 	snop  }
0x3d: {  	[tilespmem:s23+$0x0] =	vst v2  }
0x3e: {  	s23 =	sadd.s32 $0x10, s23;
	v2 =	vld.idx.msk [tilespmem:v4+s17+$0x0], $0xffff  }
0x3f: {  	s25 =	sshll.u32 s24, $0x3;
	s24 =	sadd.s32 $0x1, s24;
	v3 =	vld [tilespmem:s23+$0x0]  }
0x40: {  	v4 =	vor.u32 s25, v0  }
0x41: {  	v4 =	vbroadcast v4, $0x0;
	_ =	sdelay $0x2  }
0x42: {  	v2 =	vmul.f32 v3, v2;
	_ =	sdelay $0x1  }
0x43: {  	[tilespmem:s23+$0x0] =	vst v2  }
0x44: {  	s31 =	sadd.s32 $0x10, s23;
	v2 =	vld.idx.msk [tilespmem:v4+s17+$0x0], $0xffff  }
0x45: {  	v3 =	vld [tilespmem:s31+$0x0];
	_ =	sdelay $0x4  }
0x46: {  	s22 =	sadd.s32 $0x1, s22;
	v2 =	vmul.f32 v3, v2  }
0x47: {  	p0 =	sne.s32 s22, $0x7D  }
.Ltmp2:
0x48: {  	[tilespmem:s31+$0x0] =	vst v2;
	(pc) =	sbr.rel @p0 .LBB2_2-.Ltmp2, $4  }
0x49: {  	[spmem:s1] =	stream.indirect.scatter.add.f32 [tilespmem:s20], [sflag:$0x2], $0x10, s16, s18, $0xb8;
	[tilespmem:$0x1DC60] =	vst v63  }
0x4a: {  	_ =	swait.ge [sflag:s13], $0x3200  }
0x4b: {  	[sflag:s13] =	ssyncset.done $0x0  }
0x4c: {  	[sflag:s13] =	ssyncadd.s32 $0xFFFFCE00  }
0x4d: {  	[bflag:$0x0] =	sbarrier.arrive $0xFFFF  }
0x4e: {  	[hbm:s12@s21], [sflag:s9] =	dma.strided [spmem:s15@s13], $0x3100, s19, $0x2   }
0x4f: {  	_ =	swait.ge [sflag:s13], $0x3100  }
0x50: {  	[sflag:s13] =	ssyncset.done $0x0  }
0x51: {  	[sflag:s13] =	ssyncadd.s32 $0xFFFFCF00  }
0x52: {  	[spmem:s15], [sflag:s9] =	dma.local [hbm:s4], $0x3100  }
0x53: {  	_ =	swait.ge [sflag:s13], $0x3100  }
0x54: {  	[sflag:s13] =	ssyncset.done $0x0  }
0x55: {  	[sflag:s13] =	ssyncadd.s32 $0xFFFFCF00  }
0x56: {  	s22 =	simm.s32 $0x0;
	s23 =	simm.s32 $0x0;
	[bflag:$0x0] =	sbarrier.arrive $0xFFFF  }
.LBB2_8:
0x57: {  	s24 =	smul.u32 $0x320, s23;
	_ =	sdelay $0x1  }
0x58: {  	s24 =	sadd.s32 s10, s24  }
0x59: {  	s25 =	sshrl.u32 s24, $0x3  }
0x5a: {  	s26 =	sadd.s32 s5, s25  }
0x5b: {  	[tilespmem:s22], [sflag:$0x2] =	stream.linear.gather [hbm4b:s26+s22], $0x320, $0x38;
	[tilespmem:$0x1DC60] =	vst v63  }
0x5c: {  	_ =	swait.ge [sflag:s13], $0x320  }
0x5d: {  	[sflag:s13] =	ssyncset.done $0x0  }
0x5e: {  	s25 =	sadd.s32 s6, s25;
	[sflag:s13] =	ssyncadd.s32 $0xFFFFFCE0  }
0x5f: {  	[tilespmem:s16], [sflag:$0x2] =	stream.linear.gather [hbm4b:s25+s22], $0x320, $0x38;
	[tilespmem:$0x1DC60] =	vst v63  }
0x60: {  	_ =	swait.ge [sflag:s13], $0x320  }
0x61: {  	[sflag:s13] =	ssyncset.done $0x0  }
0x62: {  	s24 =	sadd.s32 s7, s24;
	[sflag:s13] =	ssyncadd.s32 $0xFFFFFCE0  }
0x63: {  	[tilespmem:s17], [sflag:$0x2] =	stream.linear.gather [hbm4b:s24+s22], $0x1900, $0x38;
	[tilespmem:$0x1DC60] =	vst v63  }
0x64: {  	_ =	swait.ge [sflag:s13], $0x1900  }
0x65: {  	[sflag:s13] =	ssyncset.done $0x0  }
0x66: {  	s24 =	simm.s32 $0x0;
	[sflag:s13] =	ssyncadd.s32 $0xFFFFE700  }
0x67: {  	v2 =	vld [tilespmem:s24+$0x0]  }
0x68: {  	s25 =	simm.s32 $0x40  }
.LBB2_9:
0x69: {  	p0 =	sne.s32 s25, $0xC40  }
.Ltmp3:
0x6a: {  	_ = 	snop;
	(pc) =	sbr.rel @p0 .LBB2_9-.Ltmp3, $4  }
0x6b: {  	_ = 	snop  }
0x6c: {  	s26 =	sshra.s32 s25, $0x2;
	s25 =	sadd.s32 $0x40, s25;
	v3 =	vshll.u32 v2, $0x2  }
0x6d: {  	v2 =	vld [tilespmem:s26+$0x0];
	v3 =	vor.u32 v1, v3  }
0x6e: {  	[tilespmem:s24+$0x320] =	vst v3;
	s24 =	smov.u32 s26  }
0x6f: {  	_ =	sdelay $0x1  }
0x70: {  	s25 =	simm.s32 $0x0  }
0x71: {  	v3 =	vor.u32 s25, v1;
	v2 =	vshll.u32 v2, $0x2  }
0x72: {  	v3 =	vbroadcast v3, $0x0;
	v2 =	vor.u32 v1, v2  }
0x73: {  	[tilespmem:s24+$0x320] =	vst v2;
	s24 =	simm.s32 $0x2260  }
0x74: {  	[tilespmem:s24], [sflag:$0x1] =	stream.indirect.gather [hbm4b:s8+s18], $0x10, s18, s18, $0xb8;
	[tilespmem:$0x1DC60] =	vst v63  }
0x75: {  	_ =	swait.ge [sflag:s19], $0x3200  }
0x76: {  	[sflag:s19] =	ssyncset.done $0x0  }
0x77: {  	[sflag:s19] =	ssyncadd.s32 $0xFFFFCE00  }
0x78: {  	v2 =	vld.idx.msk [tilespmem:v3+s17+$0x0], $0xffff  }
0x79: {  	s26 =	simm.s32 $0x8;
	s25 =	simm.s32 $0x2;
	v3 =	vld [tilespmem:s24+$0x0]  }
.LBB2_11:
0x7a: {  	p0 =	sne.s32 s25, $0x31F;
	v4 =	vor.u32 s26, v1  }
0x7b: {  	v4 =	vbroadcast v4, $0x0;
	_ =	sdelay $0x2  }
.Ltmp4:
0x7c: {  	v2 =	vmul.f32 v3, v2;
	(pc) =	sbr.rel @p0 .LBB2_11-.Ltmp4, $4  }
0x7d: {  	_ = 	snop  }
0x7e: {  	[tilespmem:s24+$0x0] =	vst v2  }
0x7f: {  	s24 =	sadd.s32 $0x10, s24;
	v2 =	vld.idx.msk [tilespmem:v4+s17+$0x0], $0xffff  }
0x80: {  	s26 =	sshll.u32 s25, $0x3;
	s25 =	sadd.s32 $0x1, s25;
	v3 =	vld [tilespmem:s24+$0x0]  }
0x81: {  	v4 =	vor.u32 s26, v1  }
0x82: {  	v4 =	vbroadcast v4, $0x0;
	_ =	sdelay $0x2  }
0x83: {  	v2 =	vmul.f32 v3, v2;
	_ =	sdelay $0x1  }
0x84: {  	[tilespmem:s24+$0x0] =	vst v2  }
0x85: {  	s31 =	sadd.s32 $0x10, s24;
	v2 =	vld.idx.msk [tilespmem:v4+s17+$0x0], $0xffff  }
0x86: {  	v3 =	vld [tilespmem:s31+$0x0];
	_ =	sdelay $0x4  }
0x87: {  	s23 =	sadd.s32 $0x1, s23;
	v2 =	vmul.f32 v3, v2  }
0x88: {  	p0 =	sne.s32 s23, $0x7D  }
.Ltmp5:
0x89: {  	[tilespmem:s31+$0x0] =	vst v2;
	(pc) =	sbr.rel @p0 .LBB2_8-.Ltmp5, $4  }
0x8a: {  	[spmem:s1] =	stream.indirect.scatter.add.f32 [tilespmem:s20], [sflag:$0x2], $0x10, s16, s18, $0xb8;
	[tilespmem:$0x1DC60] =	vst v63  }
0x8b: {  	_ =	swait.ge [sflag:s13], $0x3200  }
0x8c: {  	[sflag:s13] =	ssyncset.done $0x0  }
0x8d: {  	[sflag:s13] =	ssyncadd.s32 $0xFFFFCE00  }
0x8e: {  	s2 =	sadd.s32 $0x1, s2  }
0x8f: {  	p0 =	sne.s32 s2, s11  }
.Ltmp6:
0x90: {  	[bflag:$0x0] =	sbarrier.arrive $0xFFFF;
	(pc) =	sbr.rel @p0 .LBB2_1-.Ltmp6, $4  }
0x91: {  	[hbm:s14@s21], [sflag:s9] =	dma.strided [spmem:s15@s13], $0x3100, s19, $0x2   }
0x92: {  	_ =	swait.ge [sflag:s13], $0x3100  }
0x93: {  	[sflag:s13] =	ssyncset.done $0x0  }
0x94: {  	[sflag:s13] =	ssyncadd.s32 $0xFFFFCF00  }
0x95: {  	_ =	sfence.sel $0x180000  }
0x96: {  	[bflag:$0x0] =	sbarrier.arrive $0xFFFF  }
0x97: {  	p0 =	sne.s32 s3, $0x0;
	_ =	strace $0x90000050  }
0x98: {  	s0 =	sadd.s32 @!p0 $0x100000, s0;
	[bflag:$0x2] =	sbarrier.arrive $0xFFFF  }
0x99: {  	[sflag:s0] =	ssyncadd.tile.s32 @!p0 $0x1;
	_ =	shalt  }
.Lfunc_end2:
_tile_overlayer_lowered:
.L_overlay_start_2:
0x9a: {  	(tag) =	ssettag $0x2  }
0x9b: {  	s0 =	rddreg [dreg:$0x0];
	s2 =	stileid.u32  }
0x9c: {  	s1 =	rddreg [dreg:$0x1];
	p0 =	sne.s32 s2, $0x0  }
0x9d: {  	s3 =	rddreg [dreg:$0x2];
	[bflag:$0x3] =	sbarrier.arrive $0xFFFF;
	s2 =	simm.s32 @!p0 $0x1C02  }
0x9e: {  	[timem:s3], [sflag:s2] =	dma.local @!p0 [hbm:s0], s1  }
0x9f: {  	s0 =	simm.s32 @!p0 $0x2  }
0xa0: {  	_ =	swait.ge @!p0 [sflag:s0], s1  }
0xa1: {  	s1 =	ssub.s32 @!p0 $0x0, s1;
	[sflag:s0] =	ssyncset.done @!p0 $0x0  }
0xa2: {  	[sflag:s0] =	ssyncadd.s32 @!p0 s1  }
0xa3: {  	[bflag:$0x3] =	sbarrier.arrive $0xFFFF  }
0xa4: {  	_ =	shalt  }

// kernel: kernel.27.cloned.1.call-start
scs
__scs_entry_jumppad:
0x0: {  	(pc) =	sbr.rel $0x88, $3  }
0x1: {  	(tag) =	ssettag $0x0;
	lr =	simm.s32 $0x1  }
0x2: {  	[smem:$0x3F89] =	sst lr;
	_ =	strace $0xD0000000  }
0x3: {  	_ = 	snop  }
0x4: {  	_ = 	snop  }
0x5: {  	_ = 	snop  }
0x6: {  	_ = 	snop  }
0x7: {  	_ = 	snop  }
__scs_overlays_trampoline_lowered:
0x8: {  	[smem:$0x3F98] =	sst s0  }
0x9: {  	[smem:$0x3F99] =	sst s1  }
0xa: {  	[smem:$0x3F9A] =	sst s2  }
0xb: {  	[smem:$0x3F9B] =	sst s3  }
0xc: {  	[smem:$0x3F9C] =	sst s4  }
0xd: {  	[smem:$0x3F9D] =	sst s5  }
0xe: {  	[smem:$0x3F9E] =	sst s6  }
0xf: {  	[smem:$0x3F9F] =	sst s7  }
0x10: {  	[smem:$0x3FA0] =	sst s8  }
0x11: {  	[smem:$0x3FA1] =	sst s9;
	s0 =	simm.s32 @!p0 $0x0  }
0x12: {  	s1 =	sld [smem:$0x3F87];
	s0 =	simm.s32 @p0 $0x1  }
0x13: {  	[smem:$0x3FA2] =	sst s0;
	s0 =	simm.s32 @!p1 $0x0  }
0x14: {  	s2 =	sld [smem:$0x3F86];
	s0 =	simm.s32 @p1 $0x1  }
0x15: {  	[smem:$0x3FA3] =	sst s0;
	s0 =	simm.s32 @!p2 $0x0  }
0x16: {  	s3 =	sld [smem:$0x3FDB];
	s0 =	simm.s32 @p2 $0x1  }
0x17: {  	s4 =	simm.s32 $0x1BF5;
	[smem:$0x3FA5] =	sst s0  }
0x18: {  	s0 =	sld [smem:$0x3F88];
	_ =	swait.ge [sflag:s4], $0x0  }
0x19: {  	s7 =	sld [smem:$0x3F89]  }
0x1a: {  	s8 =	sadd.s32 $0xFFFFE003, lr  }
0x1b: {  	s9 =	sadd.s32 $0xFFFFFEF7, lr;
	s5 =	simm.s32 $0xFFFFFFFF;
	p2 =	slt.u32 s8, $0xFFFFF086  }
0x1c: {  	p1 =	slt.u32 s9, $0xF7A;
	s5 =	simm.s32 @!p2 $0x0  }
0x1d: {  	s5 =	simm.s32 @p1 $0x1;
	p0 =	seq.s32 s7, s2  }
0x1e: {  	s7 =	smul.u32 @!p0 $0xF7A, s2;
	p2 =	seq.s32 @!p0 s5, $0x0  }
0x1f: {  	s9 =	smul.u32 $0xF7A, s1;
	s8 =	simm.s32 @!p0 $0x1BF5;
	p2 =	por !p2, p0  }
0x20: {  	[sflag:s8] =	ssyncset.s32 @!p0 $0xFFFFF086;
	s6 =	sadd.s32 @!p0 s3, s7;
	s7 =	simm.s32 @!p0 $0x108  }
0x21: {  	s3 =	sadd.s32 s3, s9;
	s6 =	sadd.s32 @!p0 $0x88, s6;
	s7 =	simm.s32 @p2 $0x1082  }
0x22: {  	[simem:s7], [sflag:s8] =	dma.local @!p0 [hbm:s6], $0xF7A  }
0x23: {  	s9 =	sor.u32 $0xD0000000, s2;
	s6 =	simm.s32 $0x108;
	_ =	swait.ge @!p0 [sflag:s8], $0x0  }
0x24: {  	s3 =	sadd.s32 $0x88, s3;
	s6 =	simm.s32 @!p1 $0x1082;
	[sflag:s4] =	ssyncset.s32 $0xFFFFF086  }
0x25: {  	[simem:s6], [sflag:s4] =	dma.local [hbm:s3], $0xF7A  }
0x26: {  	[smem:$0x3F89] =	sst s1;
	(tag) =	ssettag s2;
	_ =	strace s9  }
0x27: {  	s1 =	sld [smem:$0x3F99]  }
0x28: {  	s2 =	sld [smem:$0x3F9A]  }
0x29: {  	s4 =	sld [smem:$0x3F9C]  }
0x2a: {  	p0 =	seq.s32 s5, $0x0;
	s5 =	sld [smem:$0x3F9D]  }
0x2b: {  	s6 =	sld [smem:$0x3F9E]  }
0x2c: {  	s7 =	sld [smem:$0x3F9F]  }
0x2d: {  	s3 =	simm.s32 $0x108;
	s8 =	sld [smem:$0x3FA0]  }
0x2e: {  	s3 =	simm.s32 @!p0 $0x1082;
	s9 =	sld [smem:$0x3FA1]  }
0x2f: {  	lr =	sadd.s32 s0, s3;
	s0 =	sld [smem:$0x3F98]  }
0x30: {  	s3 =	sld [smem:$0x3F9B]  }
0x31: {  	[smem:$0x3FA4] =	sst s10  }
0x32: {  	s10 =	sld [smem:$0x3FA2];
	_ =	sdelay $0x3  }
0x33: {  	p0 =	seq.s32 s10, $0x1;
	s10 =	sld [smem:$0x3FA4];
	_ =	sdelay $0x3  }
0x34: {  	[smem:$0x3FA4] =	sst s10  }
0x35: {  	s10 =	sld [smem:$0x3FA3];
	_ =	sdelay $0x3  }
0x36: {  	p1 =	seq.s32 s10, $0x1;
	s10 =	sld [smem:$0x3FA4];
	_ =	sdelay $0x3  }
0x37: {  	[smem:$0x3FA4] =	sst s10  }
0x38: {  	s10 =	sld [smem:$0x3FA5]  }
0x39: {  	_ = 	snop;
	(pc) =	sbr.ind lr, $3  }
0x3a: {  	_ = 	snop  }
0x3b: {  	_ = 	snop  }
0x3c: {  	p2 =	seq.s32 s10, $0x1;
	s10 =	sld [smem:$0x3FA4]  }
0x3d: {  	_ =	shalt  }
0x3e: {  	_ =	shalt  }
0x3f: {  	_ =	shalt  }
0x40: {  	_ =	shalt  }
0x41: {  	_ =	shalt  }
0x42: {  	_ =	shalt  }
0x43: {  	_ =	shalt  }
0x44: {  	_ =	shalt  }
0x45: {  	_ =	shalt  }
0x46: {  	_ =	shalt  }
0x47: {  	_ =	shalt  }
0x48: {  	_ =	shalt  }
0x49: {  	_ =	shalt  }
0x4a: {  	_ =	shalt  }
0x4b: {  	_ =	shalt  }
0x4c: {  	_ =	shalt  }
0x4d: {  	_ =	shalt  }
0x4e: {  	_ =	shalt  }
0x4f: {  	_ =	shalt  }
0x50: {  	_ =	shalt  }
0x51: {  	_ =	shalt  }
0x52: {  	_ =	shalt  }
0x53: {  	_ =	shalt  }
0x54: {  	_ =	shalt  }
0x55: {  	_ =	shalt  }
0x56: {  	_ =	shalt  }
0x57: {  	_ =	shalt  }
0x58: {  	_ =	shalt  }
0x59: {  	_ =	shalt  }
0x5a: {  	_ =	shalt  }
0x5b: {  	_ =	shalt  }
0x5c: {  	_ =	shalt  }
0x5d: {  	_ =	shalt  }
0x5e: {  	_ =	shalt  }
0x5f: {  	_ =	shalt  }
0x60: {  	_ =	shalt  }
0x61: {  	_ =	shalt  }
0x62: {  	_ =	shalt  }
0x63: {  	_ =	shalt  }
0x64: {  	_ =	shalt  }
0x65: {  	_ =	shalt  }
0x66: {  	_ =	shalt  }
0x67: {  	_ =	shalt  }
0x68: {  	_ =	shalt  }
0x69: {  	_ =	shalt  }
0x6a: {  	_ =	shalt  }
0x6b: {  	_ =	shalt  }
0x6c: {  	_ =	shalt  }
0x6d: {  	_ =	shalt  }
0x6e: {  	_ =	shalt  }
0x6f: {  	_ =	shalt  }
0x70: {  	_ =	shalt  }
0x71: {  	_ =	shalt  }
0x72: {  	_ =	shalt  }
0x73: {  	_ =	shalt  }
0x74: {  	_ =	shalt  }
0x75: {  	_ =	shalt  }
0x76: {  	_ =	shalt  }
0x77: {  	_ =	shalt  }
0x78: {  	_ =	shalt  }
0x79: {  	_ =	shalt  }
0x7a: {  	_ =	shalt  }
0x7b: {  	_ =	shalt  }
0x7c: {  	_ =	shalt  }
0x7d: {  	_ =	shalt  }
0x7e: {  	_ =	shalt  }
0x7f: {  	_ =	shalt  }
0x80: {  	_ =	shalt  }
0x81: {  	_ =	shalt  }
0x82: {  	_ =	shalt  }
0x83: {  	_ =	shalt  }
0x84: {  	_ =	shalt  }
0x85: {  	_ =	shalt  }
0x86: {  	_ =	shalt  }
0x87: {  	_ =	shalt  }
.Lfunc_end0:
.L_simem_size_0:
called_computation.4_lowered:
.L_overlay_start_0:
0x88: {  	s2 =	sld [smem:$0x3FD9]  }
0x89: {  	s3 =	sld [smem:$0x3FFE];
	_ =	sdelay $0x1  }
0x8a: {  	s1 =	srdreg.scid  }
0x8b: {  	s0 =	sand.u32 $0x1, s1  }
0x8c: {  	s14 =	sshll.u32 s0, $0xA;
	s2 =	sadd.s32 s3, s2  }
0x8d: {  	s2 =	sadd.s32 s2, s14  }
0x8e: {  	[smem:$0x3FB0] =	sst s2  }
0x8f: {  	_ = 	snop  }
0x90: {  	s2 =	sld [smem:$0x3FD0];
	_ =	sdelay $0x2  }
0x91: {  	s15 =	simm.s32 $0xA;
	s4 =	simm.s32 $0x10  }
0x92: {  	[smem:s4], [sflag:s15] =	dma.local [hbm:s2], $0x1  }
0x93: {  	_ =	swait.eq [sflag:s15], $0x1  }
0x94: {  	[sflag:s15] =	ssyncset.done $0x0  }
0x95: {  	[sflag:s15] =	ssyncadd.s32 $0xFFFFFFFF  }
0x96: {  	s16 =	sld [smem:$0x11];
	(tm) =	ssettm $0x1  }
0x97: {  	s17 =	sld [smem:$0x3FFB];
	_ =	sdelay $0x3  }
0x98: {  	_ =	strace s17  }
0x99: {  	s3 =	sld [smem:$0x3FFC];
	_ =	sdelay $0x3  }
0x9a: {  	_ =	strace s3  }
0x9b: {  	s3 =	sld [smem:$0x3FFD];
	_ =	sdelay $0x3  }
0x9c: {  	_ =	strace s3  }
0x9d: {  	_ =	strace $0x8FFFFFFF  }
0x9e: {  	s18 =	sld [smem:$0x3FDB];
	_ =	sdelay $0x1  }
0x9f: {  	s19 =	simm.s32 $_scs_section_size  }
0xa0: {  	s5 =	simm.s32 $_size__tile_overlayer_lowered;
	s6 =	simm.s32 $_tile_overlayer_lowered  }
0xa1: {  	s22 =	simm.s32 $0x1BFF;
	s21 =	sshll.u32 s6, $0x1;
	s3 =	sadd.s32 s19, s18  }
0xa2: {  	s7 =	simm.s32 $0x0;
	s20 =	sshll.u32 s5, $0x1;
	s5 =	sadd.s32 s21, s3  }
0xa3: {  	[timem:s7], [sflag:s22] =	dma.local [hbm:s5], s20  }
0xa4: {  	_ =	swait.ge [sflag:s22], s20  }
0xa5: {  	s4 =	ssub.s32 $0x0, s20;
	[sflag:s22] =	ssyncset.done $0x0  }
0xa6: {  	[sflag:s22] =	ssyncadd.s32 s4;
	_ =	sdelay $0x1  }
0xa7: {  	s23 =	simm.s32 $0x1B8B  }
0xa8: {  	_ =	swait.ge [sflag:s23], $0x1  }
0xa9: {  	[sflag:s23] =	ssyncset.done $0x0  }
0xaa: {  	s25 =	simm.s32 $0x1B8E;
	s24 =	sld [smem:$0x3FFE];
	[sflag:s23] =	ssyncadd.s32 $0xFFFFFFFF  }
0xab: {  	s26 =	simm.s32 $execute0_lowered;
	[smem:$0x3FD2] =	sst s25  }
0xac: {  	s5 =	sshll.u32 s26, $0x1;
	_ =	strace $0x80000052;
	[dreg:$0x1] =	wrdreg $0xFFFFFFFF  }
0xad: {  	s28 =	simm.s32 $_size_execute0_lowered;
	s3 =	sadd.s32 s3, s5;
	[dreg:$0x0] =	wrdreg $0x0  }
0xae: {  	s5 =	sshll.u32 s28, $0x1;
	[dreg:$0x2] =	wrdreg s3  }
0xaf: {  	[dreg:$0x3] =	wrdreg s5  }
0xb0: {  	[dreg:$0x4] =	wrdreg $0xC0  }
0xb1: {  	_ =	task [dreg:s7], $0x5FFFF  }
0xb2: {  	[dreg:$0x1] =	wrdreg $0xFFFFFFFF  }
0xb3: {  	[dreg:$0x0] =	wrdreg $0x60  }
0xb4: {  	[dreg:$0x2] =	wrdreg s16  }
0xb5: {  	[dreg:$0x3] =	wrdreg s24  }
0xb6: {  	[dreg:$0x4] =	wrdreg $0x109B00  }
0xb7: {  	[dreg:$0x5] =	wrdreg $0x9  }
0xb8: {  	_ =	task.clear_ibuf [dreg:s7], $0x6FFFF;
	_ =	strace $0x90000052  }
0xb9: {  	s29 =	simm.s32 $0x9;
	_ =	strace $0x80000054  }
0xba: {  	_ =	swait.ge [sflag:s29], $0x1  }
0xbb: {  	[sflag:s29] =	ssyncadd.s32 $0xFFFFFFFF  }
0xbc: {  	_ =	strace $0x90000054  }
0xbd: {  	_ =	sfence  }
0xbe: {  	s30 =	sld [smem:$0x0];
	_ =	sdelay $0x2  }
0xbf: {  	s31 =	sshll.u32 s1, $0xD;
	s1 =	sshrl.u32 s1, $0x2  }
0xc0: {  	s3 =	sand.u32 $0x4000, s31;
	s1 =	sadd.s32 s1, s30  }
0xc1: {  	s0 =	sor.u32 s3, s0;
	s1 =	sshll.u32 s1, $0x11  }
0xc2: {  	s0 =	sor.u32 s1, s0  }
0xc3: {  	s0 =	sadd.s32 $0x8F2B, s0  }
0xc4: {  	[sflag:s0] =	ssyncadd.remote.s32 $0x1  }
0xc5: {  	_ =	sfence.sel $0xFFFF  }
0xc6: {  	[dreg:$0x0] =	wrdreg $0xFFFFFFFF;
	(pc) =	sbr.abs _section_cstart, $3  }
0xc7: {  	[dreg:$0x1] =	wrdreg $0xFFFFFFFF  }
0xc8: {  	_ =	task.clear_ibuf [dreg:s7], $0x2FFFF;
	_ =	strace $0x9FFFFFFF  }
0xc9: {  	(tm) =	ssettm $0x7FFFFFFF  }
tec
execute0_lowered:
.L_overlay_start_1:
0x0: {  	(tag) =	ssettag $0x1  }
0x1: {  	s1 =	rddreg [dreg:$0x0]  }
0x2: {  	s10 =	rddreg [dreg:$0x1]  }
0x3: {  	s2 =	rddreg [dreg:$0x2]  }
0x4: {  	s0 =	rddreg [dreg:$0x3]  }
0x5: {  	s3 =	simm.s32 $0x0;
	s7 =	srdreg.scid;
	s4 =	stileid.u32  }
0x6: {  	s18 =	simm.s32 $0x7E0;
	s19 =	simm.s32 $0x7D0;
	s20 =	simm.s32 $0xFB0  }
0x7: {  	s21 =	simm.s32 $0x1;
	s22 =	simm.s32 $0x4E30;
	s23 =	simm.s32 $0x8CB0  }
0x8: {  	s24 =	simm.s32 $0x0;
	[smem:$0x7FF] =	sst s3;
	s5 =	sadd.s32 $0x81600, s10  }
0x9: {  	s6 =	sadd.s32 $0x50800, s10;
	s11 =	smul.u32 $0xC400, s4;
	s9 =	sand.u32 $0x1, s7  }
0xa: {  	s7 =	sadd.s32 $0x1FA00, s10;
	s8 =	sadd.s32 $0x5800, s10;
	s14 =	smul.u32 $0xC350, s4  }
0xb: {  	s31 =	sshll.u32 s4, $0x6;
	_ =	strace $0x80000053;
	p0 =	seq.s32 s9, $0x1  }
0xc: {  	s13 =	smul.u32 $0xC3500, s9;
	s29 =	ssub.s32 $0x2, s9;
	s12 =	sadd.s32 $0xC4000, s11  }
0xd: {  	s15 =	sadd.s32 s11, s2;
	s16 =	sshrl.u32 s29, $0x1;
	s11 =	smov.u32 @p0 s12  }
0xe: {  	s9 =	sadd.s32 $0xB4000, s10;
	s30 =	ssub.s32 s29, s16;
	s11 =	sshrl.u32 s11, $0x3  }
0xf: {  	v0 =	vlaneseq.u32;
	s15 =	sshrl.u32 s15, $0x3;
	s16 =	simm.s32 $0xCB30;
	s17 =	sadd.s32 s11, s10  }
0x10: {  	v1 =	vshrl.u32 v0, $0x2;
	v0 =	vand.u32 $0x3, v0;
	s10 =	sadd.s32 s14, s13;
	s11 =	smax.u32 s30, $0x1;
	s13 =	simm.s32 $0x2  }
0x11: {  	v3 =	vimm.f32 $0.0e+00;
	v1 =	vmul.u32 $0x8, v1;
	v2 =	vor.u32 $0x4, v0;
	s14 =	sor.u32 $0x1C02, s31;
	s12 =	sadd.s32 $0x83000, s17;
	s17 =	simm.s32 $0x10  }
.LBB2_1:
0x12: {  	[tilespmem:s3], [sflag:$0x2] =	stream.linear.gather [hbm4b:s1+s3], $0x10, $0x38;
	[tilespmem:$0x1CDB0] =	vst v63  }
0x13: {  	_ =	swait.ge [sflag:s13], $0x10  }
0x14: {  	[sflag:s13] =	ssyncset.done $0x0  }
0x15: {  	[sflag:s13] =	ssyncadd.s32 $0xFFFFFFF0  }
0x16: {  	v4 =	vmov s3;
	[spmem:s15], [sflag:s14] =	dma.local [hbm:s5], $0x1880  }
0x17: {  	v4 =	vshll.u32 v4, $0x3;
	_ =	swait.ge [sflag:s13], $0x1880  }
0x18: {  	v4 =	vor.u32 v1, v4;
	[sflag:s13] =	ssyncset.done $0x0  }
0x19: {  	s25 =	simm.s32 $0x4;
	v4 =	vor.u32 v2, v4;
	[sflag:s13] =	ssyncadd.s32 $0xFFFFE780  }
.LBB2_2:
0x1a: {  	p0 =	sne.s32 s25, $0x7CC  }
.Ltmp0:
0x1b: {  	_ = 	snop;
	(pc) =	sbr.rel @p0 .LBB2_2-.Ltmp0, $4  }
0x1c: {  	v5 =	vmov s25  }
0x1d: {  	v5 =	vshll.u32 v5, $0x3  }
0x1e: {  	v5 =	vor.u32 v1, v5  }
0x1f: {  	s25 =	sadd.s32 $0x4, s25;
	[tilespmem:v4+s16+$0x0] =	vst.idx.msk $0xffff, v3;
	v4 =	vor.u32 v2, v5  }
0x20: {  	_ =	sdelay $0x3  }
0x21: {  	[tilespmem:v4+s16+$0x0] =	vst.idx.msk $0xffff, v3  }
0x22: {  	s25 =	simm.s32 $0x0;
	s26 =	simm.s32 $0x0;
	[bflag:$0x0] =	sbarrier.arrive $0xFFFF  }
.LBB2_4:
0x23: {  	s28 =	smul.u32 $0x7D0, s26;
	_ =	sdelay $0x1  }
0x24: {  	s28 =	sadd.s32 s28, s10  }
0x25: {  	s29 =	sshrl.u32 s28, $0x3  }
0x26: {  	s30 =	sadd.s32 s6, s29  }
0x27: {  	[tilespmem:s17], [sflag:$0x2] =	stream.linear.gather [hbm4b:s30+s25], $0x7D0, $0x38;
	[tilespmem:$0x1CDB0] =	vst v63  }
0x28: {  	_ =	swait.ge [sflag:s13], $0x7D0  }
0x29: {  	[sflag:s13] =	ssyncset.done $0x0  }
0x2a: {  	s29 =	sadd.s32 s7, s29;
	[sflag:s13] =	ssyncadd.s32 $0xFFFFF830  }
0x2b: {  	[tilespmem:s18], [sflag:$0x2] =	stream.linear.gather [hbm4b:s29+s25], $0x7D0, $0x38;
	[tilespmem:$0x1CDB0] =	vst v63  }
0x2c: {  	_ =	swait.ge [sflag:s13], $0x7D0  }
0x2d: {  	[sflag:s13] =	ssyncset.done $0x0  }
0x2e: {  	[sflag:s13] =	ssyncadd.s32 $0xFFFFF830  }
0x2f: {  	[tilespmem:s20], [sflag:$0x1] =	stream.indirect.gather [hbm4b:s8+s19], $0x8, s17, s19, $0xb8;
	[tilespmem:$0x1CDB0] =	vst v63  }
0x30: {  	v4 =	vmov s25;
	_ =	swait.ge [sflag:s21], $0x3E80  }
0x31: {  	v4 =	vshll.u32 v4, $0x3;
	[sflag:s21] =	ssyncset.done $0x0  }
0x32: {  	v5 =	vor.u32 v1, v4;
	[sflag:s21] =	ssyncadd.s32 $0xFFFFC180  }
0x33: {  	v4 =	vor.u32 v0, v5;
	[tilespmem:s22], [sflag:$0x1] =	stream.indirect.gather [hbm4b:s8+s19], $0x8, s18, s19, $0xb8;
	[tilespmem:$0x1CDB0] =	vst v63  }
0x34: {  	v6 =	vor.u32 v2, v5;
	_ =	swait.ge [sflag:s21], $0x3E80  }
0x35: {  	[sflag:s21] =	ssyncset.done $0x0  }
0x36: {  	[sflag:s21] =	ssyncadd.s32 $0xFFFFC180  }
0x37: {  	v5 =	vld [tilespmem:$0x0]  }
0x38: {  	v7 =	vld.idx.msk [tilespmem:v4+s20+$0x0], $0xffff  }
0x39: {  	v6 =	vld.idx.msk [tilespmem:v6+s22+$0x0], $0xffff;
	_ =	sdelay $0x4  }
0x3a: {  	v7 =	vadd.f32 v6, v7;
	v6 =	vadd.f32 v6, v5;
	_ =	sdelay $0x1  }
0x3b: {  	v8 =	vmul.f32 $2.000000030e-01, v7;
	v9 =	vmul.f32 $2.000000030e-01, v6  }
0x3c: {  	vm0 =	vgt.f32 v7, $0.0e+00;
	vm1 =	vgt.f32 v6, $0.0e+00  }
0x3d: {  	v7 =	vsel vm0, v7, v8;
	v6 =	vsel vm1, v6, v9  }
0x3e: {  	v6 =	vsub.f32 v7, v6;
	_ =	sdelay $0x1  }
0x3f: {  	v6 =	vmul.f32 $1.442695020e+00, v6;
	_ =	sdelay $0x1  }
0x40: {  	(erf) = vpow2.f32 v6;
	_ =	sdelay $0x2  }
0x41: {  	s29 =	simm.s32 $0x4  }
0x42: {  	v7 =	vmov s29  }
0x43: {  	v7 =	vshll.u32 v7, $0x3  }
0x44: {  	s29 =	simm.s32 $0x8;
	v6 =	vor.u32 v1, v7  }
.LBB2_5:
0x45: {  	p0 =	sne.s32 s29, $0x7CC;
	v7 =	vor.u32 v0, v6  }
0x46: {  	v6 =	vor.u32 v2, v6  }
0x47: {  	v8 =	vpop (erf)  }
0x48: {  	[tilespmem:v4+s23+$0x0] =	vst.idx.msk $0xffff, v8  }
0x49: {  	[tilespmem:v4+s16+$0x0] =	vst.idx.msk $0xffff, v8;
	v4 =	vmov v7  }
0x4a: {  	v7 =	vld.idx.msk [tilespmem:v7+s20+$0x0], $0xffff  }
0x4b: {  	v6 =	vld.idx.msk [tilespmem:v6+s22+$0x0], $0xffff;
	_ =	sdelay $0x5  }
0x4c: {  	v7 =	vadd.f32 v6, v7;
	v6 =	vadd.f32 v6, v5;
	_ =	sdelay $0x1  }
0x4d: {  	v8 =	vmul.f32 $2.000000030e-01, v7;
	v9 =	vmul.f32 $2.000000030e-01, v6  }
0x4e: {  	vm0 =	vgt.f32 v7, $0.0e+00;
	vm1 =	vgt.f32 v6, $0.0e+00  }
0x4f: {  	v7 =	vsel vm0, v7, v8;
	v6 =	vsel vm1, v6, v9  }
0x50: {  	v6 =	vsub.f32 v7, v6;
	_ =	sdelay $0x1  }
0x51: {  	v6 =	vmul.f32 $1.442695020e+00, v6;
	_ =	sdelay $0x1  }
0x52: {  	(erf) = vpow2.f32 v6;
	_ =	sdelay $0x1  }
.Ltmp1:
0x53: {  	(pc) =	sbr.rel @p0 .LBB2_5-.Ltmp1, $4  }
0x54: {  	_ = 	snop  }
0x55: {  	v6 =	vmov s29  }
0x56: {  	v6 =	vshll.u32 v6, $0x3  }
0x57: {  	s29 =	sadd.s32 $0x4, s29;
	v6 =	vor.u32 v1, v6  }
0x58: {  	_ = 	snop  }
0x59: {  	v7 =	vor.u32 v0, v6  }
0x5a: {  	v61 =	vor.u32 v2, v6  }
0x5b: {  	v8 =	vpop (erf)  }
0x5c: {  	[tilespmem:v4+s23+$0x0] =	vst.idx.msk $0xffff, v8  }
0x5d: {  	[tilespmem:v4+s16+$0x0] =	vst.idx.msk $0xffff, v8  }
0x5e: {  	v4 =	vld.idx.msk [tilespmem:v7+s20+$0x0], $0xffff  }
0x5f: {  	v6 =	vld.idx.msk [tilespmem:v61+s22+$0x0], $0xffff;
	_ =	sdelay $0x4  }
0x60: {  	v4 =	vadd.f32 v6, v4;
	v5 =	vadd.f32 v6, v5;
	_ =	sdelay $0x1  }
0x61: {  	v62 =	vmul.f32 $2.000000030e-01, v4;
	v63 =	vmul.f32 $2.000000030e-01, v5  }
0x62: {  	vm0 =	vgt.f32 v4, $0.0e+00;
	vm1 =	vgt.f32 v5, $0.0e+00  }
0x63: {  	v4 =	vsel vm0, v4, v62;
	v5 =	vsel vm1, v5, v63  }
0x64: {  	v4 =	vsub.f32 v4, v5;
	_ =	sdelay $0x1  }
0x65: {  	v4 =	vmul.f32 $1.442695020e+00, v4;
	_ =	sdelay $0x1  }
0x66: {  	(erf) = vpow2.f32 v4;
	_ =	sdelay $0x8  }
0x67: {  	v4 =	vpop (erf)  }
0x68: {  	[tilespmem:v7+s23+$0x0] =	vst.idx.msk $0xffff, v4  }
0x69: {  	s28 =	sadd.s32 s9, s28;
	[tilespmem:v7+s16+$0x0] =	vst.idx.msk $0xffff, v4  }
0x6a: {  	[hbm4b:s28+s3] =	stream.linear.scatter [tilespmem:s23], [sflag:$0x2], $0x3E80, $0x38;
	[tilespmem:$0x1CDB0] =	vst v63  }
0x6b: {  	s26 =	sadd.s32 $0x1, s26;
	_ =	swait.ge [sflag:s13], $0x3E80  }
0x6c: {  	p0 =	sne.s32 s26, $0x19;
	[sflag:s13] =	ssyncset.done $0x0  }
.Ltmp2:
0x6d: {  	[sflag:s13] =	ssyncadd.s32 $0xFFFFC180;
	(pc) =	sbr.rel @p0 .LBB2_4-.Ltmp2, $4  }
0x6e: {  	[spmem:s2] =	stream.indirect.scatter.add.f32 [tilespmem:s16], [sflag:$0x2], $0x8, s18, s19, $0xb8;
	[tilespmem:$0x1CDB0] =	vst v63  }
0x6f: {  	_ =	swait.ge [sflag:s13], $0x3E80  }
0x70: {  	[sflag:s13] =	ssyncset.done $0x0  }
0x71: {  	[sflag:s13] =	ssyncadd.s32 $0xFFFFC180  }
0x72: {  	s24 =	sadd.s32 $0x1, s24  }
0x73: {  	p0 =	sne.s32 s24, s11  }
.Ltmp3:
0x74: {  	[bflag:$0x0] =	sbarrier.arrive $0xFFFF;
	(pc) =	sbr.rel @p0 .LBB2_1-.Ltmp3, $4  }
0x75: {  	[hbm:s12], [sflag:s14] =	dma.local [spmem:s15], $0x1880  }
0x76: {  	_ =	swait.ge [sflag:s13], $0x1880  }
0x77: {  	[sflag:s13] =	ssyncset.done $0x0  }
0x78: {  	[sflag:s13] =	ssyncadd.s32 $0xFFFFE780  }
0x79: {  	_ =	sfence.sel $0x180000  }
0x7a: {  	[bflag:$0x0] =	sbarrier.arrive $0xFFFF  }
0x7b: {  	p0 =	sne.s32 s4, $0x0;
	_ =	strace $0x90000053  }
0x7c: {  	s0 =	sadd.s32 @!p0 $0x100000, s0;
	[bflag:$0x2] =	sbarrier.arrive $0xFFFF  }
0x7d: {  	[sflag:s0] =	ssyncadd.tile.s32 @!p0 $0x1;
	_ =	shalt  }
.Lfunc_end2:
_tile_overlayer_lowered:
.L_overlay_start_2:
0x7e: {  	(tag) =	ssettag $0x2  }
0x7f: {  	s0 =	rddreg [dreg:$0x0];
	s2 =	stileid.u32  }
0x80: {  	s1 =	rddreg [dreg:$0x1];
	p0 =	sne.s32 s2, $0x0  }
0x81: {  	s3 =	rddreg [dreg:$0x2];
	[bflag:$0x3] =	sbarrier.arrive $0xFFFF;
	s2 =	simm.s32 @!p0 $0x1C02  }
0x82: {  	[timem:s3], [sflag:s2] =	dma.local @!p0 [hbm:s0], s1  }
0x83: {  	s0 =	simm.s32 @!p0 $0x2  }
0x84: {  	_ =	swait.ge @!p0 [sflag:s0], s1  }
0x85: {  	s1 =	ssub.s32 @!p0 $0x0, s1;
	[sflag:s0] =	ssyncset.done @!p0 $0x0  }
0x86: {  	[sflag:s0] =	ssyncadd.s32 @!p0 s1  }
0x87: {  	[bflag:$0x3] =	sbarrier.arrive $0xFFFF  }
0x88: {  	_ =	shalt  }

// kernel: kernel.30.cloned.1.call-start
scs
__scs_entry_jumppad:
0x0: {  	(pc) =	sbr.rel $0x88, $3  }
0x1: {  	(tag) =	ssettag $0x0;
	lr =	simm.s32 $0x1  }
0x2: {  	[smem:$0x3F89] =	sst lr;
	_ =	strace $0xD0000000  }
0x3: {  	_ = 	snop  }
0x4: {  	_ = 	snop  }
0x5: {  	_ = 	snop  }
0x6: {  	_ = 	snop  }
0x7: {  	_ = 	snop  }
__scs_overlays_trampoline_lowered:
0x8: {  	[smem:$0x3F98] =	sst s0  }
0x9: {  	[smem:$0x3F99] =	sst s1  }
0xa: {  	[smem:$0x3F9A] =	sst s2  }
0xb: {  	[smem:$0x3F9B] =	sst s3  }
0xc: {  	[smem:$0x3F9C] =	sst s4  }
0xd: {  	[smem:$0x3F9D] =	sst s5  }
0xe: {  	[smem:$0x3F9E] =	sst s6  }
0xf: {  	[smem:$0x3F9F] =	sst s7  }
0x10: {  	[smem:$0x3FA0] =	sst s8  }
0x11: {  	[smem:$0x3FA1] =	sst s9;
	s0 =	simm.s32 @!p0 $0x0  }
0x12: {  	s1 =	sld [smem:$0x3F87];
	s0 =	simm.s32 @p0 $0x1  }
0x13: {  	[smem:$0x3FA2] =	sst s0;
	s0 =	simm.s32 @!p1 $0x0  }
0x14: {  	s2 =	sld [smem:$0x3F86];
	s0 =	simm.s32 @p1 $0x1  }
0x15: {  	[smem:$0x3FA3] =	sst s0;
	s0 =	simm.s32 @!p2 $0x0  }
0x16: {  	s3 =	sld [smem:$0x3FDB];
	s0 =	simm.s32 @p2 $0x1  }
0x17: {  	s4 =	simm.s32 $0x1BF5;
	[smem:$0x3FA5] =	sst s0  }
0x18: {  	s0 =	sld [smem:$0x3F88];
	_ =	swait.ge [sflag:s4], $0x0  }
0x19: {  	s7 =	sld [smem:$0x3F89]  }
0x1a: {  	s8 =	sadd.s32 $0xFFFFE003, lr  }
0x1b: {  	s9 =	sadd.s32 $0xFFFFFEF7, lr;
	s5 =	simm.s32 $0xFFFFFFFF;
	p2 =	slt.u32 s8, $0xFFFFF086  }
0x1c: {  	p1 =	slt.u32 s9, $0xF7A;
	s5 =	simm.s32 @!p2 $0x0  }
0x1d: {  	s5 =	simm.s32 @p1 $0x1;
	p0 =	seq.s32 s7, s2  }
0x1e: {  	s7 =	smul.u32 @!p0 $0xF7A, s2;
	p2 =	seq.s32 @!p0 s5, $0x0  }
0x1f: {  	s9 =	smul.u32 $0xF7A, s1;
	s8 =	simm.s32 @!p0 $0x1BF5;
	p2 =	por !p2, p0  }
0x20: {  	[sflag:s8] =	ssyncset.s32 @!p0 $0xFFFFF086;
	s6 =	sadd.s32 @!p0 s3, s7;
	s7 =	simm.s32 @!p0 $0x108  }
0x21: {  	s3 =	sadd.s32 s3, s9;
	s6 =	sadd.s32 @!p0 $0x88, s6;
	s7 =	simm.s32 @p2 $0x1082  }
0x22: {  	[simem:s7], [sflag:s8] =	dma.local @!p0 [hbm:s6], $0xF7A  }
0x23: {  	s9 =	sor.u32 $0xD0000000, s2;
	s6 =	simm.s32 $0x108;
	_ =	swait.ge @!p0 [sflag:s8], $0x0  }
0x24: {  	s3 =	sadd.s32 $0x88, s3;
	s6 =	simm.s32 @!p1 $0x1082;
	[sflag:s4] =	ssyncset.s32 $0xFFFFF086  }
0x25: {  	[simem:s6], [sflag:s4] =	dma.local [hbm:s3], $0xF7A  }
0x26: {  	[smem:$0x3F89] =	sst s1;
	(tag) =	ssettag s2;
	_ =	strace s9  }
0x27: {  	s1 =	sld [smem:$0x3F99]  }
0x28: {  	s2 =	sld [smem:$0x3F9A]  }
0x29: {  	s4 =	sld [smem:$0x3F9C]  }
0x2a: {  	p0 =	seq.s32 s5, $0x0;
	s5 =	sld [smem:$0x3F9D]  }
0x2b: {  	s6 =	sld [smem:$0x3F9E]  }
0x2c: {  	s7 =	sld [smem:$0x3F9F]  }
0x2d: {  	s3 =	simm.s32 $0x108;
	s8 =	sld [smem:$0x3FA0]  }
0x2e: {  	s3 =	simm.s32 @!p0 $0x1082;
	s9 =	sld [smem:$0x3FA1]  }
0x2f: {  	lr =	sadd.s32 s0, s3;
	s0 =	sld [smem:$0x3F98]  }
0x30: {  	s3 =	sld [smem:$0x3F9B]  }
0x31: {  	[smem:$0x3FA4] =	sst s10  }
0x32: {  	s10 =	sld [smem:$0x3FA2];
	_ =	sdelay $0x3  }
0x33: {  	p0 =	seq.s32 s10, $0x1;
	s10 =	sld [smem:$0x3FA4];
	_ =	sdelay $0x3  }
0x34: {  	[smem:$0x3FA4] =	sst s10  }
0x35: {  	s10 =	sld [smem:$0x3FA3];
	_ =	sdelay $0x3  }
0x36: {  	p1 =	seq.s32 s10, $0x1;
	s10 =	sld [smem:$0x3FA4];
	_ =	sdelay $0x3  }
0x37: {  	[smem:$0x3FA4] =	sst s10  }
0x38: {  	s10 =	sld [smem:$0x3FA5]  }
0x39: {  	_ = 	snop;
	(pc) =	sbr.ind lr, $3  }
0x3a: {  	_ = 	snop  }
0x3b: {  	_ = 	snop  }
0x3c: {  	p2 =	seq.s32 s10, $0x1;
	s10 =	sld [smem:$0x3FA4]  }
0x3d: {  	_ =	shalt  }
0x3e: {  	_ =	shalt  }
0x3f: {  	_ =	shalt  }
0x40: {  	_ =	shalt  }
0x41: {  	_ =	shalt  }
0x42: {  	_ =	shalt  }
0x43: {  	_ =	shalt  }
0x44: {  	_ =	shalt  }
0x45: {  	_ =	shalt  }
0x46: {  	_ =	shalt  }
0x47: {  	_ =	shalt  }
0x48: {  	_ =	shalt  }
0x49: {  	_ =	shalt  }
0x4a: {  	_ =	shalt  }
0x4b: {  	_ =	shalt  }
0x4c: {  	_ =	shalt  }
0x4d: {  	_ =	shalt  }
0x4e: {  	_ =	shalt  }
0x4f: {  	_ =	shalt  }
0x50: {  	_ =	shalt  }
0x51: {  	_ =	shalt  }
0x52: {  	_ =	shalt  }
0x53: {  	_ =	shalt  }
0x54: {  	_ =	shalt  }
0x55: {  	_ =	shalt  }
0x56: {  	_ =	shalt  }
0x57: {  	_ =	shalt  }
0x58: {  	_ =	shalt  }
0x59: {  	_ =	shalt  }
0x5a: {  	_ =	shalt  }
0x5b: {  	_ =	shalt  }
0x5c: {  	_ =	shalt  }
0x5d: {  	_ =	shalt  }
0x5e: {  	_ =	shalt  }
0x5f: {  	_ =	shalt  }
0x60: {  	_ =	shalt  }
0x61: {  	_ =	shalt  }
0x62: {  	_ =	shalt  }
0x63: {  	_ =	shalt  }
0x64: {  	_ =	shalt  }
0x65: {  	_ =	shalt  }
0x66: {  	_ =	shalt  }
0x67: {  	_ =	shalt  }
0x68: {  	_ =	shalt  }
0x69: {  	_ =	shalt  }
0x6a: {  	_ =	shalt  }
0x6b: {  	_ =	shalt  }
0x6c: {  	_ =	shalt  }
0x6d: {  	_ =	shalt  }
0x6e: {  	_ =	shalt  }
0x6f: {  	_ =	shalt  }
0x70: {  	_ =	shalt  }
0x71: {  	_ =	shalt  }
0x72: {  	_ =	shalt  }
0x73: {  	_ =	shalt  }
0x74: {  	_ =	shalt  }
0x75: {  	_ =	shalt  }
0x76: {  	_ =	shalt  }
0x77: {  	_ =	shalt  }
0x78: {  	_ =	shalt  }
0x79: {  	_ =	shalt  }
0x7a: {  	_ =	shalt  }
0x7b: {  	_ =	shalt  }
0x7c: {  	_ =	shalt  }
0x7d: {  	_ =	shalt  }
0x7e: {  	_ =	shalt  }
0x7f: {  	_ =	shalt  }
0x80: {  	_ =	shalt  }
0x81: {  	_ =	shalt  }
0x82: {  	_ =	shalt  }
0x83: {  	_ =	shalt  }
0x84: {  	_ =	shalt  }
0x85: {  	_ =	shalt  }
0x86: {  	_ =	shalt  }
0x87: {  	_ =	shalt  }
.Lfunc_end0:
.L_simem_size_0:
called_computation.5_lowered:
.L_overlay_start_0:
0x88: {  	s2 =	sld [smem:$0x3FD9]  }
0x89: {  	s3 =	sld [smem:$0x3FFE];
	_ =	sdelay $0x1  }
0x8a: {  	s1 =	srdreg.scid  }
0x8b: {  	s0 =	sand.u32 $0x1, s1  }
0x8c: {  	s16 =	sshll.u32 s0, $0xA;
	s2 =	sadd.s32 s3, s2  }
0x8d: {  	s2 =	sadd.s32 s2, s16  }
0x8e: {  	[smem:$0x3FB0] =	sst s2  }
0x8f: {  	_ = 	snop  }
0x90: {  	(tm) =	ssettm $0x1  }
0x91: {  	s17 =	sld [smem:$0x3FFB];
	_ =	sdelay $0x3  }
0x92: {  	_ =	strace s17  }
0x93: {  	s2 =	sld [smem:$0x3FFC];
	_ =	sdelay $0x3  }
0x94: {  	_ =	strace s2  }
0x95: {  	s2 =	sld [smem:$0x3FFD];
	_ =	sdelay $0x3  }
0x96: {  	_ =	strace s2  }
0x97: {  	_ =	strace $0x8FFFFFFF  }
0x98: {  	s18 =	sld [smem:$0x3FDB];
	_ =	sdelay $0x1  }
0x99: {  	s19 =	simm.s32 $_scs_section_size  }
0x9a: {  	s4 =	simm.s32 $_size__tile_overlayer_lowered;
	s5 =	simm.s32 $_tile_overlayer_lowered  }
0x9b: {  	s22 =	simm.s32 $0x1BFF;
	s21 =	sshll.u32 s5, $0x1;
	s2 =	sadd.s32 s19, s18  }
0x9c: {  	s6 =	simm.s32 $0x0;
	s20 =	sshll.u32 s4, $0x1;
	s4 =	sadd.s32 s21, s2  }
0x9d: {  	[timem:s6], [sflag:s22] =	dma.local [hbm:s4], s20  }
0x9e: {  	_ =	swait.ge [sflag:s22], s20  }
0x9f: {  	s3 =	ssub.s32 $0x0, s20;
	[sflag:s22] =	ssyncset.done $0x0  }
0xa0: {  	[sflag:s22] =	ssyncadd.s32 s3;
	_ =	sdelay $0x1  }
0xa1: {  	s23 =	simm.s32 $0x1B8B  }
0xa2: {  	_ =	swait.ge [sflag:s23], $0x1  }
0xa3: {  	[sflag:s23] =	ssyncset.done $0x0  }
0xa4: {  	s25 =	simm.s32 $0x1B8E;
	s24 =	sld [smem:$0x3FFE];
	[sflag:s23] =	ssyncadd.s32 $0xFFFFFFFF  }
0xa5: {  	s26 =	simm.s32 $execute0_lowered;
	[smem:$0x3FD2] =	sst s25  }
0xa6: {  	s4 =	sshll.u32 s26, $0x1;
	_ =	strace $0x80000055;
	[dreg:$0x1] =	wrdreg $0xFFFFFFFF  }
0xa7: {  	s28 =	simm.s32 $_size_execute0_lowered;
	s2 =	sadd.s32 s2, s4;
	[dreg:$0x0] =	wrdreg $0x0  }
0xa8: {  	s4 =	sshll.u32 s28, $0x1;
	[dreg:$0x2] =	wrdreg s2  }
0xa9: {  	[dreg:$0x3] =	wrdreg s4  }
0xaa: {  	[dreg:$0x4] =	wrdreg $0xC0  }
0xab: {  	_ =	task [dreg:s6], $0x5FFFF  }
0xac: {  	[dreg:$0x1] =	wrdreg $0xFFFFFFFF  }
0xad: {  	[dreg:$0x0] =	wrdreg $0x60  }
0xae: {  	[dreg:$0x2] =	wrdreg s24  }
0xaf: {  	[dreg:$0x3] =	wrdreg $0x54600  }
0xb0: {  	[dreg:$0x4] =	wrdreg $0x9  }
0xb1: {  	_ =	task.clear_ibuf [dreg:s6], $0x5FFFF;
	_ =	strace $0x90000055  }
0xb2: {  	s29 =	simm.s32 $0x9;
	_ =	strace $0x80000057  }
0xb3: {  	_ =	swait.ge [sflag:s29], $0x1  }
0xb4: {  	[sflag:s29] =	ssyncadd.s32 $0xFFFFFFFF  }
0xb5: {  	_ =	strace $0x90000057  }
0xb6: {  	_ =	sfence  }
0xb7: {  	s30 =	sld [smem:$0x0];
	_ =	sdelay $0x2  }
0xb8: {  	s31 =	sshll.u32 s1, $0xD;
	s1 =	sshrl.u32 s1, $0x2  }
0xb9: {  	s3 =	sand.u32 $0x4000, s31;
	s1 =	sadd.s32 s1, s30  }
0xba: {  	s0 =	sor.u32 s3, s0;
	s1 =	sshll.u32 s1, $0x11  }
0xbb: {  	s0 =	sor.u32 s1, s0  }
0xbc: {  	s0 =	sadd.s32 $0x8F2B, s0  }
0xbd: {  	[sflag:s0] =	ssyncadd.remote.s32 $0x1  }
0xbe: {  	_ =	sfence.sel $0xFFFF  }
0xbf: {  	[dreg:$0x0] =	wrdreg $0xFFFFFFFF;
	(pc) =	sbr.abs _section_cstart, $3  }
0xc0: {  	[dreg:$0x1] =	wrdreg $0xFFFFFFFF  }
0xc1: {  	_ =	task.clear_ibuf [dreg:s6], $0x2FFFF;
	_ =	strace $0x9FFFFFFF  }
0xc2: {  	(tm) =	ssettm $0x7FFFFFFF  }
0xc3: {  	_ =	shalt  }
tec
execute0_lowered:
.L_overlay_start_1:
0x0: {  	(tag) =	ssettag $0x1  }
0x1: {  	s9 =	rddreg [dreg:$0x0]  }
0x2: {  	s1 =	rddreg [dreg:$0x1]  }
0x3: {  	s0 =	rddreg [dreg:$0x2];
	s2 =	simm.s32 $0x0;
	s8 =	srdreg.scid  }
0x4: {  	s3 =	stileid.u32;
	s17 =	simm.s32 $0x2;
	s18 =	simm.s32 $0x320  }
0x5: {  	s21 =	simm.s32 $0x8;
	[smem:$0x7FF] =	sst s2;
	s4 =	sadd.s32 $0x2FEA00, s9  }
0x6: {  	s5 =	sadd.s32 $0x50800, s9;
	s6 =	sadd.s32 $0x1FA00, s9;
	s7 =	sadd.s32 $0xB4000, s9  }
0x7: {  	s11 =	sand.u32 $0x1, s8;
	s10 =	smul.u32 $0x62000, s3;
	s8 =	sadd.s32 $0x23AA00, s9  }
0x8: {  	s13 =	sadd.s32 $0x301C00, s9;
	s14 =	sshll.u32 s3, $0x6;
	s30 =	smul.u32 $0xC400, s3  }
0x9: {  	_ =	strace $0x80000056;
	s29 =	ssub.s32 $0x2, s11;
	s9 =	sor.u32 $0x1C02, s14  }
0xa: {  	s19 =	sshll.u32 s11, $0x1;
	p0 =	seq.s32 s11, $0x0;
	s16 =	sshll.u32 s11, $0x2  }
0xb: {  	s20 =	sshllo.u32 s11, $0x1;
	s12 =	sshrl.u32 s29, $0x1;
	s10 =	sshrl.u32 s10, $0x2  }
0xc: {  	s16 =	sadd.s32 s16, s13;
	s17 =	simm.s32 @!p0 $0x6;
	v0 =	vmov s19;
	s19 =	simm.s32 $0x1  }
0xd: {  	v1 =	vmov s20;
	s20 =	simm.s32 $0x2260;
	s12 =	ssub.s32 s29, s12;
	s15 =	sadd.s32 s10, s1  }
0xe: {  	s10 =	smul.u32 $0x186A0, s3;
	s31 =	sadd.s32 s17, s13;
	s13 =	simm.s32 $0x2  }
0xf: {  	s17 =	simm.s32 $0x960;
	s11 =	smax.u32 s12, $0x1;
	s12 =	sadd.s32 s16, s30  }
0x10: {  	s14 =	sadd.s32 s30, s31;
	s15 =	sshrl.u32 s15, $0x3;
	s16 =	simm.s32 $0x640  }
.LBB2_1:
0x11: {  	[spmem:s15], [sflag:s9] =	dma.local [hbm:s4], $0x3100  }
0x12: {  	_ =	swait.ge [sflag:s13], $0x3100  }
0x13: {  	[sflag:s13] =	ssyncset.done $0x0  }
0x14: {  	[sflag:s13] =	ssyncadd.s32 $0xFFFFCF00  }
0x15: {  	s22 =	simm.s32 $0x0;
	[bflag:$0x0] =	sbarrier.arrive $0xFFFF  }
.LBB2_2:
0x16: {  	s23 =	smul.u32 $0x320, s22;
	_ =	sdelay $0x1  }
0x17: {  	s23 =	sadd.s32 s10, s23  }
0x18: {  	s24 =	sshrl.u32 s23, $0x3  }
0x19: {  	s26 =	simm.s32 $0x0;
	s25 =	sadd.s32 s5, s24  }
0x1a: {  	[tilespmem:s26], [sflag:$0x2] =	stream.linear.gather [hbm4b:s25+s26], $0x320, $0x38;
	[tilespmem:$0x1DC60] =	vst v63  }
0x1b: {  	_ =	swait.ge [sflag:s13], $0x320  }
0x1c: {  	[sflag:s13] =	ssyncset.done $0x0  }
0x1d: {  	s24 =	sadd.s32 s6, s24;
	[sflag:s13] =	ssyncadd.s32 $0xFFFFFCE0  }
0x1e: {  	[tilespmem:s16], [sflag:$0x2] =	stream.linear.gather [hbm4b:s24+s26], $0x320, $0x38;
	[tilespmem:$0x1DC60] =	vst v63  }
0x1f: {  	_ =	swait.ge [sflag:s13], $0x320  }
0x20: {  	[sflag:s13] =	ssyncset.done $0x0  }
0x21: {  	s23 =	sadd.s32 s7, s23;
	[sflag:s13] =	ssyncadd.s32 $0xFFFFFCE0  }
0x22: {  	[tilespmem:s17], [sflag:$0x2] =	stream.linear.gather [hbm4b:s23+s26], $0x1900, $0x38;
	[tilespmem:$0x1DC60] =	vst v63  }
0x23: {  	_ =	swait.ge [sflag:s13], $0x1900  }
0x24: {  	[sflag:s13] =	ssyncset.done $0x0  }
0x25: {  	s23 =	simm.s32 $0x0;
	[sflag:s13] =	ssyncadd.s32 $0xFFFFE700  }
0x26: {  	v2 =	vld [tilespmem:s23+$0x0]  }
0x27: {  	s24 =	simm.s32 $0x40  }
.LBB2_3:
0x28: {  	p0 =	sne.s32 s24, $0xC40  }
.Ltmp0:
0x29: {  	_ = 	snop;
	(pc) =	sbr.rel @p0 .LBB2_3-.Ltmp0, $4  }
0x2a: {  	_ = 	snop  }
0x2b: {  	s25 =	sshra.s32 s24, $0x2;
	s24 =	sadd.s32 $0x40, s24;
	v3 =	vshll.u32 v2, $0x2  }
0x2c: {  	v2 =	vld [tilespmem:s25+$0x0];
	v3 =	vor.u32 v0, v3  }
0x2d: {  	[tilespmem:s23+$0x320] =	vst v3;
	s23 =	smov.u32 s25  }
0x2e: {  	_ =	sdelay $0x1  }
0x2f: {  	s24 =	simm.s32 $0x0  }
0x30: {  	v3 =	vor.u32 s24, v0;
	v2 =	vshll.u32 v2, $0x2  }
0x31: {  	v3 =	vbroadcast v3, $0x0;
	v2 =	vor.u32 v0, v2  }
0x32: {  	[tilespmem:s23+$0x320] =	vst v2;
	s23 =	simm.s32 $0x2260  }
0x33: {  	[tilespmem:s23], [sflag:$0x1] =	stream.indirect.gather [hbm4b:s8+s18], $0x10, s18, s18, $0xb8;
	[tilespmem:$0x1DC60] =	vst v63  }
0x34: {  	_ =	swait.ge [sflag:s19], $0x3200  }
0x35: {  	[sflag:s19] =	ssyncset.done $0x0  }
0x36: {  	[sflag:s19] =	ssyncadd.s32 $0xFFFFCE00  }
0x37: {  	v2 =	vld.idx.msk [tilespmem:v3+s17+$0x0], $0xffff  }
0x38: {  	s25 =	simm.s32 $0x8;
	s24 =	simm.s32 $0x2;
	v3 =	vld [tilespmem:s23+$0x0]  }
.LBB2_5:
0x39: {  	p0 =	sne.s32 s24, $0x31F;
	v4 =	vor.u32 s25, v0  }
0x3a: {  	v4 =	vbroadcast v4, $0x0;
	_ =	sdelay $0x2  }
.Ltmp1:
0x3b: {  	v2 =	vmul.f32 v3, v2;
	(pc) =	sbr.rel @p0 .LBB2_5-.Ltmp1, $4  }
0x3c: {  	_ = 	snop  }
0x3d: {  	[tilespmem:s23+$0x0] =	vst v2  }
0x3e: {  	s23 =	sadd.s32 $0x10, s23;
	v2 =	vld.idx.msk [tilespmem:v4+s17+$0x0], $0xffff  }
0x3f: {  	s25 =	sshll.u32 s24, $0x3;
	s24 =	sadd.s32 $0x1, s24;
	v3 =	vld [tilespmem:s23+$0x0]  }
0x40: {  	v4 =	vor.u32 s25, v0  }
0x41: {  	v4 =	vbroadcast v4, $0x0;
	_ =	sdelay $0x2  }
0x42: {  	v2 =	vmul.f32 v3, v2;
	_ =	sdelay $0x1  }
0x43: {  	[tilespmem:s23+$0x0] =	vst v2  }
0x44: {  	s31 =	sadd.s32 $0x10, s23;
	v2 =	vld.idx.msk [tilespmem:v4+s17+$0x0], $0xffff  }
0x45: {  	v3 =	vld [tilespmem:s31+$0x0];
	_ =	sdelay $0x4  }
0x46: {  	s22 =	sadd.s32 $0x1, s22;
	v2 =	vmul.f32 v3, v2  }
0x47: {  	p0 =	sne.s32 s22, $0x7D  }
.Ltmp2:
0x48: {  	[tilespmem:s31+$0x0] =	vst v2;
	(pc) =	sbr.rel @p0 .LBB2_2-.Ltmp2, $4  }
0x49: {  	[spmem:s1] =	stream.indirect.scatter.add.f32 [tilespmem:s20], [sflag:$0x2], $0x10, s16, s18, $0xb8;
	[tilespmem:$0x1DC60] =	vst v63  }
0x4a: {  	_ =	swait.ge [sflag:s13], $0x3200  }
0x4b: {  	[sflag:s13] =	ssyncset.done $0x0  }
0x4c: {  	[sflag:s13] =	ssyncadd.s32 $0xFFFFCE00  }
0x4d: {  	[bflag:$0x0] =	sbarrier.arrive $0xFFFF  }
0x4e: {  	[hbm:s12@s21], [sflag:s9] =	dma.strided [spmem:s15@s13], $0x3100, s19, $0x2   }
0x4f: {  	_ =	swait.ge [sflag:s13], $0x3100  }
0x50: {  	[sflag:s13] =	ssyncset.done $0x0  }
0x51: {  	[sflag:s13] =	ssyncadd.s32 $0xFFFFCF00  }
0x52: {  	[spmem:s15], [sflag:s9] =	dma.local [hbm:s4], $0x3100  }
0x53: {  	_ =	swait.ge [sflag:s13], $0x3100  }
0x54: {  	[sflag:s13] =	ssyncset.done $0x0  }
0x55: {  	[sflag:s13] =	ssyncadd.s32 $0xFFFFCF00  }
0x56: {  	s22 =	simm.s32 $0x0;
	s23 =	simm.s32 $0x0;
	[bflag:$0x0] =	sbarrier.arrive $0xFFFF  }
.LBB2_8:
0x57: {  	s24 =	smul.u32 $0x320, s23;
	_ =	sdelay $0x1  }
0x58: {  	s24 =	sadd.s32 s10, s24  }
0x59: {  	s25 =	sshrl.u32 s24, $0x3  }
0x5a: {  	s26 =	sadd.s32 s5, s25  }
0x5b: {  	[tilespmem:s22], [sflag:$0x2] =	stream.linear.gather [hbm4b:s26+s22], $0x320, $0x38;
	[tilespmem:$0x1DC60] =	vst v63  }
0x5c: {  	_ =	swait.ge [sflag:s13], $0x320  }
0x5d: {  	[sflag:s13] =	ssyncset.done $0x0  }
0x5e: {  	s25 =	sadd.s32 s6, s25;
	[sflag:s13] =	ssyncadd.s32 $0xFFFFFCE0  }
0x5f: {  	[tilespmem:s16], [sflag:$0x2] =	stream.linear.gather [hbm4b:s25+s22], $0x320, $0x38;
	[tilespmem:$0x1DC60] =	vst v63  }
0x60: {  	_ =	swait.ge [sflag:s13], $0x320  }
0x61: {  	[sflag:s13] =	ssyncset.done $0x0  }
0x62: {  	s24 =	sadd.s32 s7, s24;
	[sflag:s13] =	ssyncadd.s32 $0xFFFFFCE0  }
0x63: {  	[tilespmem:s17], [sflag:$0x2] =	stream.linear.gather [hbm4b:s24+s22], $0x1900, $0x38;
	[tilespmem:$0x1DC60] =	vst v63  }
0x64: {  	_ =	swait.ge [sflag:s13], $0x1900  }
0x65: {  	[sflag:s13] =	ssyncset.done $0x0  }
0x66: {  	s24 =	simm.s32 $0x0;
	[sflag:s13] =	ssyncadd.s32 $0xFFFFE700  }
0x67: {  	v2 =	vld [tilespmem:s24+$0x0]  }
0x68: {  	s25 =	simm.s32 $0x40  }
.LBB2_9:
0x69: {  	p0 =	sne.s32 s25, $0xC40  }
.Ltmp3:
0x6a: {  	_ = 	snop;
	(pc) =	sbr.rel @p0 .LBB2_9-.Ltmp3, $4  }
0x6b: {  	_ = 	snop  }
0x6c: {  	s26 =	sshra.s32 s25, $0x2;
	s25 =	sadd.s32 $0x40, s25;
	v3 =	vshll.u32 v2, $0x2  }
0x6d: {  	v2 =	vld [tilespmem:s26+$0x0];
	v3 =	vor.u32 v1, v3  }
0x6e: {  	[tilespmem:s24+$0x320] =	vst v3;
	s24 =	smov.u32 s26  }
0x6f: {  	_ =	sdelay $0x1  }
0x70: {  	s25 =	simm.s32 $0x0  }
0x71: {  	v3 =	vor.u32 s25, v1;
	v2 =	vshll.u32 v2, $0x2  }
0x72: {  	v3 =	vbroadcast v3, $0x0;
	v2 =	vor.u32 v1, v2  }
0x73: {  	[tilespmem:s24+$0x320] =	vst v2;
	s24 =	simm.s32 $0x2260  }
0x74: {  	[tilespmem:s24], [sflag:$0x1] =	stream.indirect.gather [hbm4b:s8+s18], $0x10, s18, s18, $0xb8;
	[tilespmem:$0x1DC60] =	vst v63  }
0x75: {  	_ =	swait.ge [sflag:s19], $0x3200  }
0x76: {  	[sflag:s19] =	ssyncset.done $0x0  }
0x77: {  	[sflag:s19] =	ssyncadd.s32 $0xFFFFCE00  }
0x78: {  	v2 =	vld.idx.msk [tilespmem:v3+s17+$0x0], $0xffff  }
0x79: {  	s26 =	simm.s32 $0x8;
	s25 =	simm.s32 $0x2;
	v3 =	vld [tilespmem:s24+$0x0]  }
.LBB2_11:
0x7a: {  	p0 =	sne.s32 s25, $0x31F;
	v4 =	vor.u32 s26, v1  }
0x7b: {  	v4 =	vbroadcast v4, $0x0;
	_ =	sdelay $0x2  }
.Ltmp4:
0x7c: {  	v2 =	vmul.f32 v3, v2;
	(pc) =	sbr.rel @p0 .LBB2_11-.Ltmp4, $4  }
0x7d: {  	_ = 	snop  }
0x7e: {  	[tilespmem:s24+$0x0] =	vst v2  }
0x7f: {  	s24 =	sadd.s32 $0x10, s24;
	v2 =	vld.idx.msk [tilespmem:v4+s17+$0x0], $0xffff  }
0x80: {  	s26 =	sshll.u32 s25, $0x3;
	s25 =	sadd.s32 $0x1, s25;
	v3 =	vld [tilespmem:s24+$0x0]  }
0x81: {  	v4 =	vor.u32 s26, v1  }
0x82: {  	v4 =	vbroadcast v4, $0x0;
	_ =	sdelay $0x2  }
0x83: {  	v2 =	vmul.f32 v3, v2;
	_ =	sdelay $0x1  }
0x84: {  	[tilespmem:s24+$0x0] =	vst v2  }
0x85: {  	s31 =	sadd.s32 $0x10, s24;
	v2 =	vld.idx.msk [tilespmem:v4+s17+$0x0], $0xffff  }
0x86: {  	v3 =	vld [tilespmem:s31+$0x0];
	_ =	sdelay $0x4  }
0x87: {  	s23 =	sadd.s32 $0x1, s23;
	v2 =	vmul.f32 v3, v2  }
0x88: {  	p0 =	sne.s32 s23, $0x7D  }
.Ltmp5:
0x89: {  	[tilespmem:s31+$0x0] =	vst v2;
	(pc) =	sbr.rel @p0 .LBB2_8-.Ltmp5, $4  }
0x8a: {  	[spmem:s1] =	stream.indirect.scatter.add.f32 [tilespmem:s20], [sflag:$0x2], $0x10, s16, s18, $0xb8;
	[tilespmem:$0x1DC60] =	vst v63  }
0x8b: {  	_ =	swait.ge [sflag:s13], $0x3200  }
0x8c: {  	[sflag:s13] =	ssyncset.done $0x0  }
0x8d: {  	[sflag:s13] =	ssyncadd.s32 $0xFFFFCE00  }
0x8e: {  	s2 =	sadd.s32 $0x1, s2  }
0x8f: {  	p0 =	sne.s32 s2, s11  }
.Ltmp6:
0x90: {  	[bflag:$0x0] =	sbarrier.arrive $0xFFFF;
	(pc) =	sbr.rel @p0 .LBB2_1-.Ltmp6, $4  }
0x91: {  	[hbm:s14@s21], [sflag:s9] =	dma.strided [spmem:s15@s13], $0x3100, s19, $0x2   }
0x92: {  	_ =	swait.ge [sflag:s13], $0x3100  }
0x93: {  	[sflag:s13] =	ssyncset.done $0x0  }
0x94: {  	[sflag:s13] =	ssyncadd.s32 $0xFFFFCF00  }
0x95: {  	_ =	sfence.sel $0x180000  }
0x96: {  	[bflag:$0x0] =	sbarrier.arrive $0xFFFF  }
0x97: {  	p0 =	sne.s32 s3, $0x0;
	_ =	strace $0x90000056  }
0x98: {  	s0 =	sadd.s32 @!p0 $0x100000, s0;
	[bflag:$0x2] =	sbarrier.arrive $0xFFFF  }
0x99: {  	[sflag:s0] =	ssyncadd.tile.s32 @!p0 $0x1;
	_ =	shalt  }
.Lfunc_end2:
_tile_overlayer_lowered:
.L_overlay_start_2:
0x9a: {  	(tag) =	ssettag $0x2  }
0x9b: {  	s0 =	rddreg [dreg:$0x0];
	s2 =	stileid.u32  }
0x9c: {  	s1 =	rddreg [dreg:$0x1];
	p0 =	sne.s32 s2, $0x0  }
0x9d: {  	s3 =	rddreg [dreg:$0x2];
	[bflag:$0x3] =	sbarrier.arrive $0xFFFF;
	s2 =	simm.s32 @!p0 $0x1C02  }
0x9e: {  	[timem:s3], [sflag:s2] =	dma.local @!p0 [hbm:s0], s1  }
0x9f: {  	s0 =	simm.s32 @!p0 $0x2  }
0xa0: {  	_ =	swait.ge @!p0 [sflag:s0], s1  }
0xa1: {  	s1 =	ssub.s32 @!p0 $0x0, s1;
	[sflag:s0] =	ssyncset.done @!p0 $0x0  }
0xa2: {  	[sflag:s0] =	ssyncadd.s32 @!p0 s1  }
0xa3: {  	[bflag:$0x3] =	sbarrier.arrive $0xFFFF  }
0xa4: {  	_ =	shalt  }

// kernel: kernel.33.cloned.1.call-start
scs
__scs_entry_jumppad:
0x0: {  	(pc) =	sbr.rel $0x88, $3  }
0x1: {  	(tag) =	ssettag $0x0;
	lr =	simm.s32 $0x1  }
0x2: {  	[smem:$0x3F89] =	sst lr;
	_ =	strace $0xD0000000  }
0x3: {  	_ = 	snop  }
0x4: {  	_ = 	snop  }
0x5: {  	_ = 	snop  }
0x6: {  	_ = 	snop  }
0x7: {  	_ = 	snop  }
__scs_overlays_trampoline_lowered:
0x8: {  	[smem:$0x3F98] =	sst s0  }
0x9: {  	[smem:$0x3F99] =	sst s1  }
0xa: {  	[smem:$0x3F9A] =	sst s2  }
0xb: {  	[smem:$0x3F9B] =	sst s3  }
0xc: {  	[smem:$0x3F9C] =	sst s4  }
0xd: {  	[smem:$0x3F9D] =	sst s5  }
0xe: {  	[smem:$0x3F9E] =	sst s6  }
0xf: {  	[smem:$0x3F9F] =	sst s7  }
0x10: {  	[smem:$0x3FA0] =	sst s8  }
0x11: {  	[smem:$0x3FA1] =	sst s9;
	s0 =	simm.s32 @!p0 $0x0  }
0x12: {  	s1 =	sld [smem:$0x3F87];
	s0 =	simm.s32 @p0 $0x1  }
0x13: {  	[smem:$0x3FA2] =	sst s0;
	s0 =	simm.s32 @!p1 $0x0  }
0x14: {  	s2 =	sld [smem:$0x3F86];
	s0 =	simm.s32 @p1 $0x1  }
0x15: {  	[smem:$0x3FA3] =	sst s0;
	s0 =	simm.s32 @!p2 $0x0  }
0x16: {  	s3 =	sld [smem:$0x3FDB];
	s0 =	simm.s32 @p2 $0x1  }
0x17: {  	s4 =	simm.s32 $0x1BF5;
	[smem:$0x3FA5] =	sst s0  }
0x18: {  	s0 =	sld [smem:$0x3F88];
	_ =	swait.ge [sflag:s4], $0x0  }
0x19: {  	s7 =	sld [smem:$0x3F89]  }
0x1a: {  	s8 =	sadd.s32 $0xFFFFE003, lr  }
0x1b: {  	s9 =	sadd.s32 $0xFFFFFEF7, lr;
	s5 =	simm.s32 $0xFFFFFFFF;
	p2 =	slt.u32 s8, $0xFFFFF086  }
0x1c: {  	p1 =	slt.u32 s9, $0xF7A;
	s5 =	simm.s32 @!p2 $0x0  }
0x1d: {  	s5 =	simm.s32 @p1 $0x1;
	p0 =	seq.s32 s7, s2  }
0x1e: {  	s7 =	smul.u32 @!p0 $0xF7A, s2;
	p2 =	seq.s32 @!p0 s5, $0x0  }
0x1f: {  	s9 =	smul.u32 $0xF7A, s1;
	s8 =	simm.s32 @!p0 $0x1BF5;
	p2 =	por !p2, p0  }
0x20: {  	[sflag:s8] =	ssyncset.s32 @!p0 $0xFFFFF086;
	s6 =	sadd.s32 @!p0 s3, s7;
	s7 =	simm.s32 @!p0 $0x108  }
0x21: {  	s3 =	sadd.s32 s3, s9;
	s6 =	sadd.s32 @!p0 $0x88, s6;
	s7 =	simm.s32 @p2 $0x1082  }
0x22: {  	[simem:s7], [sflag:s8] =	dma.local @!p0 [hbm:s6], $0xF7A  }
0x23: {  	s9 =	sor.u32 $0xD0000000, s2;
	s6 =	simm.s32 $0x108;
	_ =	swait.ge @!p0 [sflag:s8], $0x0  }
0x24: {  	s3 =	sadd.s32 $0x88, s3;
	s6 =	simm.s32 @!p1 $0x1082;
	[sflag:s4] =	ssyncset.s32 $0xFFFFF086  }
0x25: {  	[simem:s6], [sflag:s4] =	dma.local [hbm:s3], $0xF7A  }
0x26: {  	[smem:$0x3F89] =	sst s1;
	(tag) =	ssettag s2;
	_ =	strace s9  }
0x27: {  	s1 =	sld [smem:$0x3F99]  }
0x28: {  	s2 =	sld [smem:$0x3F9A]  }
0x29: {  	s4 =	sld [smem:$0x3F9C]  }
0x2a: {  	p0 =	seq.s32 s5, $0x0;
	s5 =	sld [smem:$0x3F9D]  }
0x2b: {  	s6 =	sld [smem:$0x3F9E]  }
0x2c: {  	s7 =	sld [smem:$0x3F9F]  }
0x2d: {  	s3 =	simm.s32 $0x108;
	s8 =	sld [smem:$0x3FA0]  }
0x2e: {  	s3 =	simm.s32 @!p0 $0x1082;
	s9 =	sld [smem:$0x3FA1]  }
0x2f: {  	lr =	sadd.s32 s0, s3;
	s0 =	sld [smem:$0x3F98]  }
0x30: {  	s3 =	sld [smem:$0x3F9B]  }
0x31: {  	[smem:$0x3FA4] =	sst s10  }
0x32: {  	s10 =	sld [smem:$0x3FA2];
	_ =	sdelay $0x3  }
0x33: {  	p0 =	seq.s32 s10, $0x1;
	s10 =	sld [smem:$0x3FA4];
	_ =	sdelay $0x3  }
0x34: {  	[smem:$0x3FA4] =	sst s10  }
0x35: {  	s10 =	sld [smem:$0x3FA3];
	_ =	sdelay $0x3  }
0x36: {  	p1 =	seq.s32 s10, $0x1;
	s10 =	sld [smem:$0x3FA4];
	_ =	sdelay $0x3  }
0x37: {  	[smem:$0x3FA4] =	sst s10  }
0x38: {  	s10 =	sld [smem:$0x3FA5]  }
0x39: {  	_ = 	snop;
	(pc) =	sbr.ind lr, $3  }
0x3a: {  	_ = 	snop  }
0x3b: {  	_ = 	snop  }
0x3c: {  	p2 =	seq.s32 s10, $0x1;
	s10 =	sld [smem:$0x3FA4]  }
0x3d: {  	_ =	shalt  }
0x3e: {  	_ =	shalt  }
0x3f: {  	_ =	shalt  }
0x40: {  	_ =	shalt  }
0x41: {  	_ =	shalt  }
0x42: {  	_ =	shalt  }
0x43: {  	_ =	shalt  }
0x44: {  	_ =	shalt  }
0x45: {  	_ =	shalt  }
0x46: {  	_ =	shalt  }
0x47: {  	_ =	shalt  }
0x48: {  	_ =	shalt  }
0x49: {  	_ =	shalt  }
0x4a: {  	_ =	shalt  }
0x4b: {  	_ =	shalt  }
0x4c: {  	_ =	shalt  }
0x4d: {  	_ =	shalt  }
0x4e: {  	_ =	shalt  }
0x4f: {  	_ =	shalt  }
0x50: {  	_ =	shalt  }
0x51: {  	_ =	shalt  }
0x52: {  	_ =	shalt  }
0x53: {  	_ =	shalt  }
0x54: {  	_ =	shalt  }
0x55: {  	_ =	shalt  }
0x56: {  	_ =	shalt  }
0x57: {  	_ =	shalt  }
0x58: {  	_ =	shalt  }
0x59: {  	_ =	shalt  }
0x5a: {  	_ =	shalt  }
0x5b: {  	_ =	shalt  }
0x5c: {  	_ =	shalt  }
0x5d: {  	_ =	shalt  }
0x5e: {  	_ =	shalt  }
0x5f: {  	_ =	shalt  }
0x60: {  	_ =	shalt  }
0x61: {  	_ =	shalt  }
0x62: {  	_ =	shalt  }
0x63: {  	_ =	shalt  }
0x64: {  	_ =	shalt  }
0x65: {  	_ =	shalt  }
0x66: {  	_ =	shalt  }
0x67: {  	_ =	shalt  }
0x68: {  	_ =	shalt  }
0x69: {  	_ =	shalt  }
0x6a: {  	_ =	shalt  }
0x6b: {  	_ =	shalt  }
0x6c: {  	_ =	shalt  }
0x6d: {  	_ =	shalt  }
0x6e: {  	_ =	shalt  }
0x6f: {  	_ =	shalt  }
0x70: {  	_ =	shalt  }
0x71: {  	_ =	shalt  }
0x72: {  	_ =	shalt  }
0x73: {  	_ =	shalt  }
0x74: {  	_ =	shalt  }
0x75: {  	_ =	shalt  }
0x76: {  	_ =	shalt  }
0x77: {  	_ =	shalt  }
0x78: {  	_ =	shalt  }
0x79: {  	_ =	shalt  }
0x7a: {  	_ =	shalt  }
0x7b: {  	_ =	shalt  }
0x7c: {  	_ =	shalt  }
0x7d: {  	_ =	shalt  }
0x7e: {  	_ =	shalt  }
0x7f: {  	_ =	shalt  }
0x80: {  	_ =	shalt  }
0x81: {  	_ =	shalt  }
0x82: {  	_ =	shalt  }
0x83: {  	_ =	shalt  }
0x84: {  	_ =	shalt  }
0x85: {  	_ =	shalt  }
0x86: {  	_ =	shalt  }
0x87: {  	_ =	shalt  }
.Lfunc_end0:
.L_simem_size_0:
called_computation.6_lowered:
.L_overlay_start_0:
0x88: {  	s2 =	sld [smem:$0x3FD9]  }
0x89: {  	s3 =	sld [smem:$0x3FFE];
	_ =	sdelay $0x1  }
0x8a: {  	s1 =	srdreg.scid  }
0x8b: {  	s0 =	sand.u32 $0x1, s1  }
0x8c: {  	s14 =	sshll.u32 s0, $0xA;
	s2 =	sadd.s32 s3, s2  }
0x8d: {  	s2 =	sadd.s32 s2, s14  }
0x8e: {  	[smem:$0x3FB0] =	sst s2  }
0x8f: {  	_ = 	snop  }
0x90: {  	s2 =	sld [smem:$0x3FD0];
	_ =	sdelay $0x2  }
0x91: {  	s15 =	simm.s32 $0xA;
	s4 =	simm.s32 $0x10  }
0x92: {  	[smem:s4], [sflag:s15] =	dma.local [hbm:s2], $0x1  }
0x93: {  	_ =	swait.eq [sflag:s15], $0x1  }
0x94: {  	[sflag:s15] =	ssyncset.done $0x0  }
0x95: {  	[sflag:s15] =	ssyncadd.s32 $0xFFFFFFFF  }
0x96: {  	s16 =	sld [smem:$0x11];
	(tm) =	ssettm $0x1  }
0x97: {  	s17 =	sld [smem:$0x3FFB];
	_ =	sdelay $0x3  }
0x98: {  	_ =	strace s17  }
0x99: {  	s3 =	sld [smem:$0x3FFC];
	_ =	sdelay $0x3  }
0x9a: {  	_ =	strace s3  }
0x9b: {  	s3 =	sld [smem:$0x3FFD];
	_ =	sdelay $0x3  }
0x9c: {  	_ =	strace s3  }
0x9d: {  	_ =	strace $0x8FFFFFFF  }
0x9e: {  	s18 =	sld [smem:$0x3FDB];
	_ =	sdelay $0x1  }
0x9f: {  	s19 =	simm.s32 $_scs_section_size  }
0xa0: {  	s5 =	simm.s32 $_size__tile_overlayer_lowered;
	s6 =	simm.s32 $_tile_overlayer_lowered  }
0xa1: {  	s22 =	simm.s32 $0x1BFF;
	s21 =	sshll.u32 s6, $0x1;
	s3 =	sadd.s32 s19, s18  }
0xa2: {  	s7 =	simm.s32 $0x0;
	s20 =	sshll.u32 s5, $0x1;
	s5 =	sadd.s32 s21, s3  }
0xa3: {  	[timem:s7], [sflag:s22] =	dma.local [hbm:s5], s20  }
0xa4: {  	_ =	swait.ge [sflag:s22], s20  }
0xa5: {  	s4 =	ssub.s32 $0x0, s20;
	[sflag:s22] =	ssyncset.done $0x0  }
0xa6: {  	[sflag:s22] =	ssyncadd.s32 s4;
	_ =	sdelay $0x1  }
0xa7: {  	s23 =	simm.s32 $0x1B8B  }
0xa8: {  	_ =	swait.ge [sflag:s23], $0x1  }
0xa9: {  	[sflag:s23] =	ssyncset.done $0x0  }
0xaa: {  	s25 =	simm.s32 $0x1B8E;
	s24 =	sld [smem:$0x3FFE];
	[sflag:s23] =	ssyncadd.s32 $0xFFFFFFFF  }
0xab: {  	s26 =	simm.s32 $execute0_lowered;
	[smem:$0x3FD2] =	sst s25  }
0xac: {  	s5 =	sshll.u32 s26, $0x1;
	_ =	strace $0x80000058;
	[dreg:$0x1] =	wrdreg $0xFFFFFFFF  }
0xad: {  	s28 =	simm.s32 $_size_execute0_lowered;
	s3 =	sadd.s32 s3, s5;
	[dreg:$0x0] =	wrdreg $0x0  }
0xae: {  	s5 =	sshll.u32 s28, $0x1;
	[dreg:$0x2] =	wrdreg s3  }
0xaf: {  	[dreg:$0x3] =	wrdreg s5  }
0xb0: {  	[dreg:$0x4] =	wrdreg $0xC0  }
0xb1: {  	_ =	task [dreg:s7], $0x5FFFF  }
0xb2: {  	[dreg:$0x1] =	wrdreg $0xFFFFFFFF  }
0xb3: {  	[dreg:$0x0] =	wrdreg $0x60  }
0xb4: {  	[dreg:$0x2] =	wrdreg s16  }
0xb5: {  	[dreg:$0x3] =	wrdreg s24  }
0xb6: {  	[dreg:$0x4] =	wrdreg $0x109B00  }
0xb7: {  	[dreg:$0x5] =	wrdreg $0x9  }
0xb8: {  	_ =	task.clear_ibuf [dreg:s7], $0x6FFFF;
	_ =	strace $0x90000058  }
0xb9: {  	s29 =	simm.s32 $0x9;
	_ =	strace $0x8000005A  }
0xba: {  	_ =	swait.ge [sflag:s29], $0x1  }
0xbb: {  	[sflag:s29] =	ssyncadd.s32 $0xFFFFFFFF  }
0xbc: {  	_ =	strace $0x9000005A  }
0xbd: {  	_ =	sfence  }
0xbe: {  	s30 =	sld [smem:$0x0];
	_ =	sdelay $0x2  }
0xbf: {  	s31 =	sshll.u32 s1, $0xD;
	s1 =	sshrl.u32 s1, $0x2  }
0xc0: {  	s3 =	sand.u32 $0x4000, s31;
	s1 =	sadd.s32 s1, s30  }
0xc1: {  	s0 =	sor.u32 s3, s0;
	s1 =	sshll.u32 s1, $0x11  }
0xc2: {  	s0 =	sor.u32 s1, s0  }
0xc3: {  	s0 =	sadd.s32 $0x8F2B, s0  }
0xc4: {  	[sflag:s0] =	ssyncadd.remote.s32 $0x1  }
0xc5: {  	_ =	sfence.sel $0xFFFF  }
0xc6: {  	[dreg:$0x0] =	wrdreg $0xFFFFFFFF;
	(pc) =	sbr.abs _section_cstart, $3  }
0xc7: {  	[dreg:$0x1] =	wrdreg $0xFFFFFFFF  }
0xc8: {  	_ =	task.clear_ibuf [dreg:s7], $0x2FFFF;
	_ =	strace $0x9FFFFFFF  }
0xc9: {  	(tm) =	ssettm $0x7FFFFFFF  }
tec
execute0_lowered:
.L_overlay_start_1:
0x0: {  	(tag) =	ssettag $0x1  }
0x1: {  	s1 =	rddreg [dreg:$0x0]  }
0x2: {  	s10 =	rddreg [dreg:$0x1]  }
0x3: {  	s2 =	rddreg [dreg:$0x2]  }
0x4: {  	s0 =	rddreg [dreg:$0x3]  }
0x5: {  	s3 =	simm.s32 $0x0;
	s7 =	srdreg.scid;
	s4 =	stileid.u32  }
0x6: {  	s18 =	simm.s32 $0x7E0;
	s19 =	simm.s32 $0x7D0;
	s20 =	simm.s32 $0xFB0  }
0x7: {  	s21 =	simm.s32 $0x1;
	s22 =	simm.s32 $0x4E30;
	s23 =	simm.s32 $0x8CB0  }
0x8: {  	s24 =	simm.s32 $0x0;
	[smem:$0x7FF] =	sst s3;
	s5 =	sadd.s32 $0x81600, s10  }
0x9: {  	s6 =	sadd.s32 $0x50800, s10;
	s11 =	smul.u32 $0xC400, s4;
	s9 =	sand.u32 $0x1, s7  }
0xa: {  	s7 =	sadd.s32 $0x1FA00, s10;
	s8 =	sadd.s32 $0x6000, s10;
	s14 =	smul.u32 $0xC350, s4  }
0xb: {  	s31 =	sshll.u32 s4, $0x6;
	_ =	strace $0x80000059;
	p0 =	seq.s32 s9, $0x1  }
0xc: {  	s13 =	smul.u32 $0xC3500, s9;
	s29 =	ssub.s32 $0x2, s9;
	s12 =	sadd.s32 $0xC4000, s11  }
0xd: {  	s15 =	sadd.s32 s11, s2;
	s16 =	sshrl.u32 s29, $0x1;
	s11 =	smov.u32 @p0 s12  }
0xe: {  	s9 =	sadd.s32 $0xB4000, s10;
	s30 =	ssub.s32 s29, s16;
	s11 =	sshrl.u32 s11, $0x3  }
0xf: {  	v0 =	vlaneseq.u32;
	s15 =	sshrl.u32 s15, $0x3;
	s16 =	simm.s32 $0xCB30;
	s17 =	sadd.s32 s11, s10  }
0x10: {  	v1 =	vshrl.u32 v0, $0x2;
	v0 =	vand.u32 $0x3, v0;
	s10 =	sadd.s32 s14, s13;
	s11 =	smax.u32 s30, $0x1;
	s13 =	simm.s32 $0x2  }
0x11: {  	v3 =	vimm.f32 $0.0e+00;
	v1 =	vmul.u32 $0x8, v1;
	v2 =	vor.u32 $0x4, v0;
	s14 =	sor.u32 $0x1C02, s31;
	s12 =	sadd.s32 $0x83000, s17;
	s17 =	simm.s32 $0x10  }
.LBB2_1:
0x12: {  	[tilespmem:s3], [sflag:$0x2] =	stream.linear.gather [hbm4b:s1+s3], $0x10, $0x38;
	[tilespmem:$0x1CDB0] =	vst v63  }
0x13: {  	_ =	swait.ge [sflag:s13], $0x10  }
0x14: {  	[sflag:s13] =	ssyncset.done $0x0  }
0x15: {  	[sflag:s13] =	ssyncadd.s32 $0xFFFFFFF0  }
0x16: {  	v4 =	vmov s3;
	[spmem:s15], [sflag:s14] =	dma.local [hbm:s5], $0x1880  }
0x17: {  	v4 =	vshll.u32 v4, $0x3;
	_ =	swait.ge [sflag:s13], $0x1880  }
0x18: {  	v4 =	vor.u32 v1, v4;
	[sflag:s13] =	ssyncset.done $0x0  }
0x19: {  	s25 =	simm.s32 $0x4;
	v4 =	vor.u32 v2, v4;
	[sflag:s13] =	ssyncadd.s32 $0xFFFFE780  }
.LBB2_2:
0x1a: {  	p0 =	sne.s32 s25, $0x7CC  }
.Ltmp0:
0x1b: {  	_ = 	snop;
	(pc) =	sbr.rel @p0 .LBB2_2-.Ltmp0, $4  }
0x1c: {  	v5 =	vmov s25  }
0x1d: {  	v5 =	vshll.u32 v5, $0x3  }
0x1e: {  	v5 =	vor.u32 v1, v5  }
0x1f: {  	s25 =	sadd.s32 $0x4, s25;
	[tilespmem:v4+s16+$0x0] =	vst.idx.msk $0xffff, v3;
	v4 =	vor.u32 v2, v5  }
0x20: {  	_ =	sdelay $0x3  }
0x21: {  	[tilespmem:v4+s16+$0x0] =	vst.idx.msk $0xffff, v3  }
0x22: {  	s25 =	simm.s32 $0x0;
	s26 =	simm.s32 $0x0;
	[bflag:$0x0] =	sbarrier.arrive $0xFFFF  }
.LBB2_4:
0x23: {  	s28 =	smul.u32 $0x7D0, s26;
	_ =	sdelay $0x1  }
0x24: {  	s28 =	sadd.s32 s28, s10  }
0x25: {  	s29 =	sshrl.u32 s28, $0x3  }
0x26: {  	s30 =	sadd.s32 s6, s29  }
0x27: {  	[tilespmem:s17], [sflag:$0x2] =	stream.linear.gather [hbm4b:s30+s25], $0x7D0, $0x38;
	[tilespmem:$0x1CDB0] =	vst v63  }
0x28: {  	_ =	swait.ge [sflag:s13], $0x7D0  }
0x29: {  	[sflag:s13] =	ssyncset.done $0x0  }
0x2a: {  	s29 =	sadd.s32 s7, s29;
	[sflag:s13] =	ssyncadd.s32 $0xFFFFF830  }
0x2b: {  	[tilespmem:s18], [sflag:$0x2] =	stream.linear.gather [hbm4b:s29+s25], $0x7D0, $0x38;
	[tilespmem:$0x1CDB0] =	vst v63  }
0x2c: {  	_ =	swait.ge [sflag:s13], $0x7D0  }
0x2d: {  	[sflag:s13] =	ssyncset.done $0x0  }
0x2e: {  	[sflag:s13] =	ssyncadd.s32 $0xFFFFF830  }
0x2f: {  	[tilespmem:s20], [sflag:$0x1] =	stream.indirect.gather [hbm4b:s8+s19], $0x8, s17, s19, $0xb8;
	[tilespmem:$0x1CDB0] =	vst v63  }
0x30: {  	v4 =	vmov s25;
	_ =	swait.ge [sflag:s21], $0x3E80  }
0x31: {  	v4 =	vshll.u32 v4, $0x3;
	[sflag:s21] =	ssyncset.done $0x0  }
0x32: {  	v5 =	vor.u32 v1, v4;
	[sflag:s21] =	ssyncadd.s32 $0xFFFFC180  }
0x33: {  	v4 =	vor.u32 v0, v5;
	[tilespmem:s22], [sflag:$0x1] =	stream.indirect.gather [hbm4b:s8+s19], $0x8, s18, s19, $0xb8;
	[tilespmem:$0x1CDB0] =	vst v63  }
0x34: {  	v6 =	vor.u32 v2, v5;
	_ =	swait.ge [sflag:s21], $0x3E80  }
0x35: {  	[sflag:s21] =	ssyncset.done $0x0  }
0x36: {  	[sflag:s21] =	ssyncadd.s32 $0xFFFFC180  }
0x37: {  	v5 =	vld [tilespmem:$0x0]  }
0x38: {  	v7 =	vld.idx.msk [tilespmem:v4+s20+$0x0], $0xffff  }
0x39: {  	v6 =	vld.idx.msk [tilespmem:v6+s22+$0x0], $0xffff;
	_ =	sdelay $0x4  }
0x3a: {  	v7 =	vadd.f32 v6, v7;
	v6 =	vadd.f32 v6, v5;
	_ =	sdelay $0x1  }
0x3b: {  	v8 =	vmul.f32 $2.000000030e-01, v7;
	v9 =	vmul.f32 $2.000000030e-01, v6  }
0x3c: {  	vm0 =	vgt.f32 v7, $0.0e+00;
	vm1 =	vgt.f32 v6, $0.0e+00  }
0x3d: {  	v7 =	vsel vm0, v7, v8;
	v6 =	vsel vm1, v6, v9  }
0x3e: {  	v6 =	vsub.f32 v7, v6;
	_ =	sdelay $0x1  }
0x3f: {  	v6 =	vmul.f32 $1.442695020e+00, v6;
	_ =	sdelay $0x1  }
0x40: {  	(erf) = vpow2.f32 v6;
	_ =	sdelay $0x2  }
0x41: {  	s29 =	simm.s32 $0x4  }
0x42: {  	v7 =	vmov s29  }
0x43: {  	v7 =	vshll.u32 v7, $0x3  }
0x44: {  	s29 =	simm.s32 $0x8;
	v6 =	vor.u32 v1, v7  }
.LBB2_5:
0x45: {  	p0 =	sne.s32 s29, $0x7CC;
	v7 =	vor.u32 v0, v6  }
0x46: {  	v6 =	vor.u32 v2, v6  }
0x47: {  	v8 =	vpop (erf)  }
0x48: {  	[tilespmem:v4+s23+$0x0] =	vst.idx.msk $0xffff, v8  }
0x49: {  	[tilespmem:v4+s16+$0x0] =	vst.idx.msk $0xffff, v8;
	v4 =	vmov v7  }
0x4a: {  	v7 =	vld.idx.msk [tilespmem:v7+s20+$0x0], $0xffff  }
0x4b: {  	v6 =	vld.idx.msk [tilespmem:v6+s22+$0x0], $0xffff;
	_ =	sdelay $0x5  }
0x4c: {  	v7 =	vadd.f32 v6, v7;
	v6 =	vadd.f32 v6, v5;
	_ =	sdelay $0x1  }
0x4d: {  	v8 =	vmul.f32 $2.000000030e-01, v7;
	v9 =	vmul.f32 $2.000000030e-01, v6  }
0x4e: {  	vm0 =	vgt.f32 v7, $0.0e+00;
	vm1 =	vgt.f32 v6, $0.0e+00  }
0x4f: {  	v7 =	vsel vm0, v7, v8;
	v6 =	vsel vm1, v6, v9  }
0x50: {  	v6 =	vsub.f32 v7, v6;
	_ =	sdelay $0x1  }
0x51: {  	v6 =	vmul.f32 $1.442695020e+00, v6;
	_ =	sdelay $0x1  }
0x52: {  	(erf) = vpow2.f32 v6;
	_ =	sdelay $0x1  }
.Ltmp1:
0x53: {  	(pc) =	sbr.rel @p0 .LBB2_5-.Ltmp1, $4  }
0x54: {  	_ = 	snop  }
0x55: {  	v6 =	vmov s29  }
0x56: {  	v6 =	vshll.u32 v6, $0x3  }
0x57: {  	s29 =	sadd.s32 $0x4, s29;
	v6 =	vor.u32 v1, v6  }
0x58: {  	_ = 	snop  }
0x59: {  	v7 =	vor.u32 v0, v6  }
0x5a: {  	v61 =	vor.u32 v2, v6  }
0x5b: {  	v8 =	vpop (erf)  }
0x5c: {  	[tilespmem:v4+s23+$0x0] =	vst.idx.msk $0xffff, v8  }
0x5d: {  	[tilespmem:v4+s16+$0x0] =	vst.idx.msk $0xffff, v8  }
0x5e: {  	v4 =	vld.idx.msk [tilespmem:v7+s20+$0x0], $0xffff  }
0x5f: {  	v6 =	vld.idx.msk [tilespmem:v61+s22+$0x0], $0xffff;
	_ =	sdelay $0x4  }
0x60: {  	v4 =	vadd.f32 v6, v4;
	v5 =	vadd.f32 v6, v5;
	_ =	sdelay $0x1  }
0x61: {  	v62 =	vmul.f32 $2.000000030e-01, v4;
	v63 =	vmul.f32 $2.000000030e-01, v5  }
0x62: {  	vm0 =	vgt.f32 v4, $0.0e+00;
	vm1 =	vgt.f32 v5, $0.0e+00  }
0x63: {  	v4 =	vsel vm0, v4, v62;
	v5 =	vsel vm1, v5, v63  }
0x64: {  	v4 =	vsub.f32 v4, v5;
	_ =	sdelay $0x1  }
0x65: {  	v4 =	vmul.f32 $1.442695020e+00, v4;
	_ =	sdelay $0x1  }
0x66: {  	(erf) = vpow2.f32 v4;
	_ =	sdelay $0x8  }
0x67: {  	v4 =	vpop (erf)  }
0x68: {  	[tilespmem:v7+s23+$0x0] =	vst.idx.msk $0xffff, v4  }
0x69: {  	s28 =	sadd.s32 s9, s28;
	[tilespmem:v7+s16+$0x0] =	vst.idx.msk $0xffff, v4  }
0x6a: {  	[hbm4b:s28+s3] =	stream.linear.scatter [tilespmem:s23], [sflag:$0x2], $0x3E80, $0x38;
	[tilespmem:$0x1CDB0] =	vst v63  }
0x6b: {  	s26 =	sadd.s32 $0x1, s26;
	_ =	swait.ge [sflag:s13], $0x3E80  }
0x6c: {  	p0 =	sne.s32 s26, $0x19;
	[sflag:s13] =	ssyncset.done $0x0  }
.Ltmp2:
0x6d: {  	[sflag:s13] =	ssyncadd.s32 $0xFFFFC180;
	(pc) =	sbr.rel @p0 .LBB2_4-.Ltmp2, $4  }
0x6e: {  	[spmem:s2] =	stream.indirect.scatter.add.f32 [tilespmem:s16], [sflag:$0x2], $0x8, s18, s19, $0xb8;
	[tilespmem:$0x1CDB0] =	vst v63  }
0x6f: {  	_ =	swait.ge [sflag:s13], $0x3E80  }
0x70: {  	[sflag:s13] =	ssyncset.done $0x0  }
0x71: {  	[sflag:s13] =	ssyncadd.s32 $0xFFFFC180  }
0x72: {  	s24 =	sadd.s32 $0x1, s24  }
0x73: {  	p0 =	sne.s32 s24, s11  }
.Ltmp3:
0x74: {  	[bflag:$0x0] =	sbarrier.arrive $0xFFFF;
	(pc) =	sbr.rel @p0 .LBB2_1-.Ltmp3, $4  }
0x75: {  	[hbm:s12], [sflag:s14] =	dma.local [spmem:s15], $0x1880  }
0x76: {  	_ =	swait.ge [sflag:s13], $0x1880  }
0x77: {  	[sflag:s13] =	ssyncset.done $0x0  }
0x78: {  	[sflag:s13] =	ssyncadd.s32 $0xFFFFE780  }
0x79: {  	_ =	sfence.sel $0x180000  }
0x7a: {  	[bflag:$0x0] =	sbarrier.arrive $0xFFFF  }
0x7b: {  	p0 =	sne.s32 s4, $0x0;
	_ =	strace $0x90000059  }
0x7c: {  	s0 =	sadd.s32 @!p0 $0x100000, s0;
	[bflag:$0x2] =	sbarrier.arrive $0xFFFF  }
0x7d: {  	[sflag:s0] =	ssyncadd.tile.s32 @!p0 $0x1;
	_ =	shalt  }
.Lfunc_end2:
_tile_overlayer_lowered:
.L_overlay_start_2:
0x7e: {  	(tag) =	ssettag $0x2  }
0x7f: {  	s0 =	rddreg [dreg:$0x0];
	s2 =	stileid.u32  }
0x80: {  	s1 =	rddreg [dreg:$0x1];
	p0 =	sne.s32 s2, $0x0  }
0x81: {  	s3 =	rddreg [dreg:$0x2];
	[bflag:$0x3] =	sbarrier.arrive $0xFFFF;
	s2 =	simm.s32 @!p0 $0x1C02  }
0x82: {  	[timem:s3], [sflag:s2] =	dma.local @!p0 [hbm:s0], s1  }
0x83: {  	s0 =	simm.s32 @!p0 $0x2  }
0x84: {  	_ =	swait.ge @!p0 [sflag:s0], s1  }
0x85: {  	s1 =	ssub.s32 @!p0 $0x0, s1;
	[sflag:s0] =	ssyncset.done @!p0 $0x0  }
0x86: {  	[sflag:s0] =	ssyncadd.s32 @!p0 s1  }
0x87: {  	[bflag:$0x3] =	sbarrier.arrive $0xFFFF  }
0x88: {  	_ =	shalt  }

// kernel: kernel.36.cloned.1.call-start
scs
__scs_entry_jumppad:
0x0: {  	(pc) =	sbr.rel $0x88, $3  }
0x1: {  	(tag) =	ssettag $0x0;
	lr =	simm.s32 $0x1  }
0x2: {  	[smem:$0x3F89] =	sst lr;
	_ =	strace $0xD0000000  }
0x3: {  	_ = 	snop  }
0x4: {  	_ = 	snop  }
0x5: {  	_ = 	snop  }
0x6: {  	_ = 	snop  }
0x7: {  	_ = 	snop  }
__scs_overlays_trampoline_lowered:
0x8: {  	[smem:$0x3F98] =	sst s0  }
0x9: {  	[smem:$0x3F99] =	sst s1  }
0xa: {  	[smem:$0x3F9A] =	sst s2  }
0xb: {  	[smem:$0x3F9B] =	sst s3  }
0xc: {  	[smem:$0x3F9C] =	sst s4  }
0xd: {  	[smem:$0x3F9D] =	sst s5  }
0xe: {  	[smem:$0x3F9E] =	sst s6  }
0xf: {  	[smem:$0x3F9F] =	sst s7  }
0x10: {  	[smem:$0x3FA0] =	sst s8  }
0x11: {  	[smem:$0x3FA1] =	sst s9;
	s0 =	simm.s32 @!p0 $0x0  }
0x12: {  	s1 =	sld [smem:$0x3F87];
	s0 =	simm.s32 @p0 $0x1  }
0x13: {  	[smem:$0x3FA2] =	sst s0;
	s0 =	simm.s32 @!p1 $0x0  }
0x14: {  	s2 =	sld [smem:$0x3F86];
	s0 =	simm.s32 @p1 $0x1  }
0x15: {  	[smem:$0x3FA3] =	sst s0;
	s0 =	simm.s32 @!p2 $0x0  }
0x16: {  	s3 =	sld [smem:$0x3FDB];
	s0 =	simm.s32 @p2 $0x1  }
0x17: {  	s4 =	simm.s32 $0x1BF5;
	[smem:$0x3FA5] =	sst s0  }
0x18: {  	s0 =	sld [smem:$0x3F88];
	_ =	swait.ge [sflag:s4], $0x0  }
0x19: {  	s7 =	sld [smem:$0x3F89]  }
0x1a: {  	s8 =	sadd.s32 $0xFFFFE003, lr  }
0x1b: {  	s9 =	sadd.s32 $0xFFFFFEF7, lr;
	s5 =	simm.s32 $0xFFFFFFFF;
	p2 =	slt.u32 s8, $0xFFFFF086  }
0x1c: {  	p1 =	slt.u32 s9, $0xF7A;
	s5 =	simm.s32 @!p2 $0x0  }
0x1d: {  	s5 =	simm.s32 @p1 $0x1;
	p0 =	seq.s32 s7, s2  }
0x1e: {  	s7 =	smul.u32 @!p0 $0xF7A, s2;
	p2 =	seq.s32 @!p0 s5, $0x0  }
0x1f: {  	s9 =	smul.u32 $0xF7A, s1;
	s8 =	simm.s32 @!p0 $0x1BF5;
	p2 =	por !p2, p0  }
0x20: {  	[sflag:s8] =	ssyncset.s32 @!p0 $0xFFFFF086;
	s6 =	sadd.s32 @!p0 s3, s7;
	s7 =	simm.s32 @!p0 $0x108  }
0x21: {  	s3 =	sadd.s32 s3, s9;
	s6 =	sadd.s32 @!p0 $0x88, s6;
	s7 =	simm.s32 @p2 $0x1082  }
0x22: {  	[simem:s7], [sflag:s8] =	dma.local @!p0 [hbm:s6], $0xF7A  }
0x23: {  	s9 =	sor.u32 $0xD0000000, s2;
	s6 =	simm.s32 $0x108;
	_ =	swait.ge @!p0 [sflag:s8], $0x0  }
0x24: {  	s3 =	sadd.s32 $0x88, s3;
	s6 =	simm.s32 @!p1 $0x1082;
	[sflag:s4] =	ssyncset.s32 $0xFFFFF086  }
0x25: {  	[simem:s6], [sflag:s4] =	dma.local [hbm:s3], $0xF7A  }
0x26: {  	[smem:$0x3F89] =	sst s1;
	(tag) =	ssettag s2;
	_ =	strace s9  }
0x27: {  	s1 =	sld [smem:$0x3F99]  }
0x28: {  	s2 =	sld [smem:$0x3F9A]  }
0x29: {  	s4 =	sld [smem:$0x3F9C]  }
0x2a: {  	p0 =	seq.s32 s5, $0x0;
	s5 =	sld [smem:$0x3F9D]  }
0x2b: {  	s6 =	sld [smem:$0x3F9E]  }
0x2c: {  	s7 =	sld [smem:$0x3F9F]  }
0x2d: {  	s3 =	simm.s32 $0x108;
	s8 =	sld [smem:$0x3FA0]  }
0x2e: {  	s3 =	simm.s32 @!p0 $0x1082;
	s9 =	sld [smem:$0x3FA1]  }
0x2f: {  	lr =	sadd.s32 s0, s3;
	s0 =	sld [smem:$0x3F98]  }
0x30: {  	s3 =	sld [smem:$0x3F9B]  }
0x31: {  	[smem:$0x3FA4] =	sst s10  }
0x32: {  	s10 =	sld [smem:$0x3FA2];
	_ =	sdelay $0x3  }
0x33: {  	p0 =	seq.s32 s10, $0x1;
	s10 =	sld [smem:$0x3FA4];
	_ =	sdelay $0x3  }
0x34: {  	[smem:$0x3FA4] =	sst s10  }
0x35: {  	s10 =	sld [smem:$0x3FA3];
	_ =	sdelay $0x3  }
0x36: {  	p1 =	seq.s32 s10, $0x1;
	s10 =	sld [smem:$0x3FA4];
	_ =	sdelay $0x3  }
0x37: {  	[smem:$0x3FA4] =	sst s10  }
0x38: {  	s10 =	sld [smem:$0x3FA5]  }
0x39: {  	_ = 	snop;
	(pc) =	sbr.ind lr, $3  }
0x3a: {  	_ = 	snop  }
0x3b: {  	_ = 	snop  }
0x3c: {  	p2 =	seq.s32 s10, $0x1;
	s10 =	sld [smem:$0x3FA4]  }
0x3d: {  	_ =	shalt  }
0x3e: {  	_ =	shalt  }
0x3f: {  	_ =	shalt  }
0x40: {  	_ =	shalt  }
0x41: {  	_ =	shalt  }
0x42: {  	_ =	shalt  }
0x43: {  	_ =	shalt  }
0x44: {  	_ =	shalt  }
0x45: {  	_ =	shalt  }
0x46: {  	_ =	shalt  }
0x47: {  	_ =	shalt  }
0x48: {  	_ =	shalt  }
0x49: {  	_ =	shalt  }
0x4a: {  	_ =	shalt  }
0x4b: {  	_ =	shalt  }
0x4c: {  	_ =	shalt  }
0x4d: {  	_ =	shalt  }
0x4e: {  	_ =	shalt  }
0x4f: {  	_ =	shalt  }
0x50: {  	_ =	shalt  }
0x51: {  	_ =	shalt  }
0x52: {  	_ =	shalt  }
0x53: {  	_ =	shalt  }
0x54: {  	_ =	shalt  }
0x55: {  	_ =	shalt  }
0x56: {  	_ =	shalt  }
0x57: {  	_ =	shalt  }
0x58: {  	_ =	shalt  }
0x59: {  	_ =	shalt  }
0x5a: {  	_ =	shalt  }
0x5b: {  	_ =	shalt  }
0x5c: {  	_ =	shalt  }
0x5d: {  	_ =	shalt  }
0x5e: {  	_ =	shalt  }
0x5f: {  	_ =	shalt  }
0x60: {  	_ =	shalt  }
0x61: {  	_ =	shalt  }
0x62: {  	_ =	shalt  }
0x63: {  	_ =	shalt  }
0x64: {  	_ =	shalt  }
0x65: {  	_ =	shalt  }
0x66: {  	_ =	shalt  }
0x67: {  	_ =	shalt  }
0x68: {  	_ =	shalt  }
0x69: {  	_ =	shalt  }
0x6a: {  	_ =	shalt  }
0x6b: {  	_ =	shalt  }
0x6c: {  	_ =	shalt  }
0x6d: {  	_ =	shalt  }
0x6e: {  	_ =	shalt  }
0x6f: {  	_ =	shalt  }
0x70: {  	_ =	shalt  }
0x71: {  	_ =	shalt  }
0x72: {  	_ =	shalt  }
0x73: {  	_ =	shalt  }
0x74: {  	_ =	shalt  }
0x75: {  	_ =	shalt  }
0x76: {  	_ =	shalt  }
0x77: {  	_ =	shalt  }
0x78: {  	_ =	shalt  }
0x79: {  	_ =	shalt  }
0x7a: {  	_ =	shalt  }
0x7b: {  	_ =	shalt  }
0x7c: {  	_ =	shalt  }
0x7d: {  	_ =	shalt  }
0x7e: {  	_ =	shalt  }
0x7f: {  	_ =	shalt  }
0x80: {  	_ =	shalt  }
0x81: {  	_ =	shalt  }
0x82: {  	_ =	shalt  }
0x83: {  	_ =	shalt  }
0x84: {  	_ =	shalt  }
0x85: {  	_ =	shalt  }
0x86: {  	_ =	shalt  }
0x87: {  	_ =	shalt  }
.Lfunc_end0:
.L_simem_size_0:
called_computation.7_lowered:
.L_overlay_start_0:
0x88: {  	s2 =	sld [smem:$0x3FD9]  }
0x89: {  	s3 =	sld [smem:$0x3FFE];
	_ =	sdelay $0x1  }
0x8a: {  	s1 =	srdreg.scid  }
0x8b: {  	s0 =	sand.u32 $0x1, s1  }
0x8c: {  	s16 =	sshll.u32 s0, $0xA;
	s2 =	sadd.s32 s3, s2  }
0x8d: {  	s2 =	sadd.s32 s2, s16  }
0x8e: {  	[smem:$0x3FB0] =	sst s2  }
0x8f: {  	_ = 	snop  }
0x90: {  	(tm) =	ssettm $0x1  }
0x91: {  	s17 =	sld [smem:$0x3FFB];
	_ =	sdelay $0x3  }
0x92: {  	_ =	strace s17  }
0x93: {  	s2 =	sld [smem:$0x3FFC];
	_ =	sdelay $0x3  }
0x94: {  	_ =	strace s2  }
0x95: {  	s2 =	sld [smem:$0x3FFD];
	_ =	sdelay $0x3  }
0x96: {  	_ =	strace s2  }
0x97: {  	_ =	strace $0x8FFFFFFF  }
0x98: {  	s18 =	sld [smem:$0x3FDB];
	_ =	sdelay $0x1  }
0x99: {  	s19 =	simm.s32 $_scs_section_size  }
0x9a: {  	s4 =	simm.s32 $_size__tile_overlayer_lowered;
	s5 =	simm.s32 $_tile_overlayer_lowered  }
0x9b: {  	s22 =	simm.s32 $0x1BFF;
	s21 =	sshll.u32 s5, $0x1;
	s2 =	sadd.s32 s19, s18  }
0x9c: {  	s6 =	simm.s32 $0x0;
	s20 =	sshll.u32 s4, $0x1;
	s4 =	sadd.s32 s21, s2  }
0x9d: {  	[timem:s6], [sflag:s22] =	dma.local [hbm:s4], s20  }
0x9e: {  	_ =	swait.ge [sflag:s22], s20  }
0x9f: {  	s3 =	ssub.s32 $0x0, s20;
	[sflag:s22] =	ssyncset.done $0x0  }
0xa0: {  	[sflag:s22] =	ssyncadd.s32 s3;
	_ =	sdelay $0x1  }
0xa1: {  	s23 =	simm.s32 $0x1B8B  }
0xa2: {  	_ =	swait.ge [sflag:s23], $0x1  }
0xa3: {  	[sflag:s23] =	ssyncset.done $0x0  }
0xa4: {  	s25 =	simm.s32 $0x1B8E;
	s24 =	sld [smem:$0x3FFE];
	[sflag:s23] =	ssyncadd.s32 $0xFFFFFFFF  }
0xa5: {  	s26 =	simm.s32 $execute0_lowered;
	[smem:$0x3FD2] =	sst s25  }
0xa6: {  	s4 =	sshll.u32 s26, $0x1;
	_ =	strace $0x8000005B;
	[dreg:$0x1] =	wrdreg $0xFFFFFFFF  }
0xa7: {  	s28 =	simm.s32 $_size_execute0_lowered;
	s2 =	sadd.s32 s2, s4;
	[dreg:$0x0] =	wrdreg $0x0  }
0xa8: {  	s4 =	sshll.u32 s28, $0x1;
	[dreg:$0x2] =	wrdreg s2  }
0xa9: {  	[dreg:$0x3] =	wrdreg s4  }
0xaa: {  	[dreg:$0x4] =	wrdreg $0xC0  }
0xab: {  	_ =	task [dreg:s6], $0x5FFFF  }
0xac: {  	[dreg:$0x1] =	wrdreg $0xFFFFFFFF  }
0xad: {  	[dreg:$0x0] =	wrdreg $0x60  }
0xae: {  	[dreg:$0x2] =	wrdreg s24  }
0xaf: {  	[dreg:$0x3] =	wrdreg $0x54600  }
0xb0: {  	[dreg:$0x4] =	wrdreg $0x9  }
0xb1: {  	_ =	task.clear_ibuf [dreg:s6], $0x5FFFF;
	_ =	strace $0x9000005B  }
0xb2: {  	s29 =	simm.s32 $0x9;
	_ =	strace $0x8000005D  }
0xb3: {  	_ =	swait.ge [sflag:s29], $0x1  }
0xb4: {  	[sflag:s29] =	ssyncadd.s32 $0xFFFFFFFF  }
0xb5: {  	_ =	strace $0x9000005D  }
0xb6: {  	_ =	sfence  }
0xb7: {  	s30 =	sld [smem:$0x0];
	_ =	sdelay $0x2  }
0xb8: {  	s31 =	sshll.u32 s1, $0xD;
	s1 =	sshrl.u32 s1, $0x2  }
0xb9: {  	s3 =	sand.u32 $0x4000, s31;
	s1 =	sadd.s32 s1, s30  }
0xba: {  	s0 =	sor.u32 s3, s0;
	s1 =	sshll.u32 s1, $0x11  }
0xbb: {  	s0 =	sor.u32 s1, s0  }
0xbc: {  	s0 =	sadd.s32 $0x8F2B, s0  }
0xbd: {  	[sflag:s0] =	ssyncadd.remote.s32 $0x1  }
0xbe: {  	_ =	sfence.sel $0xFFFF  }
0xbf: {  	[dreg:$0x0] =	wrdreg $0xFFFFFFFF;
	(pc) =	sbr.abs _section_cstart, $3  }
0xc0: {  	[dreg:$0x1] =	wrdreg $0xFFFFFFFF  }
0xc1: {  	_ =	task.clear_ibuf [dreg:s6], $0x2FFFF;
	_ =	strace $0x9FFFFFFF  }
0xc2: {  	(tm) =	ssettm $0x7FFFFFFF  }
0xc3: {  	_ =	shalt  }
tec
execute0_lowered:
.L_overlay_start_1:
0x0: {  	(tag) =	ssettag $0x1  }
0x1: {  	s9 =	rddreg [dreg:$0x0]  }
0x2: {  	s1 =	rddreg [dreg:$0x1]  }
0x3: {  	s0 =	rddreg [dreg:$0x2];
	s2 =	simm.s32 $0x0;
	s8 =	srdreg.scid  }
0x4: {  	s3 =	stileid.u32;
	s17 =	simm.s32 $0x2;
	s18 =	simm.s32 $0x320  }
0x5: {  	s21 =	simm.s32 $0x8;
	[smem:$0x7FF] =	sst s2;
	s4 =	sadd.s32 $0x2FEA00, s9  }
0x6: {  	s5 =	sadd.s32 $0x50800, s9;
	s6 =	sadd.s32 $0x1FA00, s9;
	s7 =	sadd.s32 $0xB4000, s9  }
0x7: {  	s11 =	sand.u32 $0x1, s8;
	s10 =	smul.u32 $0x62000, s3;
	s8 =	sadd.s32 $0x23AA00, s9  }
0x8: {  	s13 =	sadd.s32 $0x611C00, s9;
	s14 =	sshll.u32 s3, $0x6;
	s30 =	smul.u32 $0xC400, s3  }
0x9: {  	_ =	strace $0x8000005C;
	s29 =	ssub.s32 $0x2, s11;
	s9 =	sor.u32 $0x1C02, s14  }
0xa: {  	s19 =	sshll.u32 s11, $0x1;
	p0 =	seq.s32 s11, $0x0;
	s16 =	sshll.u32 s11, $0x2  }
0xb: {  	s20 =	sshllo.u32 s11, $0x1;
	s12 =	sshrl.u32 s29, $0x1;
	s10 =	sshrl.u32 s10, $0x2  }
0xc: {  	s16 =	sadd.s32 s16, s13;
	s17 =	simm.s32 @!p0 $0x6;
	v0 =	vmov s19;
	s19 =	simm.s32 $0x1  }
0xd: {  	v1 =	vmov s20;
	s20 =	simm.s32 $0x2260;
	s12 =	ssub.s32 s29, s12;
	s15 =	sadd.s32 s10, s1  }
0xe: {  	s10 =	smul.u32 $0x186A0, s3;
	s31 =	sadd.s32 s17, s13;
	s13 =	simm.s32 $0x2  }
0xf: {  	s17 =	simm.s32 $0x960;
	s11 =	smax.u32 s12, $0x1;
	s12 =	sadd.s32 s16, s30  }
0x10: {  	s14 =	sadd.s32 s30, s31;
	s15 =	sshrl.u32 s15, $0x3;
	s16 =	simm.s32 $0x640  }
.LBB2_1:
0x11: {  	[spmem:s15], [sflag:s9] =	dma.local [hbm:s4], $0x3100  }
0x12: {  	_ =	swait.ge [sflag:s13], $0x3100  }
0x13: {  	[sflag:s13] =	ssyncset.done $0x0  }
0x14: {  	[sflag:s13] =	ssyncadd.s32 $0xFFFFCF00  }
0x15: {  	s22 =	simm.s32 $0x0;
	[bflag:$0x0] =	sbarrier.arrive $0xFFFF  }
.LBB2_2:
0x16: {  	s23 =	smul.u32 $0x320, s22;
	_ =	sdelay $0x1  }
0x17: {  	s23 =	sadd.s32 s10, s23  }
0x18: {  	s24 =	sshrl.u32 s23, $0x3  }
0x19: {  	s26 =	simm.s32 $0x0;
	s25 =	sadd.s32 s5, s24  }
0x1a: {  	[tilespmem:s26], [sflag:$0x2] =	stream.linear.gather [hbm4b:s25+s26], $0x320, $0x38;
	[tilespmem:$0x1DC60] =	vst v63  }
0x1b: {  	_ =	swait.ge [sflag:s13], $0x320  }
0x1c: {  	[sflag:s13] =	ssyncset.done $0x0  }
0x1d: {  	s24 =	sadd.s32 s6, s24;
	[sflag:s13] =	ssyncadd.s32 $0xFFFFFCE0  }
0x1e: {  	[tilespmem:s16], [sflag:$0x2] =	stream.linear.gather [hbm4b:s24+s26], $0x320, $0x38;
	[tilespmem:$0x1DC60] =	vst v63  }
0x1f: {  	_ =	swait.ge [sflag:s13], $0x320  }
0x20: {  	[sflag:s13] =	ssyncset.done $0x0  }
0x21: {  	s23 =	sadd.s32 s7, s23;
	[sflag:s13] =	ssyncadd.s32 $0xFFFFFCE0  }
0x22: {  	[tilespmem:s17], [sflag:$0x2] =	stream.linear.gather [hbm4b:s23+s26], $0x1900, $0x38;
	[tilespmem:$0x1DC60] =	vst v63  }
0x23: {  	_ =	swait.ge [sflag:s13], $0x1900  }
0x24: {  	[sflag:s13] =	ssyncset.done $0x0  }
0x25: {  	s23 =	simm.s32 $0x0;
	[sflag:s13] =	ssyncadd.s32 $0xFFFFE700  }
0x26: {  	v2 =	vld [tilespmem:s23+$0x0]  }
0x27: {  	s24 =	simm.s32 $0x40  }
.LBB2_3:
0x28: {  	p0 =	sne.s32 s24, $0xC40  }
.Ltmp0:
0x29: {  	_ = 	snop;
	(pc) =	sbr.rel @p0 .LBB2_3-.Ltmp0, $4  }
0x2a: {  	_ = 	snop  }
0x2b: {  	s25 =	sshra.s32 s24, $0x2;
	s24 =	sadd.s32 $0x40, s24;
	v3 =	vshll.u32 v2, $0x2  }
0x2c: {  	v2 =	vld [tilespmem:s25+$0x0];
	v3 =	vor.u32 v0, v3  }
0x2d: {  	[tilespmem:s23+$0x320] =	vst v3;
	s23 =	smov.u32 s25  }
0x2e: {  	_ =	sdelay $0x1  }
0x2f: {  	s24 =	simm.s32 $0x0  }
0x30: {  	v3 =	vor.u32 s24, v0;
	v2 =	vshll.u32 v2, $0x2  }
0x31: {  	v3 =	vbroadcast v3, $0x0;
	v2 =	vor.u32 v0, v2  }
0x32: {  	[tilespmem:s23+$0x320] =	vst v2;
	s23 =	simm.s32 $0x2260  }
0x33: {  	[tilespmem:s23], [sflag:$0x1] =	stream.indirect.gather [hbm4b:s8+s18], $0x10, s18, s18, $0xb8;
	[tilespmem:$0x1DC60] =	vst v63  }
0x34: {  	_ =	swait.ge [sflag:s19], $0x3200  }
0x35: {  	[sflag:s19] =	ssyncset.done $0x0  }
0x36: {  	[sflag:s19] =	ssyncadd.s32 $0xFFFFCE00  }
0x37: {  	v2 =	vld.idx.msk [tilespmem:v3+s17+$0x0], $0xffff  }
0x38: {  	s25 =	simm.s32 $0x8;
	s24 =	simm.s32 $0x2;
	v3 =	vld [tilespmem:s23+$0x0]  }
.LBB2_5:
0x39: {  	p0 =	sne.s32 s24, $0x31F;
	v4 =	vor.u32 s25, v0  }
0x3a: {  	v4 =	vbroadcast v4, $0x0;
	_ =	sdelay $0x2  }
.Ltmp1:
0x3b: {  	v2 =	vmul.f32 v3, v2;
	(pc) =	sbr.rel @p0 .LBB2_5-.Ltmp1, $4  }
0x3c: {  	_ = 	snop  }
0x3d: {  	[tilespmem:s23+$0x0] =	vst v2  }
0x3e: {  	s23 =	sadd.s32 $0x10, s23;
	v2 =	vld.idx.msk [tilespmem:v4+s17+$0x0], $0xffff  }
0x3f: {  	s25 =	sshll.u32 s24, $0x3;
	s24 =	sadd.s32 $0x1, s24;
	v3 =	vld [tilespmem:s23+$0x0]  }
0x40: {  	v4 =	vor.u32 s25, v0  }
0x41: {  	v4 =	vbroadcast v4, $0x0;
	_ =	sdelay $0x2  }
0x42: {  	v2 =	vmul.f32 v3, v2;
	_ =	sdelay $0x1  }
0x43: {  	[tilespmem:s23+$0x0] =	vst v2  }
0x44: {  	s31 =	sadd.s32 $0x10, s23;
	v2 =	vld.idx.msk [tilespmem:v4+s17+$0x0], $0xffff  }
0x45: {  	v3 =	vld [tilespmem:s31+$0x0];
	_ =	sdelay $0x4  }
0x46: {  	s22 =	sadd.s32 $0x1, s22;
	v2 =	vmul.f32 v3, v2  }
0x47: {  	p0 =	sne.s32 s22, $0x7D  }
.Ltmp2:
0x48: {  	[tilespmem:s31+$0x0] =	vst v2;
	(pc) =	sbr.rel @p0 .LBB2_2-.Ltmp2, $4  }
0x49: {  	[spmem:s1] =	stream.indirect.scatter.add.f32 [tilespmem:s20], [sflag:$0x2], $0x10, s16, s18, $0xb8;
	[tilespmem:$0x1DC60] =	vst v63  }
0x4a: {  	_ =	swait.ge [sflag:s13], $0x3200  }
0x4b: {  	[sflag:s13] =	ssyncset.done $0x0  }
0x4c: {  	[sflag:s13] =	ssyncadd.s32 $0xFFFFCE00  }
0x4d: {  	[bflag:$0x0] =	sbarrier.arrive $0xFFFF  }
0x4e: {  	[hbm:s12@s21], [sflag:s9] =	dma.strided [spmem:s15@s13], $0x3100, s19, $0x2   }
0x4f: {  	_ =	swait.ge [sflag:s13], $0x3100  }
0x50: {  	[sflag:s13] =	ssyncset.done $0x0  }
0x51: {  	[sflag:s13] =	ssyncadd.s32 $0xFFFFCF00  }
0x52: {  	[spmem:s15], [sflag:s9] =	dma.local [hbm:s4], $0x3100  }
0x53: {  	_ =	swait.ge [sflag:s13], $0x3100  }
0x54: {  	[sflag:s13] =	ssyncset.done $0x0  }
0x55: {  	[sflag:s13] =	ssyncadd.s32 $0xFFFFCF00  }
0x56: {  	s22 =	simm.s32 $0x0;
	s23 =	simm.s32 $0x0;
	[bflag:$0x0] =	sbarrier.arrive $0xFFFF  }
.LBB2_8:
0x57: {  	s24 =	smul.u32 $0x320, s23;
	_ =	sdelay $0x1  }
0x58: {  	s24 =	sadd.s32 s10, s24  }
0x59: {  	s25 =	sshrl.u32 s24, $0x3  }
0x5a: {  	s26 =	sadd.s32 s5, s25  }
0x5b: {  	[tilespmem:s22], [sflag:$0x2] =	stream.linear.gather [hbm4b:s26+s22], $0x320, $0x38;
	[tilespmem:$0x1DC60] =	vst v63  }
0x5c: {  	_ =	swait.ge [sflag:s13], $0x320  }
0x5d: {  	[sflag:s13] =	ssyncset.done $0x0  }
0x5e: {  	s25 =	sadd.s32 s6, s25;
	[sflag:s13] =	ssyncadd.s32 $0xFFFFFCE0  }
0x5f: {  	[tilespmem:s16], [sflag:$0x2] =	stream.linear.gather [hbm4b:s25+s22], $0x320, $0x38;
	[tilespmem:$0x1DC60] =	vst v63  }
0x60: {  	_ =	swait.ge [sflag:s13], $0x320  }
0x61: {  	[sflag:s13] =	ssyncset.done $0x0  }
0x62: {  	s24 =	sadd.s32 s7, s24;
	[sflag:s13] =	ssyncadd.s32 $0xFFFFFCE0  }
0x63: {  	[tilespmem:s17], [sflag:$0x2] =	stream.linear.gather [hbm4b:s24+s22], $0x1900, $0x38;
	[tilespmem:$0x1DC60] =	vst v63  }
0x64: {  	_ =	swait.ge [sflag:s13], $0x1900  }
0x65: {  	[sflag:s13] =	ssyncset.done $0x0  }
0x66: {  	s24 =	simm.s32 $0x0;
	[sflag:s13] =	ssyncadd.s32 $0xFFFFE700  }
0x67: {  	v2 =	vld [tilespmem:s24+$0x0]  }
0x68: {  	s25 =	simm.s32 $0x40  }
.LBB2_9:
0x69: {  	p0 =	sne.s32 s25, $0xC40  }
.Ltmp3:
0x6a: {  	_ = 	snop;
	(pc) =	sbr.rel @p0 .LBB2_9-.Ltmp3, $4  }
0x6b: {  	_ = 	snop  }
0x6c: {  	s26 =	sshra.s32 s25, $0x2;
	s25 =	sadd.s32 $0x40, s25;
	v3 =	vshll.u32 v2, $0x2  }
0x6d: {  	v2 =	vld [tilespmem:s26+$0x0];
	v3 =	vor.u32 v1, v3  }
0x6e: {  	[tilespmem:s24+$0x320] =	vst v3;
	s24 =	smov.u32 s26  }
0x6f: {  	_ =	sdelay $0x1  }
0x70: {  	s25 =	simm.s32 $0x0  }
0x71: {  	v3 =	vor.u32 s25, v1;
	v2 =	vshll.u32 v2, $0x2  }
0x72: {  	v3 =	vbroadcast v3, $0x0;
	v2 =	vor.u32 v1, v2  }
0x73: {  	[tilespmem:s24+$0x320] =	vst v2;
	s24 =	simm.s32 $0x2260  }
0x74: {  	[tilespmem:s24], [sflag:$0x1] =	stream.indirect.gather [hbm4b:s8+s18], $0x10, s18, s18, $0xb8;
	[tilespmem:$0x1DC60] =	vst v63  }
0x75: {  	_ =	swait.ge [sflag:s19], $0x3200  }
0x76: {  	[sflag:s19] =	ssyncset.done $0x0  }
0x77: {  	[sflag:s19] =	ssyncadd.s32 $0xFFFFCE00  }
0x78: {  	v2 =	vld.idx.msk [tilespmem:v3+s17+$0x0], $0xffff  }
0x79: {  	s26 =	simm.s32 $0x8;
	s25 =	simm.s32 $0x2;
	v3 =	vld [tilespmem:s24+$0x0]  }
.LBB2_11:
0x7a: {  	p0 =	sne.s32 s25, $0x31F;
	v4 =	vor.u32 s26, v1  }
0x7b: {  	v4 =	vbroadcast v4, $0x0;
	_ =	sdelay $0x2  }
.Ltmp4:
0x7c: {  	v2 =	vmul.f32 v3, v2;
	(pc) =	sbr.rel @p0 .LBB2_11-.Ltmp4, $4  }
0x7d: {  	_ = 	snop  }
0x7e: {  	[tilespmem:s24+$0x0] =	vst v2  }
0x7f: {  	s24 =	sadd.s32 $0x10, s24;
	v2 =	vld.idx.msk [tilespmem:v4+s17+$0x0], $0xffff  }
0x80: {  	s26 =	sshll.u32 s25, $0x3;
	s25 =	sadd.s32 $0x1, s25;
	v3 =	vld [tilespmem:s24+$0x0]  }
0x81: {  	v4 =	vor.u32 s26, v1  }
0x82: {  	v4 =	vbroadcast v4, $0x0;
	_ =	sdelay $0x2  }
0x83: {  	v2 =	vmul.f32 v3, v2;
	_ =	sdelay $0x1  }
0x84: {  	[tilespmem:s24+$0x0] =	vst v2  }
0x85: {  	s31 =	sadd.s32 $0x10, s24;
	v2 =	vld.idx.msk [tilespmem:v4+s17+$0x0], $0xffff  }
0x86: {  	v3 =	vld [tilespmem:s31+$0x0];
	_ =	sdelay $0x4  }
0x87: {  	s23 =	sadd.s32 $0x1, s23;
	v2 =	vmul.f32 v3, v2  }
0x88: {  	p0 =	sne.s32 s23, $0x7D  }
.Ltmp5:
0x89: {  	[tilespmem:s31+$0x0] =	vst v2;
	(pc) =	sbr.rel @p0 .LBB2_8-.Ltmp5, $4  }
0x8a: {  	[spmem:s1] =	stream.indirect.scatter.add.f32 [tilespmem:s20], [sflag:$0x2], $0x10, s16, s18, $0xb8;
	[tilespmem:$0x1DC60] =	vst v63  }
0x8b: {  	_ =	swait.ge [sflag:s13], $0x3200  }
0x8c: {  	[sflag:s13] =	ssyncset.done $0x0  }
0x8d: {  	[sflag:s13] =	ssyncadd.s32 $0xFFFFCE00  }
0x8e: {  	s2 =	sadd.s32 $0x1, s2  }
0x8f: {  	p0 =	sne.s32 s2, s11  }
.Ltmp6:
0x90: {  	[bflag:$0x0] =	sbarrier.arrive $0xFFFF;
	(pc) =	sbr.rel @p0 .LBB2_1-.Ltmp6, $4  }
0x91: {  	[hbm:s14@s21], [sflag:s9] =	dma.strided [spmem:s15@s13], $0x3100, s19, $0x2   }
0x92: {  	_ =	swait.ge [sflag:s13], $0x3100  }
0x93: {  	[sflag:s13] =	ssyncset.done $0x0  }
0x94: {  	[sflag:s13] =	ssyncadd.s32 $0xFFFFCF00  }
0x95: {  	_ =	sfence.sel $0x180000  }
0x96: {  	[bflag:$0x0] =	sbarrier.arrive $0xFFFF  }
0x97: {  	p0 =	sne.s32 s3, $0x0;
	_ =	strace $0x9000005C  }
0x98: {  	s0 =	sadd.s32 @!p0 $0x100000, s0;
	[bflag:$0x2] =	sbarrier.arrive $0xFFFF  }
0x99: {  	[sflag:s0] =	ssyncadd.tile.s32 @!p0 $0x1;
	_ =	shalt  }
.Lfunc_end2:
_tile_overlayer_lowered:
.L_overlay_start_2:
0x9a: {  	(tag) =	ssettag $0x2  }
0x9b: {  	s0 =	rddreg [dreg:$0x0];
	s2 =	stileid.u32  }
0x9c: {  	s1 =	rddreg [dreg:$0x1];
	p0 =	sne.s32 s2, $0x0  }
0x9d: {  	s3 =	rddreg [dreg:$0x2];
	[bflag:$0x3] =	sbarrier.arrive $0xFFFF;
	s2 =	simm.s32 @!p0 $0x1C02  }
0x9e: {  	[timem:s3], [sflag:s2] =	dma.local @!p0 [hbm:s0], s1  }
0x9f: {  	s0 =	simm.s32 @!p0 $0x2  }
0xa0: {  	_ =	swait.ge @!p0 [sflag:s0], s1  }
0xa1: {  	s1 =	ssub.s32 @!p0 $0x0, s1;
	[sflag:s0] =	ssyncset.done @!p0 $0x0  }
0xa2: {  	[sflag:s0] =	ssyncadd.s32 @!p0 s1  }
0xa3: {  	[bflag:$0x3] =	sbarrier.arrive $0xFFFF  }
0xa4: {  	_ =	shalt  }

</sc_bundles>
